<compile_context>
chip_gen: v7x
topology: tpu7x:2x2x1
jax: 0.10.2.dev20260603
libtpu: 0.0.44.dev20260713+nightly
codegen_flags: <defaults>
</compile_context>

<pallas_src>
import functools

import jax
import jax.numpy as jnp
from jax import lax
from jax.experimental import pallas as pl
from jax.experimental.pallas import tpu as pltpu
from jax.experimental.pallas import tpu_sc as plsc

_B = 64

_CHUNK = 128
_NW = 32
_ACC_PAD = 10240


def _sc_mesh():
    return plsc.VectorSubcoreMesh(core_axis_name="c", subcore_axis_name="s")


def _gather_body(table_hbm, idx_hbm, out_hbm, idx_v, rows_v, semA, semB,
                 semC):
    c = lax.axis_index("c")
    s = lax.axis_index("s")
    w = s * 2 + c
    nchunks = idx_hbm.shape[0] // _CHUNK
    base_n = nchunks // _NW
    nk = base_n + jnp.where(w < (nchunks - base_n * _NW), 1, 0)

    def idx_cp(k):
        b = lax.rem(k, 4)
        base = (w + _NW * k) * _CHUNK
        return pltpu.make_async_copy(idx_hbm.at[pl.ds(base, _CHUNK)],
                                     idx_v.at[b], semA.at[b])

    def gat_cp(k):
        b = lax.rem(k, 4)
        return pltpu.make_async_copy(table_hbm.at[idx_v.at[b]],
                                     rows_v.at[b], semB.at[b])

    def out_cp(k):
        b = lax.rem(k, 4)
        base = (w + _NW * k) * _CHUNK
        return pltpu.make_async_copy(rows_v.at[b],
                                     out_hbm.at[pl.ds(base, _CHUNK)],
                                     semC.at[b])

    idx_cp(0).start()
    idx_cp(1).start()
    idx_cp(0).wait()
    gat_cp(0).start()

    def body(k, carry):
        @pl.when(k >= 2)
        def _():
            out_cp(k - 2).wait()

        @pl.when(k + 2 < nk)
        def _():
            idx_cp(k + 2).start()

        @pl.when(k + 1 < nk)
        def _():
            idx_cp(k + 1).wait()
            gat_cp(k + 1).start()

        gat_cp(k).wait()
        out_cp(k).start()
        return carry

    lax.fori_loop(0, nk, body, 0)

    @pl.when(nk >= 2)
    def _():
        out_cp(nk - 2).wait()

    out_cp(nk - 1).wait()


def _sc_gather(table, idx):
    e = idx.shape[0]
    dh = table.shape[1]
    k = pl.kernel(
        _gather_body,
        out_type=jax.ShapeDtypeStruct((e, dh), jnp.float32),
        mesh=_sc_mesh(),
        scratch_types=[
            pltpu.VMEM((4, _CHUNK), jnp.int32),
            pltpu.VMEM((4, _CHUNK, dh), jnp.float32),
            pltpu.SemaphoreType.DMA((4,)),
            pltpu.SemaphoreType.DMA((4,)),
            pltpu.SemaphoreType.DMA((4,)),
        ],
        compiler_params=pltpu.CompilerParams(use_tc_tiling_on_sc=False),
    )
    return k(table, idx)


def _scatter_body(with_deg, msg_hbm, idx_hbm, *refs):
    if with_deg:
        (out_hbm, deg_hbm, acc_sh, deg_sh, idx_v, rows_v, fill_v, semA, semB,
         semC, semD) = refs
    else:
        (out_hbm, acc_sh, idx_v, rows_v, fill_v, semA, semB, semC) = refs
        deg_hbm = deg_sh = semD = None
    c = lax.axis_index("c")
    s = lax.axis_index("s")
    dh = rows_v.shape[2]
    stripe = _ACC_PAD // 16

    def zb(i, carry):
        fill_v[i, :] = jnp.zeros((16,), jnp.float32)
        return carry

    lax.fori_loop(0, _CHUNK, zb, 0)
    for j in range(stripe // _CHUNK):
        off = s * stripe + j * _CHUNK
        pltpu.sync_copy(fill_v, acc_sh.at[pl.ds(off, _CHUNK)])
        if with_deg:
            pltpu.sync_copy(fill_v, deg_sh.at[pl.ds(off, _CHUNK)])
    if with_deg:
        def ob(i, carry):
            fill_v[i, :] = jnp.ones((16,), jnp.float32)
            return carry

        lax.fori_loop(0, _CHUNK, ob, 0)
    plsc.subcore_barrier()

    nchunks = idx_hbm.shape[0] // _CHUNK
    half = nchunks // 2
    base_n = half // 16
    nk = base_n + jnp.where(s < (half - base_n * 16), 1, 0)

    def idx_cp(k):
        b = lax.rem(k, 4)
        base = (c * half + s + 16 * k) * _CHUNK
        return pltpu.make_async_copy(idx_hbm.at[pl.ds(base, _CHUNK)],
                                     idx_v.at[b], semA.at[b])

    def row_cp(k):
        b = lax.rem(k, 4)
        base = (c * half + s + 16 * k) * _CHUNK
        return pltpu.make_async_copy(msg_hbm.at[pl.ds(base, _CHUNK)],
                                     rows_v.at[b], semB.at[b])

    def start_add(k):
        b = lax.rem(k, 4)
        pltpu.async_copy(rows_v.at[b], acc_sh.at[idx_v.at[b]], semC.at[b],
                         add=True)
        if with_deg:
            pltpu.async_copy(fill_v, deg_sh.at[idx_v.at[b]], semD.at[b],
                             add=True)

    def wait_add(k):
        b = lax.rem(k, 4)
        pltpu.make_async_copy(rows_v.at[b], acc_sh.at[idx_v.at[b]],
                              semC.at[b]).wait()
        if with_deg:
            pltpu.make_async_copy(fill_v, deg_sh.at[idx_v.at[b]],
                                  semD.at[b]).wait()

    idx_cp(0).start()
    row_cp(0).start()
    idx_cp(1).start()
    row_cp(1).start()

    def body(k, carry):
        @pl.when(k >= 2)
        def _():
            wait_add(k - 2)

        @pl.when(k + 2 < nk)
        def _():
            idx_cp(k + 2).start()
            row_cp(k + 2).start()

        idx_cp(k).wait()
        row_cp(k).wait()
        start_add(k)
        return carry

    lax.fori_loop(0, nk, body, 0)

    @pl.when(nk >= 2)
    def _():
        wait_add(nk - 2)

    wait_add(nk - 1)
    plsc.subcore_barrier()

    n = out_hbm.shape[1]
    lo = s * stripe
    full = n // stripe
    tail = n - full * stripe

    @pl.when(s < full)
    def _():
        pltpu.sync_copy(acc_sh.at[pl.ds(lo, stripe)], out_hbm.at[c, pl.ds(lo, stripe)])
        if with_deg:
            pltpu.sync_copy(deg_sh.at[pl.ds(lo, stripe)], deg_hbm.at[c, pl.ds(lo, stripe)])

    if tail:
        @pl.when(s == full)
        def _():
            pltpu.sync_copy(acc_sh.at[pl.ds(full * stripe, tail)],
                            out_hbm.at[c, pl.ds(full * stripe, tail)])
            if with_deg:
                pltpu.sync_copy(deg_sh.at[pl.ds(full * stripe, tail)],
                                deg_hbm.at[c, pl.ds(full * stripe, tail)])


def _sc_scatter(msg, idx, n, with_deg):
    dh = msg.shape[1]
    out_t = jax.ShapeDtypeStruct((2, n, dh), jnp.float32)
    scratch = [pltpu.VMEM_SHARED((_ACC_PAD, dh), jnp.float32)]
    if with_deg:
        scratch.append(pltpu.VMEM_SHARED((_ACC_PAD, dh), jnp.float32))
    scratch += [
        pltpu.VMEM((4, _CHUNK), jnp.int32),
        pltpu.VMEM((4, _CHUNK, dh), jnp.float32),
        pltpu.VMEM((_CHUNK, dh), jnp.float32),
        pltpu.SemaphoreType.DMA((4,)),
        pltpu.SemaphoreType.DMA((4,)),
        pltpu.SemaphoreType.DMA((4,)),
    ]
    if with_deg:
        scratch.append(pltpu.SemaphoreType.DMA((4,)))
    k = pl.kernel(
        functools.partial(_scatter_body, with_deg),
        out_type=(out_t, out_t) if with_deg else out_t,
        mesh=_sc_mesh(),
        scratch_types=scratch,
        compiler_params=pltpu.CompilerParams(use_tc_tiling_on_sc=False),
    )
    return k(msg, idx)


def _lin0_body(x_ref, w_ref, b_ref, o_ref):
    o_ref[...] = jax.nn.relu(
        jnp.dot(x_ref[...], w_ref[...], preferred_element_type=jnp.float32,
                precision=lax.Precision.HIGHEST) + b_ref[...])


def _lin0(x, w, b):
    n, din = x.shape
    dh = w.shape[1]
    blk = 1000
    return pl.pallas_call(
        _lin0_body,
        grid=(n // blk,),
        in_specs=[
            pl.BlockSpec((blk, din), lambda i: (i, 0)),
            pl.BlockSpec((din, dh), lambda i: (0, 0)),
            pl.BlockSpec((1, dh), lambda i: (0, 0)),
        ],
        out_specs=pl.BlockSpec((blk, dh), lambda i: (i, 0)),
        out_shape=jax.ShapeDtypeStruct((n, dh), jnp.float32),
    )(x, w, b)


def _edge_body(ea_ref, os_ref, w1_ref, b1_ref, w2_ref, b2_ref, q_ref, r_ref,
               msg_ref):
    bf = jnp.bfloat16
    eh = jax.nn.relu(
        jnp.dot(ea_ref[...].astype(bf), w1_ref[...].astype(bf),
                preferred_element_type=jnp.float32) + b1_ref[...])
    we = jnp.dot(eh.astype(bf), w2_ref[...].astype(bf),
                 preferred_element_type=jnp.float32) + b2_ref[...]
    rep = jnp.dot(os_ref[...].astype(bf), q_ref[...],
                  preferred_element_type=jnp.float32)
    msg_ref[...] = jnp.dot((we * rep).astype(bf), r_ref[...],
                           preferred_element_type=jnp.float32)


def _edge_msgs(ea, out_src, w1, b1, w2, b2, qm, rm):
    e, de = ea.shape
    dh = out_src.shape[1]
    eh = w1.shape[1]
    d2 = w2.shape[1]
    blk = 6400
    return pl.pallas_call(
        _edge_body,
        grid=(e // blk,),
        in_specs=[
            pl.BlockSpec((blk, de), lambda i: (i, 0)),
            pl.BlockSpec((blk, dh), lambda i: (i, 0)),
            pl.BlockSpec((de, eh), lambda i: (0, 0)),
            pl.BlockSpec((1, eh), lambda i: (0, 0)),
            pl.BlockSpec((eh, d2), lambda i: (0, 0)),
            pl.BlockSpec((1, d2), lambda i: (0, 0)),
            pl.BlockSpec((dh, d2), lambda i: (0, 0)),
            pl.BlockSpec((d2, dh), lambda i: (0, 0)),
        ],
        out_specs=pl.BlockSpec((blk, dh), lambda i: (i, 0)),
        out_shape=jax.ShapeDtypeStruct((e, dh), jnp.float32),
    )(ea, out_src, w1, b1, w2, b2, qm, rm)


def _gru_body(p_ref, dp_ref, cb_ref, h_ref, wih_ref, whh_ref, bih_ref,
              bhh_ref, o_ref):
    hi = lax.Precision.HIGHEST
    dh = h_ref.shape[1]
    agg = p_ref[0] + p_ref[1]
    deg = jnp.maximum(dp_ref[0] + dp_ref[1], 1.0)
    m = jax.nn.relu(agg / deg + cb_ref[...])
    gi = jnp.dot(m, wih_ref[...], preferred_element_type=jnp.float32,
                 precision=hi) + bih_ref[...]
    h = h_ref[...]
    gh = jnp.dot(h, whh_ref[...], preferred_element_type=jnp.float32,
                 precision=hi) + bhh_ref[...]
    r = jax.nn.sigmoid(gi[:, :dh] + gh[:, :dh])
    z = jax.nn.sigmoid(gi[:, dh:2 * dh] + gh[:, dh:2 * dh])
    nn = jnp.tanh(gi[:, 2 * dh:] + r * gh[:, 2 * dh:])
    o_ref[...] = (1.0 - z) * nn + z * h


def _gru(partials, degp, cb, h, wih, whh, bih, bhh):
    n, dh = h.shape
    d3 = wih.shape[1]
    blk = 2000
    return pl.pallas_call(
        _gru_body,
        grid=(n // blk,),
        in_specs=[
            pl.BlockSpec((2, blk, dh), lambda i: (0, i, 0)),
            pl.BlockSpec((2, blk, dh), lambda i: (0, i, 0)),
            pl.BlockSpec((1, dh), lambda i: (0, 0)),
            pl.BlockSpec((blk, dh), lambda i: (i, 0)),
            pl.BlockSpec((dh, d3), lambda i: (0, 0)),
            pl.BlockSpec((dh, d3), lambda i: (0, 0)),
            pl.BlockSpec((1, d3), lambda i: (0, 0)),
            pl.BlockSpec((1, d3), lambda i: (0, 0)),
        ],
        out_specs=pl.BlockSpec((blk, dh), lambda i: (i, 0)),
        out_shape=jax.ShapeDtypeStruct((n, dh), jnp.float32),
    )(partials, degp, cb, h, wih, whh, bih, bhh)


def _s2s_body(out_ref, batch_ref, wih_ref, whh_ref, bih_ref, bhh_ref,
              l1w_ref, l1b_ref, l2w_ref, l2b_ref, y_ref):
    hi = lax.Precision.HIGHEST
    xo = out_ref[...]
    n, dh = xo.shape
    rows = lax.broadcasted_iota(jnp.int32, (_B, n), 0)
    mb = jnp.broadcast_to(batch_ref[...], (_B, n))
    mask = rows == mb

    q_star = jnp.zeros((_B, 2 * dh), jnp.float32)
    hh = jnp.zeros((_B, dh), jnp.float32)
    cc = jnp.zeros((_B, dh), jnp.float32)
    for _ in range(3):
        g = (jnp.dot(q_star, wih_ref[...], preferred_element_type=jnp.float32,
                     precision=hi) + bih_ref[...] +
             jnp.dot(hh, whh_ref[...], preferred_element_type=jnp.float32,
                     precision=hi) + bhh_ref[...])
        ig = jax.nn.sigmoid(g[:, :dh])
        fg = jax.nn.sigmoid(g[:, dh:2 * dh])
        cg = jnp.tanh(g[:, 2 * dh:3 * dh])
        og = jax.nn.sigmoid(g[:, 3 * dh:])
        cc = fg * cc + ig * cg
        hh = og * jnp.tanh(cc)
        e_all = lax.dot_general(hh, xo, (((1,), (1,)), ((), ())),
                                preferred_element_type=jnp.float32,
                                precision=hi)
        e_masked = jnp.where(mask, e_all, -jnp.inf)
        emax = jnp.max(e_masked, axis=1, keepdims=True)
        emax = jnp.where(jnp.isfinite(emax), emax, 0.0)
        a = jnp.where(mask, jnp.exp(e_all - emax), 0.0)
        denom = jnp.sum(a, axis=1, keepdims=True)
        a = a / jnp.maximum(denom, 1e-30)
        r_read = jnp.dot(a, xo, preferred_element_type=jnp.float32,
                         precision=hi)
        q_star = jnp.concatenate([hh, r_read], axis=1)
    y = jax.nn.relu(
        jnp.dot(q_star, l1w_ref[...], preferred_element_type=jnp.float32,
                precision=hi) + l1b_ref[...])
    y_ref[...] = jnp.dot(y, l2w_ref[...], preferred_element_type=jnp.float32,
                         precision=hi) + l2b_ref[...]


def _s2s(out, batch2d, wih, whh, bih, bhh, l1w, l1b, l2w, l2b):
    dout = l2w.shape[1]
    return pl.pallas_call(
        _s2s_body,
        out_shape=jax.ShapeDtypeStruct((_B, dout), jnp.float32),
    )(out, batch2d, wih, whh, bih, bhh, l1w, l1b, l2w, l2b)


def kernel(x, edge_index, edge_attr, batch, lin0_W, lin0_b, edge_W1, edge_b1,
           edge_W2, edge_b2, conv_b, gru_Wih, gru_Whh, gru_bih, gru_bhh,
           lstm_Wih, lstm_Whh, lstm_bih, lstm_bhh, lin1_W, lin1_b, lin2_W,
           lin2_b):
    n = x.shape[0]
    dh = lin0_W.shape[1]
    d2 = dh * dh
    nlayers = edge_W1.shape[0]
    src = edge_index[0]
    dst = edge_index[1]

    j = jnp.arange(d2, dtype=jnp.int32)
    qm = (j[None, :] // dh == jnp.arange(dh, dtype=jnp.int32)[:, None]
          ).astype(jnp.bfloat16)
    rm = (j[:, None] % dh == jnp.arange(dh, dtype=jnp.int32)[None, :]
          ).astype(jnp.bfloat16)

    h = _lin0(x, lin0_W, lin0_b.reshape(1, -1))
    degp = None
    for li in range(nlayers):
        out_src = _sc_gather(h, src)
        msg = _edge_msgs(edge_attr, out_src, edge_W1[li],
                         edge_b1[li].reshape(1, -1), edge_W2[li],
                         edge_b2[li].reshape(1, -1), qm, rm)
        if degp is None:
            partials, degp = _sc_scatter(msg, dst, n, True)
        else:
            partials = _sc_scatter(msg, dst, n, False)
        h = _gru(partials, degp, conv_b[li].reshape(1, -1), h, gru_Wih,
                 gru_Whh, gru_bih.reshape(1, -1), gru_bhh.reshape(1, -1))
    return _s2s(h, batch.reshape(1, -1), lstm_Wih, lstm_Whh,
                lstm_bih.reshape(1, -1), lstm_bhh.reshape(1, -1), lin1_W,
                lin1_b.reshape(1, -1), lin2_W, lin2_b.reshape(1, -1))

# --- scband reference (transcript-rebuilt; emitter-appended) ---
"""Pipeline reference for scband-mpnn-42142219108493 (READ-ONLY COPY).

The authoritative reference and input builder live on the scoring server;
editing this copy changes nothing except your own understanding.
"""

import jax, jax.numpy as jnp
import numpy as np

N = 10000
E = 160000
DIN = 128
DE = 16
DH = 16
EH = 64
L = 3
S2S = 3
B = 64
DOUT = 12


def setup_inputs(seed: int = 0) -> dict:
    key = jax.random.key(seed)
    ks = jax.random.split(key, 24)

    def rn(k, shape, scale):
        return jax.random.normal(k, shape, jnp.float32) * scale

    inp = {}
    inp['x'] = jax.random.normal(ks[0], (N, DIN), jnp.float32)
    inp['edge_index'] = jax.random.randint(ks[1], (2, E), 0, N, dtype=jnp.int32)
    inp['edge_attr'] = jax.random.normal(ks[2], (E, DE), jnp.float32)
    inp['batch'] = jnp.sort(jax.random.randint(ks[3], (N,), 0, B, dtype=jnp.int32))
    inp['lin0_W'] = rn(ks[4], (DIN, DH), 1.0 / np.sqrt(DIN))
    inp['lin0_b'] = jnp.zeros((DH,), jnp.float32)
    inp['edge_W1'] = rn(ks[5], (L, DE, EH), 1.0 / np.sqrt(DE))
    inp['edge_b1'] = jnp.zeros((L, EH), jnp.float32)
    inp['edge_W2'] = rn(ks[6], (L, EH, DH * DH), 0.1 / np.sqrt(EH))
    inp['edge_b2'] = jnp.zeros((L, DH * DH), jnp.float32)
    inp['conv_b'] = jnp.zeros((L, DH), jnp.float32)
    inp['gru_Wih'] = rn(ks[7], (DH, 3 * DH), 1.0 / np.sqrt(DH))
    inp['gru_Whh'] = rn(ks[8], (DH, 3 * DH), 1.0 / np.sqrt(DH))
    inp['gru_bih'] = jnp.zeros((3 * DH,), jnp.float32)
    inp['gru_bhh'] = jnp.zeros((3 * DH,), jnp.float32)
    inp['lstm_Wih'] = rn(ks[9], (2 * DH, 4 * DH), 1.0 / np.sqrt(2 * DH))
    inp['lstm_Whh'] = rn(ks[10], (DH, 4 * DH), 1.0 / np.sqrt(DH))
    inp['lstm_bih'] = jnp.zeros((4 * DH,), jnp.float32)
    inp['lstm_bhh'] = jnp.zeros((4 * DH,), jnp.float32)
    inp['lin1_W'] = rn(ks[11], (2 * DH, DH), 1.0 / np.sqrt(2 * DH))
    inp['lin1_b'] = jnp.zeros((DH,), jnp.float32)
    inp['lin2_W'] = rn(ks[12], (DH, DOUT), 1.0 / np.sqrt(DH))
    inp['lin2_b'] = jnp.zeros((DOUT,), jnp.float32)
    return inp


def _forward(x, edge_attr, lin0_W, lin0_b, edge_W1, edge_b1, edge_W2, edge_b2, conv_b,
             gru_Wih, gru_Whh, gru_bih, gru_bhh, lstm_Wih, lstm_Whh, lstm_bih, lstm_bhh,
             lin1_W, lin1_b, lin2_W, lin2_b, edge_index, batch):
    src = edge_index[0]
    dst = edge_index[1]
    out = jax.nn.relu(x @ lin0_W + lin0_b)
    h = out
    deg = jax.ops.segment_sum(jnp.ones((E,), jnp.float32), dst, num_segments=N)
    deg = jnp.maximum(deg, 1.0)
    for li in range(L):
        eh = jax.nn.relu(edge_attr @ edge_W1[li] + edge_b1[li])
        W_e = (eh @ edge_W2[li] + edge_b2[li]).reshape(E, DH, DH)
        msg = jnp.einsum('ed,edf->ef', out[src], W_e)
        agg = jax.ops.segment_sum(msg, dst, num_segments=N) / deg[:, None] + conv_b[li]
        m = jax.nn.relu(agg)
        gi = m @ gru_Wih + gru_bih
        gh = h @ gru_Whh + gru_bhh
        i_r, i_z, i_n = jnp.split(gi, 3, axis=-1)
        h_r, h_z, h_n = jnp.split(gh, 3, axis=-1)
        r = jax.nn.sigmoid(i_r + h_r)
        z = jax.nn.sigmoid(i_z + h_z)
        n = jnp.tanh(i_n + r * h_n)
        h = (1.0 - z) * n + z * h
        out = h
    q_star = jnp.zeros((B, 2 * DH), jnp.float32)
    hh = jnp.zeros((B, DH), jnp.float32)
    cc = jnp.zeros((B, DH), jnp.float32)
    for _ in range(S2S):
        g = q_star @ lstm_Wih + lstm_bih + hh @ lstm_Whh + lstm_bhh
        gi_, gf_, gg_, go_ = jnp.split(g, 4, axis=-1)
        ig = jax.nn.sigmoid(gi_)
        fg = jax.nn.sigmoid(gf_)
        cg = jnp.tanh(gg_)
        og = jax.nn.sigmoid(go_)
        cc = fg * cc + ig * cg
        hh = og * jnp.tanh(cc)
        q = hh
        e = jnp.sum(out * q[batch], axis=-1)
        emax = jax.lax.stop_gradient(jax.ops.segment_max(e, batch, num_segments=B))
        emax = jnp.where(jnp.isfinite(emax), emax, 0.0)
        a = jnp.exp(e - emax[batch])
        denom = jax.ops.segment_sum(a, batch, num_segments=B)
        a = a / denom[batch]
        r_read = jax.ops.segment_sum(a[:, None] * out, batch, num_segments=B)
        q_star = jnp.concatenate([q, r_read], axis=-1)
    y = jax.nn.relu(q_star @ lin1_W + lin1_b)
    return y @ lin2_W + lin2_b


def reference(x, edge_index, edge_attr, batch, lin0_W, lin0_b, edge_W1, edge_b1, edge_W2, edge_b2,
              conv_b, gru_Wih, gru_Whh, gru_bih, gru_bhh, lstm_Wih, lstm_Whh, lstm_bih, lstm_bhh,
              lin1_W, lin1_b, lin2_W, lin2_b):
    return _forward(x, edge_attr, lin0_W, lin0_b, edge_W1, edge_b1, edge_W2, edge_b2, conv_b,
                    gru_Wih, gru_Whh, gru_bih, gru_bhh, lstm_Wih, lstm_Whh, lstm_bih, lstm_bhh,
                    lin1_W, lin1_b, lin2_W, lin2_b, edge_index, batch)

if __name__ == "__main__":
    import jax
    _d = setup_inputs()
    print(jax.jit(kernel)(*tuple(_d.values())))

</pallas_src>

<mosaic_0001>
#map = affine_map<(d0, d1) -> (0, 0)>
#map1 = affine_map<(d0, d1) -> (0)>
module attributes {stable_mosaic.version = 14 : i64} {
  func.func @_gather_body(%arg0: i32, %arg1: i32, %arg2: memref<10000x16xf32, #tpu.memory_space<hbm>>, %arg3: memref<160000xi32, #tpu.memory_space<hbm>>, %arg4: memref<160000x16xf32, #tpu.memory_space<hbm>>, %arg5: memref<4x128xi32, #tpu.memory_space<vmem>>, %arg6: memref<4x128x16xf32, #tpu.memory_space<vmem>>, %arg7: memref<4x!tpu.dma_semaphore, #tpu.memory_space<semaphore_mem>>, %arg8: memref<4x!tpu.dma_semaphore, #tpu.memory_space<semaphore_mem>>, %arg9: memref<4x!tpu.dma_semaphore, #tpu.memory_space<semaphore_mem>>) attributes {dimension_semantics = [#tpu.dimension_semantics<core_parallel>, #tpu.dimension_semantics<subcore_parallel>], iteration_bounds = array<i64: 2, 16>, scalar_prefetch = 0 : i64, scratch_operands = 5 : i64, tpu.core_type = #tpu.core_type<sc_vector_subcore>, window_params = [{transform_indices = #map}, {transform_indices = #map1}, {transform_indices = #map}]} {
    %mul3A = arith.constant 2 : i32
    %mul3A_0 = arith.muli %arg1, %mul3A : i32
    %add3A = arith.addi %mul3A_0, %arg0 : i32
    %lt3A = arith.constant 2 : i32
    %lt3A_1 = arith.cmpi slt, %add3A, %lt3A : i32
    %jit3A = arith.constant 1 : i32
    %jit3A_2 = arith.constant 0 : i32
    %select_n3A = arith.select %lt3A_1, %jit3A, %jit3A_2 : i32
    %add3A_3 = arith.constant 39 : i32
    %add3A_4 = arith.addi %add3A_3, %select_n3A : i32
    %rem3A = arith.constant 0 : i32
    %rem3A_5 = arith.constant 4 : i32
    %rem3A_6 = arith.remsi %rem3A, %rem3A_5 : i32
    %add3A_7 = arith.constant 0 : i32
    %add3A_8 = arith.addi %add3A, %add3A_7 : i32
    %mul3A_9 = arith.constant 128 : i32
    %mul3A_10 = arith.muli %add3A_8, %mul3A_9 : i32
    %dma_start3A = arith.constant 0 : i32
    %dma_start3A_11 = tpu.memref_slice %arg5[%rem3A_6, %dma_start3A] : memref<4x128xi32, #tpu.memory_space<vmem>> -> memref<1x128xi32, #tpu.memory_space<vmem>>
    %dma_start3A_12 = tpu.memref_squeeze %dma_start3A_11 : memref<1x128xi32, #tpu.memory_space<vmem>> -> memref<128xi32, #tpu.memory_space<vmem>>
    %dma_start3A_13 = tpu.memref_slice %arg3[%mul3A_10] : memref<160000xi32, #tpu.memory_space<hbm>> -> memref<128xi32, #tpu.memory_space<hbm>>
    %dma_start3A_14 = tpu.memref_slice %arg7[%rem3A_6] : memref<4x!tpu.dma_semaphore, #tpu.memory_space<semaphore_mem>> -> memref<1x!tpu.dma_semaphore, #tpu.memory_space<semaphore_mem>>
    %dma_start3A_15 = tpu.memref_squeeze %dma_start3A_14 : memref<1x!tpu.dma_semaphore, #tpu.memory_space<semaphore_mem>> -> memref<!tpu.dma_semaphore, #tpu.memory_space<semaphore_mem>>
    %dma_start3A_16 = arith.constant 0 : i32
    %dma_start3A_17 = tpu.memref_slice %arg5[%rem3A_6, %dma_start3A_16] : memref<4x128xi32, #tpu.memory_space<vmem>> -> memref<1x128xi32, #tpu.memory_space<vmem>>
    %dma_start3A_18 = tpu.memref_squeeze %dma_start3A_17 : memref<1x128xi32, #tpu.memory_space<vmem>> -> memref<128xi32, #tpu.memory_space<vmem>>
    %dma_start3A_19 = tpu.memref_slice %arg3[%mul3A_10] : memref<160000xi32, #tpu.memory_space<hbm>> -> memref<128xi32, #tpu.memory_space<hbm>>
    tpu.enqueue_dma source(%dma_start3A_19 : memref<128xi32, #tpu.memory_space<hbm>>) target(%dma_start3A_18 : memref<128xi32, #tpu.memory_space<vmem>>) target_semaphore(%dma_start3A_15 : memref<!tpu.dma_semaphore, #tpu.memory_space<semaphore_mem>>)
    %rem3A_20 = arith.constant 1 : i32
    %rem3A_21 = arith.constant 4 : i32
    %rem3A_22 = arith.remsi %rem3A_20, %rem3A_21 : i32
    %add3A_23 = arith.constant 32 : i32
    %add3A_24 = arith.addi %add3A, %add3A_23 : i32
    %mul3A_25 = arith.constant 128 : i32
    %mul3A_26 = arith.muli %add3A_24, %mul3A_25 : i32
    %dma_start3A_27 = arith.constant 0 : i32
    %dma_start3A_28 = tpu.memref_slice %arg5[%rem3A_22, %dma_start3A_27] : memref<4x128xi32, #tpu.memory_space<vmem>> -> memref<1x128xi32, #tpu.memory_space<vmem>>
    %dma_start3A_29 = tpu.memref_squeeze %dma_start3A_28 : memref<1x128xi32, #tpu.memory_space<vmem>> -> memref<128xi32, #tpu.memory_space<vmem>>
    %dma_start3A_30 = tpu.memref_slice %arg3[%mul3A_26] : memref<160000xi32, #tpu.memory_space<hbm>> -> memref<128xi32, #tpu.memory_space<hbm>>
    %dma_start3A_31 = tpu.memref_slice %arg7[%rem3A_22] : memref<4x!tpu.dma_semaphore, #tpu.memory_space<semaphore_mem>> -> memref<1x!tpu.dma_semaphore, #tpu.memory_space<semaphore_mem>>
    %dma_start3A_32 = tpu.memref_squeeze %dma_start3A_31 : memref<1x!tpu.dma_semaphore, #tpu.memory_space<semaphore_mem>> -> memref<!tpu.dma_semaphore, #tpu.memory_space<semaphore_mem>>
    %dma_start3A_33 = arith.constant 0 : i32
    %dma_start3A_34 = tpu.memref_slice %arg5[%rem3A_22, %dma_start3A_33] : memref<4x128xi32, #tpu.memory_space<vmem>> -> memref<1x128xi32, #tpu.memory_space<vmem>>
    %dma_start3A_35 = tpu.memref_squeeze %dma_start3A_34 : memref<1x128xi32, #tpu.memory_space<vmem>> -> memref<128xi32, #tpu.memory_space<vmem>>
    %dma_start3A_36 = tpu.memref_slice %arg3[%mul3A_26] : memref<160000xi32, #tpu.memory_space<hbm>> -> memref<128xi32, #tpu.memory_space<hbm>>
    tpu.enqueue_dma source(%dma_start3A_36 : memref<128xi32, #tpu.memory_space<hbm>>) target(%dma_start3A_35 : memref<128xi32, #tpu.memory_space<vmem>>) target_semaphore(%dma_start3A_32 : memref<!tpu.dma_semaphore, #tpu.memory_space<semaphore_mem>>)
    %rem3A_37 = arith.constant 0 : i32
    %rem3A_38 = arith.constant 4 : i32
    %rem3A_39 = arith.remsi %rem3A_37, %rem3A_38 : i32
    %add3A_40 = arith.constant 0 : i32
    %add3A_41 = arith.addi %add3A, %add3A_40 : i32
    %mul3A_42 = arith.constant 128 : i32
    %mul3A_43 = arith.muli %add3A_41, %mul3A_42 : i32
    %dma_wait3A = arith.constant 0 : i32
    %dma_wait3A_44 = tpu.memref_slice %arg5[%rem3A_39, %dma_wait3A] : memref<4x128xi32, #tpu.memory_space<vmem>> -> memref<1x128xi32, #tpu.memory_space<vmem>>
    %dma_wait3A_45 = tpu.memref_squeeze %dma_wait3A_44 : memref<1x128xi32, #tpu.memory_space<vmem>> -> memref<128xi32, #tpu.memory_space<vmem>>
    %dma_wait3A_46 = tpu.memref_slice %arg3[%mul3A_43] : memref<160000xi32, #tpu.memory_space<hbm>> -> memref<128xi32, #tpu.memory_space<hbm>>
    %dma_wait3A_47 = tpu.memref_slice %arg7[%rem3A_39] : memref<4x!tpu.dma_semaphore, #tpu.memory_space<semaphore_mem>> -> memref<1x!tpu.dma_semaphore, #tpu.memory_space<semaphore_mem>>
    %dma_wait3A_48 = tpu.memref_squeeze %dma_wait3A_47 : memref<1x!tpu.dma_semaphore, #tpu.memory_space<semaphore_mem>> -> memref<!tpu.dma_semaphore, #tpu.memory_space<semaphore_mem>>
    %dma_wait3A_49 = arith.constant 0 : i32
    %dma_wait3A_50 = tpu.memref_slice %arg5[%rem3A_39, %dma_wait3A_49] : memref<4x128xi32, #tpu.memory_space<vmem>> -> memref<1x128xi32, #tpu.memory_space<vmem>>
    %dma_wait3A_51 = tpu.memref_squeeze %dma_wait3A_50 : memref<1x128xi32, #tpu.memory_space<vmem>> -> memref<128xi32, #tpu.memory_space<vmem>>
    %dma_wait3A_52 = tpu.memref_slice %arg3[%mul3A_43] : memref<160000xi32, #tpu.memory_space<hbm>> -> memref<128xi32, #tpu.memory_space<hbm>>
    tpu.wait_dma2 semaphore(%dma_wait3A_48 : memref<!tpu.dma_semaphore, #tpu.memory_space<semaphore_mem>>) src(%dma_wait3A_52 : memref<128xi32, #tpu.memory_space<hbm>>) dst(%dma_wait3A_51 : memref<128xi32, #tpu.memory_space<vmem>>)
    %rem3A_53 = arith.constant 0 : i32
    %rem3A_54 = arith.constant 4 : i32
    %rem3A_55 = arith.remsi %rem3A_53, %rem3A_54 : i32
    %dma_start3A_56 = arith.constant 0 : i32
    %dma_start3A_57 = arith.constant 0 : i32
    %dma_start3A_58 = tpu.memref_slice %arg6[%rem3A_55, %dma_start3A_56, %dma_start3A_57] : memref<4x128x16xf32, #tpu.memory_space<vmem>> -> memref<1x128x16xf32, #tpu.memory_space<vmem>>
    %dma_start3A_59 = tpu.memref_squeeze %dma_start3A_58 : memref<1x128x16xf32, #tpu.memory_space<vmem>> -> memref<128x16xf32, #tpu.memory_space<vmem>>
    %dma_start3A_60 = arith.constant 0 : i32
    %dma_start3A_61 = tpu.memref_slice %arg5[%rem3A_55, %dma_start3A_60] : memref<4x128xi32, #tpu.memory_space<vmem>> -> memref<1x128xi32, #tpu.memory_space<vmem>>
    %dma_start3A_62 = tpu.memref_squeeze %dma_start3A_61 : memref<1x128xi32, #tpu.memory_space<vmem>> -> memref<128xi32, #tpu.memory_space<vmem>>
    %dma_start3A_63 = arith.constant 0 : i32
    %dma_start3A_64 = arith.constant 0 : i32
    %dma_start3A_65 = tpu.memref_slice %arg2[%dma_start3A_63, %dma_start3A_64] : memref<10000x16xf32, #tpu.memory_space<hbm>> -> memref<10000x16xf32, #tpu.memory_space<hbm>>
    %dma_start3A_66 = tpu.memref_slice %arg8[%rem3A_55] : memref<4x!tpu.dma_semaphore, #tpu.memory_space<semaphore_mem>> -> memref<1x!tpu.dma_semaphore, #tpu.memory_space<semaphore_mem>>
    %dma_start3A_67 = tpu.memref_squeeze %dma_start3A_66 : memref<1x!tpu.dma_semaphore, #tpu.memory_space<semaphore_mem>> -> memref<!tpu.dma_semaphore, #tpu.memory_space<semaphore_mem>>
    tpu.enqueue_indirect_dma source(%dma_start3A_65 : memref<10000x16xf32, #tpu.memory_space<hbm>>) target(%dma_start3A_59 : memref<128x16xf32, #tpu.memory_space<vmem>>) offsets(%dma_start3A_62 : memref<128xi32, #tpu.memory_space<vmem>>) semaphore(%dma_start3A_67 : memref<!tpu.dma_semaphore, #tpu.memory_space<semaphore_mem>>)
    %while3A = arith.constant 0 : i32
    %while3A_68 = arith.constant 0 : i32
    %while3A_69 = arith.subi %add3A_4, %while3A_68 : i32
    %while3A_70 = arith.addi %while3A_68, %while3A_69 : i32
    %while3A_71 = arith.constant 1 : i32
    %while3A_72 = arith.divsi %while3A_69, %while3A_71 : i32
    %while3A_73 = arith.muli %while3A_72, %while3A_71 : i32
    %while3A_74 = arith.addi %while3A_68, %while3A_73 : i32
    %while3A_75 = arith.constant 1 : i32
    scf.for %while3A_101 = %while3A_68 to %while3A_74 step %while3A_75  : i32 {
      %ge3A_102 = arith.constant 2 : i32
      %ge3A_103 = arith.cmpi sge, %while3A_101, %ge3A_102 : i32
      %convert_element_type3A_104 = arith.extui %ge3A_103 : i1 to i32
      %cond3A_105 = arith.constant 0 : i32
      %cond3A_106 = arith.cmpi ne, %convert_element_type3A_104, %cond3A_105 : i32
      scf.if %cond3A_106 {
        %sub3A_154 = arith.constant 2 : i32
        %sub3A_155 = arith.subi %while3A_101, %sub3A_154 : i32
        %rem3A_156 = arith.constant 4 : i32
        %rem3A_157 = arith.remsi %sub3A_155, %rem3A_156 : i32
        %mul3A_158 = arith.constant 32 : i32
        %mul3A_159 = arith.muli %mul3A_158, %sub3A_155 : i32
        %add3A_160 = arith.addi %add3A, %mul3A_159 : i32
        %mul3A_161 = arith.constant 128 : i32
        %mul3A_162 = arith.muli %add3A_160, %mul3A_161 : i32
        %dma_wait3A_163 = arith.constant 0 : i32
        %dma_wait3A_164 = arith.constant 0 : i32
        %dma_wait3A_165 = tpu.memref_slice %arg6[%rem3A_157, %dma_wait3A_163, %dma_wait3A_164] : memref<4x128x16xf32, #tpu.memory_space<vmem>> -> memref<1x128x16xf32, #tpu.memory_space<vmem>>
        %dma_wait3A_166 = tpu.memref_squeeze %dma_wait3A_165 : memref<1x128x16xf32, #tpu.memory_space<vmem>> -> memref<128x16xf32, #tpu.memory_space<vmem>>
        %dma_wait3A_167 = arith.constant 0 : i32
        %dma_wait3A_168 = tpu.memref_slice %arg4[%mul3A_162, %dma_wait3A_167] : memref<160000x16xf32, #tpu.memory_space<hbm>> -> memref<128x16xf32, #tpu.memory_space<hbm>>
        %dma_wait3A_169 = tpu.memref_slice %arg9[%rem3A_157] : memref<4x!tpu.dma_semaphore, #tpu.memory_space<semaphore_mem>> -> memref<1x!tpu.dma_semaphore, #tpu.memory_space<semaphore_mem>>
        %dma_wait3A_170 = tpu.memref_squeeze %dma_wait3A_169 : memref<1x!tpu.dma_semaphore, #tpu.memory_space<semaphore_mem>> -> memref<!tpu.dma_semaphore, #tpu.memory_space<semaphore_mem>>
        %dma_wait3A_171 = arith.constant 0 : i32
        %dma_wait3A_172 = tpu.memref_slice %arg4[%mul3A_162, %dma_wait3A_171] : memref<160000x16xf32, #tpu.memory_space<hbm>> -> memref<128x16xf32, #tpu.memory_space<hbm>>
        %dma_wait3A_173 = arith.constant 0 : i32
        %dma_wait3A_174 = arith.constant 0 : i32
        %dma_wait3A_175 = tpu.memref_slice %arg6[%rem3A_157, %dma_wait3A_173, %dma_wait3A_174] : memref<4x128x16xf32, #tpu.memory_space<vmem>> -> memref<1x128x16xf32, #tpu.memory_space<vmem>>
        %dma_wait3A_176 = tpu.memref_squeeze %dma_wait3A_175 : memref<1x128x16xf32, #tpu.memory_space<vmem>> -> memref<128x16xf32, #tpu.memory_space<vmem>>
        tpu.wait_dma2 semaphore(%dma_wait3A_170 : memref<!tpu.dma_semaphore, #tpu.memory_space<semaphore_mem>>) src(%dma_wait3A_176 : memref<128x16xf32, #tpu.memory_space<vmem>>) dst(%dma_wait3A_172 : memref<128x16xf32, #tpu.memory_space<hbm>>)
      } else {
      }
      %add3A_107 = arith.constant 2 : i32
      %add3A_108 = arith.addi %while3A_101, %add3A_107 : i32
      %lt3A_109 = arith.cmpi slt, %add3A_108, %add3A_4 : i32
      %convert_element_type3A_110 = arith.extui %lt3A_109 : i1 to i32
      %cond3A_111 = arith.constant 0 : i32
      %cond3A_112 = arith.cmpi ne, %convert_element_type3A_110, %cond3A_111 : i32
      scf.if %cond3A_112 {
        %add3A_154 = arith.constant 2 : i32
        %add3A_155 = arith.addi %while3A_101, %add3A_154 : i32
        %rem3A_156 = arith.constant 4 : i32
        %rem3A_157 = arith.remsi %add3A_155, %rem3A_156 : i32
        %mul3A_158 = arith.constant 32 : i32
        %mul3A_159 = arith.muli %mul3A_158, %add3A_155 : i32
        %add3A_160 = arith.addi %add3A, %mul3A_159 : i32
        %mul3A_161 = arith.constant 128 : i32
        %mul3A_162 = arith.muli %add3A_160, %mul3A_161 : i32
        %dma_start3A_163 = arith.constant 0 : i32
        %dma_start3A_164 = tpu.memref_slice %arg5[%rem3A_157, %dma_start3A_163] : memref<4x128xi32, #tpu.memory_space<vmem>> -> memref<1x128xi32, #tpu.memory_space<vmem>>
        %dma_start3A_165 = tpu.memref_squeeze %dma_start3A_164 : memref<1x128xi32, #tpu.memory_space<vmem>> -> memref<128xi32, #tpu.memory_space<vmem>>
        %dma_start3A_166 = tpu.memref_slice %arg3[%mul3A_162] : memref<160000xi32, #tpu.memory_space<hbm>> -> memref<128xi32, #tpu.memory_space<hbm>>
        %dma_start3A_167 = tpu.memref_slice %arg7[%rem3A_157] : memref<4x!tpu.dma_semaphore, #tpu.memory_space<semaphore_mem>> -> memref<1x!tpu.dma_semaphore, #tpu.memory_space<semaphore_mem>>
        %dma_start3A_168 = tpu.memref_squeeze %dma_start3A_167 : memref<1x!tpu.dma_semaphore, #tpu.memory_space<semaphore_mem>> -> memref<!tpu.dma_semaphore, #tpu.memory_space<semaphore_mem>>
        %dma_start3A_169 = arith.constant 0 : i32
        %dma_start3A_170 = tpu.memref_slice %arg5[%rem3A_157, %dma_start3A_169] : memref<4x128xi32, #tpu.memory_space<vmem>> -> memref<1x128xi32, #tpu.memory_space<vmem>>
        %dma_start3A_171 = tpu.memref_squeeze %dma_start3A_170 : memref<1x128xi32, #tpu.memory_space<vmem>> -> memref<128xi32, #tpu.memory_space<vmem>>
        %dma_start3A_172 = tpu.memref_slice %arg3[%mul3A_162] : memref<160000xi32, #tpu.memory_space<hbm>> -> memref<128xi32, #tpu.memory_space<hbm>>
        tpu.enqueue_dma source(%dma_start3A_172 : memref<128xi32, #tpu.memory_space<hbm>>) target(%dma_start3A_171 : memref<128xi32, #tpu.memory_space<vmem>>) target_semaphore(%dma_start3A_168 : memref<!tpu.dma_semaphore, #tpu.memory_space<semaphore_mem>>)
      } else {
      }
      %add3A_113 = arith.constant 1 : i32
      %add3A_114 = arith.addi %while3A_101, %add3A_113 : i32
      %lt3A_115 = arith.cmpi slt, %add3A_114, %add3A_4 : i32
      %convert_element_type3A_116 = arith.extui %lt3A_115 : i1 to i32
      %cond3A_117 = arith.constant 0 : i32
      %cond3A_118 = arith.cmpi ne, %convert_element_type3A_116, %cond3A_117 : i32
      scf.if %cond3A_118 {
        %add3A_154 = arith.constant 1 : i32
        %add3A_155 = arith.addi %while3A_101, %add3A_154 : i32
        %rem3A_156 = arith.constant 4 : i32
        %rem3A_157 = arith.remsi %add3A_155, %rem3A_156 : i32
        %mul3A_158 = arith.constant 32 : i32
        %mul3A_159 = arith.muli %mul3A_158, %add3A_155 : i32
        %add3A_160 = arith.addi %add3A, %mul3A_159 : i32
        %mul3A_161 = arith.constant 128 : i32
        %mul3A_162 = arith.muli %add3A_160, %mul3A_161 : i32
        %dma_wait3A_163 = arith.constant 0 : i32
        %dma_wait3A_164 = tpu.memref_slice %arg5[%rem3A_157, %dma_wait3A_163] : memref<4x128xi32, #tpu.memory_space<vmem>> -> memref<1x128xi32, #tpu.memory_space<vmem>>
        %dma_wait3A_165 = tpu.memref_squeeze %dma_wait3A_164 : memref<1x128xi32, #tpu.memory_space<vmem>> -> memref<128xi32, #tpu.memory_space<vmem>>
        %dma_wait3A_166 = tpu.memref_slice %arg3[%mul3A_162] : memref<160000xi32, #tpu.memory_space<hbm>> -> memref<128xi32, #tpu.memory_space<hbm>>
        %dma_wait3A_167 = tpu.memref_slice %arg7[%rem3A_157] : memref<4x!tpu.dma_semaphore, #tpu.memory_space<semaphore_mem>> -> memref<1x!tpu.dma_semaphore, #tpu.memory_space<semaphore_mem>>
        %dma_wait3A_168 = tpu.memref_squeeze %dma_wait3A_167 : memref<1x!tpu.dma_semaphore, #tpu.memory_space<semaphore_mem>> -> memref<!tpu.dma_semaphore, #tpu.memory_space<semaphore_mem>>
        %dma_wait3A_169 = arith.constant 0 : i32
        %dma_wait3A_170 = tpu.memref_slice %arg5[%rem3A_157, %dma_wait3A_169] : memref<4x128xi32, #tpu.memory_space<vmem>> -> memref<1x128xi32, #tpu.memory_space<vmem>>
        %dma_wait3A_171 = tpu.memref_squeeze %dma_wait3A_170 : memref<1x128xi32, #tpu.memory_space<vmem>> -> memref<128xi32, #tpu.memory_space<vmem>>
        %dma_wait3A_172 = tpu.memref_slice %arg3[%mul3A_162] : memref<160000xi32, #tpu.memory_space<hbm>> -> memref<128xi32, #tpu.memory_space<hbm>>
        tpu.wait_dma2 semaphore(%dma_wait3A_168 : memref<!tpu.dma_semaphore, #tpu.memory_space<semaphore_mem>>) src(%dma_wait3A_172 : memref<128xi32, #tpu.memory_space<hbm>>) dst(%dma_wait3A_171 : memref<128xi32, #tpu.memory_space<vmem>>)
        %add3A_173 = arith.constant 1 : i32
        %add3A_174 = arith.addi %while3A_101, %add3A_173 : i32
        %rem3A_175 = arith.constant 4 : i32
        %rem3A_176 = arith.remsi %add3A_174, %rem3A_175 : i32
        %dma_start3A_177 = arith.constant 0 : i32
        %dma_start3A_178 = arith.constant 0 : i32
        %dma_start3A_179 = tpu.memref_slice %arg6[%rem3A_176, %dma_start3A_177, %dma_start3A_178] : memref<4x128x16xf32, #tpu.memory_space<vmem>> -> memref<1x128x16xf32, #tpu.memory_space<vmem>>
        %dma_start3A_180 = tpu.memref_squeeze %dma_start3A_179 : memref<1x128x16xf32, #tpu.memory_space<vmem>> -> memref<128x16xf32, #tpu.memory_space<vmem>>
        %dma_start3A_181 = arith.constant 0 : i32
        %dma_start3A_182 = tpu.memref_slice %arg5[%rem3A_176, %dma_start3A_181] : memref<4x128xi32, #tpu.memory_space<vmem>> -> memref<1x128xi32, #tpu.memory_space<vmem>>
        %dma_start3A_183 = tpu.memref_squeeze %dma_start3A_182 : memref<1x128xi32, #tpu.memory_space<vmem>> -> memref<128xi32, #tpu.memory_space<vmem>>
        %dma_start3A_184 = arith.constant 0 : i32
        %dma_start3A_185 = arith.constant 0 : i32
        %dma_start3A_186 = tpu.memref_slice %arg2[%dma_start3A_184, %dma_start3A_185] : memref<10000x16xf32, #tpu.memory_space<hbm>> -> memref<10000x16xf32, #tpu.memory_space<hbm>>
        %dma_start3A_187 = tpu.memref_slice %arg8[%rem3A_176] : memref<4x!tpu.dma_semaphore, #tpu.memory_space<semaphore_mem>> -> memref<1x!tpu.dma_semaphore, #tpu.memory_space<semaphore_mem>>
        %dma_start3A_188 = tpu.memref_squeeze %dma_start3A_187 : memref<1x!tpu.dma_semaphore, #tpu.memory_space<semaphore_mem>> -> memref<!tpu.dma_semaphore, #tpu.memory_space<semaphore_mem>>
        tpu.enqueue_indirect_dma source(%dma_start3A_186 : memref<10000x16xf32, #tpu.memory_space<hbm>>) target(%dma_start3A_180 : memref<128x16xf32, #tpu.memory_space<vmem>>) offsets(%dma_start3A_183 : memref<128xi32, #tpu.memory_space<vmem>>) semaphore(%dma_start3A_188 : memref<!tpu.dma_semaphore, #tpu.memory_space<semaphore_mem>>)
      } else {
      }
      %rem3A_119 = arith.constant 4 : i32
      %rem3A_120 = arith.remsi %while3A_101, %rem3A_119 : i32
      %dma_wait3A_121 = arith.constant 0 : i32
      %dma_wait3A_122 = arith.constant 0 : i32
      %dma_wait3A_123 = tpu.memref_slice %arg6[%rem3A_120, %dma_wait3A_121, %dma_wait3A_122] : memref<4x128x16xf32, #tpu.memory_space<vmem>> -> memref<1x128x16xf32, #tpu.memory_space<vmem>>
      %dma_wait3A_124 = tpu.memref_squeeze %dma_wait3A_123 : memref<1x128x16xf32, #tpu.memory_space<vmem>> -> memref<128x16xf32, #tpu.memory_space<vmem>>
      %dma_wait3A_125 = arith.constant 0 : i32
      %dma_wait3A_126 = tpu.memref_slice %arg5[%rem3A_120, %dma_wait3A_125] : memref<4x128xi32, #tpu.memory_space<vmem>> -> memref<1x128xi32, #tpu.memory_space<vmem>>
      %dma_wait3A_127 = tpu.memref_squeeze %dma_wait3A_126 : memref<1x128xi32, #tpu.memory_space<vmem>> -> memref<128xi32, #tpu.memory_space<vmem>>
      %dma_wait3A_128 = arith.constant 0 : i32
      %dma_wait3A_129 = arith.constant 0 : i32
      %dma_wait3A_130 = tpu.memref_slice %arg2[%dma_wait3A_128, %dma_wait3A_129] : memref<10000x16xf32, #tpu.memory_space<hbm>> -> memref<10000x16xf32, #tpu.memory_space<hbm>>
      %dma_wait3A_131 = tpu.memref_slice %arg8[%rem3A_120] : memref<4x!tpu.dma_semaphore, #tpu.memory_space<semaphore_mem>> -> memref<1x!tpu.dma_semaphore, #tpu.memory_space<semaphore_mem>>
      %dma_wait3A_132 = tpu.memref_squeeze %dma_wait3A_131 : memref<1x!tpu.dma_semaphore, #tpu.memory_space<semaphore_mem>> -> memref<!tpu.dma_semaphore, #tpu.memory_space<semaphore_mem>>
      tpu.wait_indirect_dma semaphore(%dma_wait3A_132 : memref<!tpu.dma_semaphore, #tpu.memory_space<semaphore_mem>>) src(%dma_wait3A_130 : memref<10000x16xf32, #tpu.memory_space<hbm>>) dst(%dma_wait3A_124 : memref<128x16xf32, #tpu.memory_space<vmem>>)
      %rem3A_133 = arith.constant 4 : i32
      %rem3A_134 = arith.remsi %while3A_101, %rem3A_133 : i32
      %mul3A_135 = arith.constant 32 : i32
      %mul3A_136 = arith.muli %mul3A_135, %while3A_101 : i32
      %add3A_137 = arith.addi %add3A, %mul3A_136 : i32
      %mul3A_138 = arith.constant 128 : i32
      %mul3A_139 = arith.muli %add3A_137, %mul3A_138 : i32
      %dma_start3A_140 = arith.constant 0 : i32
      %dma_start3A_141 = arith.constant 0 : i32
      %dma_start3A_142 = tpu.memref_slice %arg6[%rem3A_134, %dma_start3A_140, %dma_start3A_141] : memref<4x128x16xf32, #tpu.memory_space<vmem>> -> memref<1x128x16xf32, #tpu.memory_space<vmem>>
      %dma_start3A_143 = tpu.memref_squeeze %dma_start3A_142 : memref<1x128x16xf32, #tpu.memory_space<vmem>> -> memref<128x16xf32, #tpu.memory_space<vmem>>
      %dma_start3A_144 = arith.constant 0 : i32
      %dma_start3A_145 = tpu.memref_slice %arg4[%mul3A_139, %dma_start3A_144] : memref<160000x16xf32, #tpu.memory_space<hbm>> -> memref<128x16xf32, #tpu.memory_space<hbm>>
      %dma_start3A_146 = tpu.memref_slice %arg9[%rem3A_134] : memref<4x!tpu.dma_semaphore, #tpu.memory_space<semaphore_mem>> -> memref<1x!tpu.dma_semaphore, #tpu.memory_space<semaphore_mem>>
      %dma_start3A_147 = tpu.memref_squeeze %dma_start3A_146 : memref<1x!tpu.dma_semaphore, #tpu.memory_space<semaphore_mem>> -> memref<!tpu.dma_semaphore, #tpu.memory_space<semaphore_mem>>
      %dma_start3A_148 = arith.constant 0 : i32
      %dma_start3A_149 = tpu.memref_slice %arg4[%mul3A_139, %dma_start3A_148] : memref<160000x16xf32, #tpu.memory_space<hbm>> -> memref<128x16xf32, #tpu.memory_space<hbm>>
      %dma_start3A_150 = arith.constant 0 : i32
      %dma_start3A_151 = arith.constant 0 : i32
      %dma_start3A_152 = tpu.memref_slice %arg6[%rem3A_134, %dma_start3A_150, %dma_start3A_151] : memref<4x128x16xf32, #tpu.memory_space<vmem>> -> memref<1x128x16xf32, #tpu.memory_space<vmem>>
      %dma_start3A_153 = tpu.memref_squeeze %dma_start3A_152 : memref<1x128x16xf32, #tpu.memory_space<vmem>> -> memref<128x16xf32, #tpu.memory_space<vmem>>
      tpu.enqueue_dma source(%dma_start3A_153 : memref<128x16xf32, #tpu.memory_space<vmem>>) target(%dma_start3A_149 : memref<128x16xf32, #tpu.memory_space<hbm>>) target_semaphore(%dma_start3A_147 : memref<!tpu.dma_semaphore, #tpu.memory_space<semaphore_mem>>)
    }
    %while3A_76 = arith.constant 1 : i32
    scf.for %while3A_101 = %while3A_74 to %while3A_70 step %while3A_76  : i32 {
      %ge3A_102 = arith.constant 2 : i32
      %ge3A_103 = arith.cmpi sge, %while3A_101, %ge3A_102 : i32
      %convert_element_type3A_104 = arith.extui %ge3A_103 : i1 to i32
      %cond3A_105 = arith.constant 0 : i32
      %cond3A_106 = arith.cmpi ne, %convert_element_type3A_104, %cond3A_105 : i32
      scf.if %cond3A_106 {
        %sub3A_154 = arith.constant 2 : i32
        %sub3A_155 = arith.subi %while3A_101, %sub3A_154 : i32
        %rem3A_156 = arith.constant 4 : i32
        %rem3A_157 = arith.remsi %sub3A_155, %rem3A_156 : i32
        %mul3A_158 = arith.constant 32 : i32
        %mul3A_159 = arith.muli %mul3A_158, %sub3A_155 : i32
        %add3A_160 = arith.addi %add3A, %mul3A_159 : i32
        %mul3A_161 = arith.constant 128 : i32
        %mul3A_162 = arith.muli %add3A_160, %mul3A_161 : i32
        %dma_wait3A_163 = arith.constant 0 : i32
        %dma_wait3A_164 = arith.constant 0 : i32
        %dma_wait3A_165 = tpu.memref_slice %arg6[%rem3A_157, %dma_wait3A_163, %dma_wait3A_164] : memref<4x128x16xf32, #tpu.memory_space<vmem>> -> memref<1x128x16xf32, #tpu.memory_space<vmem>>
        %dma_wait3A_166 = tpu.memref_squeeze %dma_wait3A_165 : memref<1x128x16xf32, #tpu.memory_space<vmem>> -> memref<128x16xf32, #tpu.memory_space<vmem>>
        %dma_wait3A_167 = arith.constant 0 : i32
        %dma_wait3A_168 = tpu.memref_slice %arg4[%mul3A_162, %dma_wait3A_167] : memref<160000x16xf32, #tpu.memory_space<hbm>> -> memref<128x16xf32, #tpu.memory_space<hbm>>
        %dma_wait3A_169 = tpu.memref_slice %arg9[%rem3A_157] : memref<4x!tpu.dma_semaphore, #tpu.memory_space<semaphore_mem>> -> memref<1x!tpu.dma_semaphore, #tpu.memory_space<semaphore_mem>>
        %dma_wait3A_170 = tpu.memref_squeeze %dma_wait3A_169 : memref<1x!tpu.dma_semaphore, #tpu.memory_space<semaphore_mem>> -> memref<!tpu.dma_semaphore, #tpu.memory_space<semaphore_mem>>
        %dma_wait3A_171 = arith.constant 0 : i32
        %dma_wait3A_172 = tpu.memref_slice %arg4[%mul3A_162, %dma_wait3A_171] : memref<160000x16xf32, #tpu.memory_space<hbm>> -> memref<128x16xf32, #tpu.memory_space<hbm>>
        %dma_wait3A_173 = arith.constant 0 : i32
        %dma_wait3A_174 = arith.constant 0 : i32
        %dma_wait3A_175 = tpu.memref_slice %arg6[%rem3A_157, %dma_wait3A_173, %dma_wait3A_174] : memref<4x128x16xf32, #tpu.memory_space<vmem>> -> memref<1x128x16xf32, #tpu.memory_space<vmem>>
        %dma_wait3A_176 = tpu.memref_squeeze %dma_wait3A_175 : memref<1x128x16xf32, #tpu.memory_space<vmem>> -> memref<128x16xf32, #tpu.memory_space<vmem>>
        tpu.wait_dma2 semaphore(%dma_wait3A_170 : memref<!tpu.dma_semaphore, #tpu.memory_space<semaphore_mem>>) src(%dma_wait3A_176 : memref<128x16xf32, #tpu.memory_space<vmem>>) dst(%dma_wait3A_172 : memref<128x16xf32, #tpu.memory_space<hbm>>)
      } else {
      }
      %add3A_107 = arith.constant 2 : i32
      %add3A_108 = arith.addi %while3A_101, %add3A_107 : i32
      %lt3A_109 = arith.cmpi slt, %add3A_108, %add3A_4 : i32
      %convert_element_type3A_110 = arith.extui %lt3A_109 : i1 to i32
      %cond3A_111 = arith.constant 0 : i32
      %cond3A_112 = arith.cmpi ne, %convert_element_type3A_110, %cond3A_111 : i32
      scf.if %cond3A_112 {
        %add3A_154 = arith.constant 2 : i32
        %add3A_155 = arith.addi %while3A_101, %add3A_154 : i32
        %rem3A_156 = arith.constant 4 : i32
        %rem3A_157 = arith.remsi %add3A_155, %rem3A_156 : i32
        %mul3A_158 = arith.constant 32 : i32
        %mul3A_159 = arith.muli %mul3A_158, %add3A_155 : i32
        %add3A_160 = arith.addi %add3A, %mul3A_159 : i32
        %mul3A_161 = arith.constant 128 : i32
        %mul3A_162 = arith.muli %add3A_160, %mul3A_161 : i32
        %dma_start3A_163 = arith.constant 0 : i32
        %dma_start3A_164 = tpu.memref_slice %arg5[%rem3A_157, %dma_start3A_163] : memref<4x128xi32, #tpu.memory_space<vmem>> -> memref<1x128xi32, #tpu.memory_space<vmem>>
        %dma_start3A_165 = tpu.memref_squeeze %dma_start3A_164 : memref<1x128xi32, #tpu.memory_space<vmem>> -> memref<128xi32, #tpu.memory_space<vmem>>
        %dma_start3A_166 = tpu.memref_slice %arg3[%mul3A_162] : memref<160000xi32, #tpu.memory_space<hbm>> -> memref<128xi32, #tpu.memory_space<hbm>>
        %dma_start3A_167 = tpu.memref_slice %arg7[%rem3A_157] : memref<4x!tpu.dma_semaphore, #tpu.memory_space<semaphore_mem>> -> memref<1x!tpu.dma_semaphore, #tpu.memory_space<semaphore_mem>>
        %dma_start3A_168 = tpu.memref_squeeze %dma_start3A_167 : memref<1x!tpu.dma_semaphore, #tpu.memory_space<semaphore_mem>> -> memref<!tpu.dma_semaphore, #tpu.memory_space<semaphore_mem>>
        %dma_start3A_169 = arith.constant 0 : i32
        %dma_start3A_170 = tpu.memref_slice %arg5[%rem3A_157, %dma_start3A_169] : memref<4x128xi32, #tpu.memory_space<vmem>> -> memref<1x128xi32, #tpu.memory_space<vmem>>
        %dma_start3A_171 = tpu.memref_squeeze %dma_start3A_170 : memref<1x128xi32, #tpu.memory_space<vmem>> -> memref<128xi32, #tpu.memory_space<vmem>>
        %dma_start3A_172 = tpu.memref_slice %arg3[%mul3A_162] : memref<160000xi32, #tpu.memory_space<hbm>> -> memref<128xi32, #tpu.memory_space<hbm>>
        tpu.enqueue_dma source(%dma_start3A_172 : memref<128xi32, #tpu.memory_space<hbm>>) target(%dma_start3A_171 : memref<128xi32, #tpu.memory_space<vmem>>) target_semaphore(%dma_start3A_168 : memref<!tpu.dma_semaphore, #tpu.memory_space<semaphore_mem>>)
      } else {
      }
      %add3A_113 = arith.constant 1 : i32
      %add3A_114 = arith.addi %while3A_101, %add3A_113 : i32
      %lt3A_115 = arith.cmpi slt, %add3A_114, %add3A_4 : i32
      %convert_element_type3A_116 = arith.extui %lt3A_115 : i1 to i32
      %cond3A_117 = arith.constant 0 : i32
      %cond3A_118 = arith.cmpi ne, %convert_element_type3A_116, %cond3A_117 : i32
      scf.if %cond3A_118 {
        %add3A_154 = arith.constant 1 : i32
        %add3A_155 = arith.addi %while3A_101, %add3A_154 : i32
        %rem3A_156 = arith.constant 4 : i32
        %rem3A_157 = arith.remsi %add3A_155, %rem3A_156 : i32
        %mul3A_158 = arith.constant 32 : i32
        %mul3A_159 = arith.muli %mul3A_158, %add3A_155 : i32
        %add3A_160 = arith.addi %add3A, %mul3A_159 : i32
        %mul3A_161 = arith.constant 128 : i32
        %mul3A_162 = arith.muli %add3A_160, %mul3A_161 : i32
        %dma_wait3A_163 = arith.constant 0 : i32
        %dma_wait3A_164 = tpu.memref_slice %arg5[%rem3A_157, %dma_wait3A_163] : memref<4x128xi32, #tpu.memory_space<vmem>> -> memref<1x128xi32, #tpu.memory_space<vmem>>
        %dma_wait3A_165 = tpu.memref_squeeze %dma_wait3A_164 : memref<1x128xi32, #tpu.memory_space<vmem>> -> memref<128xi32, #tpu.memory_space<vmem>>
        %dma_wait3A_166 = tpu.memref_slice %arg3[%mul3A_162] : memref<160000xi32, #tpu.memory_space<hbm>> -> memref<128xi32, #tpu.memory_space<hbm>>
        %dma_wait3A_167 = tpu.memref_slice %arg7[%rem3A_157] : memref<4x!tpu.dma_semaphore, #tpu.memory_space<semaphore_mem>> -> memref<1x!tpu.dma_semaphore, #tpu.memory_space<semaphore_mem>>
        %dma_wait3A_168 = tpu.memref_squeeze %dma_wait3A_167 : memref<1x!tpu.dma_semaphore, #tpu.memory_space<semaphore_mem>> -> memref<!tpu.dma_semaphore, #tpu.memory_space<semaphore_mem>>
        %dma_wait3A_169 = arith.constant 0 : i32
        %dma_wait3A_170 = tpu.memref_slice %arg5[%rem3A_157, %dma_wait3A_169] : memref<4x128xi32, #tpu.memory_space<vmem>> -> memref<1x128xi32, #tpu.memory_space<vmem>>
        %dma_wait3A_171 = tpu.memref_squeeze %dma_wait3A_170 : memref<1x128xi32, #tpu.memory_space<vmem>> -> memref<128xi32, #tpu.memory_space<vmem>>
        %dma_wait3A_172 = tpu.memref_slice %arg3[%mul3A_162] : memref<160000xi32, #tpu.memory_space<hbm>> -> memref<128xi32, #tpu.memory_space<hbm>>
        tpu.wait_dma2 semaphore(%dma_wait3A_168 : memref<!tpu.dma_semaphore, #tpu.memory_space<semaphore_mem>>) src(%dma_wait3A_172 : memref<128xi32, #tpu.memory_space<hbm>>) dst(%dma_wait3A_171 : memref<128xi32, #tpu.memory_space<vmem>>)
        %add3A_173 = arith.constant 1 : i32
        %add3A_174 = arith.addi %while3A_101, %add3A_173 : i32
        %rem3A_175 = arith.constant 4 : i32
        %rem3A_176 = arith.remsi %add3A_174, %rem3A_175 : i32
        %dma_start3A_177 = arith.constant 0 : i32
        %dma_start3A_178 = arith.constant 0 : i32
        %dma_start3A_179 = tpu.memref_slice %arg6[%rem3A_176, %dma_start3A_177, %dma_start3A_178] : memref<4x128x16xf32, #tpu.memory_space<vmem>> -> memref<1x128x16xf32, #tpu.memory_space<vmem>>
        %dma_start3A_180 = tpu.memref_squeeze %dma_start3A_179 : memref<1x128x16xf32, #tpu.memory_space<vmem>> -> memref<128x16xf32, #tpu.memory_space<vmem>>
        %dma_start3A_181 = arith.constant 0 : i32
        %dma_start3A_182 = tpu.memref_slice %arg5[%rem3A_176, %dma_start3A_181] : memref<4x128xi32, #tpu.memory_space<vmem>> -> memref<1x128xi32, #tpu.memory_space<vmem>>
        %dma_start3A_183 = tpu.memref_squeeze %dma_start3A_182 : memref<1x128xi32, #tpu.memory_space<vmem>> -> memref<128xi32, #tpu.memory_space<vmem>>
        %dma_start3A_184 = arith.constant 0 : i32
        %dma_start3A_185 = arith.constant 0 : i32
        %dma_start3A_186 = tpu.memref_slice %arg2[%dma_start3A_184, %dma_start3A_185] : memref<10000x16xf32, #tpu.memory_space<hbm>> -> memref<10000x16xf32, #tpu.memory_space<hbm>>
        %dma_start3A_187 = tpu.memref_slice %arg8[%rem3A_176] : memref<4x!tpu.dma_semaphore, #tpu.memory_space<semaphore_mem>> -> memref<1x!tpu.dma_semaphore, #tpu.memory_space<semaphore_mem>>
        %dma_start3A_188 = tpu.memref_squeeze %dma_start3A_187 : memref<1x!tpu.dma_semaphore, #tpu.memory_space<semaphore_mem>> -> memref<!tpu.dma_semaphore, #tpu.memory_space<semaphore_mem>>
        tpu.enqueue_indirect_dma source(%dma_start3A_186 : memref<10000x16xf32, #tpu.memory_space<hbm>>) target(%dma_start3A_180 : memref<128x16xf32, #tpu.memory_space<vmem>>) offsets(%dma_start3A_183 : memref<128xi32, #tpu.memory_space<vmem>>) semaphore(%dma_start3A_188 : memref<!tpu.dma_semaphore, #tpu.memory_space<semaphore_mem>>)
      } else {
      }
      %rem3A_119 = arith.constant 4 : i32
      %rem3A_120 = arith.remsi %while3A_101, %rem3A_119 : i32
      %dma_wait3A_121 = arith.constant 0 : i32
      %dma_wait3A_122 = arith.constant 0 : i32
      %dma_wait3A_123 = tpu.memref_slice %arg6[%rem3A_120, %dma_wait3A_121, %dma_wait3A_122] : memref<4x128x16xf32, #tpu.memory_space<vmem>> -> memref<1x128x16xf32, #tpu.memory_space<vmem>>
      %dma_wait3A_124 = tpu.memref_squeeze %dma_wait3A_123 : memref<1x128x16xf32, #tpu.memory_space<vmem>> -> memref<128x16xf32, #tpu.memory_space<vmem>>
      %dma_wait3A_125 = arith.constant 0 : i32
      %dma_wait3A_126 = tpu.memref_slice %arg5[%rem3A_120, %dma_wait3A_125] : memref<4x128xi32, #tpu.memory_space<vmem>> -> memref<1x128xi32, #tpu.memory_space<vmem>>
      %dma_wait3A_127 = tpu.memref_squeeze %dma_wait3A_126 : memref<1x128xi32, #tpu.memory_space<vmem>> -> memref<128xi32, #tpu.memory_space<vmem>>
      %dma_wait3A_128 = arith.constant 0 : i32
      %dma_wait3A_129 = arith.constant 0 : i32
      %dma_wait3A_130 = tpu.memref_slice %arg2[%dma_wait3A_128, %dma_wait3A_129] : memref<10000x16xf32, #tpu.memory_space<hbm>> -> memref<10000x16xf32, #tpu.memory_space<hbm>>
      %dma_wait3A_131 = tpu.memref_slice %arg8[%rem3A_120] : memref<4x!tpu.dma_semaphore, #tpu.memory_space<semaphore_mem>> -> memref<1x!tpu.dma_semaphore, #tpu.memory_space<semaphore_mem>>
      %dma_wait3A_132 = tpu.memref_squeeze %dma_wait3A_131 : memref<1x!tpu.dma_semaphore, #tpu.memory_space<semaphore_mem>> -> memref<!tpu.dma_semaphore, #tpu.memory_space<semaphore_mem>>
      tpu.wait_indirect_dma semaphore(%dma_wait3A_132 : memref<!tpu.dma_semaphore, #tpu.memory_space<semaphore_mem>>) src(%dma_wait3A_130 : memref<10000x16xf32, #tpu.memory_space<hbm>>) dst(%dma_wait3A_124 : memref<128x16xf32, #tpu.memory_space<vmem>>)
      %rem3A_133 = arith.constant 4 : i32
      %rem3A_134 = arith.remsi %while3A_101, %rem3A_133 : i32
      %mul3A_135 = arith.constant 32 : i32
      %mul3A_136 = arith.muli %mul3A_135, %while3A_101 : i32
      %add3A_137 = arith.addi %add3A, %mul3A_136 : i32
      %mul3A_138 = arith.constant 128 : i32
      %mul3A_139 = arith.muli %add3A_137, %mul3A_138 : i32
      %dma_start3A_140 = arith.constant 0 : i32
      %dma_start3A_141 = arith.constant 0 : i32
      %dma_start3A_142 = tpu.memref_slice %arg6[%rem3A_134, %dma_start3A_140, %dma_start3A_141] : memref<4x128x16xf32, #tpu.memory_space<vmem>> -> memref<1x128x16xf32, #tpu.memory_space<vmem>>
      %dma_start3A_143 = tpu.memref_squeeze %dma_start3A_142 : memref<1x128x16xf32, #tpu.memory_space<vmem>> -> memref<128x16xf32, #tpu.memory_space<vmem>>
      %dma_start3A_144 = arith.constant 0 : i32
      %dma_start3A_145 = tpu.memref_slice %arg4[%mul3A_139, %dma_start3A_144] : memref<160000x16xf32, #tpu.memory_space<hbm>> -> memref<128x16xf32, #tpu.memory_space<hbm>>
      %dma_start3A_146 = tpu.memref_slice %arg9[%rem3A_134] : memref<4x!tpu.dma_semaphore, #tpu.memory_space<semaphore_mem>> -> memref<1x!tpu.dma_semaphore, #tpu.memory_space<semaphore_mem>>
      %dma_start3A_147 = tpu.memref_squeeze %dma_start3A_146 : memref<1x!tpu.dma_semaphore, #tpu.memory_space<semaphore_mem>> -> memref<!tpu.dma_semaphore, #tpu.memory_space<semaphore_mem>>
      %dma_start3A_148 = arith.constant 0 : i32
      %dma_start3A_149 = tpu.memref_slice %arg4[%mul3A_139, %dma_start3A_148] : memref<160000x16xf32, #tpu.memory_space<hbm>> -> memref<128x16xf32, #tpu.memory_space<hbm>>
      %dma_start3A_150 = arith.constant 0 : i32
      %dma_start3A_151 = arith.constant 0 : i32
      %dma_start3A_152 = tpu.memref_slice %arg6[%rem3A_134, %dma_start3A_150, %dma_start3A_151] : memref<4x128x16xf32, #tpu.memory_space<vmem>> -> memref<1x128x16xf32, #tpu.memory_space<vmem>>
      %dma_start3A_153 = tpu.memref_squeeze %dma_start3A_152 : memref<1x128x16xf32, #tpu.memory_space<vmem>> -> memref<128x16xf32, #tpu.memory_space<vmem>>
      tpu.enqueue_dma source(%dma_start3A_153 : memref<128x16xf32, #tpu.memory_space<vmem>>) target(%dma_start3A_149 : memref<128x16xf32, #tpu.memory_space<hbm>>) target_semaphore(%dma_start3A_147 : memref<!tpu.dma_semaphore, #tpu.memory_space<semaphore_mem>>)
    }
    %ge3A = arith.constant 2 : i32
    %ge3A_77 = arith.cmpi sge, %add3A_4, %ge3A : i32
    %convert_element_type3A = arith.extui %ge3A_77 : i1 to i32
    %cond3A = arith.constant 0 : i32
    %cond3A_78 = arith.cmpi ne, %convert_element_type3A, %cond3A : i32
    scf.if %cond3A_78 {
      %sub3A_101 = arith.constant 2 : i32
      %sub3A_102 = arith.subi %add3A_4, %sub3A_101 : i32
      %rem3A_103 = arith.constant 4 : i32
      %rem3A_104 = arith.remsi %sub3A_102, %rem3A_103 : i32
      %mul3A_105 = arith.constant 32 : i32
      %mul3A_106 = arith.muli %mul3A_105, %sub3A_102 : i32
      %add3A_107 = arith.addi %add3A, %mul3A_106 : i32
      %mul3A_108 = arith.constant 128 : i32
      %mul3A_109 = arith.muli %add3A_107, %mul3A_108 : i32
      %dma_wait3A_110 = arith.constant 0 : i32
      %dma_wait3A_111 = arith.constant 0 : i32
      %dma_wait3A_112 = tpu.memref_slice %arg6[%rem3A_104, %dma_wait3A_110, %dma_wait3A_111] : memref<4x128x16xf32, #tpu.memory_space<vmem>> -> memref<1x128x16xf32, #tpu.memory_space<vmem>>
      %dma_wait3A_113 = tpu.memref_squeeze %dma_wait3A_112 : memref<1x128x16xf32, #tpu.memory_space<vmem>> -> memref<128x16xf32, #tpu.memory_space<vmem>>
      %dma_wait3A_114 = arith.constant 0 : i32
      %dma_wait3A_115 = tpu.memref_slice %arg4[%mul3A_109, %dma_wait3A_114] : memref<160000x16xf32, #tpu.memory_space<hbm>> -> memref<128x16xf32, #tpu.memory_space<hbm>>
      %dma_wait3A_116 = tpu.memref_slice %arg9[%rem3A_104] : memref<4x!tpu.dma_semaphore, #tpu.memory_space<semaphore_mem>> -> memref<1x!tpu.dma_semaphore, #tpu.memory_space<semaphore_mem>>
      %dma_wait3A_117 = tpu.memref_squeeze %dma_wait3A_116 : memref<1x!tpu.dma_semaphore, #tpu.memory_space<semaphore_mem>> -> memref<!tpu.dma_semaphore, #tpu.memory_space<semaphore_mem>>
      %dma_wait3A_118 = arith.constant 0 : i32
      %dma_wait3A_119 = tpu.memref_slice %arg4[%mul3A_109, %dma_wait3A_118] : memref<160000x16xf32, #tpu.memory_space<hbm>> -> memref<128x16xf32, #tpu.memory_space<hbm>>
      %dma_wait3A_120 = arith.constant 0 : i32
      %dma_wait3A_121 = arith.constant 0 : i32
      %dma_wait3A_122 = tpu.memref_slice %arg6[%rem3A_104, %dma_wait3A_120, %dma_wait3A_121] : memref<4x128x16xf32, #tpu.memory_space<vmem>> -> memref<1x128x16xf32, #tpu.memory_space<vmem>>
      %dma_wait3A_123 = tpu.memref_squeeze %dma_wait3A_122 : memref<1x128x16xf32, #tpu.memory_space<vmem>> -> memref<128x16xf32, #tpu.memory_space<vmem>>
      tpu.wait_dma2 semaphore(%dma_wait3A_117 : memref<!tpu.dma_semaphore, #tpu.memory_space<semaphore_mem>>) src(%dma_wait3A_123 : memref<128x16xf32, #tpu.memory_space<vmem>>) dst(%dma_wait3A_119 : memref<128x16xf32, #tpu.memory_space<hbm>>)
    } else {
    }
    %sub3A = arith.constant 1 : i32
    %sub3A_79 = arith.subi %add3A_4, %sub3A : i32
    %rem3A_80 = arith.constant 4 : i32
    %rem3A_81 = arith.remsi %sub3A_79, %rem3A_80 : i32
    %mul3A_82 = arith.constant 32 : i32
    %mul3A_83 = arith.muli %mul3A_82, %sub3A_79 : i32
    %add3A_84 = arith.addi %add3A, %mul3A_83 : i32
    %mul3A_85 = arith.constant 128 : i32
    %mul3A_86 = arith.muli %add3A_84, %mul3A_85 : i32
    %dma_wait3A_87 = arith.constant 0 : i32
    %dma_wait3A_88 = arith.constant 0 : i32
    %dma_wait3A_89 = tpu.memref_slice %arg6[%rem3A_81, %dma_wait3A_87, %dma_wait3A_88] : memref<4x128x16xf32, #tpu.memory_space<vmem>> -> memref<1x128x16xf32, #tpu.memory_space<vmem>>
    %dma_wait3A_90 = tpu.memref_squeeze %dma_wait3A_89 : memref<1x128x16xf32, #tpu.memory_space<vmem>> -> memref<128x16xf32, #tpu.memory_space<vmem>>
    %dma_wait3A_91 = arith.constant 0 : i32
    %dma_wait3A_92 = tpu.memref_slice %arg4[%mul3A_86, %dma_wait3A_91] : memref<160000x16xf32, #tpu.memory_space<hbm>> -> memref<128x16xf32, #tpu.memory_space<hbm>>
    %dma_wait3A_93 = tpu.memref_slice %arg9[%rem3A_81] : memref<4x!tpu.dma_semaphore, #tpu.memory_space<semaphore_mem>> -> memref<1x!tpu.dma_semaphore, #tpu.memory_space<semaphore_mem>>
    %dma_wait3A_94 = tpu.memref_squeeze %dma_wait3A_93 : memref<1x!tpu.dma_semaphore, #tpu.memory_space<semaphore_mem>> -> memref<!tpu.dma_semaphore, #tpu.memory_space<semaphore_mem>>
    %dma_wait3A_95 = arith.constant 0 : i32
    %dma_wait3A_96 = tpu.memref_slice %arg4[%mul3A_86, %dma_wait3A_95] : memref<160000x16xf32, #tpu.memory_space<hbm>> -> memref<128x16xf32, #tpu.memory_space<hbm>>
    %dma_wait3A_97 = arith.constant 0 : i32
    %dma_wait3A_98 = arith.constant 0 : i32
    %dma_wait3A_99 = tpu.memref_slice %arg6[%rem3A_81, %dma_wait3A_97, %dma_wait3A_98] : memref<4x128x16xf32, #tpu.memory_space<vmem>> -> memref<1x128x16xf32, #tpu.memory_space<vmem>>
    %dma_wait3A_100 = tpu.memref_squeeze %dma_wait3A_99 : memref<1x128x16xf32, #tpu.memory_space<vmem>> -> memref<128x16xf32, #tpu.memory_space<vmem>>
    tpu.wait_dma2 semaphore(%dma_wait3A_94 : memref<!tpu.dma_semaphore, #tpu.memory_space<semaphore_mem>>) src(%dma_wait3A_100 : memref<128x16xf32, #tpu.memory_space<vmem>>) dst(%dma_wait3A_96 : memref<128x16xf32, #tpu.memory_space<hbm>>)
    return
  }
}

#map = affine_map<(d0, d1) -> (0, 0)>
#map1 = affine_map<(d0, d1) -> (0)>
module attributes {stable_mosaic.version = 14 : i64} {
  func.func @_gather_body(%arg0: i32, %arg1: i32, %arg2: memref<10000x16xf32, #tpu.memory_space<hbm>>, %arg3: memref<160000xi32, #tpu.memory_space<hbm>>, %arg4: memref<160000x16xf32, #tpu.memory_space<hbm>>, %arg5: memref<4x128xi32, #tpu.memory_space<vmem>>, %arg6: memref<4x128x16xf32, #tpu.memory_space<vmem>>, %arg7: memref<4x!tpu.dma_semaphore, #tpu.memory_space<semaphore_mem>>, %arg8: memref<4x!tpu.dma_semaphore, #tpu.memory_space<semaphore_mem>>, %arg9: memref<4x!tpu.dma_semaphore, #tpu.memory_space<semaphore_mem>>) attributes {dimension_semantics = [#tpu.dimension_semantics<core_parallel>, #tpu.dimension_semantics<subcore_parallel>], iteration_bounds = array<i64: 2, 16>, scalar_prefetch = 0 : i64, scratch_operands = 5 : i64, tpu.core_type = #tpu.core_type<sc_vector_subcore>, window_params = [{transform_indices = #map}, {transform_indices = #map1}, {transform_indices = #map}]} {
    %mul3A = arith.constant 2 : i32
    %mul3A_0 = arith.muli %arg1, %mul3A : i32
    %add3A = arith.addi %mul3A_0, %arg0 : i32
    %lt3A = arith.constant 2 : i32
    %lt3A_1 = arith.cmpi slt, %add3A, %lt3A : i32
    %jit3A = arith.constant 1 : i32
    %jit3A_2 = arith.constant 0 : i32
    %select_n3A = arith.select %lt3A_1, %jit3A, %jit3A_2 : i32
    %add3A_3 = arith.constant 39 : i32
    %add3A_4 = arith.addi %add3A_3, %select_n3A : i32
    %rem3A = arith.constant 0 : i32
    %rem3A_5 = arith.constant 4 : i32
    %rem3A_6 = arith.remsi %rem3A, %rem3A_5 : i32
    %add3A_7 = arith.constant 0 : i32
    %add3A_8 = arith.addi %add3A, %add3A_7 : i32
    %mul3A_9 = arith.constant 128 : i32
    %mul3A_10 = arith.muli %add3A_8, %mul3A_9 : i32
    %dma_start3A = arith.constant 0 : i32
    %dma_start3A_11 = tpu.memref_slice %arg5[%rem3A_6, %dma_start3A] : memref<4x128xi32, #tpu.memory_space<vmem>> -> memref<1x128xi32, #tpu.memory_space<vmem>>
    %dma_start3A_12 = tpu.memref_squeeze %dma_start3A_11 : memref<1x128xi32, #tpu.memory_space<vmem>> -> memref<128xi32, #tpu.memory_space<vmem>>
    %dma_start3A_13 = tpu.memref_slice %arg3[%mul3A_10] : memref<160000xi32, #tpu.memory_space<hbm>> -> memref<128xi32, #tpu.memory_space<hbm>>
    %dma_start3A_14 = tpu.memref_slice %arg7[%rem3A_6] : memref<4x!tpu.dma_semaphore, #tpu.memory_space<semaphore_mem>> -> memref<1x!tpu.dma_semaphore, #tpu.memory_space<semaphore_mem>>
    %dma_start3A_15 = tpu.memref_squeeze %dma_start3A_14 : memref<1x!tpu.dma_semaphore, #tpu.memory_space<semaphore_mem>> -> memref<!tpu.dma_semaphore, #tpu.memory_space<semaphore_mem>>
    %dma_start3A_16 = arith.constant 0 : i32
    %dma_start3A_17 = tpu.memref_slice %arg5[%rem3A_6, %dma_start3A_16] : memref<4x128xi32, #tpu.memory_space<vmem>> -> memref<1x128xi32, #tpu.memory_space<vmem>>
    %dma_start3A_18 = tpu.memref_squeeze %dma_start3A_17 : memref<1x128xi32, #tpu.memory_space<vmem>> -> memref<128xi32, #tpu.memory_space<vmem>>
    %dma_start3A_19 = tpu.memref_slice %arg3[%mul3A_10] : memref<160000xi32, #tpu.memory_space<hbm>> -> memref<128xi32, #tpu.memory_space<hbm>>
    tpu.enqueue_dma source(%dma_start3A_19 : memref<128xi32, #tpu.memory_space<hbm>>) target(%dma_start3A_18 : memref<128xi32, #tpu.memory_space<vmem>>) target_semaphore(%dma_start3A_15 : memref<!tpu.dma_semaphore, #tpu.memory_space<semaphore_mem>>)
    %rem3A_20 = arith.constant 1 : i32
    %rem3A_21 = arith.constant 4 : i32
    %rem3A_22 = arith.remsi %rem3A_20, %rem3A_21 : i32
    %add3A_23 = arith.constant 32 : i32
    %add3A_24 = arith.addi %add3A, %add3A_23 : i32
    %mul3A_25 = arith.constant 128 : i32
    %mul3A_26 = arith.muli %add3A_24, %mul3A_25 : i32
    %dma_start3A_27 = arith.constant 0 : i32
    %dma_start3A_28 = tpu.memref_slice %arg5[%rem3A_22, %dma_start3A_27] : memref<4x128xi32, #tpu.memory_space<vmem>> -> memref<1x128xi32, #tpu.memory_space<vmem>>
    %dma_start3A_29 = tpu.memref_squeeze %dma_start3A_28 : memref<1x128xi32, #tpu.memory_space<vmem>> -> memref<128xi32, #tpu.memory_space<vmem>>
    %dma_start3A_30 = tpu.memref_slice %arg3[%mul3A_26] : memref<160000xi32, #tpu.memory_space<hbm>> -> memref<128xi32, #tpu.memory_space<hbm>>
    %dma_start3A_31 = tpu.memref_slice %arg7[%rem3A_22] : memref<4x!tpu.dma_semaphore, #tpu.memory_space<semaphore_mem>> -> memref<1x!tpu.dma_semaphore, #tpu.memory_space<semaphore_mem>>
    %dma_start3A_32 = tpu.memref_squeeze %dma_start3A_31 : memref<1x!tpu.dma_semaphore, #tpu.memory_space<semaphore_mem>> -> memref<!tpu.dma_semaphore, #tpu.memory_space<semaphore_mem>>
    %dma_start3A_33 = arith.constant 0 : i32
    %dma_start3A_34 = tpu.memref_slice %arg5[%rem3A_22, %dma_start3A_33] : memref<4x128xi32, #tpu.memory_space<vmem>> -> memref<1x128xi32, #tpu.memory_space<vmem>>
    %dma_start3A_35 = tpu.memref_squeeze %dma_start3A_34 : memref<1x128xi32, #tpu.memory_space<vmem>> -> memref<128xi32, #tpu.memory_space<vmem>>
    %dma_start3A_36 = tpu.memref_slice %arg3[%mul3A_26] : memref<160000xi32, #tpu.memory_space<hbm>> -> memref<128xi32, #tpu.memory_space<hbm>>
    tpu.enqueue_dma source(%dma_start3A_36 : memref<128xi32, #tpu.memory_space<hbm>>) target(%dma_start3A_35 : memref<128xi32, #tpu.memory_space<vmem>>) target_semaphore(%dma_start3A_32 : memref<!tpu.dma_semaphore, #tpu.memory_space<semaphore_mem>>)
    %rem3A_37 = arith.constant 0 : i32
    %rem3A_38 = arith.constant 4 : i32
    %rem3A_39 = arith.remsi %rem3A_37, %rem3A_38 : i32
    %add3A_40 = arith.constant 0 : i32
    %add3A_41 = arith.addi %add3A, %add3A_40 : i32
    %mul3A_42 = arith.constant 128 : i32
    %mul3A_43 = arith.muli %add3A_41, %mul3A_42 : i32
    %dma_wait3A = arith.constant 0 : i32
    %dma_wait3A_44 = tpu.memref_slice %arg5[%rem3A_39, %dma_wait3A] : memref<4x128xi32, #tpu.memory_space<vmem>> -> memref<1x128xi32, #tpu.memory_space<vmem>>
    %dma_wait3A_45 = tpu.memref_squeeze %dma_wait3A_44 : memref<1x128xi32, #tpu.memory_space<vmem>> -> memref<128xi32, #tpu.memory_space<vmem>>
    %dma_wait3A_46 = tpu.memref_slice %arg3[%mul3A_43] : memref<160000xi32, #tpu.memory_space<hbm>> -> memref<128xi32, #tpu.memory_space<hbm>>
    %dma_wait3A_47 = tpu.memref_slice %arg7[%rem3A_39] : memref<4x!tpu.dma_semaphore, #tpu.memory_space<semaphore_mem>> -> memref<1x!tpu.dma_semaphore, #tpu.memory_space<semaphore_mem>>
    %dma_wait3A_48 = tpu.memref_squeeze %dma_wait3A_47 : memref<1x!tpu.dma_semaphore, #tpu.memory_space<semaphore_mem>> -> memref<!tpu.dma_semaphore, #tpu.memory_space<semaphore_mem>>
    %dma_wait3A_49 = arith.constant 0 : i32
    %dma_wait3A_50 = tpu.memref_slice %arg5[%rem3A_39, %dma_wait3A_49] : memref<4x128xi32, #tpu.memory_space<vmem>> -> memref<1x128xi32, #tpu.memory_space<vmem>>
    %dma_wait3A_51 = tpu.memref_squeeze %dma_wait3A_50 : memref<1x128xi32, #tpu.memory_space<vmem>> -> memref<128xi32, #tpu.memory_space<vmem>>
    %dma_wait3A_52 = tpu.memref_slice %arg3[%mul3A_43] : memref<160000xi32, #tpu.memory_space<hbm>> -> memref<128xi32, #tpu.memory_space<hbm>>
    tpu.wait_dma2 semaphore(%dma_wait3A_48 : memref<!tpu.dma_semaphore, #tpu.memory_space<semaphore_mem>>) src(%dma_wait3A_52 : memref<128xi32, #tpu.memory_space<hbm>>) dst(%dma_wait3A_51 : memref<128xi32, #tpu.memory_space<vmem>>)
    %rem3A_53 = arith.constant 0 : i32
    %rem3A_54 = arith.constant 4 : i32
    %rem3A_55 = arith.remsi %rem3A_53, %rem3A_54 : i32
    %dma_start3A_56 = arith.constant 0 : i32
    %dma_start3A_57 = arith.constant 0 : i32
    %dma_start3A_58 = tpu.memref_slice %arg6[%rem3A_55, %dma_start3A_56, %dma_start3A_57] : memref<4x128x16xf32, #tpu.memory_space<vmem>> -> memref<1x128x16xf32, #tpu.memory_space<vmem>>
    %dma_start3A_59 = tpu.memref_squeeze %dma_start3A_58 : memref<1x128x16xf32, #tpu.memory_space<vmem>> -> memref<128x16xf32, #tpu.memory_space<vmem>>
    %dma_start3A_60 = arith.constant 0 : i32
    %dma_start3A_61 = tpu.memref_slice %arg5[%rem3A_55, %dma_start3A_60] : memref<4x128xi32, #tpu.memory_space<vmem>> -> memref<1x128xi32, #tpu.memory_space<vmem>>
    %dma_start3A_62 = tpu.memref_squeeze %dma_start3A_61 : memref<1x128xi32, #tpu.memory_space<vmem>> -> memref<128xi32, #tpu.memory_space<vmem>>
    %dma_start3A_63 = arith.constant 0 : i32
    %dma_start3A_64 = arith.constant 0 : i32
    %dma_start3A_65 = tpu.memref_slice %arg2[%dma_start3A_63, %dma_start3A_64] : memref<10000x16xf32, #tpu.memory_space<hbm>> -> memref<10000x16xf32, #tpu.memory_space<hbm>>
    %dma_start3A_66 = tpu.memref_slice %arg8[%rem3A_55] : memref<4x!tpu.dma_semaphore, #tpu.memory_space<semaphore_mem>> -> memref<1x!tpu.dma_semaphore, #tpu.memory_space<semaphore_mem>>
    %dma_start3A_67 = tpu.memref_squeeze %dma_start3A_66 : memref<1x!tpu.dma_semaphore, #tpu.memory_space<semaphore_mem>> -> memref<!tpu.dma_semaphore, #tpu.memory_space<semaphore_mem>>
    tpu.enqueue_indirect_dma source(%dma_start3A_65 : memref<10000x16xf32, #tpu.memory_space<hbm>>) target(%dma_start3A_59 : memref<128x16xf32, #tpu.memory_space<vmem>>) offsets(%dma_start3A_62 : memref<128xi32, #tpu.memory_space<vmem>>) semaphore(%dma_start3A_67 : memref<!tpu.dma_semaphore, #tpu.memory_space<semaphore_mem>>)
    %while3A = arith.constant 0 : i32
    %while3A_68 = arith.constant 0 : i32
    %while3A_69 = arith.subi %add3A_4, %while3A_68 : i32
    %while3A_70 = arith.addi %while3A_68, %while3A_69 : i32
    %while3A_71 = arith.constant 1 : i32
    %while3A_72 = arith.divsi %while3A_69, %while3A_71 : i32
    %while3A_73 = arith.muli %while3A_72, %while3A_71 : i32
    %while3A_74 = arith.addi %while3A_68, %while3A_73 : i32
    %while3A_75 = arith.constant 1 : i32
    scf.for %while3A_101 = %while3A_68 to %while3A_74 step %while3A_75  : i32 {
      %ge3A_102 = arith.constant 2 : i32
      %ge3A_103 = arith.cmpi sge, %while3A_101, %ge3A_102 : i32
      %convert_element_type3A_104 = arith.extui %ge3A_103 : i1 to i32
      %cond3A_105 = arith.constant 0 : i32
      %cond3A_106 = arith.cmpi ne, %convert_element_type3A_104, %cond3A_105 : i32
      scf.if %cond3A_106 {
        %sub3A_154 = arith.constant 2 : i32
        %sub3A_155 = arith.subi %while3A_101, %sub3A_154 : i32
        %rem3A_156 = arith.constant 4 : i32
        %rem3A_157 = arith.remsi %sub3A_155, %rem3A_156 : i32
        %mul3A_158 = arith.constant 32 : i32
        %mul3A_159 = arith.muli %mul3A_158, %sub3A_155 : i32
        %add3A_160 = arith.addi %add3A, %mul3A_159 : i32
        %mul3A_161 = arith.constant 128 : i32
        %mul3A_162 = arith.muli %add3A_160, %mul3A_161 : i32
        %dma_wait3A_163 = arith.constant 0 : i32
        %dma_wait3A_164 = arith.constant 0 : i32
        %dma_wait3A_165 = tpu.memref_slice %arg6[%rem3A_157, %dma_wait3A_163, %dma_wait3A_164] : memref<4x128x16xf32, #tpu.memory_space<vmem>> -> memref<1x128x16xf32, #tpu.memory_space<vmem>>
        %dma_wait3A_166 = tpu.memref_squeeze %dma_wait3A_165 : memref<1x128x16xf32, #tpu.memory_space<vmem>> -> memref<128x16xf32, #tpu.memory_space<vmem>>
        %dma_wait3A_167 = arith.constant 0 : i32
        %dma_wait3A_168 = tpu.memref_slice %arg4[%mul3A_162, %dma_wait3A_167] : memref<160000x16xf32, #tpu.memory_space<hbm>> -> memref<128x16xf32, #tpu.memory_space<hbm>>
        %dma_wait3A_169 = tpu.memref_slice %arg9[%rem3A_157] : memref<4x!tpu.dma_semaphore, #tpu.memory_space<semaphore_mem>> -> memref<1x!tpu.dma_semaphore, #tpu.memory_space<semaphore_mem>>
        %dma_wait3A_170 = tpu.memref_squeeze %dma_wait3A_169 : memref<1x!tpu.dma_semaphore, #tpu.memory_space<semaphore_mem>> -> memref<!tpu.dma_semaphore, #tpu.memory_space<semaphore_mem>>
        %dma_wait3A_171 = arith.constant 0 : i32
        %dma_wait3A_172 = tpu.memref_slice %arg4[%mul3A_162, %dma_wait3A_171] : memref<160000x16xf32, #tpu.memory_space<hbm>> -> memref<128x16xf32, #tpu.memory_space<hbm>>
        %dma_wait3A_173 = arith.constant 0 : i32
        %dma_wait3A_174 = arith.constant 0 : i32
        %dma_wait3A_175 = tpu.memref_slice %arg6[%rem3A_157, %dma_wait3A_173, %dma_wait3A_174] : memref<4x128x16xf32, #tpu.memory_space<vmem>> -> memref<1x128x16xf32, #tpu.memory_space<vmem>>
        %dma_wait3A_176 = tpu.memref_squeeze %dma_wait3A_175 : memref<1x128x16xf32, #tpu.memory_space<vmem>> -> memref<128x16xf32, #tpu.memory_space<vmem>>
        tpu.wait_dma2 semaphore(%dma_wait3A_170 : memref<!tpu.dma_semaphore, #tpu.memory_space<semaphore_mem>>) src(%dma_wait3A_176 : memref<128x16xf32, #tpu.memory_space<vmem>>) dst(%dma_wait3A_172 : memref<128x16xf32, #tpu.memory_space<hbm>>)
      } else {
      }
      %add3A_107 = arith.constant 2 : i32
      %add3A_108 = arith.addi %while3A_101, %add3A_107 : i32
      %lt3A_109 = arith.cmpi slt, %add3A_108, %add3A_4 : i32
      %convert_element_type3A_110 = arith.extui %lt3A_109 : i1 to i32
      %cond3A_111 = arith.constant 0 : i32
      %cond3A_112 = arith.cmpi ne, %convert_element_type3A_110, %cond3A_111 : i32
      scf.if %cond3A_112 {
        %add3A_154 = arith.constant 2 : i32
        %add3A_155 = arith.addi %while3A_101, %add3A_154 : i32
        %rem3A_156 = arith.constant 4 : i32
        %rem3A_157 = arith.remsi %add3A_155, %rem3A_156 : i32
        %mul3A_158 = arith.constant 32 : i32
        %mul3A_159 = arith.muli %mul3A_158, %add3A_155 : i32
        %add3A_160 = arith.addi %add3A, %mul3A_159 : i32
        %mul3A_161 = arith.constant 128 : i32
        %mul3A_162 = arith.muli %add3A_160, %mul3A_161 : i32
        %dma_start3A_163 = arith.constant 0 : i32
        %dma_start3A_164 = tpu.memref_slice %arg5[%rem3A_157, %dma_start3A_163] : memref<4x128xi32, #tpu.memory_space<vmem>> -> memref<1x128xi32, #tpu.memory_space<vmem>>
        %dma_start3A_165 = tpu.memref_squeeze %dma_start3A_164 : memref<1x128xi32, #tpu.memory_space<vmem>> -> memref<128xi32, #tpu.memory_space<vmem>>
        %dma_start3A_166 = tpu.memref_slice %arg3[%mul3A_162] : memref<160000xi32, #tpu.memory_space<hbm>> -> memref<128xi32, #tpu.memory_space<hbm>>
        %dma_start3A_167 = tpu.memref_slice %arg7[%rem3A_157] : memref<4x!tpu.dma_semaphore, #tpu.memory_space<semaphore_mem>> -> memref<1x!tpu.dma_semaphore, #tpu.memory_space<semaphore_mem>>
        %dma_start3A_168 = tpu.memref_squeeze %dma_start3A_167 : memref<1x!tpu.dma_semaphore, #tpu.memory_space<semaphore_mem>> -> memref<!tpu.dma_semaphore, #tpu.memory_space<semaphore_mem>>
        %dma_start3A_169 = arith.constant 0 : i32
        %dma_start3A_170 = tpu.memref_slice %arg5[%rem3A_157, %dma_start3A_169] : memref<4x128xi32, #tpu.memory_space<vmem>> -> memref<1x128xi32, #tpu.memory_space<vmem>>
        %dma_start3A_171 = tpu.memref_squeeze %dma_start3A_170 : memref<1x128xi32, #tpu.memory_space<vmem>> -> memref<128xi32, #tpu.memory_space<vmem>>
        %dma_start3A_172 = tpu.memref_slice %arg3[%mul3A_162] : memref<160000xi32, #tpu.memory_space<hbm>> -> memref<128xi32, #tpu.memory_space<hbm>>
        tpu.enqueue_dma source(%dma_start3A_172 : memref<128xi32, #tpu.memory_space<hbm>>) target(%dma_start3A_171 : memref<128xi32, #tpu.memory_space<vmem>>) target_semaphore(%dma_start3A_168 : memref<!tpu.dma_semaphore, #tpu.memory_space<semaphore_mem>>)
      } else {
      }
      %add3A_113 = arith.constant 1 : i32
      %add3A_114 = arith.addi %while3A_101, %add3A_113 : i32
      %lt3A_115 = arith.cmpi slt, %add3A_114, %add3A_4 : i32
      %convert_element_type3A_116 = arith.extui %lt3A_115 : i1 to i32
      %cond3A_117 = arith.constant 0 : i32
      %cond3A_118 = arith.cmpi ne, %convert_element_type3A_116, %cond3A_117 : i32
      scf.if %cond3A_118 {
        %add3A_154 = arith.constant 1 : i32
        %add3A_155 = arith.addi %while3A_101, %add3A_154 : i32
        %rem3A_156 = arith.constant 4 : i32
        %rem3A_157 = arith.remsi %add3A_155, %rem3A_156 : i32
        %mul3A_158 = arith.constant 32 : i32
        %mul3A_159 = arith.muli %mul3A_158, %add3A_155 : i32
        %add3A_160 = arith.addi %add3A, %mul3A_159 : i32
        %mul3A_161 = arith.constant 128 : i32
        %mul3A_162 = arith.muli %add3A_160, %mul3A_161 : i32
        %dma_wait3A_163 = arith.constant 0 : i32
        %dma_wait3A_164 = tpu.memref_slice %arg5[%rem3A_157, %dma_wait3A_163] : memref<4x128xi32, #tpu.memory_space<vmem>> -> memref<1x128xi32, #tpu.memory_space<vmem>>
        %dma_wait3A_165 = tpu.memref_squeeze %dma_wait3A_164 : memref<1x128xi32, #tpu.memory_space<vmem>> -> memref<128xi32, #tpu.memory_space<vmem>>
        %dma_wait3A_166 = tpu.memref_slice %arg3[%mul3A_162] : memref<160000xi32, #tpu.memory_space<hbm>> -> memref<128xi32, #tpu.memory_space<hbm>>
        %dma_wait3A_167 = tpu.memref_slice %arg7[%rem3A_157] : memref<4x!tpu.dma_semaphore, #tpu.memory_space<semaphore_mem>> -> memref<1x!tpu.dma_semaphore, #tpu.memory_space<semaphore_mem>>
        %dma_wait3A_168 = tpu.memref_squeeze %dma_wait3A_167 : memref<1x!tpu.dma_semaphore, #tpu.memory_space<semaphore_mem>> -> memref<!tpu.dma_semaphore, #tpu.memory_space<semaphore_mem>>
        %dma_wait3A_169 = arith.constant 0 : i32
        %dma_wait3A_170 = tpu.memref_slice %arg5[%rem3A_157, %dma_wait3A_169] : memref<4x128xi32, #tpu.memory_space<vmem>> -> memref<1x128xi32, #tpu.memory_space<vmem>>
        %dma_wait3A_171 = tpu.memref_squeeze %dma_wait3A_170 : memref<1x128xi32, #tpu.memory_space<vmem>> -> memref<128xi32, #tpu.memory_space<vmem>>
        %dma_wait3A_172 = tpu.memref_slice %arg3[%mul3A_162] : memref<160000xi32, #tpu.memory_space<hbm>> -> memref<128xi32, #tpu.memory_space<hbm>>
        tpu.wait_dma2 semaphore(%dma_wait3A_168 : memref<!tpu.dma_semaphore, #tpu.memory_space<semaphore_mem>>) src(%dma_wait3A_172 : memref<128xi32, #tpu.memory_space<hbm>>) dst(%dma_wait3A_171 : memref<128xi32, #tpu.memory_space<vmem>>)
        %add3A_173 = arith.constant 1 : i32
        %add3A_174 = arith.addi %while3A_101, %add3A_173 : i32
        %rem3A_175 = arith.constant 4 : i32
        %rem3A_176 = arith.remsi %add3A_174, %rem3A_175 : i32
        %dma_start3A_177 = arith.constant 0 : i32
        %dma_start3A_178 = arith.constant 0 : i32
        %dma_start3A_179 = tpu.memref_slice %arg6[%rem3A_176, %dma_start3A_177, %dma_start3A_178] : memref<4x128x16xf32, #tpu.memory_space<vmem>> -> memref<1x128x16xf32, #tpu.memory_space<vmem>>
        %dma_start3A_180 = tpu.memref_squeeze %dma_start3A_179 : memref<1x128x16xf32, #tpu.memory_space<vmem>> -> memref<128x16xf32, #tpu.memory_space<vmem>>
        %dma_start3A_181 = arith.constant 0 : i32
        %dma_start3A_182 = tpu.memref_slice %arg5[%rem3A_176, %dma_start3A_181] : memref<4x128xi32, #tpu.memory_space<vmem>> -> memref<1x128xi32, #tpu.memory_space<vmem>>
        %dma_start3A_183 = tpu.memref_squeeze %dma_start3A_182 : memref<1x128xi32, #tpu.memory_space<vmem>> -> memref<128xi32, #tpu.memory_space<vmem>>
        %dma_start3A_184 = arith.constant 0 : i32
        %dma_start3A_185 = arith.constant 0 : i32
        %dma_start3A_186 = tpu.memref_slice %arg2[%dma_start3A_184, %dma_start3A_185] : memref<10000x16xf32, #tpu.memory_space<hbm>> -> memref<10000x16xf32, #tpu.memory_space<hbm>>
        %dma_start3A_187 = tpu.memref_slice %arg8[%rem3A_176] : memref<4x!tpu.dma_semaphore, #tpu.memory_space<semaphore_mem>> -> memref<1x!tpu.dma_semaphore, #tpu.memory_space<semaphore_mem>>
        %dma_start3A_188 = tpu.memref_squeeze %dma_start3A_187 : memref<1x!tpu.dma_semaphore, #tpu.memory_space<semaphore_mem>> -> memref<!tpu.dma_semaphore, #tpu.memory_space<semaphore_mem>>
        tpu.enqueue_indirect_dma source(%dma_start3A_186 : memref<10000x16xf32, #tpu.memory_space<hbm>>) target(%dma_start3A_180 : memref<128x16xf32, #tpu.memory_space<vmem>>) offsets(%dma_start3A_183 : memref<128xi32, #tpu.memory_space<vmem>>) semaphore(%dma_start3A_188 : memref<!tpu.dma_semaphore, #tpu.memory_space<semaphore_mem>>)
      } else {
      }
      %rem3A_119 = arith.constant 4 : i32
      %rem3A_120 = arith.remsi %while3A_101, %rem3A_119 : i32
      %dma_wait3A_121 = arith.constant 0 : i32
      %dma_wait3A_122 = arith.constant 0 : i32
      %dma_wait3A_123 = tpu.memref_slice %arg6[%rem3A_120, %dma_wait3A_121, %dma_wait3A_122] : memref<4x128x16xf32, #tpu.memory_space<vmem>> -> memref<1x128x16xf32, #tpu.memory_space<vmem>>
      %dma_wait3A_124 = tpu.memref_squeeze %dma_wait3A_123 : memref<1x128x16xf32, #tpu.memory_space<vmem>> -> memref<128x16xf32, #tpu.memory_space<vmem>>
      %dma_wait3A_125 = arith.constant 0 : i32
      %dma_wait3A_126 = tpu.memref_slice %arg5[%rem3A_120, %dma_wait3A_125] : memref<4x128xi32, #tpu.memory_space<vmem>> -> memref<1x128xi32, #tpu.memory_space<vmem>>
      %dma_wait3A_127 = tpu.memref_squeeze %dma_wait3A_126 : memref<1x128xi32, #tpu.memory_space<vmem>> -> memref<128xi32, #tpu.memory_space<vmem>>
      %dma_wait3A_128 = arith.constant 0 : i32
      %dma_wait3A_129 = arith.constant 0 : i32
      %dma_wait3A_130 = tpu.memref_slice %arg2[%dma_wait3A_128, %dma_wait3A_129] : memref<10000x16xf32, #tpu.memory_space<hbm>> -> memref<10000x16xf32, #tpu.memory_space<hbm>>
      %dma_wait3A_131 = tpu.memref_slice %arg8[%rem3A_120] : memref<4x!tpu.dma_semaphore, #tpu.memory_space<semaphore_mem>> -> memref<1x!tpu.dma_semaphore, #tpu.memory_space<semaphore_mem>>
      %dma_wait3A_132 = tpu.memref_squeeze %dma_wait3A_131 : memref<1x!tpu.dma_semaphore, #tpu.memory_space<semaphore_mem>> -> memref<!tpu.dma_semaphore, #tpu.memory_space<semaphore_mem>>
      tpu.wait_indirect_dma semaphore(%dma_wait3A_132 : memref<!tpu.dma_semaphore, #tpu.memory_space<semaphore_mem>>) src(%dma_wait3A_130 : memref<10000x16xf32, #tpu.memory_space<hbm>>) dst(%dma_wait3A_124 : memref<128x16xf32, #tpu.memory_space<vmem>>)
      %rem3A_133 = arith.constant 4 : i32
      %rem3A_134 = arith.remsi %while3A_101, %rem3A_133 : i32
      %mul3A_135 = arith.constant 32 : i32
      %mul3A_136 = arith.muli %mul3A_135, %while3A_101 : i32
      %add3A_137 = arith.addi %add3A, %mul3A_136 : i32
      %mul3A_138 = arith.constant 128 : i32
      %mul3A_139 = arith.muli %add3A_137, %mul3A_138 : i32
      %dma_start3A_140 = arith.constant 0 : i32
      %dma_start3A_141 = arith.constant 0 : i32
      %dma_start3A_142 = tpu.memref_slice %arg6[%rem3A_134, %dma_start3A_140, %dma_start3A_141] : memref<4x128x16xf32, #tpu.memory_space<vmem>> -> memref<1x128x16xf32, #tpu.memory_space<vmem>>
      %dma_start3A_143 = tpu.memref_squeeze %dma_start3A_142 : memref<1x128x16xf32, #tpu.memory_space<vmem>> -> memref<128x16xf32, #tpu.memory_space<vmem>>
      %dma_start3A_144 = arith.constant 0 : i32
      %dma_start3A_145 = tpu.memref_slice %arg4[%mul3A_139, %dma_start3A_144] : memref<160000x16xf32, #tpu.memory_space<hbm>> -> memref<128x16xf32, #tpu.memory_space<hbm>>
      %dma_start3A_146 = tpu.memref_slice %arg9[%rem3A_134] : memref<4x!tpu.dma_semaphore, #tpu.memory_space<semaphore_mem>> -> memref<1x!tpu.dma_semaphore, #tpu.memory_space<semaphore_mem>>
      %dma_start3A_147 = tpu.memref_squeeze %dma_start3A_146 : memref<1x!tpu.dma_semaphore, #tpu.memory_space<semaphore_mem>> -> memref<!tpu.dma_semaphore, #tpu.memory_space<semaphore_mem>>
      %dma_start3A_148 = arith.constant 0 : i32
      %dma_start3A_149 = tpu.memref_slice %arg4[%mul3A_139, %dma_start3A_148] : memref<160000x16xf32, #tpu.memory_space<hbm>> -> memref<128x16xf32, #tpu.memory_space<hbm>>
      %dma_start3A_150 = arith.constant 0 : i32
      %dma_start3A_151 = arith.constant 0 : i32
      %dma_start3A_152 = tpu.memref_slice %arg6[%rem3A_134, %dma_start3A_150, %dma_start3A_151] : memref<4x128x16xf32, #tpu.memory_space<vmem>> -> memref<1x128x16xf32, #tpu.memory_space<vmem>>
      %dma_start3A_153 = tpu.memref_squeeze %dma_start3A_152 : memref<1x128x16xf32, #tpu.memory_space<vmem>> -> memref<128x16xf32, #tpu.memory_space<vmem>>
      tpu.enqueue_dma source(%dma_start3A_153 : memref<128x16xf32, #tpu.memory_space<vmem>>) target(%dma_start3A_149 : memref<128x16xf32, #tpu.memory_space<hbm>>) target_semaphore(%dma_start3A_147 : memref<!tpu.dma_semaphore, #tpu.memory_space<semaphore_mem>>)
    }
    %while3A_76 = arith.constant 1 : i32
    scf.for %while3A_101 = %while3A_74 to %while3A_70 step %while3A_76  : i32 {
      %ge3A_102 = arith.constant 2 : i32
      %ge3A_103 = arith.cmpi sge, %while3A_101, %ge3A_102 : i32
      %convert_element_type3A_104 = arith.extui %ge3A_103 : i1 to i32
      %cond3A_105 = arith.constant 0 : i32
      %cond3A_106 = arith.cmpi ne, %convert_element_type3A_104, %cond3A_105 : i32
      scf.if %cond3A_106 {
        %sub3A_154 = arith.constant 2 : i32
        %sub3A_155 = arith.subi %while3A_101, %sub3A_154 : i32
        %rem3A_156 = arith.constant 4 : i32
        %rem3A_157 = arith.remsi %sub3A_155, %rem3A_156 : i32
        %mul3A_158 = arith.constant 32 : i32
        %mul3A_159 = arith.muli %mul3A_158, %sub3A_155 : i32
        %add3A_160 = arith.addi %add3A, %mul3A_159 : i32
        %mul3A_161 = arith.constant 128 : i32
        %mul3A_162 = arith.muli %add3A_160, %mul3A_161 : i32
        %dma_wait3A_163 = arith.constant 0 : i32
        %dma_wait3A_164 = arith.constant 0 : i32
        %dma_wait3A_165 = tpu.memref_slice %arg6[%rem3A_157, %dma_wait3A_163, %dma_wait3A_164] : memref<4x128x16xf32, #tpu.memory_space<vmem>> -> memref<1x128x16xf32, #tpu.memory_space<vmem>>
        %dma_wait3A_166 = tpu.memref_squeeze %dma_wait3A_165 : memref<1x128x16xf32, #tpu.memory_space<vmem>> -> memref<128x16xf32, #tpu.memory_space<vmem>>
        %dma_wait3A_167 = arith.constant 0 : i32
        %dma_wait3A_168 = tpu.memref_slice %arg4[%mul3A_162, %dma_wait3A_167] : memref<160000x16xf32, #tpu.memory_space<hbm>> -> memref<128x16xf32, #tpu.memory_space<hbm>>
        %dma_wait3A_169 = tpu.memref_slice %arg9[%rem3A_157] : memref<4x!tpu.dma_semaphore, #tpu.memory_space<semaphore_mem>> -> memref<1x!tpu.dma_semaphore, #tpu.memory_space<semaphore_mem>>
        %dma_wait3A_170 = tpu.memref_squeeze %dma_wait3A_169 : memref<1x!tpu.dma_semaphore, #tpu.memory_space<semaphore_mem>> -> memref<!tpu.dma_semaphore, #tpu.memory_space<semaphore_mem>>
        %dma_wait3A_171 = arith.constant 0 : i32
        %dma_wait3A_172 = tpu.memref_slice %arg4[%mul3A_162, %dma_wait3A_171] : memref<160000x16xf32, #tpu.memory_space<hbm>> -> memref<128x16xf32, #tpu.memory_space<hbm>>
        %dma_wait3A_173 = arith.constant 0 : i32
        %dma_wait3A_174 = arith.constant 0 : i32
        %dma_wait3A_175 = tpu.memref_slice %arg6[%rem3A_157, %dma_wait3A_173, %dma_wait3A_174] : memref<4x128x16xf32, #tpu.memory_space<vmem>> -> memref<1x128x16xf32, #tpu.memory_space<vmem>>
        %dma_wait3A_176 = tpu.memref_squeeze %dma_wait3A_175 : memref<1x128x16xf32, #tpu.memory_space<vmem>> -> memref<128x16xf32, #tpu.memory_space<vmem>>
        tpu.wait_dma2 semaphore(%dma_wait3A_170 : memref<!tpu.dma_semaphore, #tpu.memory_space<semaphore_mem>>) src(%dma_wait3A_176 : memref<128x16xf32, #tpu.memory_space<vmem>>) dst(%dma_wait3A_172 : memref<128x16xf32, #tpu.memory_space<hbm>>)
      } else {
      }
      %add3A_107 = arith.constant 2 : i32
      %add3A_108 = arith.addi %while3A_101, %add3A_107 : i32
      %lt3A_109 = arith.cmpi slt, %add3A_108, %add3A_4 : i32
      %convert_element_type3A_110 = arith.extui %lt3A_109 : i1 to i32
      %cond3A_111 = arith.constant 0 : i32
      %cond3A_112 = arith.cmpi ne, %convert_element_type3A_110, %cond3A_111 : i32
      scf.if %cond3A_112 {
        %add3A_154 = arith.constant 2 : i32
        %add3A_155 = arith.addi %while3A_101, %add3A_154 : i32
        %rem3A_156 = arith.constant 4 : i32
        %rem3A_157 = arith.remsi %add3A_155, %rem3A_156 : i32
        %mul3A_158 = arith.constant 32 : i32
        %mul3A_159 = arith.muli %mul3A_158, %add3A_155 : i32
        %add3A_160 = arith.addi %add3A, %mul3A_159 : i32
        %mul3A_161 = arith.constant 128 : i32
        %mul3A_162 = arith.muli %add3A_160, %mul3A_161 : i32
        %dma_start3A_163 = arith.constant 0 : i32
        %dma_start3A_164 = tpu.memref_slice %arg5[%rem3A_157, %dma_start3A_163] : memref<4x128xi32, #tpu.memory_space<vmem>> -> memref<1x128xi32, #tpu.memory_space<vmem>>
        %dma_start3A_165 = tpu.memref_squeeze %dma_start3A_164 : memref<1x128xi32, #tpu.memory_space<vmem>> -> memref<128xi32, #tpu.memory_space<vmem>>
        %dma_start3A_166 = tpu.memref_slice %arg3[%mul3A_162] : memref<160000xi32, #tpu.memory_space<hbm>> -> memref<128xi32, #tpu.memory_space<hbm>>
        %dma_start3A_167 = tpu.memref_slice %arg7[%rem3A_157] : memref<4x!tpu.dma_semaphore, #tpu.memory_space<semaphore_mem>> -> memref<1x!tpu.dma_semaphore, #tpu.memory_space<semaphore_mem>>
        %dma_start3A_168 = tpu.memref_squeeze %dma_start3A_167 : memref<1x!tpu.dma_semaphore, #tpu.memory_space<semaphore_mem>> -> memref<!tpu.dma_semaphore, #tpu.memory_space<semaphore_mem>>
        %dma_start3A_169 = arith.constant 0 : i32
        %dma_start3A_170 = tpu.memref_slice %arg5[%rem3A_157, %dma_start3A_169] : memref<4x128xi32, #tpu.memory_space<vmem>> -> memref<1x128xi32, #tpu.memory_space<vmem>>
        %dma_start3A_171 = tpu.memref_squeeze %dma_start3A_170 : memref<1x128xi32, #tpu.memory_space<vmem>> -> memref<128xi32, #tpu.memory_space<vmem>>
        %dma_start3A_172 = tpu.memref_slice %arg3[%mul3A_162] : memref<160000xi32, #tpu.memory_space<hbm>> -> memref<128xi32, #tpu.memory_space<hbm>>
        tpu.enqueue_dma source(%dma_start3A_172 : memref<128xi32, #tpu.memory_space<hbm>>) target(%dma_start3A_171 : memref<128xi32, #tpu.memory_space<vmem>>) target_semaphore(%dma_start3A_168 : memref<!tpu.dma_semaphore, #tpu.memory_space<semaphore_mem>>)
      } else {
      }
      %add3A_113 = arith.constant 1 : i32
      %add3A_114 = arith.addi %while3A_101, %add3A_113 : i32
      %lt3A_115 = arith.cmpi slt, %add3A_114, %add3A_4 : i32
      %convert_element_type3A_116 = arith.extui %lt3A_115 : i1 to i32
      %cond3A_117 = arith.constant 0 : i32
      %cond3A_118 = arith.cmpi ne, %convert_element_type3A_116, %cond3A_117 : i32
      scf.if %cond3A_118 {
        %add3A_154 = arith.constant 1 : i32
        %add3A_155 = arith.addi %while3A_101, %add3A_154 : i32
        %rem3A_156 = arith.constant 4 : i32
        %rem3A_157 = arith.remsi %add3A_155, %rem3A_156 : i32
        %mul3A_158 = arith.constant 32 : i32
        %mul3A_159 = arith.muli %mul3A_158, %add3A_155 : i32
        %add3A_160 = arith.addi %add3A, %mul3A_159 : i32
        %mul3A_161 = arith.constant 128 : i32
        %mul3A_162 = arith.muli %add3A_160, %mul3A_161 : i32
        %dma_wait3A_163 = arith.constant 0 : i32
        %dma_wait3A_164 = tpu.memref_slice %arg5[%rem3A_157, %dma_wait3A_163] : memref<4x128xi32, #tpu.memory_space<vmem>> -> memref<1x128xi32, #tpu.memory_space<vmem>>
        %dma_wait3A_165 = tpu.memref_squeeze %dma_wait3A_164 : memref<1x128xi32, #tpu.memory_space<vmem>> -> memref<128xi32, #tpu.memory_space<vmem>>
        %dma_wait3A_166 = tpu.memref_slice %arg3[%mul3A_162] : memref<160000xi32, #tpu.memory_space<hbm>> -> memref<128xi32, #tpu.memory_space<hbm>>
        %dma_wait3A_167 = tpu.memref_slice %arg7[%rem3A_157] : memref<4x!tpu.dma_semaphore, #tpu.memory_space<semaphore_mem>> -> memref<1x!tpu.dma_semaphore, #tpu.memory_space<semaphore_mem>>
        %dma_wait3A_168 = tpu.memref_squeeze %dma_wait3A_167 : memref<1x!tpu.dma_semaphore, #tpu.memory_space<semaphore_mem>> -> memref<!tpu.dma_semaphore, #tpu.memory_space<semaphore_mem>>
        %dma_wait3A_169 = arith.constant 0 : i32
        %dma_wait3A_170 = tpu.memref_slice %arg5[%rem3A_157, %dma_wait3A_169] : memref<4x128xi32, #tpu.memory_space<vmem>> -> memref<1x128xi32, #tpu.memory_space<vmem>>
        %dma_wait3A_171 = tpu.memref_squeeze %dma_wait3A_170 : memref<1x128xi32, #tpu.memory_space<vmem>> -> memref<128xi32, #tpu.memory_space<vmem>>
        %dma_wait3A_172 = tpu.memref_slice %arg3[%mul3A_162] : memref<160000xi32, #tpu.memory_space<hbm>> -> memref<128xi32, #tpu.memory_space<hbm>>
        tpu.wait_dma2 semaphore(%dma_wait3A_168 : memref<!tpu.dma_semaphore, #tpu.memory_space<semaphore_mem>>) src(%dma_wait3A_172 : memref<128xi32, #tpu.memory_space<hbm>>) dst(%dma_wait3A_171 : memref<128xi32, #tpu.memory_space<vmem>>)
        %add3A_173 = arith.constant 1 : i32
        %add3A_174 = arith.addi %while3A_101, %add3A_173 : i32
        %rem3A_175 = arith.constant 4 : i32
        %rem3A_176 = arith.remsi %add3A_174, %rem3A_175 : i32
        %dma_start3A_177 = arith.constant 0 : i32
        %dma_start3A_178 = arith.constant 0 : i32
        %dma_start3A_179 = tpu.memref_slice %arg6[%rem3A_176, %dma_start3A_177, %dma_start3A_178] : memref<4x128x16xf32, #tpu.memory_space<vmem>> -> memref<1x128x16xf32, #tpu.memory_space<vmem>>
        %dma_start3A_180 = tpu.memref_squeeze %dma_start3A_179 : memref<1x128x16xf32, #tpu.memory_space<vmem>> -> memref<128x16xf32, #tpu.memory_space<vmem>>
        %dma_start3A_181 = arith.constant 0 : i32
        %dma_start3A_182 = tpu.memref_slice %arg5[%rem3A_176, %dma_start3A_181] : memref<4x128xi32, #tpu.memory_space<vmem>> -> memref<1x128xi32, #tpu.memory_space<vmem>>
        %dma_start3A_183 = tpu.memref_squeeze %dma_start3A_182 : memref<1x128xi32, #tpu.memory_space<vmem>> -> memref<128xi32, #tpu.memory_space<vmem>>
        %dma_start3A_184 = arith.constant 0 : i32
        %dma_start3A_185 = arith.constant 0 : i32
        %dma_start3A_186 = tpu.memref_slice %arg2[%dma_start3A_184, %dma_start3A_185] : memref<10000x16xf32, #tpu.memory_space<hbm>> -> memref<10000x16xf32, #tpu.memory_space<hbm>>
        %dma_start3A_187 = tpu.memref_slice %arg8[%rem3A_176] : memref<4x!tpu.dma_semaphore, #tpu.memory_space<semaphore_mem>> -> memref<1x!tpu.dma_semaphore, #tpu.memory_space<semaphore_mem>>
        %dma_start3A_188 = tpu.memref_squeeze %dma_start3A_187 : memref<1x!tpu.dma_semaphore, #tpu.memory_space<semaphore_mem>> -> memref<!tpu.dma_semaphore, #tpu.memory_space<semaphore_mem>>
        tpu.enqueue_indirect_dma source(%dma_start3A_186 : memref<10000x16xf32, #tpu.memory_space<hbm>>) target(%dma_start3A_180 : memref<128x16xf32, #tpu.memory_space<vmem>>) offsets(%dma_start3A_183 : memref<128xi32, #tpu.memory_space<vmem>>) semaphore(%dma_start3A_188 : memref<!tpu.dma_semaphore, #tpu.memory_space<semaphore_mem>>)
      } else {
      }
      %rem3A_119 = arith.constant 4 : i32
      %rem3A_120 = arith.remsi %while3A_101, %rem3A_119 : i32
      %dma_wait3A_121 = arith.constant 0 : i32
      %dma_wait3A_122 = arith.constant 0 : i32
      %dma_wait3A_123 = tpu.memref_slice %arg6[%rem3A_120, %dma_wait3A_121, %dma_wait3A_122] : memref<4x128x16xf32, #tpu.memory_space<vmem>> -> memref<1x128x16xf32, #tpu.memory_space<vmem>>
      %dma_wait3A_124 = tpu.memref_squeeze %dma_wait3A_123 : memref<1x128x16xf32, #tpu.memory_space<vmem>> -> memref<128x16xf32, #tpu.memory_space<vmem>>
      %dma_wait3A_125 = arith.constant 0 : i32
      %dma_wait3A_126 = tpu.memref_slice %arg5[%rem3A_120, %dma_wait3A_125] : memref<4x128xi32, #tpu.memory_space<vmem>> -> memref<1x128xi32, #tpu.memory_space<vmem>>
      %dma_wait3A_127 = tpu.memref_squeeze %dma_wait3A_126 : memref<1x128xi32, #tpu.memory_space<vmem>> -> memref<128xi32, #tpu.memory_space<vmem>>
      %dma_wait3A_128 = arith.constant 0 : i32
      %dma_wait3A_129 = arith.constant 0 : i32
      %dma_wait3A_130 = tpu.memref_slice %arg2[%dma_wait3A_128, %dma_wait3A_129] : memref<10000x16xf32, #tpu.memory_space<hbm>> -> memref<10000x16xf32, #tpu.memory_space<hbm>>
      %dma_wait3A_131 = tpu.memref_slice %arg8[%rem3A_120] : memref<4x!tpu.dma_semaphore, #tpu.memory_space<semaphore_mem>> -> memref<1x!tpu.dma_semaphore, #tpu.memory_space<semaphore_mem>>
      %dma_wait3A_132 = tpu.memref_squeeze %dma_wait3A_131 : memref<1x!tpu.dma_semaphore, #tpu.memory_space<semaphore_mem>> -> memref<!tpu.dma_semaphore, #tpu.memory_space<semaphore_mem>>
      tpu.wait_indirect_dma semaphore(%dma_wait3A_132 : memref<!tpu.dma_semaphore, #tpu.memory_space<semaphore_mem>>) src(%dma_wait3A_130 : memref<10000x16xf32, #tpu.memory_space<hbm>>) dst(%dma_wait3A_124 : memref<128x16xf32, #tpu.memory_space<vmem>>)
      %rem3A_133 = arith.constant 4 : i32
      %rem3A_134 = arith.remsi %while3A_101, %rem3A_133 : i32
      %mul3A_135 = arith.constant 32 : i32
      %mul3A_136 = arith.muli %mul3A_135, %while3A_101 : i32
      %add3A_137 = arith.addi %add3A, %mul3A_136 : i32
      %mul3A_138 = arith.constant 128 : i32
      %mul3A_139 = arith.muli %add3A_137, %mul3A_138 : i32
      %dma_start3A_140 = arith.constant 0 : i32
      %dma_start3A_141 = arith.constant 0 : i32
      %dma_start3A_142 = tpu.memref_slice %arg6[%rem3A_134, %dma_start3A_140, %dma_start3A_141] : memref<4x128x16xf32, #tpu.memory_space<vmem>> -> memref<1x128x16xf32, #tpu.memory_space<vmem>>
      %dma_start3A_143 = tpu.memref_squeeze %dma_start3A_142 : memref<1x128x16xf32, #tpu.memory_space<vmem>> -> memref<128x16xf32, #tpu.memory_space<vmem>>
      %dma_start3A_144 = arith.constant 0 : i32
      %dma_start3A_145 = tpu.memref_slice %arg4[%mul3A_139, %dma_start3A_144] : memref<160000x16xf32, #tpu.memory_space<hbm>> -> memref<128x16xf32, #tpu.memory_space<hbm>>
      %dma_start3A_146 = tpu.memref_slice %arg9[%rem3A_134] : memref<4x!tpu.dma_semaphore, #tpu.memory_space<semaphore_mem>> -> memref<1x!tpu.dma_semaphore, #tpu.memory_space<semaphore_mem>>
      %dma_start3A_147 = tpu.memref_squeeze %dma_start3A_146 : memref<1x!tpu.dma_semaphore, #tpu.memory_space<semaphore_mem>> -> memref<!tpu.dma_semaphore, #tpu.memory_space<semaphore_mem>>
      %dma_start3A_148 = arith.constant 0 : i32
      %dma_start3A_149 = tpu.memref_slice %arg4[%mul3A_139, %dma_start3A_148] : memref<160000x16xf32, #tpu.memory_space<hbm>> -> memref<128x16xf32, #tpu.memory_space<hbm>>
      %dma_start3A_150 = arith.constant 0 : i32
      %dma_start3A_151 = arith.constant 0 : i32
      %dma_start3A_152 = tpu.memref_slice %arg6[%rem3A_134, %dma_start3A_150, %dma_start3A_151] : memref<4x128x16xf32, #tpu.memory_space<vmem>> -> memref<1x128x16xf32, #tpu.memory_space<vmem>>
      %dma_start3A_153 = tpu.memref_squeeze %dma_start3A_152 : memref<1x128x16xf32, #tpu.memory_space<vmem>> -> memref<128x16xf32, #tpu.memory_space<vmem>>
      tpu.enqueue_dma source(%dma_start3A_153 : memref<128x16xf32, #tpu.memory_space<vmem>>) target(%dma_start3A_149 : memref<128x16xf32, #tpu.memory_space<hbm>>) target_semaphore(%dma_start3A_147 : memref<!tpu.dma_semaphore, #tpu.memory_space<semaphore_mem>>)
    }
    %ge3A = arith.constant 2 : i32
    %ge3A_77 = arith.cmpi sge, %add3A_4, %ge3A : i32
    %convert_element_type3A = arith.extui %ge3A_77 : i1 to i32
    %cond3A = arith.constant 0 : i32
    %cond3A_78 = arith.cmpi ne, %convert_element_type3A, %cond3A : i32
    scf.if %cond3A_78 {
      %sub3A_101 = arith.constant 2 : i32
      %sub3A_102 = arith.subi %add3A_4, %sub3A_101 : i32
      %rem3A_103 = arith.constant 4 : i32
      %rem3A_104 = arith.remsi %sub3A_102, %rem3A_103 : i32
      %mul3A_105 = arith.constant 32 : i32
      %mul3A_106 = arith.muli %mul3A_105, %sub3A_102 : i32
      %add3A_107 = arith.addi %add3A, %mul3A_106 : i32
      %mul3A_108 = arith.constant 128 : i32
      %mul3A_109 = arith.muli %add3A_107, %mul3A_108 : i32
      %dma_wait3A_110 = arith.constant 0 : i32
      %dma_wait3A_111 = arith.constant 0 : i32
      %dma_wait3A_112 = tpu.memref_slice %arg6[%rem3A_104, %dma_wait3A_110, %dma_wait3A_111] : memref<4x128x16xf32, #tpu.memory_space<vmem>> -> memref<1x128x16xf32, #tpu.memory_space<vmem>>
      %dma_wait3A_113 = tpu.memref_squeeze %dma_wait3A_112 : memref<1x128x16xf32, #tpu.memory_space<vmem>> -> memref<128x16xf32, #tpu.memory_space<vmem>>
      %dma_wait3A_114 = arith.constant 0 : i32
      %dma_wait3A_115 = tpu.memref_slice %arg4[%mul3A_109, %dma_wait3A_114] : memref<160000x16xf32, #tpu.memory_space<hbm>> -> memref<128x16xf32, #tpu.memory_space<hbm>>
      %dma_wait3A_116 = tpu.memref_slice %arg9[%rem3A_104] : memref<4x!tpu.dma_semaphore, #tpu.memory_space<semaphore_mem>> -> memref<1x!tpu.dma_semaphore, #tpu.memory_space<semaphore_mem>>
      %dma_wait3A_117 = tpu.memref_squeeze %dma_wait3A_116 : memref<1x!tpu.dma_semaphore, #tpu.memory_space<semaphore_mem>> -> memref<!tpu.dma_semaphore, #tpu.memory_space<semaphore_mem>>
      %dma_wait3A_118 = arith.constant 0 : i32
      %dma_wait3A_119 = tpu.memref_slice %arg4[%mul3A_109, %dma_wait3A_118] : memref<160000x16xf32, #tpu.memory_space<hbm>> -> memref<128x16xf32, #tpu.memory_space<hbm>>
      %dma_wait3A_120 = arith.constant 0 : i32
      %dma_wait3A_121 = arith.constant 0 : i32
      %dma_wait3A_122 = tpu.memref_slice %arg6[%rem3A_104, %dma_wait3A_120, %dma_wait3A_121] : memref<4x128x16xf32, #tpu.memory_space<vmem>> -> memref<1x128x16xf32, #tpu.memory_space<vmem>>
      %dma_wait3A_123 = tpu.memref_squeeze %dma_wait3A_122 : memref<1x128x16xf32, #tpu.memory_space<vmem>> -> memref<128x16xf32, #tpu.memory_space<vmem>>
      tpu.wait_dma2 semaphore(%dma_wait3A_117 : memref<!tpu.dma_semaphore, #tpu.memory_space<semaphore_mem>>) src(%dma_wait3A_123 : memref<128x16xf32, #tpu.memory_space<vmem>>) dst(%dma_wait3A_119 : memref<128x16xf32, #tpu.memory_space<hbm>>)
    } else {
    }
    %sub3A = arith.constant 1 : i32
    %sub3A_79 = arith.subi %add3A_4, %sub3A : i32
    %rem3A_80 = arith.constant 4 : i32
    %rem3A_81 = arith.remsi %sub3A_79, %rem3A_80 : i32
    %mul3A_82 = arith.constant 32 : i32
    %mul3A_83 = arith.muli %mul3A_82, %sub3A_79 : i32
    %add3A_84 = arith.addi %add3A, %mul3A_83 : i32
    %mul3A_85 = arith.constant 128 : i32
    %mul3A_86 = arith.muli %add3A_84, %mul3A_85 : i32
    %dma_wait3A_87 = arith.constant 0 : i32
    %dma_wait3A_88 = arith.constant 0 : i32
    %dma_wait3A_89 = tpu.memref_slice %arg6[%rem3A_81, %dma_wait3A_87, %dma_wait3A_88] : memref<4x128x16xf32, #tpu.memory_space<vmem>> -> memref<1x128x16xf32, #tpu.memory_space<vmem>>
    %dma_wait3A_90 = tpu.memref_squeeze %dma_wait3A_89 : memref<1x128x16xf32, #tpu.memory_space<vmem>> -> memref<128x16xf32, #tpu.memory_space<vmem>>
    %dma_wait3A_91 = arith.constant 0 : i32
    %dma_wait3A_92 = tpu.memref_slice %arg4[%mul3A_86, %dma_wait3A_91] : memref<160000x16xf32, #tpu.memory_space<hbm>> -> memref<128x16xf32, #tpu.memory_space<hbm>>
    %dma_wait3A_93 = tpu.memref_slice %arg9[%rem3A_81] : memref<4x!tpu.dma_semaphore, #tpu.memory_space<semaphore_mem>> -> memref<1x!tpu.dma_semaphore, #tpu.memory_space<semaphore_mem>>
    %dma_wait3A_94 = tpu.memref_squeeze %dma_wait3A_93 : memref<1x!tpu.dma_semaphore, #tpu.memory_space<semaphore_mem>> -> memref<!tpu.dma_semaphore, #tpu.memory_space<semaphore_mem>>
    %dma_wait3A_95 = arith.constant 0 : i32
    %dma_wait3A_96 = tpu.memref_slice %arg4[%mul3A_86, %dma_wait3A_95] : memref<160000x16xf32, #tpu.memory_space<hbm>> -> memref<128x16xf32, #tpu.memory_space<hbm>>
    %dma_wait3A_97 = arith.constant 0 : i32
    %dma_wait3A_98 = arith.constant 0 : i32
    %dma_wait3A_99 = tpu.memref_slice %arg6[%rem3A_81, %dma_wait3A_97, %dma_wait3A_98] : memref<4x128x16xf32, #tpu.memory_space<vmem>> -> memref<1x128x16xf32, #tpu.memory_space<vmem>>
    %dma_wait3A_100 = tpu.memref_squeeze %dma_wait3A_99 : memref<1x128x16xf32, #tpu.memory_space<vmem>> -> memref<128x16xf32, #tpu.memory_space<vmem>>
    tpu.wait_dma2 semaphore(%dma_wait3A_94 : memref<!tpu.dma_semaphore, #tpu.memory_space<semaphore_mem>>) src(%dma_wait3A_100 : memref<128x16xf32, #tpu.memory_space<vmem>>) dst(%dma_wait3A_96 : memref<128x16xf32, #tpu.memory_space<hbm>>)
    return
  }
}

#map = affine_map<(d0, d1) -> (0, 0)>
#map1 = affine_map<(d0, d1) -> (0)>
#map2 = affine_map<(d0, d1) -> (0, 0, 0)>
module attributes {stable_mosaic.version = 14 : i64} {
  func.func @_scatter_body(%arg0: i32, %arg1: i32, %arg2: memref<160000x16xf32, #tpu.memory_space<hbm>>, %arg3: memref<160000xi32, #tpu.memory_space<hbm>>, %arg4: memref<2x10000x16xf32, #tpu.memory_space<hbm>>, %arg5: memref<2x10000x16xf32, #tpu.memory_space<hbm>>, %arg6: memref<10240x16xf32, #tpu.memory_space<vmem_shared>>, %arg7: memref<10240x16xf32, #tpu.memory_space<vmem_shared>>, %arg8: memref<4x128xi32, #tpu.memory_space<vmem>>, %arg9: memref<4x128x16xf32, #tpu.memory_space<vmem>>, %arg10: memref<128x16xf32, #tpu.memory_space<vmem>>, %arg11: memref<4x!tpu.dma_semaphore, #tpu.memory_space<semaphore_mem>>, %arg12: memref<4x!tpu.dma_semaphore, #tpu.memory_space<semaphore_mem>>, %arg13: memref<4x!tpu.dma_semaphore, #tpu.memory_space<semaphore_mem>>, %arg14: memref<4x!tpu.dma_semaphore, #tpu.memory_space<semaphore_mem>>) attributes {dimension_semantics = [#tpu.dimension_semantics<core_parallel>, #tpu.dimension_semantics<subcore_parallel>], iteration_bounds = array<i64: 2, 16>, scalar_prefetch = 0 : i64, scratch_operands = 9 : i64, tpu.core_type = #tpu.core_type<sc_vector_subcore>, window_params = [{transform_indices = #map}, {transform_indices = #map1}, {transform_indices = #map2}, {transform_indices = #map2}]} {
    %scan3A = arith.constant 0 : i32
    %scan3A_0 = arith.constant 0 : i32
    %scan3A_1 = arith.constant 128 : i32
    %scan3A_2 = arith.addi %scan3A_0, %scan3A_1 : i32
    %scan3A_3 = arith.constant 1 : i32
    scf.for %scan3A_164 = %scan3A_0 to %scan3A_2 step %scan3A_3  : i32 {
      %broadcast_in_dim3A = arith.constant 0.000000e+00 : f32
      %broadcast_in_dim3A_165 = vector.broadcast %broadcast_in_dim3A : f32 to vector<16xf32>
      %swap3A = arith.index_cast %scan3A_164 : i32 to index
      %swap3A_166 = arith.constant 0 : index
      %swap3A_167 = tpu.vector_load %arg10[%swap3A, %swap3A_166] {strides = array<i32>} : memref<128x16xf32, #tpu.memory_space<vmem>>, vector<1x16xf32>,
      %swap3A_168 = vector.shape_cast %swap3A_167 : vector<1x16xf32> to vector<16xf32>
      %swap3A_169 = vector.shape_cast %broadcast_in_dim3A_165 : vector<16xf32> to vector<1x16xf32>
      tpu.vector_store %arg10[%swap3A, %swap3A_166], %swap3A_169 {strides = array<i32>} : memref<128x16xf32, #tpu.memory_space<vmem>>, vector<1x16xf32>,
    }
    %scan3A_4 = arith.constant 128 : i32
    %mul3A = arith.constant 640 : i32
    %mul3A_5 = arith.muli %arg1, %mul3A : i32
    %add3A = arith.constant 0 : i32
    %add3A_6 = arith.addi %mul3A_5, %add3A : i32
    "tpu.region"() ({
      %run_scoped3A = tpu.sem_alloc : memref<!tpu.dma_semaphore, #tpu.memory_space<semaphore_mem>>
      %dma_start3A_164 = arith.constant 0 : i32
      %dma_start3A_165 = tpu.memref_slice %arg6[%add3A_6, %dma_start3A_164] : memref<10240x16xf32, #tpu.memory_space<vmem_shared>> -> memref<128x16xf32, #tpu.memory_space<vmem_shared>>
      %dma_start3A_166 = arith.constant 0 : i32
      %dma_start3A_167 = tpu.memref_slice %arg6[%add3A_6, %dma_start3A_166] : memref<10240x16xf32, #tpu.memory_space<vmem_shared>> -> memref<128x16xf32, #tpu.memory_space<vmem_shared>>
      tpu.enqueue_dma source(%arg10 : memref<128x16xf32, #tpu.memory_space<vmem>>) target(%dma_start3A_167 : memref<128x16xf32, #tpu.memory_space<vmem_shared>>) target_semaphore(%run_scoped3A : memref<!tpu.dma_semaphore, #tpu.memory_space<semaphore_mem>>)
      %dma_wait3A_168 = arith.constant 0 : i32
      %dma_wait3A_169 = tpu.memref_slice %arg6[%add3A_6, %dma_wait3A_168] : memref<10240x16xf32, #tpu.memory_space<vmem_shared>> -> memref<128x16xf32, #tpu.memory_space<vmem_shared>>
      %dma_wait3A_170 = arith.constant 0 : i32
      %dma_wait3A_171 = tpu.memref_slice %arg6[%add3A_6, %dma_wait3A_170] : memref<10240x16xf32, #tpu.memory_space<vmem_shared>> -> memref<128x16xf32, #tpu.memory_space<vmem_shared>>
      tpu.wait_dma2 semaphore(%run_scoped3A : memref<!tpu.dma_semaphore, #tpu.memory_space<semaphore_mem>>) src(%arg10 : memref<128x16xf32, #tpu.memory_space<vmem>>) dst(%dma_wait3A_171 : memref<128x16xf32, #tpu.memory_space<vmem_shared>>)
      tpu.yield
    }) : () -> ()
    "tpu.region"() ({
      %run_scoped3A = tpu.sem_alloc : memref<!tpu.dma_semaphore, #tpu.memory_space<semaphore_mem>>
      %dma_start3A_164 = arith.constant 0 : i32
      %dma_start3A_165 = tpu.memref_slice %arg7[%add3A_6, %dma_start3A_164] : memref<10240x16xf32, #tpu.memory_space<vmem_shared>> -> memref<128x16xf32, #tpu.memory_space<vmem_shared>>
      %dma_start3A_166 = arith.constant 0 : i32
      %dma_start3A_167 = tpu.memref_slice %arg7[%add3A_6, %dma_start3A_166] : memref<10240x16xf32, #tpu.memory_space<vmem_shared>> -> memref<128x16xf32, #tpu.memory_space<vmem_shared>>
      tpu.enqueue_dma source(%arg10 : memref<128x16xf32, #tpu.memory_space<vmem>>) target(%dma_start3A_167 : memref<128x16xf32, #tpu.memory_space<vmem_shared>>) target_semaphore(%run_scoped3A : memref<!tpu.dma_semaphore, #tpu.memory_space<semaphore_mem>>)
      %dma_wait3A_168 = arith.constant 0 : i32
      %dma_wait3A_169 = tpu.memref_slice %arg7[%add3A_6, %dma_wait3A_168] : memref<10240x16xf32, #tpu.memory_space<vmem_shared>> -> memref<128x16xf32, #tpu.memory_space<vmem_shared>>
      %dma_wait3A_170 = arith.constant 0 : i32
      %dma_wait3A_171 = tpu.memref_slice %arg7[%add3A_6, %dma_wait3A_170] : memref<10240x16xf32, #tpu.memory_space<vmem_shared>> -> memref<128x16xf32, #tpu.memory_space<vmem_shared>>
      tpu.wait_dma2 semaphore(%run_scoped3A : memref<!tpu.dma_semaphore, #tpu.memory_space<semaphore_mem>>) src(%arg10 : memref<128x16xf32, #tpu.memory_space<vmem>>) dst(%dma_wait3A_171 : memref<128x16xf32, #tpu.memory_space<vmem_shared>>)
      tpu.yield
    }) : () -> ()
    %mul3A_7 = arith.constant 640 : i32
    %mul3A_8 = arith.muli %arg1, %mul3A_7 : i32
    %add3A_9 = arith.constant 128 : i32
    %add3A_10 = arith.addi %mul3A_8, %add3A_9 : i32
    "tpu.region"() ({
      %run_scoped3A = tpu.sem_alloc : memref<!tpu.dma_semaphore, #tpu.memory_space<semaphore_mem>>
      %dma_start3A_164 = arith.constant 0 : i32
      %dma_start3A_165 = tpu.memref_slice %arg6[%add3A_10, %dma_start3A_164] : memref<10240x16xf32, #tpu.memory_space<vmem_shared>> -> memref<128x16xf32, #tpu.memory_space<vmem_shared>>
      %dma_start3A_166 = arith.constant 0 : i32
      %dma_start3A_167 = tpu.memref_slice %arg6[%add3A_10, %dma_start3A_166] : memref<10240x16xf32, #tpu.memory_space<vmem_shared>> -> memref<128x16xf32, #tpu.memory_space<vmem_shared>>
      tpu.enqueue_dma source(%arg10 : memref<128x16xf32, #tpu.memory_space<vmem>>) target(%dma_start3A_167 : memref<128x16xf32, #tpu.memory_space<vmem_shared>>) target_semaphore(%run_scoped3A : memref<!tpu.dma_semaphore, #tpu.memory_space<semaphore_mem>>)
      %dma_wait3A_168 = arith.constant 0 : i32
      %dma_wait3A_169 = tpu.memref_slice %arg6[%add3A_10, %dma_wait3A_168] : memref<10240x16xf32, #tpu.memory_space<vmem_shared>> -> memref<128x16xf32, #tpu.memory_space<vmem_shared>>
      %dma_wait3A_170 = arith.constant 0 : i32
      %dma_wait3A_171 = tpu.memref_slice %arg6[%add3A_10, %dma_wait3A_170] : memref<10240x16xf32, #tpu.memory_space<vmem_shared>> -> memref<128x16xf32, #tpu.memory_space<vmem_shared>>
      tpu.wait_dma2 semaphore(%run_scoped3A : memref<!tpu.dma_semaphore, #tpu.memory_space<semaphore_mem>>) src(%arg10 : memref<128x16xf32, #tpu.memory_space<vmem>>) dst(%dma_wait3A_171 : memref<128x16xf32, #tpu.memory_space<vmem_shared>>)
      tpu.yield
    }) : () -> ()
    "tpu.region"() ({
      %run_scoped3A = tpu.sem_alloc : memref<!tpu.dma_semaphore, #tpu.memory_space<semaphore_mem>>
      %dma_start3A_164 = arith.constant 0 : i32
      %dma_start3A_165 = tpu.memref_slice %arg7[%add3A_10, %dma_start3A_164] : memref<10240x16xf32, #tpu.memory_space<vmem_shared>> -> memref<128x16xf32, #tpu.memory_space<vmem_shared>>
      %dma_start3A_166 = arith.constant 0 : i32
      %dma_start3A_167 = tpu.memref_slice %arg7[%add3A_10, %dma_start3A_166] : memref<10240x16xf32, #tpu.memory_space<vmem_shared>> -> memref<128x16xf32, #tpu.memory_space<vmem_shared>>
      tpu.enqueue_dma source(%arg10 : memref<128x16xf32, #tpu.memory_space<vmem>>) target(%dma_start3A_167 : memref<128x16xf32, #tpu.memory_space<vmem_shared>>) target_semaphore(%run_scoped3A : memref<!tpu.dma_semaphore, #tpu.memory_space<semaphore_mem>>)
      %dma_wait3A_168 = arith.constant 0 : i32
      %dma_wait3A_169 = tpu.memref_slice %arg7[%add3A_10, %dma_wait3A_168] : memref<10240x16xf32, #tpu.memory_space<vmem_shared>> -> memref<128x16xf32, #tpu.memory_space<vmem_shared>>
      %dma_wait3A_170 = arith.constant 0 : i32
      %dma_wait3A_171 = tpu.memref_slice %arg7[%add3A_10, %dma_wait3A_170] : memref<10240x16xf32, #tpu.memory_space<vmem_shared>> -> memref<128x16xf32, #tpu.memory_space<vmem_shared>>
      tpu.wait_dma2 semaphore(%run_scoped3A : memref<!tpu.dma_semaphore, #tpu.memory_space<semaphore_mem>>) src(%arg10 : memref<128x16xf32, #tpu.memory_space<vmem>>) dst(%dma_wait3A_171 : memref<128x16xf32, #tpu.memory_space<vmem_shared>>)
      tpu.yield
    }) : () -> ()
    %mul3A_11 = arith.constant 640 : i32
    %mul3A_12 = arith.muli %arg1, %mul3A_11 : i32
    %add3A_13 = arith.constant 256 : i32
    %add3A_14 = arith.addi %mul3A_12, %add3A_13 : i32
    "tpu.region"() ({
      %run_scoped3A = tpu.sem_alloc : memref<!tpu.dma_semaphore, #tpu.memory_space<semaphore_mem>>
      %dma_start3A_164 = arith.constant 0 : i32
      %dma_start3A_165 = tpu.memref_slice %arg6[%add3A_14, %dma_start3A_164] : memref<10240x16xf32, #tpu.memory_space<vmem_shared>> -> memref<128x16xf32, #tpu.memory_space<vmem_shared>>
      %dma_start3A_166 = arith.constant 0 : i32
      %dma_start3A_167 = tpu.memref_slice %arg6[%add3A_14, %dma_start3A_166] : memref<10240x16xf32, #tpu.memory_space<vmem_shared>> -> memref<128x16xf32, #tpu.memory_space<vmem_shared>>
      tpu.enqueue_dma source(%arg10 : memref<128x16xf32, #tpu.memory_space<vmem>>) target(%dma_start3A_167 : memref<128x16xf32, #tpu.memory_space<vmem_shared>>) target_semaphore(%run_scoped3A : memref<!tpu.dma_semaphore, #tpu.memory_space<semaphore_mem>>)
      %dma_wait3A_168 = arith.constant 0 : i32
      %dma_wait3A_169 = tpu.memref_slice %arg6[%add3A_14, %dma_wait3A_168] : memref<10240x16xf32, #tpu.memory_space<vmem_shared>> -> memref<128x16xf32, #tpu.memory_space<vmem_shared>>
      %dma_wait3A_170 = arith.constant 0 : i32
      %dma_wait3A_171 = tpu.memref_slice %arg6[%add3A_14, %dma_wait3A_170] : memref<10240x16xf32, #tpu.memory_space<vmem_shared>> -> memref<128x16xf32, #tpu.memory_space<vmem_shared>>
      tpu.wait_dma2 semaphore(%run_scoped3A : memref<!tpu.dma_semaphore, #tpu.memory_space<semaphore_mem>>) src(%arg10 : memref<128x16xf32, #tpu.memory_space<vmem>>) dst(%dma_wait3A_171 : memref<128x16xf32, #tpu.memory_space<vmem_shared>>)
      tpu.yield
    }) : () -> ()
    "tpu.region"() ({
      %run_scoped3A = tpu.sem_alloc : memref<!tpu.dma_semaphore, #tpu.memory_space<semaphore_mem>>
      %dma_start3A_164 = arith.constant 0 : i32
      %dma_start3A_165 = tpu.memref_slice %arg7[%add3A_14, %dma_start3A_164] : memref<10240x16xf32, #tpu.memory_space<vmem_shared>> -> memref<128x16xf32, #tpu.memory_space<vmem_shared>>
      %dma_start3A_166 = arith.constant 0 : i32
      %dma_start3A_167 = tpu.memref_slice %arg7[%add3A_14, %dma_start3A_166] : memref<10240x16xf32, #tpu.memory_space<vmem_shared>> -> memref<128x16xf32, #tpu.memory_space<vmem_shared>>
      tpu.enqueue_dma source(%arg10 : memref<128x16xf32, #tpu.memory_space<vmem>>) target(%dma_start3A_167 : memref<128x16xf32, #tpu.memory_space<vmem_shared>>) target_semaphore(%run_scoped3A : memref<!tpu.dma_semaphore, #tpu.memory_space<semaphore_mem>>)
      %dma_wait3A_168 = arith.constant 0 : i32
      %dma_wait3A_169 = tpu.memref_slice %arg7[%add3A_14, %dma_wait3A_168] : memref<10240x16xf32, #tpu.memory_space<vmem_shared>> -> memref<128x16xf32, #tpu.memory_space<vmem_shared>>
      %dma_wait3A_170 = arith.constant 0 : i32
      %dma_wait3A_171 = tpu.memref_slice %arg7[%add3A_14, %dma_wait3A_170] : memref<10240x16xf32, #tpu.memory_space<vmem_shared>> -> memref<128x16xf32, #tpu.memory_space<vmem_shared>>
      tpu.wait_dma2 semaphore(%run_scoped3A : memref<!tpu.dma_semaphore, #tpu.memory_space<semaphore_mem>>) src(%arg10 : memref<128x16xf32, #tpu.memory_space<vmem>>) dst(%dma_wait3A_171 : memref<128x16xf32, #tpu.memory_space<vmem_shared>>)
      tpu.yield
    }) : () -> ()
    %mul3A_15 = arith.constant 640 : i32
    %mul3A_16 = arith.muli %arg1, %mul3A_15 : i32
    %add3A_17 = arith.constant 384 : i32
    %add3A_18 = arith.addi %mul3A_16, %add3A_17 : i32
    "tpu.region"() ({
      %run_scoped3A = tpu.sem_alloc : memref<!tpu.dma_semaphore, #tpu.memory_space<semaphore_mem>>
      %dma_start3A_164 = arith.constant 0 : i32
      %dma_start3A_165 = tpu.memref_slice %arg6[%add3A_18, %dma_start3A_164] : memref<10240x16xf32, #tpu.memory_space<vmem_shared>> -> memref<128x16xf32, #tpu.memory_space<vmem_shared>>
      %dma_start3A_166 = arith.constant 0 : i32
      %dma_start3A_167 = tpu.memref_slice %arg6[%add3A_18, %dma_start3A_166] : memref<10240x16xf32, #tpu.memory_space<vmem_shared>> -> memref<128x16xf32, #tpu.memory_space<vmem_shared>>
      tpu.enqueue_dma source(%arg10 : memref<128x16xf32, #tpu.memory_space<vmem>>) target(%dma_start3A_167 : memref<128x16xf32, #tpu.memory_space<vmem_shared>>) target_semaphore(%run_scoped3A : memref<!tpu.dma_semaphore, #tpu.memory_space<semaphore_mem>>)
      %dma_wait3A_168 = arith.constant 0 : i32
      %dma_wait3A_169 = tpu.memref_slice %arg6[%add3A_18, %dma_wait3A_168] : memref<10240x16xf32, #tpu.memory_space<vmem_shared>> -> memref<128x16xf32, #tpu.memory_space<vmem_shared>>
      %dma_wait3A_170 = arith.constant 0 : i32
      %dma_wait3A_171 = tpu.memref_slice %arg6[%add3A_18, %dma_wait3A_170] : memref<10240x16xf32, #tpu.memory_space<vmem_shared>> -> memref<128x16xf32, #tpu.memory_space<vmem_shared>>
      tpu.wait_dma2 semaphore(%run_scoped3A : memref<!tpu.dma_semaphore, #tpu.memory_space<semaphore_mem>>) src(%arg10 : memref<128x16xf32, #tpu.memory_space<vmem>>) dst(%dma_wait3A_171 : memref<128x16xf32, #tpu.memory_space<vmem_shared>>)
      tpu.yield
    }) : () -> ()
    "tpu.region"() ({
      %run_scoped3A = tpu.sem_alloc : memref<!tpu.dma_semaphore, #tpu.memory_space<semaphore_mem>>
      %dma_start3A_164 = arith.constant 0 : i32
      %dma_start3A_165 = tpu.memref_slice %arg7[%add3A_18, %dma_start3A_164] : memref<10240x16xf32, #tpu.memory_space<vmem_shared>> -> memref<128x16xf32, #tpu.memory_space<vmem_shared>>
      %dma_start3A_166 = arith.constant 0 : i32
      %dma_start3A_167 = tpu.memref_slice %arg7[%add3A_18, %dma_start3A_166] : memref<10240x16xf32, #tpu.memory_space<vmem_shared>> -> memref<128x16xf32, #tpu.memory_space<vmem_shared>>
      tpu.enqueue_dma source(%arg10 : memref<128x16xf32, #tpu.memory_space<vmem>>) target(%dma_start3A_167 : memref<128x16xf32, #tpu.memory_space<vmem_shared>>) target_semaphore(%run_scoped3A : memref<!tpu.dma_semaphore, #tpu.memory_space<semaphore_mem>>)
      %dma_wait3A_168 = arith.constant 0 : i32
      %dma_wait3A_169 = tpu.memref_slice %arg7[%add3A_18, %dma_wait3A_168] : memref<10240x16xf32, #tpu.memory_space<vmem_shared>> -> memref<128x16xf32, #tpu.memory_space<vmem_shared>>
      %dma_wait3A_170 = arith.constant 0 : i32
      %dma_wait3A_171 = tpu.memref_slice %arg7[%add3A_18, %dma_wait3A_170] : memref<10240x16xf32, #tpu.memory_space<vmem_shared>> -> memref<128x16xf32, #tpu.memory_space<vmem_shared>>
      tpu.wait_dma2 semaphore(%run_scoped3A : memref<!tpu.dma_semaphore, #tpu.memory_space<semaphore_mem>>) src(%arg10 : memref<128x16xf32, #tpu.memory_space<vmem>>) dst(%dma_wait3A_171 : memref<128x16xf32, #tpu.memory_space<vmem_shared>>)
      tpu.yield
    }) : () -> ()
    %mul3A_19 = arith.constant 640 : i32
    %mul3A_20 = arith.muli %arg1, %mul3A_19 : i32
    %add3A_21 = arith.constant 512 : i32
    %add3A_22 = arith.addi %mul3A_20, %add3A_21 : i32
    "tpu.region"() ({
      %run_scoped3A = tpu.sem_alloc : memref<!tpu.dma_semaphore, #tpu.memory_space<semaphore_mem>>
      %dma_start3A_164 = arith.constant 0 : i32
      %dma_start3A_165 = tpu.memref_slice %arg6[%add3A_22, %dma_start3A_164] : memref<10240x16xf32, #tpu.memory_space<vmem_shared>> -> memref<128x16xf32, #tpu.memory_space<vmem_shared>>
      %dma_start3A_166 = arith.constant 0 : i32
      %dma_start3A_167 = tpu.memref_slice %arg6[%add3A_22, %dma_start3A_166] : memref<10240x16xf32, #tpu.memory_space<vmem_shared>> -> memref<128x16xf32, #tpu.memory_space<vmem_shared>>
      tpu.enqueue_dma source(%arg10 : memref<128x16xf32, #tpu.memory_space<vmem>>) target(%dma_start3A_167 : memref<128x16xf32, #tpu.memory_space<vmem_shared>>) target_semaphore(%run_scoped3A : memref<!tpu.dma_semaphore, #tpu.memory_space<semaphore_mem>>)
      %dma_wait3A_168 = arith.constant 0 : i32
      %dma_wait3A_169 = tpu.memref_slice %arg6[%add3A_22, %dma_wait3A_168] : memref<10240x16xf32, #tpu.memory_space<vmem_shared>> -> memref<128x16xf32, #tpu.memory_space<vmem_shared>>
      %dma_wait3A_170 = arith.constant 0 : i32
      %dma_wait3A_171 = tpu.memref_slice %arg6[%add3A_22, %dma_wait3A_170] : memref<10240x16xf32, #tpu.memory_space<vmem_shared>> -> memref<128x16xf32, #tpu.memory_space<vmem_shared>>
      tpu.wait_dma2 semaphore(%run_scoped3A : memref<!tpu.dma_semaphore, #tpu.memory_space<semaphore_mem>>) src(%arg10 : memref<128x16xf32, #tpu.memory_space<vmem>>) dst(%dma_wait3A_171 : memref<128x16xf32, #tpu.memory_space<vmem_shared>>)
      tpu.yield
    }) : () -> ()
    "tpu.region"() ({
      %run_scoped3A = tpu.sem_alloc : memref<!tpu.dma_semaphore, #tpu.memory_space<semaphore_mem>>
      %dma_start3A_164 = arith.constant 0 : i32
      %dma_start3A_165 = tpu.memref_slice %arg7[%add3A_22, %dma_start3A_164] : memref<10240x16xf32, #tpu.memory_space<vmem_shared>> -> memref<128x16xf32, #tpu.memory_space<vmem_shared>>
      %dma_start3A_166 = arith.constant 0 : i32
      %dma_start3A_167 = tpu.memref_slice %arg7[%add3A_22, %dma_start3A_166] : memref<10240x16xf32, #tpu.memory_space<vmem_shared>> -> memref<128x16xf32, #tpu.memory_space<vmem_shared>>
      tpu.enqueue_dma source(%arg10 : memref<128x16xf32, #tpu.memory_space<vmem>>) target(%dma_start3A_167 : memref<128x16xf32, #tpu.memory_space<vmem_shared>>) target_semaphore(%run_scoped3A : memref<!tpu.dma_semaphore, #tpu.memory_space<semaphore_mem>>)
      %dma_wait3A_168 = arith.constant 0 : i32
      %dma_wait3A_169 = tpu.memref_slice %arg7[%add3A_22, %dma_wait3A_168] : memref<10240x16xf32, #tpu.memory_space<vmem_shared>> -> memref<128x16xf32, #tpu.memory_space<vmem_shared>>
      %dma_wait3A_170 = arith.constant 0 : i32
      %dma_wait3A_171 = tpu.memref_slice %arg7[%add3A_22, %dma_wait3A_170] : memref<10240x16xf32, #tpu.memory_space<vmem_shared>> -> memref<128x16xf32, #tpu.memory_space<vmem_shared>>
      tpu.wait_dma2 semaphore(%run_scoped3A : memref<!tpu.dma_semaphore, #tpu.memory_space<semaphore_mem>>) src(%arg10 : memref<128x16xf32, #tpu.memory_space<vmem>>) dst(%dma_wait3A_171 : memref<128x16xf32, #tpu.memory_space<vmem_shared>>)
      tpu.yield
    }) : () -> ()
    %scan3A_23 = arith.constant 0 : i32
    %scan3A_24 = arith.constant 0 : i32
    %scan3A_25 = arith.constant 128 : i32
    %scan3A_26 = arith.addi %scan3A_24, %scan3A_25 : i32
    %scan3A_27 = arith.constant 1 : i32
    scf.for %scan3A_164 = %scan3A_24 to %scan3A_26 step %scan3A_27  : i32 {
      %broadcast_in_dim3A = arith.constant 1.000000e+00 : f32
      %broadcast_in_dim3A_165 = vector.broadcast %broadcast_in_dim3A : f32 to vector<16xf32>
      %swap3A = arith.index_cast %scan3A_164 : i32 to index
      %swap3A_166 = arith.constant 0 : index
      %swap3A_167 = tpu.vector_load %arg10[%swap3A, %swap3A_166] {strides = array<i32>} : memref<128x16xf32, #tpu.memory_space<vmem>>, vector<1x16xf32>,
      %swap3A_168 = vector.shape_cast %swap3A_167 : vector<1x16xf32> to vector<16xf32>
      %swap3A_169 = vector.shape_cast %broadcast_in_dim3A_165 : vector<16xf32> to vector<1x16xf32>
      tpu.vector_store %arg10[%swap3A, %swap3A_166], %swap3A_169 {strides = array<i32>} : memref<128x16xf32, #tpu.memory_space<vmem>>, vector<1x16xf32>,
    }
    %scan3A_28 = arith.constant 128 : i32
    %barrier3A = arith.constant 0 : index
    tpu.barrier barrier_id(%barrier3A)
    %lt3A = arith.constant 1 : i32
    %lt3A_29 = arith.cmpi slt, %arg1, %lt3A : i32
    %jit3A = arith.constant 1 : i32
    %jit3A_30 = arith.constant 0 : i32
    %select_n3A = arith.select %lt3A_29, %jit3A, %jit3A_30 : i32
    %add3A_31 = arith.constant 39 : i32
    %add3A_32 = arith.addi %add3A_31, %select_n3A : i32
    %rem3A = arith.constant 0 : i32
    %rem3A_33 = arith.constant 4 : i32
    %rem3A_34 = arith.remsi %rem3A, %rem3A_33 : i32
    %mul3A_35 = arith.constant 625 : i32
    %mul3A_36 = arith.muli %arg0, %mul3A_35 : i32
    %add3A_37 = arith.addi %mul3A_36, %arg1 : i32
    %add3A_38 = arith.constant 0 : i32
    %add3A_39 = arith.addi %add3A_37, %add3A_38 : i32
    %mul3A_40 = arith.constant 128 : i32
    %mul3A_41 = arith.muli %add3A_39, %mul3A_40 : i32
    %dma_start3A = arith.constant 0 : i32
    %dma_start3A_42 = tpu.memref_slice %arg8[%rem3A_34, %dma_start3A] : memref<4x128xi32, #tpu.memory_space<vmem>> -> memref<1x128xi32, #tpu.memory_space<vmem>>
    %dma_start3A_43 = tpu.memref_squeeze %dma_start3A_42 : memref<1x128xi32, #tpu.memory_space<vmem>> -> memref<128xi32, #tpu.memory_space<vmem>>
    %dma_start3A_44 = tpu.memref_slice %arg3[%mul3A_41] : memref<160000xi32, #tpu.memory_space<hbm>> -> memref<128xi32, #tpu.memory_space<hbm>>
    %dma_start3A_45 = tpu.memref_slice %arg11[%rem3A_34] : memref<4x!tpu.dma_semaphore, #tpu.memory_space<semaphore_mem>> -> memref<1x!tpu.dma_semaphore, #tpu.memory_space<semaphore_mem>>
    %dma_start3A_46 = tpu.memref_squeeze %dma_start3A_45 : memref<1x!tpu.dma_semaphore, #tpu.memory_space<semaphore_mem>> -> memref<!tpu.dma_semaphore, #tpu.memory_space<semaphore_mem>>
    %dma_start3A_47 = arith.constant 0 : i32
    %dma_start3A_48 = tpu.memref_slice %arg8[%rem3A_34, %dma_start3A_47] : memref<4x128xi32, #tpu.memory_space<vmem>> -> memref<1x128xi32, #tpu.memory_space<vmem>>
    %dma_start3A_49 = tpu.memref_squeeze %dma_start3A_48 : memref<1x128xi32, #tpu.memory_space<vmem>> -> memref<128xi32, #tpu.memory_space<vmem>>
    %dma_start3A_50 = tpu.memref_slice %arg3[%mul3A_41] : memref<160000xi32, #tpu.memory_space<hbm>> -> memref<128xi32, #tpu.memory_space<hbm>>
    tpu.enqueue_dma source(%dma_start3A_50 : memref<128xi32, #tpu.memory_space<hbm>>) target(%dma_start3A_49 : memref<128xi32, #tpu.memory_space<vmem>>) target_semaphore(%dma_start3A_46 : memref<!tpu.dma_semaphore, #tpu.memory_space<semaphore_mem>>)
    %rem3A_51 = arith.constant 0 : i32
    %rem3A_52 = arith.constant 4 : i32
    %rem3A_53 = arith.remsi %rem3A_51, %rem3A_52 : i32
    %mul3A_54 = arith.constant 625 : i32
    %mul3A_55 = arith.muli %arg0, %mul3A_54 : i32
    %add3A_56 = arith.addi %mul3A_55, %arg1 : i32
    %add3A_57 = arith.constant 0 : i32
    %add3A_58 = arith.addi %add3A_56, %add3A_57 : i32
    %mul3A_59 = arith.constant 128 : i32
    %mul3A_60 = arith.muli %add3A_58, %mul3A_59 : i32
    %dma_start3A_61 = arith.constant 0 : i32
    %dma_start3A_62 = arith.constant 0 : i32
    %dma_start3A_63 = tpu.memref_slice %arg9[%rem3A_53, %dma_start3A_61, %dma_start3A_62] : memref<4x128x16xf32, #tpu.memory_space<vmem>> -> memref<1x128x16xf32, #tpu.memory_space<vmem>>
    %dma_start3A_64 = tpu.memref_squeeze %dma_start3A_63 : memref<1x128x16xf32, #tpu.memory_space<vmem>> -> memref<128x16xf32, #tpu.memory_space<vmem>>
    %dma_start3A_65 = arith.constant 0 : i32
    %dma_start3A_66 = tpu.memref_slice %arg2[%mul3A_60, %dma_start3A_65] : memref<160000x16xf32, #tpu.memory_space<hbm>> -> memref<128x16xf32, #tpu.memory_space<hbm>>
    %dma_start3A_67 = tpu.memref_slice %arg12[%rem3A_53] : memref<4x!tpu.dma_semaphore, #tpu.memory_space<semaphore_mem>> -> memref<1x!tpu.dma_semaphore, #tpu.memory_space<semaphore_mem>>
    %dma_start3A_68 = tpu.memref_squeeze %dma_start3A_67 : memref<1x!tpu.dma_semaphore, #tpu.memory_space<semaphore_mem>> -> memref<!tpu.dma_semaphore, #tpu.memory_space<semaphore_mem>>
    %dma_start3A_69 = arith.constant 0 : i32
    %dma_start3A_70 = arith.constant 0 : i32
    %dma_start3A_71 = tpu.memref_slice %arg9[%rem3A_53, %dma_start3A_69, %dma_start3A_70] : memref<4x128x16xf32, #tpu.memory_space<vmem>> -> memref<1x128x16xf32, #tpu.memory_space<vmem>>
    %dma_start3A_72 = tpu.memref_squeeze %dma_start3A_71 : memref<1x128x16xf32, #tpu.memory_space<vmem>> -> memref<128x16xf32, #tpu.memory_space<vmem>>
    %dma_start3A_73 = arith.constant 0 : i32
    %dma_start3A_74 = tpu.memref_slice %arg2[%mul3A_60, %dma_start3A_73] : memref<160000x16xf32, #tpu.memory_space<hbm>> -> memref<128x16xf32, #tpu.memory_space<hbm>>
    tpu.enqueue_dma source(%dma_start3A_74 : memref<128x16xf32, #tpu.memory_space<hbm>>) target(%dma_start3A_72 : memref<128x16xf32, #tpu.memory_space<vmem>>) target_semaphore(%dma_start3A_68 : memref<!tpu.dma_semaphore, #tpu.memory_space<semaphore_mem>>)
    %rem3A_75 = arith.constant 1 : i32
    %rem3A_76 = arith.constant 4 : i32
    %rem3A_77 = arith.remsi %rem3A_75, %rem3A_76 : i32
    %mul3A_78 = arith.constant 625 : i32
    %mul3A_79 = arith.muli %arg0, %mul3A_78 : i32
    %add3A_80 = arith.addi %mul3A_79, %arg1 : i32
    %add3A_81 = arith.constant 16 : i32
    %add3A_82 = arith.addi %add3A_80, %add3A_81 : i32
    %mul3A_83 = arith.constant 128 : i32
    %mul3A_84 = arith.muli %add3A_82, %mul3A_83 : i32
    %dma_start3A_85 = arith.constant 0 : i32
    %dma_start3A_86 = tpu.memref_slice %arg8[%rem3A_77, %dma_start3A_85] : memref<4x128xi32, #tpu.memory_space<vmem>> -> memref<1x128xi32, #tpu.memory_space<vmem>>
    %dma_start3A_87 = tpu.memref_squeeze %dma_start3A_86 : memref<1x128xi32, #tpu.memory_space<vmem>> -> memref<128xi32, #tpu.memory_space<vmem>>
    %dma_start3A_88 = tpu.memref_slice %arg3[%mul3A_84] : memref<160000xi32, #tpu.memory_space<hbm>> -> memref<128xi32, #tpu.memory_space<hbm>>
    %dma_start3A_89 = tpu.memref_slice %arg11[%rem3A_77] : memref<4x!tpu.dma_semaphore, #tpu.memory_space<semaphore_mem>> -> memref<1x!tpu.dma_semaphore, #tpu.memory_space<semaphore_mem>>
    %dma_start3A_90 = tpu.memref_squeeze %dma_start3A_89 : memref<1x!tpu.dma_semaphore, #tpu.memory_space<semaphore_mem>> -> memref<!tpu.dma_semaphore, #tpu.memory_space<semaphore_mem>>
    %dma_start3A_91 = arith.constant 0 : i32
    %dma_start3A_92 = tpu.memref_slice %arg8[%rem3A_77, %dma_start3A_91] : memref<4x128xi32, #tpu.memory_space<vmem>> -> memref<1x128xi32, #tpu.memory_space<vmem>>
    %dma_start3A_93 = tpu.memref_squeeze %dma_start3A_92 : memref<1x128xi32, #tpu.memory_space<vmem>> -> memref<128xi32, #tpu.memory_space<vmem>>
    %dma_start3A_94 = tpu.memref_slice %arg3[%mul3A_84] : memref<160000xi32, #tpu.memory_space<hbm>> -> memref<128xi32, #tpu.memory_space<hbm>>
    tpu.enqueue_dma source(%dma_start3A_94 : memref<128xi32, #tpu.memory_space<hbm>>) target(%dma_start3A_93 : memref<128xi32, #tpu.memory_space<vmem>>) target_semaphore(%dma_start3A_90 : memref<!tpu.dma_semaphore, #tpu.memory_space<semaphore_mem>>)
    %rem3A_95 = arith.constant 1 : i32
    %rem3A_96 = arith.constant 4 : i32
    %rem3A_97 = arith.remsi %rem3A_95, %rem3A_96 : i32
    %mul3A_98 = arith.constant 625 : i32
    %mul3A_99 = arith.muli %arg0, %mul3A_98 : i32
    %add3A_100 = arith.addi %mul3A_99, %arg1 : i32
    %add3A_101 = arith.constant 16 : i32
    %add3A_102 = arith.addi %add3A_100, %add3A_101 : i32
    %mul3A_103 = arith.constant 128 : i32
    %mul3A_104 = arith.muli %add3A_102, %mul3A_103 : i32
    %dma_start3A_105 = arith.constant 0 : i32
    %dma_start3A_106 = arith.constant 0 : i32
    %dma_start3A_107 = tpu.memref_slice %arg9[%rem3A_97, %dma_start3A_105, %dma_start3A_106] : memref<4x128x16xf32, #tpu.memory_space<vmem>> -> memref<1x128x16xf32, #tpu.memory_space<vmem>>
    %dma_start3A_108 = tpu.memref_squeeze %dma_start3A_107 : memref<1x128x16xf32, #tpu.memory_space<vmem>> -> memref<128x16xf32, #tpu.memory_space<vmem>>
    %dma_start3A_109 = arith.constant 0 : i32
    %dma_start3A_110 = tpu.memref_slice %arg2[%mul3A_104, %dma_start3A_109] : memref<160000x16xf32, #tpu.memory_space<hbm>> -> memref<128x16xf32, #tpu.memory_space<hbm>>
    %dma_start3A_111 = tpu.memref_slice %arg12[%rem3A_97] : memref<4x!tpu.dma_semaphore, #tpu.memory_space<semaphore_mem>> -> memref<1x!tpu.dma_semaphore, #tpu.memory_space<semaphore_mem>>
    %dma_start3A_112 = tpu.memref_squeeze %dma_start3A_111 : memref<1x!tpu.dma_semaphore, #tpu.memory_space<semaphore_mem>> -> memref<!tpu.dma_semaphore, #tpu.memory_space<semaphore_mem>>
    %dma_start3A_113 = arith.constant 0 : i32
    %dma_start3A_114 = arith.constant 0 : i32
    %dma_start3A_115 = tpu.memref_slice %arg9[%rem3A_97, %dma_start3A_113, %dma_start3A_114] : memref<4x128x16xf32, #tpu.memory_space<vmem>> -> memref<1x128x16xf32, #tpu.memory_space<vmem>>
    %dma_start3A_116 = tpu.memref_squeeze %dma_start3A_115 : memref<1x128x16xf32, #tpu.memory_space<vmem>> -> memref<128x16xf32, #tpu.memory_space<vmem>>
    %dma_start3A_117 = arith.constant 0 : i32
    %dma_start3A_118 = tpu.memref_slice %arg2[%mul3A_104, %dma_start3A_117] : memref<160000x16xf32, #tpu.memory_space<hbm>> -> memref<128x16xf32, #tpu.memory_space<hbm>>
    tpu.enqueue_dma source(%dma_start3A_118 : memref<128x16xf32, #tpu.memory_space<hbm>>) target(%dma_start3A_116 : memref<128x16xf32, #tpu.memory_space<vmem>>) target_semaphore(%dma_start3A_112 : memref<!tpu.dma_semaphore, #tpu.memory_space<semaphore_mem>>)
    %while3A = arith.constant 0 : i32
    %while3A_119 = arith.constant 0 : i32
    %while3A_120 = arith.subi %add3A_32, %while3A_119 : i32
    %while3A_121 = arith.addi %while3A_119, %while3A_120 : i32
    %while3A_122 = arith.constant 1 : i32
    %while3A_123 = arith.divsi %while3A_120, %while3A_122 : i32
    %while3A_124 = arith.muli %while3A_123, %while3A_122 : i32
    %while3A_125 = arith.addi %while3A_119, %while3A_124 : i32
    %while3A_126 = arith.constant 1 : i32
    scf.for %while3A_164 = %while3A_119 to %while3A_125 step %while3A_126  : i32 {
      %ge3A_165 = arith.constant 2 : i32
      %ge3A_166 = arith.cmpi sge, %while3A_164, %ge3A_165 : i32
      %convert_element_type3A_167 = arith.extui %ge3A_166 : i1 to i32
      %cond3A_168 = arith.constant 0 : i32
      %cond3A_169 = arith.cmpi ne, %convert_element_type3A_167, %cond3A_168 : i32
      scf.if %cond3A_169 {
        %sub3A_242 = arith.constant 2 : i32
        %sub3A_243 = arith.subi %while3A_164, %sub3A_242 : i32
        %rem3A_244 = arith.constant 4 : i32
        %rem3A_245 = arith.remsi %sub3A_243, %rem3A_244 : i32
        %dma_wait3A_246 = arith.constant 0 : i32
        %dma_wait3A_247 = arith.constant 0 : i32
        %dma_wait3A_248 = tpu.memref_slice %arg9[%rem3A_245, %dma_wait3A_246, %dma_wait3A_247] : memref<4x128x16xf32, #tpu.memory_space<vmem>> -> memref<1x128x16xf32, #tpu.memory_space<vmem>>
        %dma_wait3A_249 = tpu.memref_squeeze %dma_wait3A_248 : memref<1x128x16xf32, #tpu.memory_space<vmem>> -> memref<128x16xf32, #tpu.memory_space<vmem>>
        %dma_wait3A_250 = arith.constant 0 : i32
        %dma_wait3A_251 = tpu.memref_slice %arg8[%rem3A_245, %dma_wait3A_250] : memref<4x128xi32, #tpu.memory_space<vmem>> -> memref<1x128xi32, #tpu.memory_space<vmem>>
        %dma_wait3A_252 = tpu.memref_squeeze %dma_wait3A_251 : memref<1x128xi32, #tpu.memory_space<vmem>> -> memref<128xi32, #tpu.memory_space<vmem>>
        %dma_wait3A_253 = arith.constant 0 : i32
        %dma_wait3A_254 = arith.constant 0 : i32
        %dma_wait3A_255 = tpu.memref_slice %arg6[%dma_wait3A_253, %dma_wait3A_254] : memref<10240x16xf32, #tpu.memory_space<vmem_shared>> -> memref<10240x16xf32, #tpu.memory_space<vmem_shared>>
        %dma_wait3A_256 = tpu.memref_slice %arg13[%rem3A_245] : memref<4x!tpu.dma_semaphore, #tpu.memory_space<semaphore_mem>> -> memref<1x!tpu.dma_semaphore, #tpu.memory_space<semaphore_mem>>
        %dma_wait3A_257 = tpu.memref_squeeze %dma_wait3A_256 : memref<1x!tpu.dma_semaphore, #tpu.memory_space<semaphore_mem>> -> memref<!tpu.dma_semaphore, #tpu.memory_space<semaphore_mem>>
        tpu.wait_indirect_dma semaphore(%dma_wait3A_257 : memref<!tpu.dma_semaphore, #tpu.memory_space<semaphore_mem>>) src(%dma_wait3A_249 : memref<128x16xf32, #tpu.memory_space<vmem>>) dst(%dma_wait3A_255 : memref<10240x16xf32, #tpu.memory_space<vmem_shared>>)
        %dma_wait3A_258 = arith.constant 0 : i32
        %dma_wait3A_259 = tpu.memref_slice %arg8[%rem3A_245, %dma_wait3A_258] : memref<4x128xi32, #tpu.memory_space<vmem>> -> memref<1x128xi32, #tpu.memory_space<vmem>>
        %dma_wait3A_260 = tpu.memref_squeeze %dma_wait3A_259 : memref<1x128xi32, #tpu.memory_space<vmem>> -> memref<128xi32, #tpu.memory_space<vmem>>
        %dma_wait3A_261 = arith.constant 0 : i32
        %dma_wait3A_262 = arith.constant 0 : i32
        %dma_wait3A_263 = tpu.memref_slice %arg7[%dma_wait3A_261, %dma_wait3A_262] : memref<10240x16xf32, #tpu.memory_space<vmem_shared>> -> memref<10240x16xf32, #tpu.memory_space<vmem_shared>>
        %dma_wait3A_264 = tpu.memref_slice %arg14[%rem3A_245] : memref<4x!tpu.dma_semaphore, #tpu.memory_space<semaphore_mem>> -> memref<1x!tpu.dma_semaphore, #tpu.memory_space<semaphore_mem>>
        %dma_wait3A_265 = tpu.memref_squeeze %dma_wait3A_264 : memref<1x!tpu.dma_semaphore, #tpu.memory_space<semaphore_mem>> -> memref<!tpu.dma_semaphore, #tpu.memory_space<semaphore_mem>>
        tpu.wait_indirect_dma semaphore(%dma_wait3A_265 : memref<!tpu.dma_semaphore, #tpu.memory_space<semaphore_mem>>) src(%arg10 : memref<128x16xf32, #tpu.memory_space<vmem>>) dst(%dma_wait3A_263 : memref<10240x16xf32, #tpu.memory_space<vmem_shared>>)
      } else {
      }
      %add3A_170 = arith.constant 2 : i32
      %add3A_171 = arith.addi %while3A_164, %add3A_170 : i32
      %lt3A_172 = arith.cmpi slt, %add3A_171, %add3A_32 : i32
      %convert_element_type3A_173 = arith.extui %lt3A_172 : i1 to i32
      %cond3A_174 = arith.constant 0 : i32
      %cond3A_175 = arith.cmpi ne, %convert_element_type3A_173, %cond3A_174 : i32
      scf.if %cond3A_175 {
        %add3A_242 = arith.constant 2 : i32
        %add3A_243 = arith.addi %while3A_164, %add3A_242 : i32
        %rem3A_244 = arith.constant 4 : i32
        %rem3A_245 = arith.remsi %add3A_243, %rem3A_244 : i32
        %mul3A_246 = arith.constant 625 : i32
        %mul3A_247 = arith.muli %arg0, %mul3A_246 : i32
        %add3A_248 = arith.addi %mul3A_247, %arg1 : i32
        %mul3A_249 = arith.constant 16 : i32
        %mul3A_250 = arith.muli %mul3A_249, %add3A_243 : i32
        %add3A_251 = arith.addi %add3A_248, %mul3A_250 : i32
        %mul3A_252 = arith.constant 128 : i32
        %mul3A_253 = arith.muli %add3A_251, %mul3A_252 : i32
        %dma_start3A_254 = arith.constant 0 : i32
        %dma_start3A_255 = tpu.memref_slice %arg8[%rem3A_245, %dma_start3A_254] : memref<4x128xi32, #tpu.memory_space<vmem>> -> memref<1x128xi32, #tpu.memory_space<vmem>>
        %dma_start3A_256 = tpu.memref_squeeze %dma_start3A_255 : memref<1x128xi32, #tpu.memory_space<vmem>> -> memref<128xi32, #tpu.memory_space<vmem>>
        %dma_start3A_257 = tpu.memref_slice %arg3[%mul3A_253] : memref<160000xi32, #tpu.memory_space<hbm>> -> memref<128xi32, #tpu.memory_space<hbm>>
        %dma_start3A_258 = tpu.memref_slice %arg11[%rem3A_245] : memref<4x!tpu.dma_semaphore, #tpu.memory_space<semaphore_mem>> -> memref<1x!tpu.dma_semaphore, #tpu.memory_space<semaphore_mem>>
        %dma_start3A_259 = tpu.memref_squeeze %dma_start3A_258 : memref<1x!tpu.dma_semaphore, #tpu.memory_space<semaphore_mem>> -> memref<!tpu.dma_semaphore, #tpu.memory_space<semaphore_mem>>
        %dma_start3A_260 = arith.constant 0 : i32
        %dma_start3A_261 = tpu.memref_slice %arg8[%rem3A_245, %dma_start3A_260] : memref<4x128xi32, #tpu.memory_space<vmem>> -> memref<1x128xi32, #tpu.memory_space<vmem>>
        %dma_start3A_262 = tpu.memref_squeeze %dma_start3A_261 : memref<1x128xi32, #tpu.memory_space<vmem>> -> memref<128xi32, #tpu.memory_space<vmem>>
        %dma_start3A_263 = tpu.memref_slice %arg3[%mul3A_253] : memref<160000xi32, #tpu.memory_space<hbm>> -> memref<128xi32, #tpu.memory_space<hbm>>
        tpu.enqueue_dma source(%dma_start3A_263 : memref<128xi32, #tpu.memory_space<hbm>>) target(%dma_start3A_262 : memref<128xi32, #tpu.memory_space<vmem>>) target_semaphore(%dma_start3A_259 : memref<!tpu.dma_semaphore, #tpu.memory_space<semaphore_mem>>)
        %add3A_264 = arith.constant 2 : i32
        %add3A_265 = arith.addi %while3A_164, %add3A_264 : i32
        %rem3A_266 = arith.constant 4 : i32
        %rem3A_267 = arith.remsi %add3A_265, %rem3A_266 : i32
        %mul3A_268 = arith.constant 625 : i32
        %mul3A_269 = arith.muli %arg0, %mul3A_268 : i32
        %add3A_270 = arith.addi %mul3A_269, %arg1 : i32
        %mul3A_271 = arith.constant 16 : i32
        %mul3A_272 = arith.muli %mul3A_271, %add3A_265 : i32
        %add3A_273 = arith.addi %add3A_270, %mul3A_272 : i32
        %mul3A_274 = arith.constant 128 : i32
        %mul3A_275 = arith.muli %add3A_273, %mul3A_274 : i32
        %dma_start3A_276 = arith.constant 0 : i32
        %dma_start3A_277 = arith.constant 0 : i32
        %dma_start3A_278 = tpu.memref_slice %arg9[%rem3A_267, %dma_start3A_276, %dma_start3A_277] : memref<4x128x16xf32, #tpu.memory_space<vmem>> -> memref<1x128x16xf32, #tpu.memory_space<vmem>>
        %dma_start3A_279 = tpu.memref_squeeze %dma_start3A_278 : memref<1x128x16xf32, #tpu.memory_space<vmem>> -> memref<128x16xf32, #tpu.memory_space<vmem>>
        %dma_start3A_280 = arith.constant 0 : i32
        %dma_start3A_281 = tpu.memref_slice %arg2[%mul3A_275, %dma_start3A_280] : memref<160000x16xf32, #tpu.memory_space<hbm>> -> memref<128x16xf32, #tpu.memory_space<hbm>>
        %dma_start3A_282 = tpu.memref_slice %arg12[%rem3A_267] : memref<4x!tpu.dma_semaphore, #tpu.memory_space<semaphore_mem>> -> memref<1x!tpu.dma_semaphore, #tpu.memory_space<semaphore_mem>>
        %dma_start3A_283 = tpu.memref_squeeze %dma_start3A_282 : memref<1x!tpu.dma_semaphore, #tpu.memory_space<semaphore_mem>> -> memref<!tpu.dma_semaphore, #tpu.memory_space<semaphore_mem>>
        %dma_start3A_284 = arith.constant 0 : i32
        %dma_start3A_285 = arith.constant 0 : i32
        %dma_start3A_286 = tpu.memref_slice %arg9[%rem3A_267, %dma_start3A_284, %dma_start3A_285] : memref<4x128x16xf32, #tpu.memory_space<vmem>> -> memref<1x128x16xf32, #tpu.memory_space<vmem>>
        %dma_start3A_287 = tpu.memref_squeeze %dma_start3A_286 : memref<1x128x16xf32, #tpu.memory_space<vmem>> -> memref<128x16xf32, #tpu.memory_space<vmem>>
        %dma_start3A_288 = arith.constant 0 : i32
        %dma_start3A_289 = tpu.memref_slice %arg2[%mul3A_275, %dma_start3A_288] : memref<160000x16xf32, #tpu.memory_space<hbm>> -> memref<128x16xf32, #tpu.memory_space<hbm>>
        tpu.enqueue_dma source(%dma_start3A_289 : memref<128x16xf32, #tpu.memory_space<hbm>>) target(%dma_start3A_287 : memref<128x16xf32, #tpu.memory_space<vmem>>) target_semaphore(%dma_start3A_283 : memref<!tpu.dma_semaphore, #tpu.memory_space<semaphore_mem>>)
      } else {
      }
      %rem3A_176 = arith.constant 4 : i32
      %rem3A_177 = arith.remsi %while3A_164, %rem3A_176 : i32
      %mul3A_178 = arith.constant 625 : i32
      %mul3A_179 = arith.muli %arg0, %mul3A_178 : i32
      %add3A_180 = arith.addi %mul3A_179, %arg1 : i32
      %mul3A_181 = arith.constant 16 : i32
      %mul3A_182 = arith.muli %mul3A_181, %while3A_164 : i32
      %add3A_183 = arith.addi %add3A_180, %mul3A_182 : i32
      %mul3A_184 = arith.constant 128 : i32
      %mul3A_185 = arith.muli %add3A_183, %mul3A_184 : i32
      %dma_wait3A_186 = arith.constant 0 : i32
      %dma_wait3A_187 = tpu.memref_slice %arg8[%rem3A_177, %dma_wait3A_186] : memref<4x128xi32, #tpu.memory_space<vmem>> -> memref<1x128xi32, #tpu.memory_space<vmem>>
      %dma_wait3A_188 = tpu.memref_squeeze %dma_wait3A_187 : memref<1x128xi32, #tpu.memory_space<vmem>> -> memref<128xi32, #tpu.memory_space<vmem>>
      %dma_wait3A_189 = tpu.memref_slice %arg3[%mul3A_185] : memref<160000xi32, #tpu.memory_space<hbm>> -> memref<128xi32, #tpu.memory_space<hbm>>
      %dma_wait3A_190 = tpu.memref_slice %arg11[%rem3A_177] : memref<4x!tpu.dma_semaphore, #tpu.memory_space<semaphore_mem>> -> memref<1x!tpu.dma_semaphore, #tpu.memory_space<semaphore_mem>>
      %dma_wait3A_191 = tpu.memref_squeeze %dma_wait3A_190 : memref<1x!tpu.dma_semaphore, #tpu.memory_space<semaphore_mem>> -> memref<!tpu.dma_semaphore, #tpu.memory_space<semaphore_mem>>
      %dma_wait3A_192 = arith.constant 0 : i32
      %dma_wait3A_193 = tpu.memref_slice %arg8[%rem3A_177, %dma_wait3A_192] : memref<4x128xi32, #tpu.memory_space<vmem>> -> memref<1x128xi32, #tpu.memory_space<vmem>>
      %dma_wait3A_194 = tpu.memref_squeeze %dma_wait3A_193 : memref<1x128xi32, #tpu.memory_space<vmem>> -> memref<128xi32, #tpu.memory_space<vmem>>
      %dma_wait3A_195 = tpu.memref_slice %arg3[%mul3A_185] : memref<160000xi32, #tpu.memory_space<hbm>> -> memref<128xi32, #tpu.memory_space<hbm>>
      tpu.wait_dma2 semaphore(%dma_wait3A_191 : memref<!tpu.dma_semaphore, #tpu.memory_space<semaphore_mem>>) src(%dma_wait3A_195 : memref<128xi32, #tpu.memory_space<hbm>>) dst(%dma_wait3A_194 : memref<128xi32, #tpu.memory_space<vmem>>)
      %rem3A_196 = arith.constant 4 : i32
      %rem3A_197 = arith.remsi %while3A_164, %rem3A_196 : i32
      %mul3A_198 = arith.constant 625 : i32
      %mul3A_199 = arith.muli %arg0, %mul3A_198 : i32
      %add3A_200 = arith.addi %mul3A_199, %arg1 : i32
      %mul3A_201 = arith.constant 16 : i32
      %mul3A_202 = arith.muli %mul3A_201, %while3A_164 : i32
      %add3A_203 = arith.addi %add3A_200, %mul3A_202 : i32
      %mul3A_204 = arith.constant 128 : i32
      %mul3A_205 = arith.muli %add3A_203, %mul3A_204 : i32
      %dma_wait3A_206 = arith.constant 0 : i32
      %dma_wait3A_207 = arith.constant 0 : i32
      %dma_wait3A_208 = tpu.memref_slice %arg9[%rem3A_197, %dma_wait3A_206, %dma_wait3A_207] : memref<4x128x16xf32, #tpu.memory_space<vmem>> -> memref<1x128x16xf32, #tpu.memory_space<vmem>>
      %dma_wait3A_209 = tpu.memref_squeeze %dma_wait3A_208 : memref<1x128x16xf32, #tpu.memory_space<vmem>> -> memref<128x16xf32, #tpu.memory_space<vmem>>
      %dma_wait3A_210 = arith.constant 0 : i32
      %dma_wait3A_211 = tpu.memref_slice %arg2[%mul3A_205, %dma_wait3A_210] : memref<160000x16xf32, #tpu.memory_space<hbm>> -> memref<128x16xf32, #tpu.memory_space<hbm>>
      %dma_wait3A_212 = tpu.memref_slice %arg12[%rem3A_197] : memref<4x!tpu.dma_semaphore, #tpu.memory_space<semaphore_mem>> -> memref<1x!tpu.dma_semaphore, #tpu.memory_space<semaphore_mem>>
      %dma_wait3A_213 = tpu.memref_squeeze %dma_wait3A_212 : memref<1x!tpu.dma_semaphore, #tpu.memory_space<semaphore_mem>> -> memref<!tpu.dma_semaphore, #tpu.memory_space<semaphore_mem>>
      %dma_wait3A_214 = arith.constant 0 : i32
      %dma_wait3A_215 = arith.constant 0 : i32
      %dma_wait3A_216 = tpu.memref_slice %arg9[%rem3A_197, %dma_wait3A_214, %dma_wait3A_215] : memref<4x128x16xf32, #tpu.memory_space<vmem>> -> memref<1x128x16xf32, #tpu.memory_space<vmem>>
      %dma_wait3A_217 = tpu.memref_squeeze %dma_wait3A_216 : memref<1x128x16xf32, #tpu.memory_space<vmem>> -> memref<128x16xf32, #tpu.memory_space<vmem>>
      %dma_wait3A_218 = arith.constant 0 : i32
      %dma_wait3A_219 = tpu.memref_slice %arg2[%mul3A_205, %dma_wait3A_218] : memref<160000x16xf32, #tpu.memory_space<hbm>> -> memref<128x16xf32, #tpu.memory_space<hbm>>
      tpu.wait_dma2 semaphore(%dma_wait3A_213 : memref<!tpu.dma_semaphore, #tpu.memory_space<semaphore_mem>>) src(%dma_wait3A_219 : memref<128x16xf32, #tpu.memory_space<hbm>>) dst(%dma_wait3A_217 : memref<128x16xf32, #tpu.memory_space<vmem>>)
      %rem3A_220 = arith.constant 4 : i32
      %rem3A_221 = arith.remsi %while3A_164, %rem3A_220 : i32
      %dma_start3A_222 = arith.constant 0 : i32
      %dma_start3A_223 = arith.constant 0 : i32
      %dma_start3A_224 = tpu.memref_slice %arg9[%rem3A_221, %dma_start3A_222, %dma_start3A_223] : memref<4x128x16xf32, #tpu.memory_space<vmem>> -> memref<1x128x16xf32, #tpu.memory_space<vmem>>
      %dma_start3A_225 = tpu.memref_squeeze %dma_start3A_224 : memref<1x128x16xf32, #tpu.memory_space<vmem>> -> memref<128x16xf32, #tpu.memory_space<vmem>>
      %dma_start3A_226 = arith.constant 0 : i32
      %dma_start3A_227 = tpu.memref_slice %arg8[%rem3A_221, %dma_start3A_226] : memref<4x128xi32, #tpu.memory_space<vmem>> -> memref<1x128xi32, #tpu.memory_space<vmem>>
      %dma_start3A_228 = tpu.memref_squeeze %dma_start3A_227 : memref<1x128xi32, #tpu.memory_space<vmem>> -> memref<128xi32, #tpu.memory_space<vmem>>
      %dma_start3A_229 = arith.constant 0 : i32
      %dma_start3A_230 = arith.constant 0 : i32
      %dma_start3A_231 = tpu.memref_slice %arg6[%dma_start3A_229, %dma_start3A_230] : memref<10240x16xf32, #tpu.memory_space<vmem_shared>> -> memref<10240x16xf32, #tpu.memory_space<vmem_shared>>
      %dma_start3A_232 = tpu.memref_slice %arg13[%rem3A_221] : memref<4x!tpu.dma_semaphore, #tpu.memory_space<semaphore_mem>> -> memref<1x!tpu.dma_semaphore, #tpu.memory_space<semaphore_mem>>
      %dma_start3A_233 = tpu.memref_squeeze %dma_start3A_232 : memref<1x!tpu.dma_semaphore, #tpu.memory_space<semaphore_mem>> -> memref<!tpu.dma_semaphore, #tpu.memory_space<semaphore_mem>>
      tpu.enqueue_indirect_dma source(%dma_start3A_225 : memref<128x16xf32, #tpu.memory_space<vmem>>) target(%dma_start3A_231 : memref<10240x16xf32, #tpu.memory_space<vmem_shared>>) offsets(%dma_start3A_228 : memref<128xi32, #tpu.memory_space<vmem>>) semaphore(%dma_start3A_233 : memref<!tpu.dma_semaphore, #tpu.memory_space<semaphore_mem>>) {add = true}
      %dma_start3A_234 = arith.constant 0 : i32
      %dma_start3A_235 = tpu.memref_slice %arg8[%rem3A_221, %dma_start3A_234] : memref<4x128xi32, #tpu.memory_space<vmem>> -> memref<1x128xi32, #tpu.memory_space<vmem>>
      %dma_start3A_236 = tpu.memref_squeeze %dma_start3A_235 : memref<1x128xi32, #tpu.memory_space<vmem>> -> memref<128xi32, #tpu.memory_space<vmem>>
      %dma_start3A_237 = arith.constant 0 : i32
      %dma_start3A_238 = arith.constant 0 : i32
      %dma_start3A_239 = tpu.memref_slice %arg7[%dma_start3A_237, %dma_start3A_238] : memref<10240x16xf32, #tpu.memory_space<vmem_shared>> -> memref<10240x16xf32, #tpu.memory_space<vmem_shared>>
      %dma_start3A_240 = tpu.memref_slice %arg14[%rem3A_221] : memref<4x!tpu.dma_semaphore, #tpu.memory_space<semaphore_mem>> -> memref<1x!tpu.dma_semaphore, #tpu.memory_space<semaphore_mem>>
      %dma_start3A_241 = tpu.memref_squeeze %dma_start3A_240 : memref<1x!tpu.dma_semaphore, #tpu.memory_space<semaphore_mem>> -> memref<!tpu.dma_semaphore, #tpu.memory_space<semaphore_mem>>
      tpu.enqueue_indirect_dma source(%arg10 : memref<128x16xf32, #tpu.memory_space<vmem>>) target(%dma_start3A_239 : memref<10240x16xf32, #tpu.memory_space<vmem_shared>>) offsets(%dma_start3A_236 : memref<128xi32, #tpu.memory_space<vmem>>) semaphore(%dma_start3A_241 : memref<!tpu.dma_semaphore, #tpu.memory_space<semaphore_mem>>) {add = true}
    }
    %while3A_127 = arith.constant 1 : i32
    scf.for %while3A_164 = %while3A_125 to %while3A_121 step %while3A_127  : i32 {
      %ge3A_165 = arith.constant 2 : i32
      %ge3A_166 = arith.cmpi sge, %while3A_164, %ge3A_165 : i32
      %convert_element_type3A_167 = arith.extui %ge3A_166 : i1 to i32
      %cond3A_168 = arith.constant 0 : i32
      %cond3A_169 = arith.cmpi ne, %convert_element_type3A_167, %cond3A_168 : i32
      scf.if %cond3A_169 {
        %sub3A_242 = arith.constant 2 : i32
        %sub3A_243 = arith.subi %while3A_164, %sub3A_242 : i32
        %rem3A_244 = arith.constant 4 : i32
        %rem3A_245 = arith.remsi %sub3A_243, %rem3A_244 : i32
        %dma_wait3A_246 = arith.constant 0 : i32
        %dma_wait3A_247 = arith.constant 0 : i32
        %dma_wait3A_248 = tpu.memref_slice %arg9[%rem3A_245, %dma_wait3A_246, %dma_wait3A_247] : memref<4x128x16xf32, #tpu.memory_space<vmem>> -> memref<1x128x16xf32, #tpu.memory_space<vmem>>
        %dma_wait3A_249 = tpu.memref_squeeze %dma_wait3A_248 : memref<1x128x16xf32, #tpu.memory_space<vmem>> -> memref<128x16xf32, #tpu.memory_space<vmem>>
        %dma_wait3A_250 = arith.constant 0 : i32
        %dma_wait3A_251 = tpu.memref_slice %arg8[%rem3A_245, %dma_wait3A_250] : memref<4x128xi32, #tpu.memory_space<vmem>> -> memref<1x128xi32, #tpu.memory_space<vmem>>
        %dma_wait3A_252 = tpu.memref_squeeze %dma_wait3A_251 : memref<1x128xi32, #tpu.memory_space<vmem>> -> memref<128xi32, #tpu.memory_space<vmem>>
        %dma_wait3A_253 = arith.constant 0 : i32
        %dma_wait3A_254 = arith.constant 0 : i32
        %dma_wait3A_255 = tpu.memref_slice %arg6[%dma_wait3A_253, %dma_wait3A_254] : memref<10240x16xf32, #tpu.memory_space<vmem_shared>> -> memref<10240x16xf32, #tpu.memory_space<vmem_shared>>
        %dma_wait3A_256 = tpu.memref_slice %arg13[%rem3A_245] : memref<4x!tpu.dma_semaphore, #tpu.memory_space<semaphore_mem>> -> memref<1x!tpu.dma_semaphore, #tpu.memory_space<semaphore_mem>>
        %dma_wait3A_257 = tpu.memref_squeeze %dma_wait3A_256 : memref<1x!tpu.dma_semaphore, #tpu.memory_space<semaphore_mem>> -> memref<!tpu.dma_semaphore, #tpu.memory_space<semaphore_mem>>
        tpu.wait_indirect_dma semaphore(%dma_wait3A_257 : memref<!tpu.dma_semaphore, #tpu.memory_space<semaphore_mem>>) src(%dma_wait3A_249 : memref<128x16xf32, #tpu.memory_space<vmem>>) dst(%dma_wait3A_255 : memref<10240x16xf32, #tpu.memory_space<vmem_shared>>)
        %dma_wait3A_258 = arith.constant 0 : i32
        %dma_wait3A_259 = tpu.memref_slice %arg8[%rem3A_245, %dma_wait3A_258] : memref<4x128xi32, #tpu.memory_space<vmem>> -> memref<1x128xi32, #tpu.memory_space<vmem>>
        %dma_wait3A_260 = tpu.memref_squeeze %dma_wait3A_259 : memref<1x128xi32, #tpu.memory_space<vmem>> -> memref<128xi32, #tpu.memory_space<vmem>>
        %dma_wait3A_261 = arith.constant 0 : i32
        %dma_wait3A_262 = arith.constant 0 : i32
        %dma_wait3A_263 = tpu.memref_slice %arg7[%dma_wait3A_261, %dma_wait3A_262] : memref<10240x16xf32, #tpu.memory_space<vmem_shared>> -> memref<10240x16xf32, #tpu.memory_space<vmem_shared>>
        %dma_wait3A_264 = tpu.memref_slice %arg14[%rem3A_245] : memref<4x!tpu.dma_semaphore, #tpu.memory_space<semaphore_mem>> -> memref<1x!tpu.dma_semaphore, #tpu.memory_space<semaphore_mem>>
        %dma_wait3A_265 = tpu.memref_squeeze %dma_wait3A_264 : memref<1x!tpu.dma_semaphore, #tpu.memory_space<semaphore_mem>> -> memref<!tpu.dma_semaphore, #tpu.memory_space<semaphore_mem>>
        tpu.wait_indirect_dma semaphore(%dma_wait3A_265 : memref<!tpu.dma_semaphore, #tpu.memory_space<semaphore_mem>>) src(%arg10 : memref<128x16xf32, #tpu.memory_space<vmem>>) dst(%dma_wait3A_263 : memref<10240x16xf32, #tpu.memory_space<vmem_shared>>)
      } else {
      }
      %add3A_170 = arith.constant 2 : i32
      %add3A_171 = arith.addi %while3A_164, %add3A_170 : i32
      %lt3A_172 = arith.cmpi slt, %add3A_171, %add3A_32 : i32
      %convert_element_type3A_173 = arith.extui %lt3A_172 : i1 to i32
      %cond3A_174 = arith.constant 0 : i32
      %cond3A_175 = arith.cmpi ne, %convert_element_type3A_173, %cond3A_174 : i32
      scf.if %cond3A_175 {
        %add3A_242 = arith.constant 2 : i32
        %add3A_243 = arith.addi %while3A_164, %add3A_242 : i32
        %rem3A_244 = arith.constant 4 : i32
        %rem3A_245 = arith.remsi %add3A_243, %rem3A_244 : i32
        %mul3A_246 = arith.constant 625 : i32
        %mul3A_247 = arith.muli %arg0, %mul3A_246 : i32
        %add3A_248 = arith.addi %mul3A_247, %arg1 : i32
        %mul3A_249 = arith.constant 16 : i32
        %mul3A_250 = arith.muli %mul3A_249, %add3A_243 : i32
        %add3A_251 = arith.addi %add3A_248, %mul3A_250 : i32
        %mul3A_252 = arith.constant 128 : i32
        %mul3A_253 = arith.muli %add3A_251, %mul3A_252 : i32
        %dma_start3A_254 = arith.constant 0 : i32
        %dma_start3A_255 = tpu.memref_slice %arg8[%rem3A_245, %dma_start3A_254] : memref<4x128xi32, #tpu.memory_space<vmem>> -> memref<1x128xi32, #tpu.memory_space<vmem>>
        %dma_start3A_256 = tpu.memref_squeeze %dma_start3A_255 : memref<1x128xi32, #tpu.memory_space<vmem>> -> memref<128xi32, #tpu.memory_space<vmem>>
        %dma_start3A_257 = tpu.memref_slice %arg3[%mul3A_253] : memref<160000xi32, #tpu.memory_space<hbm>> -> memref<128xi32, #tpu.memory_space<hbm>>
        %dma_start3A_258 = tpu.memref_slice %arg11[%rem3A_245] : memref<4x!tpu.dma_semaphore, #tpu.memory_space<semaphore_mem>> -> memref<1x!tpu.dma_semaphore, #tpu.memory_space<semaphore_mem>>
        %dma_start3A_259 = tpu.memref_squeeze %dma_start3A_258 : memref<1x!tpu.dma_semaphore, #tpu.memory_space<semaphore_mem>> -> memref<!tpu.dma_semaphore, #tpu.memory_space<semaphore_mem>>
        %dma_start3A_260 = arith.constant 0 : i32
        %dma_start3A_261 = tpu.memref_slice %arg8[%rem3A_245, %dma_start3A_260] : memref<4x128xi32, #tpu.memory_space<vmem>> -> memref<1x128xi32, #tpu.memory_space<vmem>>
        %dma_start3A_262 = tpu.memref_squeeze %dma_start3A_261 : memref<1x128xi32, #tpu.memory_space<vmem>> -> memref<128xi32, #tpu.memory_space<vmem>>
        %dma_start3A_263 = tpu.memref_slice %arg3[%mul3A_253] : memref<160000xi32, #tpu.memory_space<hbm>> -> memref<128xi32, #tpu.memory_space<hbm>>
        tpu.enqueue_dma source(%dma_start3A_263 : memref<128xi32, #tpu.memory_space<hbm>>) target(%dma_start3A_262 : memref<128xi32, #tpu.memory_space<vmem>>) target_semaphore(%dma_start3A_259 : memref<!tpu.dma_semaphore, #tpu.memory_space<semaphore_mem>>)
        %add3A_264 = arith.constant 2 : i32
        %add3A_265 = arith.addi %while3A_164, %add3A_264 : i32
        %rem3A_266 = arith.constant 4 : i32
        %rem3A_267 = arith.remsi %add3A_265, %rem3A_266 : i32
        %mul3A_268 = arith.constant 625 : i32
        %mul3A_269 = arith.muli %arg0, %mul3A_268 : i32
        %add3A_270 = arith.addi %mul3A_269, %arg1 : i32
        %mul3A_271 = arith.constant 16 : i32
        %mul3A_272 = arith.muli %mul3A_271, %add3A_265 : i32
        %add3A_273 = arith.addi %add3A_270, %mul3A_272 : i32
        %mul3A_274 = arith.constant 128 : i32
        %mul3A_275 = arith.muli %add3A_273, %mul3A_274 : i32
        %dma_start3A_276 = arith.constant 0 : i32
        %dma_start3A_277 = arith.constant 0 : i32
        %dma_start3A_278 = tpu.memref_slice %arg9[%rem3A_267, %dma_start3A_276, %dma_start3A_277] : memref<4x128x16xf32, #tpu.memory_space<vmem>> -> memref<1x128x16xf32, #tpu.memory_space<vmem>>
        %dma_start3A_279 = tpu.memref_squeeze %dma_start3A_278 : memref<1x128x16xf32, #tpu.memory_space<vmem>> -> memref<128x16xf32, #tpu.memory_space<vmem>>
        %dma_start3A_280 = arith.constant 0 : i32
        %dma_start3A_281 = tpu.memref_slice %arg2[%mul3A_275, %dma_start3A_280] : memref<160000x16xf32, #tpu.memory_space<hbm>> -> memref<128x16xf32, #tpu.memory_space<hbm>>
        %dma_start3A_282 = tpu.memref_slice %arg12[%rem3A_267] : memref<4x!tpu.dma_semaphore, #tpu.memory_space<semaphore_mem>> -> memref<1x!tpu.dma_semaphore, #tpu.memory_space<semaphore_mem>>
        %dma_start3A_283 = tpu.memref_squeeze %dma_start3A_282 : memref<1x!tpu.dma_semaphore, #tpu.memory_space<semaphore_mem>> -> memref<!tpu.dma_semaphore, #tpu.memory_space<semaphore_mem>>
        %dma_start3A_284 = arith.constant 0 : i32
        %dma_start3A_285 = arith.constant 0 : i32
        %dma_start3A_286 = tpu.memref_slice %arg9[%rem3A_267, %dma_start3A_284, %dma_start3A_285] : memref<4x128x16xf32, #tpu.memory_space<vmem>> -> memref<1x128x16xf32, #tpu.memory_space<vmem>>
        %dma_start3A_287 = tpu.memref_squeeze %dma_start3A_286 : memref<1x128x16xf32, #tpu.memory_space<vmem>> -> memref<128x16xf32, #tpu.memory_space<vmem>>
        %dma_start3A_288 = arith.constant 0 : i32
        %dma_start3A_289 = tpu.memref_slice %arg2[%mul3A_275, %dma_start3A_288] : memref<160000x16xf32, #tpu.memory_space<hbm>> -> memref<128x16xf32, #tpu.memory_space<hbm>>
        tpu.enqueue_dma source(%dma_start3A_289 : memref<128x16xf32, #tpu.memory_space<hbm>>) target(%dma_start3A_287 : memref<128x16xf32, #tpu.memory_space<vmem>>) target_semaphore(%dma_start3A_283 : memref<!tpu.dma_semaphore, #tpu.memory_space<semaphore_mem>>)
      } else {
      }
      %rem3A_176 = arith.constant 4 : i32
      %rem3A_177 = arith.remsi %while3A_164, %rem3A_176 : i32
      %mul3A_178 = arith.constant 625 : i32
      %mul3A_179 = arith.muli %arg0, %mul3A_178 : i32
      %add3A_180 = arith.addi %mul3A_179, %arg1 : i32
      %mul3A_181 = arith.constant 16 : i32
      %mul3A_182 = arith.muli %mul3A_181, %while3A_164 : i32
      %add3A_183 = arith.addi %add3A_180, %mul3A_182 : i32
      %mul3A_184 = arith.constant 128 : i32
      %mul3A_185 = arith.muli %add3A_183, %mul3A_184 : i32
      %dma_wait3A_186 = arith.constant 0 : i32
      %dma_wait3A_187 = tpu.memref_slice %arg8[%rem3A_177, %dma_wait3A_186] : memref<4x128xi32, #tpu.memory_space<vmem>> -> memref<1x128xi32, #tpu.memory_space<vmem>>
      %dma_wait3A_188 = tpu.memref_squeeze %dma_wait3A_187 : memref<1x128xi32, #tpu.memory_space<vmem>> -> memref<128xi32, #tpu.memory_space<vmem>>
      %dma_wait3A_189 = tpu.memref_slice %arg3[%mul3A_185] : memref<160000xi32, #tpu.memory_space<hbm>> -> memref<128xi32, #tpu.memory_space<hbm>>
      %dma_wait3A_190 = tpu.memref_slice %arg11[%rem3A_177] : memref<4x!tpu.dma_semaphore, #tpu.memory_space<semaphore_mem>> -> memref<1x!tpu.dma_semaphore, #tpu.memory_space<semaphore_mem>>
      %dma_wait3A_191 = tpu.memref_squeeze %dma_wait3A_190 : memref<1x!tpu.dma_semaphore, #tpu.memory_space<semaphore_mem>> -> memref<!tpu.dma_semaphore, #tpu.memory_space<semaphore_mem>>
      %dma_wait3A_192 = arith.constant 0 : i32
      %dma_wait3A_193 = tpu.memref_slice %arg8[%rem3A_177, %dma_wait3A_192] : memref<4x128xi32, #tpu.memory_space<vmem>> -> memref<1x128xi32, #tpu.memory_space<vmem>>
      %dma_wait3A_194 = tpu.memref_squeeze %dma_wait3A_193 : memref<1x128xi32, #tpu.memory_space<vmem>> -> memref<128xi32, #tpu.memory_space<vmem>>
      %dma_wait3A_195 = tpu.memref_slice %arg3[%mul3A_185] : memref<160000xi32, #tpu.memory_space<hbm>> -> memref<128xi32, #tpu.memory_space<hbm>>
      tpu.wait_dma2 semaphore(%dma_wait3A_191 : memref<!tpu.dma_semaphore, #tpu.memory_space<semaphore_mem>>) src(%dma_wait3A_195 : memref<128xi32, #tpu.memory_space<hbm>>) dst(%dma_wait3A_194 : memref<128xi32, #tpu.memory_space<vmem>>)
      %rem3A_196 = arith.constant 4 : i32
      %rem3A_197 = arith.remsi %while3A_164, %rem3A_196 : i32
      %mul3A_198 = arith.constant 625 : i32
      %mul3A_199 = arith.muli %arg0, %mul3A_198 : i32
      %add3A_200 = arith.addi %mul3A_199, %arg1 : i32
      %mul3A_201 = arith.constant 16 : i32
      %mul3A_202 = arith.muli %mul3A_201, %while3A_164 : i32
      %add3A_203 = arith.addi %add3A_200, %mul3A_202 : i32
      %mul3A_204 = arith.constant 128 : i32
      %mul3A_205 = arith.muli %add3A_203, %mul3A_204 : i32
      %dma_wait3A_206 = arith.constant 0 : i32
      %dma_wait3A_207 = arith.constant 0 : i32
      %dma_wait3A_208 = tpu.memref_slice %arg9[%rem3A_197, %dma_wait3A_206, %dma_wait3A_207] : memref<4x128x16xf32, #tpu.memory_space<vmem>> -> memref<1x128x16xf32, #tpu.memory_space<vmem>>
      %dma_wait3A_209 = tpu.memref_squeeze %dma_wait3A_208 : memref<1x128x16xf32, #tpu.memory_space<vmem>> -> memref<128x16xf32, #tpu.memory_space<vmem>>
      %dma_wait3A_210 = arith.constant 0 : i32
      %dma_wait3A_211 = tpu.memref_slice %arg2[%mul3A_205, %dma_wait3A_210] : memref<160000x16xf32, #tpu.memory_space<hbm>> -> memref<128x16xf32, #tpu.memory_space<hbm>>
      %dma_wait3A_212 = tpu.memref_slice %arg12[%rem3A_197] : memref<4x!tpu.dma_semaphore, #tpu.memory_space<semaphore_mem>> -> memref<1x!tpu.dma_semaphore, #tpu.memory_space<semaphore_mem>>
      %dma_wait3A_213 = tpu.memref_squeeze %dma_wait3A_212 : memref<1x!tpu.dma_semaphore, #tpu.memory_space<semaphore_mem>> -> memref<!tpu.dma_semaphore, #tpu.memory_space<semaphore_mem>>
      %dma_wait3A_214 = arith.constant 0 : i32
      %dma_wait3A_215 = arith.constant 0 : i32
      %dma_wait3A_216 = tpu.memref_slice %arg9[%rem3A_197, %dma_wait3A_214, %dma_wait3A_215] : memref<4x128x16xf32, #tpu.memory_space<vmem>> -> memref<1x128x16xf32, #tpu.memory_space<vmem>>
      %dma_wait3A_217 = tpu.memref_squeeze %dma_wait3A_216 : memref<1x128x16xf32, #tpu.memory_space<vmem>> -> memref<128x16xf32, #tpu.memory_space<vmem>>
      %dma_wait3A_218 = arith.constant 0 : i32
      %dma_wait3A_219 = tpu.memref_slice %arg2[%mul3A_205, %dma_wait3A_218] : memref<160000x16xf32, #tpu.memory_space<hbm>> -> memref<128x16xf32, #tpu.memory_space<hbm>>
      tpu.wait_dma2 semaphore(%dma_wait3A_213 : memref<!tpu.dma_semaphore, #tpu.memory_space<semaphore_mem>>) src(%dma_wait3A_219 : memref<128x16xf32, #tpu.memory_space<hbm>>) dst(%dma_wait3A_217 : memref<128x16xf32, #tpu.memory_space<vmem>>)
      %rem3A_220 = arith.constant 4 : i32
      %rem3A_221 = arith.remsi %while3A_164, %rem3A_220 : i32
      %dma_start3A_222 = arith.constant 0 : i32
      %dma_start3A_223 = arith.constant 0 : i32
      %dma_start3A_224 = tpu.memref_slice %arg9[%rem3A_221, %dma_start3A_222, %dma_start3A_223] : memref<4x128x16xf32, #tpu.memory_space<vmem>> -> memref<1x128x16xf32, #tpu.memory_space<vmem>>
      %dma_start3A_225 = tpu.memref_squeeze %dma_start3A_224 : memref<1x128x16xf32, #tpu.memory_space<vmem>> -> memref<128x16xf32, #tpu.memory_space<vmem>>
      %dma_start3A_226 = arith.constant 0 : i32
      %dma_start3A_227 = tpu.memref_slice %arg8[%rem3A_221, %dma_start3A_226] : memref<4x128xi32, #tpu.memory_space<vmem>> -> memref<1x128xi32, #tpu.memory_space<vmem>>
      %dma_start3A_228 = tpu.memref_squeeze %dma_start3A_227 : memref<1x128xi32, #tpu.memory_space<vmem>> -> memref<128xi32, #tpu.memory_space<vmem>>
      %dma_start3A_229 = arith.constant 0 : i32
      %dma_start3A_230 = arith.constant 0 : i32
      %dma_start3A_231 = tpu.memref_slice %arg6[%dma_start3A_229, %dma_start3A_230] : memref<10240x16xf32, #tpu.memory_space<vmem_shared>> -> memref<10240x16xf32, #tpu.memory_space<vmem_shared>>
      %dma_start3A_232 = tpu.memref_slice %arg13[%rem3A_221] : memref<4x!tpu.dma_semaphore, #tpu.memory_space<semaphore_mem>> -> memref<1x!tpu.dma_semaphore, #tpu.memory_space<semaphore_mem>>
      %dma_start3A_233 = tpu.memref_squeeze %dma_start3A_232 : memref<1x!tpu.dma_semaphore, #tpu.memory_space<semaphore_mem>> -> memref<!tpu.dma_semaphore, #tpu.memory_space<semaphore_mem>>
      tpu.enqueue_indirect_dma source(%dma_start3A_225 : memref<128x16xf32, #tpu.memory_space<vmem>>) target(%dma_start3A_231 : memref<10240x16xf32, #tpu.memory_space<vmem_shared>>) offsets(%dma_start3A_228 : memref<128xi32, #tpu.memory_space<vmem>>) semaphore(%dma_start3A_233 : memref<!tpu.dma_semaphore, #tpu.memory_space<semaphore_mem>>) {add = true}
      %dma_start3A_234 = arith.constant 0 : i32
      %dma_start3A_235 = tpu.memref_slice %arg8[%rem3A_221, %dma_start3A_234] : memref<4x128xi32, #tpu.memory_space<vmem>> -> memref<1x128xi32, #tpu.memory_space<vmem>>
      %dma_start3A_236 = tpu.memref_squeeze %dma_start3A_235 : memref<1x128xi32, #tpu.memory_space<vmem>> -> memref<128xi32, #tpu.memory_space<vmem>>
      %dma_start3A_237 = arith.constant 0 : i32
      %dma_start3A_238 = arith.constant 0 : i32
      %dma_start3A_239 = tpu.memref_slice %arg7[%dma_start3A_237, %dma_start3A_238] : memref<10240x16xf32, #tpu.memory_space<vmem_shared>> -> memref<10240x16xf32, #tpu.memory_space<vmem_shared>>
      %dma_start3A_240 = tpu.memref_slice %arg14[%rem3A_221] : memref<4x!tpu.dma_semaphore, #tpu.memory_space<semaphore_mem>> -> memref<1x!tpu.dma_semaphore, #tpu.memory_space<semaphore_mem>>
      %dma_start3A_241 = tpu.memref_squeeze %dma_start3A_240 : memref<1x!tpu.dma_semaphore, #tpu.memory_space<semaphore_mem>> -> memref<!tpu.dma_semaphore, #tpu.memory_space<semaphore_mem>>
      tpu.enqueue_indirect_dma source(%arg10 : memref<128x16xf32, #tpu.memory_space<vmem>>) target(%dma_start3A_239 : memref<10240x16xf32, #tpu.memory_space<vmem_shared>>) offsets(%dma_start3A_236 : memref<128xi32, #tpu.memory_space<vmem>>) semaphore(%dma_start3A_241 : memref<!tpu.dma_semaphore, #tpu.memory_space<semaphore_mem>>) {add = true}
    }
    %ge3A = arith.constant 2 : i32
    %ge3A_128 = arith.cmpi sge, %add3A_32, %ge3A : i32
    %convert_element_type3A = arith.extui %ge3A_128 : i1 to i32
    %cond3A = arith.constant 0 : i32
    %cond3A_129 = arith.cmpi ne, %convert_element_type3A, %cond3A : i32
    scf.if %cond3A_129 {
      %sub3A_164 = arith.constant 2 : i32
      %sub3A_165 = arith.subi %add3A_32, %sub3A_164 : i32
      %rem3A_166 = arith.constant 4 : i32
      %rem3A_167 = arith.remsi %sub3A_165, %rem3A_166 : i32
      %dma_wait3A_168 = arith.constant 0 : i32
      %dma_wait3A_169 = arith.constant 0 : i32
      %dma_wait3A_170 = tpu.memref_slice %arg9[%rem3A_167, %dma_wait3A_168, %dma_wait3A_169] : memref<4x128x16xf32, #tpu.memory_space<vmem>> -> memref<1x128x16xf32, #tpu.memory_space<vmem>>
      %dma_wait3A_171 = tpu.memref_squeeze %dma_wait3A_170 : memref<1x128x16xf32, #tpu.memory_space<vmem>> -> memref<128x16xf32, #tpu.memory_space<vmem>>
      %dma_wait3A_172 = arith.constant 0 : i32
      %dma_wait3A_173 = tpu.memref_slice %arg8[%rem3A_167, %dma_wait3A_172] : memref<4x128xi32, #tpu.memory_space<vmem>> -> memref<1x128xi32, #tpu.memory_space<vmem>>
      %dma_wait3A_174 = tpu.memref_squeeze %dma_wait3A_173 : memref<1x128xi32, #tpu.memory_space<vmem>> -> memref<128xi32, #tpu.memory_space<vmem>>
      %dma_wait3A_175 = arith.constant 0 : i32
      %dma_wait3A_176 = arith.constant 0 : i32
      %dma_wait3A_177 = tpu.memref_slice %arg6[%dma_wait3A_175, %dma_wait3A_176] : memref<10240x16xf32, #tpu.memory_space<vmem_shared>> -> memref<10240x16xf32, #tpu.memory_space<vmem_shared>>
      %dma_wait3A_178 = tpu.memref_slice %arg13[%rem3A_167] : memref<4x!tpu.dma_semaphore, #tpu.memory_space<semaphore_mem>> -> memref<1x!tpu.dma_semaphore, #tpu.memory_space<semaphore_mem>>
      %dma_wait3A_179 = tpu.memref_squeeze %dma_wait3A_178 : memref<1x!tpu.dma_semaphore, #tpu.memory_space<semaphore_mem>> -> memref<!tpu.dma_semaphore, #tpu.memory_space<semaphore_mem>>
      tpu.wait_indirect_dma semaphore(%dma_wait3A_179 : memref<!tpu.dma_semaphore, #tpu.memory_space<semaphore_mem>>) src(%dma_wait3A_171 : memref<128x16xf32, #tpu.memory_space<vmem>>) dst(%dma_wait3A_177 : memref<10240x16xf32, #tpu.memory_space<vmem_shared>>)
      %dma_wait3A_180 = arith.constant 0 : i32
      %dma_wait3A_181 = tpu.memref_slice %arg8[%rem3A_167, %dma_wait3A_180] : memref<4x128xi32, #tpu.memory_space<vmem>> -> memref<1x128xi32, #tpu.memory_space<vmem>>
      %dma_wait3A_182 = tpu.memref_squeeze %dma_wait3A_181 : memref<1x128xi32, #tpu.memory_space<vmem>> -> memref<128xi32, #tpu.memory_space<vmem>>
      %dma_wait3A_183 = arith.constant 0 : i32
      %dma_wait3A_184 = arith.constant 0 : i32
      %dma_wait3A_185 = tpu.memref_slice %arg7[%dma_wait3A_183, %dma_wait3A_184] : memref<10240x16xf32, #tpu.memory_space<vmem_shared>> -> memref<10240x16xf32, #tpu.memory_space<vmem_shared>>
      %dma_wait3A_186 = tpu.memref_slice %arg14[%rem3A_167] : memref<4x!tpu.dma_semaphore, #tpu.memory_space<semaphore_mem>> -> memref<1x!tpu.dma_semaphore, #tpu.memory_space<semaphore_mem>>
      %dma_wait3A_187 = tpu.memref_squeeze %dma_wait3A_186 : memref<1x!tpu.dma_semaphore, #tpu.memory_space<semaphore_mem>> -> memref<!tpu.dma_semaphore, #tpu.memory_space<semaphore_mem>>
      tpu.wait_indirect_dma semaphore(%dma_wait3A_187 : memref<!tpu.dma_semaphore, #tpu.memory_space<semaphore_mem>>) src(%arg10 : memref<128x16xf32, #tpu.memory_space<vmem>>) dst(%dma_wait3A_185 : memref<10240x16xf32, #tpu.memory_space<vmem_shared>>)
    } else {
    }
    %sub3A = arith.constant 1 : i32
    %sub3A_130 = arith.subi %add3A_32, %sub3A : i32
    %rem3A_131 = arith.constant 4 : i32
    %rem3A_132 = arith.remsi %sub3A_130, %rem3A_131 : i32
    %dma_wait3A = arith.constant 0 : i32
    %dma_wait3A_133 = arith.constant 0 : i32
    %dma_wait3A_134 = tpu.memref_slice %arg9[%rem3A_132, %dma_wait3A, %dma_wait3A_133] : memref<4x128x16xf32, #tpu.memory_space<vmem>> -> memref<1x128x16xf32, #tpu.memory_space<vmem>>
    %dma_wait3A_135 = tpu.memref_squeeze %dma_wait3A_134 : memref<1x128x16xf32, #tpu.memory_space<vmem>> -> memref<128x16xf32, #tpu.memory_space<vmem>>
    %dma_wait3A_136 = arith.constant 0 : i32
    %dma_wait3A_137 = tpu.memref_slice %arg8[%rem3A_132, %dma_wait3A_136] : memref<4x128xi32, #tpu.memory_space<vmem>> -> memref<1x128xi32, #tpu.memory_space<vmem>>
    %dma_wait3A_138 = tpu.memref_squeeze %dma_wait3A_137 : memref<1x128xi32, #tpu.memory_space<vmem>> -> memref<128xi32, #tpu.memory_space<vmem>>
    %dma_wait3A_139 = arith.constant 0 : i32
    %dma_wait3A_140 = arith.constant 0 : i32
    %dma_wait3A_141 = tpu.memref_slice %arg6[%dma_wait3A_139, %dma_wait3A_140] : memref<10240x16xf32, #tpu.memory_space<vmem_shared>> -> memref<10240x16xf32, #tpu.memory_space<vmem_shared>>
    %dma_wait3A_142 = tpu.memref_slice %arg13[%rem3A_132] : memref<4x!tpu.dma_semaphore, #tpu.memory_space<semaphore_mem>> -> memref<1x!tpu.dma_semaphore, #tpu.memory_space<semaphore_mem>>
    %dma_wait3A_143 = tpu.memref_squeeze %dma_wait3A_142 : memref<1x!tpu.dma_semaphore, #tpu.memory_space<semaphore_mem>> -> memref<!tpu.dma_semaphore, #tpu.memory_space<semaphore_mem>>
    tpu.wait_indirect_dma semaphore(%dma_wait3A_143 : memref<!tpu.dma_semaphore, #tpu.memory_space<semaphore_mem>>) src(%dma_wait3A_135 : memref<128x16xf32, #tpu.memory_space<vmem>>) dst(%dma_wait3A_141 : memref<10240x16xf32, #tpu.memory_space<vmem_shared>>)
    %dma_wait3A_144 = arith.constant 0 : i32
    %dma_wait3A_145 = tpu.memref_slice %arg8[%rem3A_132, %dma_wait3A_144] : memref<4x128xi32, #tpu.memory_space<vmem>> -> memref<1x128xi32, #tpu.memory_space<vmem>>
    %dma_wait3A_146 = tpu.memref_squeeze %dma_wait3A_145 : memref<1x128xi32, #tpu.memory_space<vmem>> -> memref<128xi32, #tpu.memory_space<vmem>>
    %dma_wait3A_147 = arith.constant 0 : i32
    %dma_wait3A_148 = arith.constant 0 : i32
    %dma_wait3A_149 = tpu.memref_slice %arg7[%dma_wait3A_147, %dma_wait3A_148] : memref<10240x16xf32, #tpu.memory_space<vmem_shared>> -> memref<10240x16xf32, #tpu.memory_space<vmem_shared>>
    %dma_wait3A_150 = tpu.memref_slice %arg14[%rem3A_132] : memref<4x!tpu.dma_semaphore, #tpu.memory_space<semaphore_mem>> -> memref<1x!tpu.dma_semaphore, #tpu.memory_space<semaphore_mem>>
    %dma_wait3A_151 = tpu.memref_squeeze %dma_wait3A_150 : memref<1x!tpu.dma_semaphore, #tpu.memory_space<semaphore_mem>> -> memref<!tpu.dma_semaphore, #tpu.memory_space<semaphore_mem>>
    tpu.wait_indirect_dma semaphore(%dma_wait3A_151 : memref<!tpu.dma_semaphore, #tpu.memory_space<semaphore_mem>>) src(%arg10 : memref<128x16xf32, #tpu.memory_space<vmem>>) dst(%dma_wait3A_149 : memref<10240x16xf32, #tpu.memory_space<vmem_shared>>)
    %barrier3A_152 = arith.constant 0 : index
    tpu.barrier barrier_id(%barrier3A_152)
    %mul3A_153 = arith.constant 640 : i32
    %mul3A_154 = arith.muli %arg1, %mul3A_153 : i32
    %lt3A_155 = arith.constant 15 : i32
    %lt3A_156 = arith.cmpi slt, %arg1, %lt3A_155 : i32
    %convert_element_type3A_157 = arith.extui %lt3A_156 : i1 to i32
    %cond3A_158 = arith.constant 0 : i32
    %cond3A_159 = arith.cmpi ne, %convert_element_type3A_157, %cond3A_158 : i32
    scf.if %cond3A_159 {
      "tpu.region"() ({
        %run_scoped3A = tpu.sem_alloc : memref<!tpu.dma_semaphore, #tpu.memory_space<semaphore_mem>>
        %dma_start3A_164 = arith.constant 0 : i32
        %dma_start3A_165 = tpu.memref_slice %arg4[%arg0, %mul3A_154, %dma_start3A_164] : memref<2x10000x16xf32, #tpu.memory_space<hbm>> -> memref<1x640x16xf32, #tpu.memory_space<hbm>>
        %dma_start3A_166 = tpu.memref_squeeze %dma_start3A_165 : memref<1x640x16xf32, #tpu.memory_space<hbm>> -> memref<640x16xf32, #tpu.memory_space<hbm>>
        %dma_start3A_167 = arith.constant 0 : i32
        %dma_start3A_168 = tpu.memref_slice %arg6[%mul3A_154, %dma_start3A_167] : memref<10240x16xf32, #tpu.memory_space<vmem_shared>> -> memref<640x16xf32, #tpu.memory_space<vmem_shared>>
        tpu.enqueue_dma source(%dma_start3A_168 : memref<640x16xf32, #tpu.memory_space<vmem_shared>>) target(%dma_start3A_166 : memref<640x16xf32, #tpu.memory_space<hbm>>) target_semaphore(%run_scoped3A : memref<!tpu.dma_semaphore, #tpu.memory_space<semaphore_mem>>)
        %dma_wait3A_169 = arith.constant 0 : i32
        %dma_wait3A_170 = tpu.memref_slice %arg4[%arg0, %mul3A_154, %dma_wait3A_169] : memref<2x10000x16xf32, #tpu.memory_space<hbm>> -> memref<1x640x16xf32, #tpu.memory_space<hbm>>
        %dma_wait3A_171 = tpu.memref_squeeze %dma_wait3A_170 : memref<1x640x16xf32, #tpu.memory_space<hbm>> -> memref<640x16xf32, #tpu.memory_space<hbm>>
        %dma_wait3A_172 = arith.constant 0 : i32
        %dma_wait3A_173 = tpu.memref_slice %arg6[%mul3A_154, %dma_wait3A_172] : memref<10240x16xf32, #tpu.memory_space<vmem_shared>> -> memref<640x16xf32, #tpu.memory_space<vmem_shared>>
        tpu.wait_dma2 semaphore(%run_scoped3A : memref<!tpu.dma_semaphore, #tpu.memory_space<semaphore_mem>>) src(%dma_wait3A_173 : memref<640x16xf32, #tpu.memory_space<vmem_shared>>) dst(%dma_wait3A_171 : memref<640x16xf32, #tpu.memory_space<hbm>>)
        tpu.yield
      }) : () -> ()
      "tpu.region"() ({
        %run_scoped3A = tpu.sem_alloc : memref<!tpu.dma_semaphore, #tpu.memory_space<semaphore_mem>>
        %dma_start3A_164 = arith.constant 0 : i32
        %dma_start3A_165 = tpu.memref_slice %arg5[%arg0, %mul3A_154, %dma_start3A_164] : memref<2x10000x16xf32, #tpu.memory_space<hbm>> -> memref<1x640x16xf32, #tpu.memory_space<hbm>>
        %dma_start3A_166 = tpu.memref_squeeze %dma_start3A_165 : memref<1x640x16xf32, #tpu.memory_space<hbm>> -> memref<640x16xf32, #tpu.memory_space<hbm>>
        %dma_start3A_167 = arith.constant 0 : i32
        %dma_start3A_168 = tpu.memref_slice %arg7[%mul3A_154, %dma_start3A_167] : memref<10240x16xf32, #tpu.memory_space<vmem_shared>> -> memref<640x16xf32, #tpu.memory_space<vmem_shared>>
        tpu.enqueue_dma source(%dma_start3A_168 : memref<640x16xf32, #tpu.memory_space<vmem_shared>>) target(%dma_start3A_166 : memref<640x16xf32, #tpu.memory_space<hbm>>) target_semaphore(%run_scoped3A : memref<!tpu.dma_semaphore, #tpu.memory_space<semaphore_mem>>)
        %dma_wait3A_169 = arith.constant 0 : i32
        %dma_wait3A_170 = tpu.memref_slice %arg5[%arg0, %mul3A_154, %dma_wait3A_169] : memref<2x10000x16xf32, #tpu.memory_space<hbm>> -> memref<1x640x16xf32, #tpu.memory_space<hbm>>
        %dma_wait3A_171 = tpu.memref_squeeze %dma_wait3A_170 : memref<1x640x16xf32, #tpu.memory_space<hbm>> -> memref<640x16xf32, #tpu.memory_space<hbm>>
        %dma_wait3A_172 = arith.constant 0 : i32
        %dma_wait3A_173 = tpu.memref_slice %arg7[%mul3A_154, %dma_wait3A_172] : memref<10240x16xf32, #tpu.memory_space<vmem_shared>> -> memref<640x16xf32, #tpu.memory_space<vmem_shared>>
        tpu.wait_dma2 semaphore(%run_scoped3A : memref<!tpu.dma_semaphore, #tpu.memory_space<semaphore_mem>>) src(%dma_wait3A_173 : memref<640x16xf32, #tpu.memory_space<vmem_shared>>) dst(%dma_wait3A_171 : memref<640x16xf32, #tpu.memory_space<hbm>>)
        tpu.yield
      }) : () -> ()
    } else {
    }
    %eq3A = arith.constant 15 : i32
    %eq3A_160 = arith.cmpi eq, %arg1, %eq3A : i32
    %convert_element_type3A_161 = arith.extui %eq3A_160 : i1 to i32
    %cond3A_162 = arith.constant 0 : i32
    %cond3A_163 = arith.cmpi ne, %convert_element_type3A_161, %cond3A_162 : i32
    scf.if %cond3A_163 {
      "tpu.region"() ({
        %run_scoped3A = tpu.sem_alloc : memref<!tpu.dma_semaphore, #tpu.memory_space<semaphore_mem>>
        %dma_start3A_164 = arith.constant 9600 : i32
        %dma_start3A_165 = arith.constant 0 : i32
        %dma_start3A_166 = tpu.memref_slice %arg4[%arg0, %dma_start3A_164, %dma_start3A_165] : memref<2x10000x16xf32, #tpu.memory_space<hbm>> -> memref<1x400x16xf32, #tpu.memory_space<hbm>>
        %dma_start3A_167 = tpu.memref_squeeze %dma_start3A_166 : memref<1x400x16xf32, #tpu.memory_space<hbm>> -> memref<400x16xf32, #tpu.memory_space<hbm>>
        %dma_start3A_168 = arith.constant 9600 : i32
        %dma_start3A_169 = arith.constant 0 : i32
        %dma_start3A_170 = tpu.memref_slice %arg6[%dma_start3A_168, %dma_start3A_169] : memref<10240x16xf32, #tpu.memory_space<vmem_shared>> -> memref<400x16xf32, #tpu.memory_space<vmem_shared>>
        tpu.enqueue_dma source(%dma_start3A_170 : memref<400x16xf32, #tpu.memory_space<vmem_shared>>) target(%dma_start3A_167 : memref<400x16xf32, #tpu.memory_space<hbm>>) target_semaphore(%run_scoped3A : memref<!tpu.dma_semaphore, #tpu.memory_space<semaphore_mem>>)
        %dma_wait3A_171 = arith.constant 9600 : i32
        %dma_wait3A_172 = arith.constant 0 : i32
        %dma_wait3A_173 = tpu.memref_slice %arg4[%arg0, %dma_wait3A_171, %dma_wait3A_172] : memref<2x10000x16xf32, #tpu.memory_space<hbm>> -> memref<1x400x16xf32, #tpu.memory_space<hbm>>
        %dma_wait3A_174 = tpu.memref_squeeze %dma_wait3A_173 : memref<1x400x16xf32, #tpu.memory_space<hbm>> -> memref<400x16xf32, #tpu.memory_space<hbm>>
        %dma_wait3A_175 = arith.constant 9600 : i32
        %dma_wait3A_176 = arith.constant 0 : i32
        %dma_wait3A_177 = tpu.memref_slice %arg6[%dma_wait3A_175, %dma_wait3A_176] : memref<10240x16xf32, #tpu.memory_space<vmem_shared>> -> memref<400x16xf32, #tpu.memory_space<vmem_shared>>
        tpu.wait_dma2 semaphore(%run_scoped3A : memref<!tpu.dma_semaphore, #tpu.memory_space<semaphore_mem>>) src(%dma_wait3A_177 : memref<400x16xf32, #tpu.memory_space<vmem_shared>>) dst(%dma_wait3A_174 : memref<400x16xf32, #tpu.memory_space<hbm>>)
        tpu.yield
      }) : () -> ()
      "tpu.region"() ({
        %run_scoped3A = tpu.sem_alloc : memref<!tpu.dma_semaphore, #tpu.memory_space<semaphore_mem>>
        %dma_start3A_164 = arith.constant 9600 : i32
        %dma_start3A_165 = arith.constant 0 : i32
        %dma_start3A_166 = tpu.memref_slice %arg5[%arg0, %dma_start3A_164, %dma_start3A_165] : memref<2x10000x16xf32, #tpu.memory_space<hbm>> -> memref<1x400x16xf32, #tpu.memory_space<hbm>>
        %dma_start3A_167 = tpu.memref_squeeze %dma_start3A_166 : memref<1x400x16xf32, #tpu.memory_space<hbm>> -> memref<400x16xf32, #tpu.memory_space<hbm>>
        %dma_start3A_168 = arith.constant 9600 : i32
        %dma_start3A_169 = arith.constant 0 : i32
        %dma_start3A_170 = tpu.memref_slice %arg7[%dma_start3A_168, %dma_start3A_169] : memref<10240x16xf32, #tpu.memory_space<vmem_shared>> -> memref<400x16xf32, #tpu.memory_space<vmem_shared>>
        tpu.enqueue_dma source(%dma_start3A_170 : memref<400x16xf32, #tpu.memory_space<vmem_shared>>) target(%dma_start3A_167 : memref<400x16xf32, #tpu.memory_space<hbm>>) target_semaphore(%run_scoped3A : memref<!tpu.dma_semaphore, #tpu.memory_space<semaphore_mem>>)
        %dma_wait3A_171 = arith.constant 9600 : i32
        %dma_wait3A_172 = arith.constant 0 : i32
        %dma_wait3A_173 = tpu.memref_slice %arg5[%arg0, %dma_wait3A_171, %dma_wait3A_172] : memref<2x10000x16xf32, #tpu.memory_space<hbm>> -> memref<1x400x16xf32, #tpu.memory_space<hbm>>
        %dma_wait3A_174 = tpu.memref_squeeze %dma_wait3A_173 : memref<1x400x16xf32, #tpu.memory_space<hbm>> -> memref<400x16xf32, #tpu.memory_space<hbm>>
        %dma_wait3A_175 = arith.constant 9600 : i32
        %dma_wait3A_176 = arith.constant 0 : i32
        %dma_wait3A_177 = tpu.memref_slice %arg7[%dma_wait3A_175, %dma_wait3A_176] : memref<10240x16xf32, #tpu.memory_space<vmem_shared>> -> memref<400x16xf32, #tpu.memory_space<vmem_shared>>
        tpu.wait_dma2 semaphore(%run_scoped3A : memref<!tpu.dma_semaphore, #tpu.memory_space<semaphore_mem>>) src(%dma_wait3A_177 : memref<400x16xf32, #tpu.memory_space<vmem_shared>>) dst(%dma_wait3A_174 : memref<400x16xf32, #tpu.memory_space<hbm>>)
        tpu.yield
      }) : () -> ()
    } else {
    }
    return
  }
}

#map = affine_map<(d0, d1) -> (0, 0)>
#map1 = affine_map<(d0, d1) -> (0)>
#map2 = affine_map<(d0, d1) -> (0, 0, 0)>
module attributes {stable_mosaic.version = 14 : i64} {
  func.func @_scatter_body(%arg0: i32, %arg1: i32, %arg2: memref<160000x16xf32, #tpu.memory_space<hbm>>, %arg3: memref<160000xi32, #tpu.memory_space<hbm>>, %arg4: memref<2x10000x16xf32, #tpu.memory_space<hbm>>, %arg5: memref<10240x16xf32, #tpu.memory_space<vmem_shared>>, %arg6: memref<4x128xi32, #tpu.memory_space<vmem>>, %arg7: memref<4x128x16xf32, #tpu.memory_space<vmem>>, %arg8: memref<128x16xf32, #tpu.memory_space<vmem>>, %arg9: memref<4x!tpu.dma_semaphore, #tpu.memory_space<semaphore_mem>>, %arg10: memref<4x!tpu.dma_semaphore, #tpu.memory_space<semaphore_mem>>, %arg11: memref<4x!tpu.dma_semaphore, #tpu.memory_space<semaphore_mem>>) attributes {dimension_semantics = [#tpu.dimension_semantics<core_parallel>, #tpu.dimension_semantics<subcore_parallel>], iteration_bounds = array<i64: 2, 16>, scalar_prefetch = 0 : i64, scratch_operands = 7 : i64, tpu.core_type = #tpu.core_type<sc_vector_subcore>, window_params = [{transform_indices = #map}, {transform_indices = #map1}, {transform_indices = #map2}]} {
    %scan3A = arith.constant 0 : i32
    %scan3A_0 = arith.constant 0 : i32
    %scan3A_1 = arith.constant 128 : i32
    %scan3A_2 = arith.addi %scan3A_0, %scan3A_1 : i32
    %scan3A_3 = arith.constant 1 : i32
    scf.for %scan3A_150 = %scan3A_0 to %scan3A_2 step %scan3A_3  : i32 {
      %broadcast_in_dim3A = arith.constant 0.000000e+00 : f32
      %broadcast_in_dim3A_151 = vector.broadcast %broadcast_in_dim3A : f32 to vector<16xf32>
      %swap3A = arith.index_cast %scan3A_150 : i32 to index
      %swap3A_152 = arith.constant 0 : index
      %swap3A_153 = tpu.vector_load %arg8[%swap3A, %swap3A_152] {strides = array<i32>} : memref<128x16xf32, #tpu.memory_space<vmem>>, vector<1x16xf32>,
      %swap3A_154 = vector.shape_cast %swap3A_153 : vector<1x16xf32> to vector<16xf32>
      %swap3A_155 = vector.shape_cast %broadcast_in_dim3A_151 : vector<16xf32> to vector<1x16xf32>
      tpu.vector_store %arg8[%swap3A, %swap3A_152], %swap3A_155 {strides = array<i32>} : memref<128x16xf32, #tpu.memory_space<vmem>>, vector<1x16xf32>,
    }
    %scan3A_4 = arith.constant 128 : i32
    %mul3A = arith.constant 640 : i32
    %mul3A_5 = arith.muli %arg1, %mul3A : i32
    %add3A = arith.constant 0 : i32
    %add3A_6 = arith.addi %mul3A_5, %add3A : i32
    "tpu.region"() ({
      %run_scoped3A = tpu.sem_alloc : memref<!tpu.dma_semaphore, #tpu.memory_space<semaphore_mem>>
      %dma_start3A_150 = arith.constant 0 : i32
      %dma_start3A_151 = tpu.memref_slice %arg5[%add3A_6, %dma_start3A_150] : memref<10240x16xf32, #tpu.memory_space<vmem_shared>> -> memref<128x16xf32, #tpu.memory_space<vmem_shared>>
      %dma_start3A_152 = arith.constant 0 : i32
      %dma_start3A_153 = tpu.memref_slice %arg5[%add3A_6, %dma_start3A_152] : memref<10240x16xf32, #tpu.memory_space<vmem_shared>> -> memref<128x16xf32, #tpu.memory_space<vmem_shared>>
      tpu.enqueue_dma source(%arg8 : memref<128x16xf32, #tpu.memory_space<vmem>>) target(%dma_start3A_153 : memref<128x16xf32, #tpu.memory_space<vmem_shared>>) target_semaphore(%run_scoped3A : memref<!tpu.dma_semaphore, #tpu.memory_space<semaphore_mem>>)
      %dma_wait3A_154 = arith.constant 0 : i32
      %dma_wait3A_155 = tpu.memref_slice %arg5[%add3A_6, %dma_wait3A_154] : memref<10240x16xf32, #tpu.memory_space<vmem_shared>> -> memref<128x16xf32, #tpu.memory_space<vmem_shared>>
      %dma_wait3A_156 = arith.constant 0 : i32
      %dma_wait3A_157 = tpu.memref_slice %arg5[%add3A_6, %dma_wait3A_156] : memref<10240x16xf32, #tpu.memory_space<vmem_shared>> -> memref<128x16xf32, #tpu.memory_space<vmem_shared>>
      tpu.wait_dma2 semaphore(%run_scoped3A : memref<!tpu.dma_semaphore, #tpu.memory_space<semaphore_mem>>) src(%arg8 : memref<128x16xf32, #tpu.memory_space<vmem>>) dst(%dma_wait3A_157 : memref<128x16xf32, #tpu.memory_space<vmem_shared>>)
      tpu.yield
    }) : () -> ()
    %mul3A_7 = arith.constant 640 : i32
    %mul3A_8 = arith.muli %arg1, %mul3A_7 : i32
    %add3A_9 = arith.constant 128 : i32
    %add3A_10 = arith.addi %mul3A_8, %add3A_9 : i32
    "tpu.region"() ({
      %run_scoped3A = tpu.sem_alloc : memref<!tpu.dma_semaphore, #tpu.memory_space<semaphore_mem>>
      %dma_start3A_150 = arith.constant 0 : i32
      %dma_start3A_151 = tpu.memref_slice %arg5[%add3A_10, %dma_start3A_150] : memref<10240x16xf32, #tpu.memory_space<vmem_shared>> -> memref<128x16xf32, #tpu.memory_space<vmem_shared>>
      %dma_start3A_152 = arith.constant 0 : i32
      %dma_start3A_153 = tpu.memref_slice %arg5[%add3A_10, %dma_start3A_152] : memref<10240x16xf32, #tpu.memory_space<vmem_shared>> -> memref<128x16xf32, #tpu.memory_space<vmem_shared>>
      tpu.enqueue_dma source(%arg8 : memref<128x16xf32, #tpu.memory_space<vmem>>) target(%dma_start3A_153 : memref<128x16xf32, #tpu.memory_space<vmem_shared>>) target_semaphore(%run_scoped3A : memref<!tpu.dma_semaphore, #tpu.memory_space<semaphore_mem>>)
      %dma_wait3A_154 = arith.constant 0 : i32
      %dma_wait3A_155 = tpu.memref_slice %arg5[%add3A_10, %dma_wait3A_154] : memref<10240x16xf32, #tpu.memory_space<vmem_shared>> -> memref<128x16xf32, #tpu.memory_space<vmem_shared>>
      %dma_wait3A_156 = arith.constant 0 : i32
      %dma_wait3A_157 = tpu.memref_slice %arg5[%add3A_10, %dma_wait3A_156] : memref<10240x16xf32, #tpu.memory_space<vmem_shared>> -> memref<128x16xf32, #tpu.memory_space<vmem_shared>>
      tpu.wait_dma2 semaphore(%run_scoped3A : memref<!tpu.dma_semaphore, #tpu.memory_space<semaphore_mem>>) src(%arg8 : memref<128x16xf32, #tpu.memory_space<vmem>>) dst(%dma_wait3A_157 : memref<128x16xf32, #tpu.memory_space<vmem_shared>>)
      tpu.yield
    }) : () -> ()
    %mul3A_11 = arith.constant 640 : i32
    %mul3A_12 = arith.muli %arg1, %mul3A_11 : i32
    %add3A_13 = arith.constant 256 : i32
    %add3A_14 = arith.addi %mul3A_12, %add3A_13 : i32
    "tpu.region"() ({
      %run_scoped3A = tpu.sem_alloc : memref<!tpu.dma_semaphore, #tpu.memory_space<semaphore_mem>>
      %dma_start3A_150 = arith.constant 0 : i32
      %dma_start3A_151 = tpu.memref_slice %arg5[%add3A_14, %dma_start3A_150] : memref<10240x16xf32, #tpu.memory_space<vmem_shared>> -> memref<128x16xf32, #tpu.memory_space<vmem_shared>>
      %dma_start3A_152 = arith.constant 0 : i32
      %dma_start3A_153 = tpu.memref_slice %arg5[%add3A_14, %dma_start3A_152] : memref<10240x16xf32, #tpu.memory_space<vmem_shared>> -> memref<128x16xf32, #tpu.memory_space<vmem_shared>>
      tpu.enqueue_dma source(%arg8 : memref<128x16xf32, #tpu.memory_space<vmem>>) target(%dma_start3A_153 : memref<128x16xf32, #tpu.memory_space<vmem_shared>>) target_semaphore(%run_scoped3A : memref<!tpu.dma_semaphore, #tpu.memory_space<semaphore_mem>>)
      %dma_wait3A_154 = arith.constant 0 : i32
      %dma_wait3A_155 = tpu.memref_slice %arg5[%add3A_14, %dma_wait3A_154] : memref<10240x16xf32, #tpu.memory_space<vmem_shared>> -> memref<128x16xf32, #tpu.memory_space<vmem_shared>>
      %dma_wait3A_156 = arith.constant 0 : i32
      %dma_wait3A_157 = tpu.memref_slice %arg5[%add3A_14, %dma_wait3A_156] : memref<10240x16xf32, #tpu.memory_space<vmem_shared>> -> memref<128x16xf32, #tpu.memory_space<vmem_shared>>
      tpu.wait_dma2 semaphore(%run_scoped3A : memref<!tpu.dma_semaphore, #tpu.memory_space<semaphore_mem>>) src(%arg8 : memref<128x16xf32, #tpu.memory_space<vmem>>) dst(%dma_wait3A_157 : memref<128x16xf32, #tpu.memory_space<vmem_shared>>)
      tpu.yield
    }) : () -> ()
    %mul3A_15 = arith.constant 640 : i32
    %mul3A_16 = arith.muli %arg1, %mul3A_15 : i32
    %add3A_17 = arith.constant 384 : i32
    %add3A_18 = arith.addi %mul3A_16, %add3A_17 : i32
    "tpu.region"() ({
      %run_scoped3A = tpu.sem_alloc : memref<!tpu.dma_semaphore, #tpu.memory_space<semaphore_mem>>
      %dma_start3A_150 = arith.constant 0 : i32
      %dma_start3A_151 = tpu.memref_slice %arg5[%add3A_18, %dma_start3A_150] : memref<10240x16xf32, #tpu.memory_space<vmem_shared>> -> memref<128x16xf32, #tpu.memory_space<vmem_shared>>
      %dma_start3A_152 = arith.constant 0 : i32
      %dma_start3A_153 = tpu.memref_slice %arg5[%add3A_18, %dma_start3A_152] : memref<10240x16xf32, #tpu.memory_space<vmem_shared>> -> memref<128x16xf32, #tpu.memory_space<vmem_shared>>
      tpu.enqueue_dma source(%arg8 : memref<128x16xf32, #tpu.memory_space<vmem>>) target(%dma_start3A_153 : memref<128x16xf32, #tpu.memory_space<vmem_shared>>) target_semaphore(%run_scoped3A : memref<!tpu.dma_semaphore, #tpu.memory_space<semaphore_mem>>)
      %dma_wait3A_154 = arith.constant 0 : i32
      %dma_wait3A_155 = tpu.memref_slice %arg5[%add3A_18, %dma_wait3A_154] : memref<10240x16xf32, #tpu.memory_space<vmem_shared>> -> memref<128x16xf32, #tpu.memory_space<vmem_shared>>
      %dma_wait3A_156 = arith.constant 0 : i32
      %dma_wait3A_157 = tpu.memref_slice %arg5[%add3A_18, %dma_wait3A_156] : memref<10240x16xf32, #tpu.memory_space<vmem_shared>> -> memref<128x16xf32, #tpu.memory_space<vmem_shared>>
      tpu.wait_dma2 semaphore(%run_scoped3A : memref<!tpu.dma_semaphore, #tpu.memory_space<semaphore_mem>>) src(%arg8 : memref<128x16xf32, #tpu.memory_space<vmem>>) dst(%dma_wait3A_157 : memref<128x16xf32, #tpu.memory_space<vmem_shared>>)
      tpu.yield
    }) : () -> ()
    %mul3A_19 = arith.constant 640 : i32
    %mul3A_20 = arith.muli %arg1, %mul3A_19 : i32
    %add3A_21 = arith.constant 512 : i32
    %add3A_22 = arith.addi %mul3A_20, %add3A_21 : i32
    "tpu.region"() ({
      %run_scoped3A = tpu.sem_alloc : memref<!tpu.dma_semaphore, #tpu.memory_space<semaphore_mem>>
      %dma_start3A_150 = arith.constant 0 : i32
      %dma_start3A_151 = tpu.memref_slice %arg5[%add3A_22, %dma_start3A_150] : memref<10240x16xf32, #tpu.memory_space<vmem_shared>> -> memref<128x16xf32, #tpu.memory_space<vmem_shared>>
      %dma_start3A_152 = arith.constant 0 : i32
      %dma_start3A_153 = tpu.memref_slice %arg5[%add3A_22, %dma_start3A_152] : memref<10240x16xf32, #tpu.memory_space<vmem_shared>> -> memref<128x16xf32, #tpu.memory_space<vmem_shared>>
      tpu.enqueue_dma source(%arg8 : memref<128x16xf32, #tpu.memory_space<vmem>>) target(%dma_start3A_153 : memref<128x16xf32, #tpu.memory_space<vmem_shared>>) target_semaphore(%run_scoped3A : memref<!tpu.dma_semaphore, #tpu.memory_space<semaphore_mem>>)
      %dma_wait3A_154 = arith.constant 0 : i32
      %dma_wait3A_155 = tpu.memref_slice %arg5[%add3A_22, %dma_wait3A_154] : memref<10240x16xf32, #tpu.memory_space<vmem_shared>> -> memref<128x16xf32, #tpu.memory_space<vmem_shared>>
      %dma_wait3A_156 = arith.constant 0 : i32
      %dma_wait3A_157 = tpu.memref_slice %arg5[%add3A_22, %dma_wait3A_156] : memref<10240x16xf32, #tpu.memory_space<vmem_shared>> -> memref<128x16xf32, #tpu.memory_space<vmem_shared>>
      tpu.wait_dma2 semaphore(%run_scoped3A : memref<!tpu.dma_semaphore, #tpu.memory_space<semaphore_mem>>) src(%arg8 : memref<128x16xf32, #tpu.memory_space<vmem>>) dst(%dma_wait3A_157 : memref<128x16xf32, #tpu.memory_space<vmem_shared>>)
      tpu.yield
    }) : () -> ()
    %barrier3A = arith.constant 0 : index
    tpu.barrier barrier_id(%barrier3A)
    %lt3A = arith.constant 1 : i32
    %lt3A_23 = arith.cmpi slt, %arg1, %lt3A : i32
    %jit3A = arith.constant 1 : i32
    %jit3A_24 = arith.constant 0 : i32
    %select_n3A = arith.select %lt3A_23, %jit3A, %jit3A_24 : i32
    %add3A_25 = arith.constant 39 : i32
    %add3A_26 = arith.addi %add3A_25, %select_n3A : i32
    %rem3A = arith.constant 0 : i32
    %rem3A_27 = arith.constant 4 : i32
    %rem3A_28 = arith.remsi %rem3A, %rem3A_27 : i32
    %mul3A_29 = arith.constant 625 : i32
    %mul3A_30 = arith.muli %arg0, %mul3A_29 : i32
    %add3A_31 = arith.addi %mul3A_30, %arg1 : i32
    %add3A_32 = arith.constant 0 : i32
    %add3A_33 = arith.addi %add3A_31, %add3A_32 : i32
    %mul3A_34 = arith.constant 128 : i32
    %mul3A_35 = arith.muli %add3A_33, %mul3A_34 : i32
    %dma_start3A = arith.constant 0 : i32
    %dma_start3A_36 = tpu.memref_slice %arg6[%rem3A_28, %dma_start3A] : memref<4x128xi32, #tpu.memory_space<vmem>> -> memref<1x128xi32, #tpu.memory_space<vmem>>
    %dma_start3A_37 = tpu.memref_squeeze %dma_start3A_36 : memref<1x128xi32, #tpu.memory_space<vmem>> -> memref<128xi32, #tpu.memory_space<vmem>>
    %dma_start3A_38 = tpu.memref_slice %arg3[%mul3A_35] : memref<160000xi32, #tpu.memory_space<hbm>> -> memref<128xi32, #tpu.memory_space<hbm>>
    %dma_start3A_39 = tpu.memref_slice %arg9[%rem3A_28] : memref<4x!tpu.dma_semaphore, #tpu.memory_space<semaphore_mem>> -> memref<1x!tpu.dma_semaphore, #tpu.memory_space<semaphore_mem>>
    %dma_start3A_40 = tpu.memref_squeeze %dma_start3A_39 : memref<1x!tpu.dma_semaphore, #tpu.memory_space<semaphore_mem>> -> memref<!tpu.dma_semaphore, #tpu.memory_space<semaphore_mem>>
    %dma_start3A_41 = arith.constant 0 : i32
    %dma_start3A_42 = tpu.memref_slice %arg6[%rem3A_28, %dma_start3A_41] : memref<4x128xi32, #tpu.memory_space<vmem>> -> memref<1x128xi32, #tpu.memory_space<vmem>>
    %dma_start3A_43 = tpu.memref_squeeze %dma_start3A_42 : memref<1x128xi32, #tpu.memory_space<vmem>> -> memref<128xi32, #tpu.memory_space<vmem>>
    %dma_start3A_44 = tpu.memref_slice %arg3[%mul3A_35] : memref<160000xi32, #tpu.memory_space<hbm>> -> memref<128xi32, #tpu.memory_space<hbm>>
    tpu.enqueue_dma source(%dma_start3A_44 : memref<128xi32, #tpu.memory_space<hbm>>) target(%dma_start3A_43 : memref<128xi32, #tpu.memory_space<vmem>>) target_semaphore(%dma_start3A_40 : memref<!tpu.dma_semaphore, #tpu.memory_space<semaphore_mem>>)
    %rem3A_45 = arith.constant 0 : i32
    %rem3A_46 = arith.constant 4 : i32
    %rem3A_47 = arith.remsi %rem3A_45, %rem3A_46 : i32
    %mul3A_48 = arith.constant 625 : i32
    %mul3A_49 = arith.muli %arg0, %mul3A_48 : i32
    %add3A_50 = arith.addi %mul3A_49, %arg1 : i32
    %add3A_51 = arith.constant 0 : i32
    %add3A_52 = arith.addi %add3A_50, %add3A_51 : i32
    %mul3A_53 = arith.constant 128 : i32
    %mul3A_54 = arith.muli %add3A_52, %mul3A_53 : i32
    %dma_start3A_55 = arith.constant 0 : i32
    %dma_start3A_56 = arith.constant 0 : i32
    %dma_start3A_57 = tpu.memref_slice %arg7[%rem3A_47, %dma_start3A_55, %dma_start3A_56] : memref<4x128x16xf32, #tpu.memory_space<vmem>> -> memref<1x128x16xf32, #tpu.memory_space<vmem>>
    %dma_start3A_58 = tpu.memref_squeeze %dma_start3A_57 : memref<1x128x16xf32, #tpu.memory_space<vmem>> -> memref<128x16xf32, #tpu.memory_space<vmem>>
    %dma_start3A_59 = arith.constant 0 : i32
    %dma_start3A_60 = tpu.memref_slice %arg2[%mul3A_54, %dma_start3A_59] : memref<160000x16xf32, #tpu.memory_space<hbm>> -> memref<128x16xf32, #tpu.memory_space<hbm>>
    %dma_start3A_61 = tpu.memref_slice %arg10[%rem3A_47] : memref<4x!tpu.dma_semaphore, #tpu.memory_space<semaphore_mem>> -> memref<1x!tpu.dma_semaphore, #tpu.memory_space<semaphore_mem>>
    %dma_start3A_62 = tpu.memref_squeeze %dma_start3A_61 : memref<1x!tpu.dma_semaphore, #tpu.memory_space<semaphore_mem>> -> memref<!tpu.dma_semaphore, #tpu.memory_space<semaphore_mem>>
    %dma_start3A_63 = arith.constant 0 : i32
    %dma_start3A_64 = arith.constant 0 : i32
    %dma_start3A_65 = tpu.memref_slice %arg7[%rem3A_47, %dma_start3A_63, %dma_start3A_64] : memref<4x128x16xf32, #tpu.memory_space<vmem>> -> memref<1x128x16xf32, #tpu.memory_space<vmem>>
    %dma_start3A_66 = tpu.memref_squeeze %dma_start3A_65 : memref<1x128x16xf32, #tpu.memory_space<vmem>> -> memref<128x16xf32, #tpu.memory_space<vmem>>
    %dma_start3A_67 = arith.constant 0 : i32
    %dma_start3A_68 = tpu.memref_slice %arg2[%mul3A_54, %dma_start3A_67] : memref<160000x16xf32, #tpu.memory_space<hbm>> -> memref<128x16xf32, #tpu.memory_space<hbm>>
    tpu.enqueue_dma source(%dma_start3A_68 : memref<128x16xf32, #tpu.memory_space<hbm>>) target(%dma_start3A_66 : memref<128x16xf32, #tpu.memory_space<vmem>>) target_semaphore(%dma_start3A_62 : memref<!tpu.dma_semaphore, #tpu.memory_space<semaphore_mem>>)
    %rem3A_69 = arith.constant 1 : i32
    %rem3A_70 = arith.constant 4 : i32
    %rem3A_71 = arith.remsi %rem3A_69, %rem3A_70 : i32
    %mul3A_72 = arith.constant 625 : i32
    %mul3A_73 = arith.muli %arg0, %mul3A_72 : i32
    %add3A_74 = arith.addi %mul3A_73, %arg1 : i32
    %add3A_75 = arith.constant 16 : i32
    %add3A_76 = arith.addi %add3A_74, %add3A_75 : i32
    %mul3A_77 = arith.constant 128 : i32
    %mul3A_78 = arith.muli %add3A_76, %mul3A_77 : i32
    %dma_start3A_79 = arith.constant 0 : i32
    %dma_start3A_80 = tpu.memref_slice %arg6[%rem3A_71, %dma_start3A_79] : memref<4x128xi32, #tpu.memory_space<vmem>> -> memref<1x128xi32, #tpu.memory_space<vmem>>
    %dma_start3A_81 = tpu.memref_squeeze %dma_start3A_80 : memref<1x128xi32, #tpu.memory_space<vmem>> -> memref<128xi32, #tpu.memory_space<vmem>>
    %dma_start3A_82 = tpu.memref_slice %arg3[%mul3A_78] : memref<160000xi32, #tpu.memory_space<hbm>> -> memref<128xi32, #tpu.memory_space<hbm>>
    %dma_start3A_83 = tpu.memref_slice %arg9[%rem3A_71] : memref<4x!tpu.dma_semaphore, #tpu.memory_space<semaphore_mem>> -> memref<1x!tpu.dma_semaphore, #tpu.memory_space<semaphore_mem>>
    %dma_start3A_84 = tpu.memref_squeeze %dma_start3A_83 : memref<1x!tpu.dma_semaphore, #tpu.memory_space<semaphore_mem>> -> memref<!tpu.dma_semaphore, #tpu.memory_space<semaphore_mem>>
    %dma_start3A_85 = arith.constant 0 : i32
    %dma_start3A_86 = tpu.memref_slice %arg6[%rem3A_71, %dma_start3A_85] : memref<4x128xi32, #tpu.memory_space<vmem>> -> memref<1x128xi32, #tpu.memory_space<vmem>>
    %dma_start3A_87 = tpu.memref_squeeze %dma_start3A_86 : memref<1x128xi32, #tpu.memory_space<vmem>> -> memref<128xi32, #tpu.memory_space<vmem>>
    %dma_start3A_88 = tpu.memref_slice %arg3[%mul3A_78] : memref<160000xi32, #tpu.memory_space<hbm>> -> memref<128xi32, #tpu.memory_space<hbm>>
    tpu.enqueue_dma source(%dma_start3A_88 : memref<128xi32, #tpu.memory_space<hbm>>) target(%dma_start3A_87 : memref<128xi32, #tpu.memory_space<vmem>>) target_semaphore(%dma_start3A_84 : memref<!tpu.dma_semaphore, #tpu.memory_space<semaphore_mem>>)
    %rem3A_89 = arith.constant 1 : i32
    %rem3A_90 = arith.constant 4 : i32
    %rem3A_91 = arith.remsi %rem3A_89, %rem3A_90 : i32
    %mul3A_92 = arith.constant 625 : i32
    %mul3A_93 = arith.muli %arg0, %mul3A_92 : i32
    %add3A_94 = arith.addi %mul3A_93, %arg1 : i32
    %add3A_95 = arith.constant 16 : i32
    %add3A_96 = arith.addi %add3A_94, %add3A_95 : i32
    %mul3A_97 = arith.constant 128 : i32
    %mul3A_98 = arith.muli %add3A_96, %mul3A_97 : i32
    %dma_start3A_99 = arith.constant 0 : i32
    %dma_start3A_100 = arith.constant 0 : i32
    %dma_start3A_101 = tpu.memref_slice %arg7[%rem3A_91, %dma_start3A_99, %dma_start3A_100] : memref<4x128x16xf32, #tpu.memory_space<vmem>> -> memref<1x128x16xf32, #tpu.memory_space<vmem>>
    %dma_start3A_102 = tpu.memref_squeeze %dma_start3A_101 : memref<1x128x16xf32, #tpu.memory_space<vmem>> -> memref<128x16xf32, #tpu.memory_space<vmem>>
    %dma_start3A_103 = arith.constant 0 : i32
    %dma_start3A_104 = tpu.memref_slice %arg2[%mul3A_98, %dma_start3A_103] : memref<160000x16xf32, #tpu.memory_space<hbm>> -> memref<128x16xf32, #tpu.memory_space<hbm>>
    %dma_start3A_105 = tpu.memref_slice %arg10[%rem3A_91] : memref<4x!tpu.dma_semaphore, #tpu.memory_space<semaphore_mem>> -> memref<1x!tpu.dma_semaphore, #tpu.memory_space<semaphore_mem>>
    %dma_start3A_106 = tpu.memref_squeeze %dma_start3A_105 : memref<1x!tpu.dma_semaphore, #tpu.memory_space<semaphore_mem>> -> memref<!tpu.dma_semaphore, #tpu.memory_space<semaphore_mem>>
    %dma_start3A_107 = arith.constant 0 : i32
    %dma_start3A_108 = arith.constant 0 : i32
    %dma_start3A_109 = tpu.memref_slice %arg7[%rem3A_91, %dma_start3A_107, %dma_start3A_108] : memref<4x128x16xf32, #tpu.memory_space<vmem>> -> memref<1x128x16xf32, #tpu.memory_space<vmem>>
    %dma_start3A_110 = tpu.memref_squeeze %dma_start3A_109 : memref<1x128x16xf32, #tpu.memory_space<vmem>> -> memref<128x16xf32, #tpu.memory_space<vmem>>
    %dma_start3A_111 = arith.constant 0 : i32
    %dma_start3A_112 = tpu.memref_slice %arg2[%mul3A_98, %dma_start3A_111] : memref<160000x16xf32, #tpu.memory_space<hbm>> -> memref<128x16xf32, #tpu.memory_space<hbm>>
    tpu.enqueue_dma source(%dma_start3A_112 : memref<128x16xf32, #tpu.memory_space<hbm>>) target(%dma_start3A_110 : memref<128x16xf32, #tpu.memory_space<vmem>>) target_semaphore(%dma_start3A_106 : memref<!tpu.dma_semaphore, #tpu.memory_space<semaphore_mem>>)
    %while3A = arith.constant 0 : i32
    %while3A_113 = arith.constant 0 : i32
    %while3A_114 = arith.subi %add3A_26, %while3A_113 : i32
    %while3A_115 = arith.addi %while3A_113, %while3A_114 : i32
    %while3A_116 = arith.constant 1 : i32
    %while3A_117 = arith.divsi %while3A_114, %while3A_116 : i32
    %while3A_118 = arith.muli %while3A_117, %while3A_116 : i32
    %while3A_119 = arith.addi %while3A_113, %while3A_118 : i32
    %while3A_120 = arith.constant 1 : i32
    scf.for %while3A_150 = %while3A_113 to %while3A_119 step %while3A_120  : i32 {
      %ge3A_151 = arith.constant 2 : i32
      %ge3A_152 = arith.cmpi sge, %while3A_150, %ge3A_151 : i32
      %convert_element_type3A_153 = arith.extui %ge3A_152 : i1 to i32
      %cond3A_154 = arith.constant 0 : i32
      %cond3A_155 = arith.cmpi ne, %convert_element_type3A_153, %cond3A_154 : i32
      scf.if %cond3A_155 {
        %sub3A_220 = arith.constant 2 : i32
        %sub3A_221 = arith.subi %while3A_150, %sub3A_220 : i32
        %rem3A_222 = arith.constant 4 : i32
        %rem3A_223 = arith.remsi %sub3A_221, %rem3A_222 : i32
        %dma_wait3A_224 = arith.constant 0 : i32
        %dma_wait3A_225 = arith.constant 0 : i32
        %dma_wait3A_226 = tpu.memref_slice %arg7[%rem3A_223, %dma_wait3A_224, %dma_wait3A_225] : memref<4x128x16xf32, #tpu.memory_space<vmem>> -> memref<1x128x16xf32, #tpu.memory_space<vmem>>
        %dma_wait3A_227 = tpu.memref_squeeze %dma_wait3A_226 : memref<1x128x16xf32, #tpu.memory_space<vmem>> -> memref<128x16xf32, #tpu.memory_space<vmem>>
        %dma_wait3A_228 = arith.constant 0 : i32
        %dma_wait3A_229 = tpu.memref_slice %arg6[%rem3A_223, %dma_wait3A_228] : memref<4x128xi32, #tpu.memory_space<vmem>> -> memref<1x128xi32, #tpu.memory_space<vmem>>
        %dma_wait3A_230 = tpu.memref_squeeze %dma_wait3A_229 : memref<1x128xi32, #tpu.memory_space<vmem>> -> memref<128xi32, #tpu.memory_space<vmem>>
        %dma_wait3A_231 = arith.constant 0 : i32
        %dma_wait3A_232 = arith.constant 0 : i32
        %dma_wait3A_233 = tpu.memref_slice %arg5[%dma_wait3A_231, %dma_wait3A_232] : memref<10240x16xf32, #tpu.memory_space<vmem_shared>> -> memref<10240x16xf32, #tpu.memory_space<vmem_shared>>
        %dma_wait3A_234 = tpu.memref_slice %arg11[%rem3A_223] : memref<4x!tpu.dma_semaphore, #tpu.memory_space<semaphore_mem>> -> memref<1x!tpu.dma_semaphore, #tpu.memory_space<semaphore_mem>>
        %dma_wait3A_235 = tpu.memref_squeeze %dma_wait3A_234 : memref<1x!tpu.dma_semaphore, #tpu.memory_space<semaphore_mem>> -> memref<!tpu.dma_semaphore, #tpu.memory_space<semaphore_mem>>
        tpu.wait_indirect_dma semaphore(%dma_wait3A_235 : memref<!tpu.dma_semaphore, #tpu.memory_space<semaphore_mem>>) src(%dma_wait3A_227 : memref<128x16xf32, #tpu.memory_space<vmem>>) dst(%dma_wait3A_233 : memref<10240x16xf32, #tpu.memory_space<vmem_shared>>)
      } else {
      }
      %add3A_156 = arith.constant 2 : i32
      %add3A_157 = arith.addi %while3A_150, %add3A_156 : i32
      %lt3A_158 = arith.cmpi slt, %add3A_157, %add3A_26 : i32
      %convert_element_type3A_159 = arith.extui %lt3A_158 : i1 to i32
      %cond3A_160 = arith.constant 0 : i32
      %cond3A_161 = arith.cmpi ne, %convert_element_type3A_159, %cond3A_160 : i32
      scf.if %cond3A_161 {
        %add3A_220 = arith.constant 2 : i32
        %add3A_221 = arith.addi %while3A_150, %add3A_220 : i32
        %rem3A_222 = arith.constant 4 : i32
        %rem3A_223 = arith.remsi %add3A_221, %rem3A_222 : i32
        %mul3A_224 = arith.constant 625 : i32
        %mul3A_225 = arith.muli %arg0, %mul3A_224 : i32
        %add3A_226 = arith.addi %mul3A_225, %arg1 : i32
        %mul3A_227 = arith.constant 16 : i32
        %mul3A_228 = arith.muli %mul3A_227, %add3A_221 : i32
        %add3A_229 = arith.addi %add3A_226, %mul3A_228 : i32
        %mul3A_230 = arith.constant 128 : i32
        %mul3A_231 = arith.muli %add3A_229, %mul3A_230 : i32
        %dma_start3A_232 = arith.constant 0 : i32
        %dma_start3A_233 = tpu.memref_slice %arg6[%rem3A_223, %dma_start3A_232] : memref<4x128xi32, #tpu.memory_space<vmem>> -> memref<1x128xi32, #tpu.memory_space<vmem>>
        %dma_start3A_234 = tpu.memref_squeeze %dma_start3A_233 : memref<1x128xi32, #tpu.memory_space<vmem>> -> memref<128xi32, #tpu.memory_space<vmem>>
        %dma_start3A_235 = tpu.memref_slice %arg3[%mul3A_231] : memref<160000xi32, #tpu.memory_space<hbm>> -> memref<128xi32, #tpu.memory_space<hbm>>
        %dma_start3A_236 = tpu.memref_slice %arg9[%rem3A_223] : memref<4x!tpu.dma_semaphore, #tpu.memory_space<semaphore_mem>> -> memref<1x!tpu.dma_semaphore, #tpu.memory_space<semaphore_mem>>
        %dma_start3A_237 = tpu.memref_squeeze %dma_start3A_236 : memref<1x!tpu.dma_semaphore, #tpu.memory_space<semaphore_mem>> -> memref<!tpu.dma_semaphore, #tpu.memory_space<semaphore_mem>>
        %dma_start3A_238 = arith.constant 0 : i32
        %dma_start3A_239 = tpu.memref_slice %arg6[%rem3A_223, %dma_start3A_238] : memref<4x128xi32, #tpu.memory_space<vmem>> -> memref<1x128xi32, #tpu.memory_space<vmem>>
        %dma_start3A_240 = tpu.memref_squeeze %dma_start3A_239 : memref<1x128xi32, #tpu.memory_space<vmem>> -> memref<128xi32, #tpu.memory_space<vmem>>
        %dma_start3A_241 = tpu.memref_slice %arg3[%mul3A_231] : memref<160000xi32, #tpu.memory_space<hbm>> -> memref<128xi32, #tpu.memory_space<hbm>>
        tpu.enqueue_dma source(%dma_start3A_241 : memref<128xi32, #tpu.memory_space<hbm>>) target(%dma_start3A_240 : memref<128xi32, #tpu.memory_space<vmem>>) target_semaphore(%dma_start3A_237 : memref<!tpu.dma_semaphore, #tpu.memory_space<semaphore_mem>>)
        %add3A_242 = arith.constant 2 : i32
        %add3A_243 = arith.addi %while3A_150, %add3A_242 : i32
        %rem3A_244 = arith.constant 4 : i32
        %rem3A_245 = arith.remsi %add3A_243, %rem3A_244 : i32
        %mul3A_246 = arith.constant 625 : i32
        %mul3A_247 = arith.muli %arg0, %mul3A_246 : i32
        %add3A_248 = arith.addi %mul3A_247, %arg1 : i32
        %mul3A_249 = arith.constant 16 : i32
        %mul3A_250 = arith.muli %mul3A_249, %add3A_243 : i32
        %add3A_251 = arith.addi %add3A_248, %mul3A_250 : i32
        %mul3A_252 = arith.constant 128 : i32
        %mul3A_253 = arith.muli %add3A_251, %mul3A_252 : i32
        %dma_start3A_254 = arith.constant 0 : i32
        %dma_start3A_255 = arith.constant 0 : i32
        %dma_start3A_256 = tpu.memref_slice %arg7[%rem3A_245, %dma_start3A_254, %dma_start3A_255] : memref<4x128x16xf32, #tpu.memory_space<vmem>> -> memref<1x128x16xf32, #tpu.memory_space<vmem>>
        %dma_start3A_257 = tpu.memref_squeeze %dma_start3A_256 : memref<1x128x16xf32, #tpu.memory_space<vmem>> -> memref<128x16xf32, #tpu.memory_space<vmem>>
        %dma_start3A_258 = arith.constant 0 : i32
        %dma_start3A_259 = tpu.memref_slice %arg2[%mul3A_253, %dma_start3A_258] : memref<160000x16xf32, #tpu.memory_space<hbm>> -> memref<128x16xf32, #tpu.memory_space<hbm>>
        %dma_start3A_260 = tpu.memref_slice %arg10[%rem3A_245] : memref<4x!tpu.dma_semaphore, #tpu.memory_space<semaphore_mem>> -> memref<1x!tpu.dma_semaphore, #tpu.memory_space<semaphore_mem>>
        %dma_start3A_261 = tpu.memref_squeeze %dma_start3A_260 : memref<1x!tpu.dma_semaphore, #tpu.memory_space<semaphore_mem>> -> memref<!tpu.dma_semaphore, #tpu.memory_space<semaphore_mem>>
        %dma_start3A_262 = arith.constant 0 : i32
        %dma_start3A_263 = arith.constant 0 : i32
        %dma_start3A_264 = tpu.memref_slice %arg7[%rem3A_245, %dma_start3A_262, %dma_start3A_263] : memref<4x128x16xf32, #tpu.memory_space<vmem>> -> memref<1x128x16xf32, #tpu.memory_space<vmem>>
        %dma_start3A_265 = tpu.memref_squeeze %dma_start3A_264 : memref<1x128x16xf32, #tpu.memory_space<vmem>> -> memref<128x16xf32, #tpu.memory_space<vmem>>
        %dma_start3A_266 = arith.constant 0 : i32
        %dma_start3A_267 = tpu.memref_slice %arg2[%mul3A_253, %dma_start3A_266] : memref<160000x16xf32, #tpu.memory_space<hbm>> -> memref<128x16xf32, #tpu.memory_space<hbm>>
        tpu.enqueue_dma source(%dma_start3A_267 : memref<128x16xf32, #tpu.memory_space<hbm>>) target(%dma_start3A_265 : memref<128x16xf32, #tpu.memory_space<vmem>>) target_semaphore(%dma_start3A_261 : memref<!tpu.dma_semaphore, #tpu.memory_space<semaphore_mem>>)
      } else {
      }
      %rem3A_162 = arith.constant 4 : i32
      %rem3A_163 = arith.remsi %while3A_150, %rem3A_162 : i32
      %mul3A_164 = arith.constant 625 : i32
      %mul3A_165 = arith.muli %arg0, %mul3A_164 : i32
      %add3A_166 = arith.addi %mul3A_165, %arg1 : i32
      %mul3A_167 = arith.constant 16 : i32
      %mul3A_168 = arith.muli %mul3A_167, %while3A_150 : i32
      %add3A_169 = arith.addi %add3A_166, %mul3A_168 : i32
      %mul3A_170 = arith.constant 128 : i32
      %mul3A_171 = arith.muli %add3A_169, %mul3A_170 : i32
      %dma_wait3A_172 = arith.constant 0 : i32
      %dma_wait3A_173 = tpu.memref_slice %arg6[%rem3A_163, %dma_wait3A_172] : memref<4x128xi32, #tpu.memory_space<vmem>> -> memref<1x128xi32, #tpu.memory_space<vmem>>
      %dma_wait3A_174 = tpu.memref_squeeze %dma_wait3A_173 : memref<1x128xi32, #tpu.memory_space<vmem>> -> memref<128xi32, #tpu.memory_space<vmem>>
      %dma_wait3A_175 = tpu.memref_slice %arg3[%mul3A_171] : memref<160000xi32, #tpu.memory_space<hbm>> -> memref<128xi32, #tpu.memory_space<hbm>>
      %dma_wait3A_176 = tpu.memref_slice %arg9[%rem3A_163] : memref<4x!tpu.dma_semaphore, #tpu.memory_space<semaphore_mem>> -> memref<1x!tpu.dma_semaphore, #tpu.memory_space<semaphore_mem>>
      %dma_wait3A_177 = tpu.memref_squeeze %dma_wait3A_176 : memref<1x!tpu.dma_semaphore, #tpu.memory_space<semaphore_mem>> -> memref<!tpu.dma_semaphore, #tpu.memory_space<semaphore_mem>>
      %dma_wait3A_178 = arith.constant 0 : i32
      %dma_wait3A_179 = tpu.memref_slice %arg6[%rem3A_163, %dma_wait3A_178] : memref<4x128xi32, #tpu.memory_space<vmem>> -> memref<1x128xi32, #tpu.memory_space<vmem>>
      %dma_wait3A_180 = tpu.memref_squeeze %dma_wait3A_179 : memref<1x128xi32, #tpu.memory_space<vmem>> -> memref<128xi32, #tpu.memory_space<vmem>>
      %dma_wait3A_181 = tpu.memref_slice %arg3[%mul3A_171] : memref<160000xi32, #tpu.memory_space<hbm>> -> memref<128xi32, #tpu.memory_space<hbm>>
      tpu.wait_dma2 semaphore(%dma_wait3A_177 : memref<!tpu.dma_semaphore, #tpu.memory_space<semaphore_mem>>) src(%dma_wait3A_181 : memref<128xi32, #tpu.memory_space<hbm>>) dst(%dma_wait3A_180 : memref<128xi32, #tpu.memory_space<vmem>>)
      %rem3A_182 = arith.constant 4 : i32
      %rem3A_183 = arith.remsi %while3A_150, %rem3A_182 : i32
      %mul3A_184 = arith.constant 625 : i32
      %mul3A_185 = arith.muli %arg0, %mul3A_184 : i32
      %add3A_186 = arith.addi %mul3A_185, %arg1 : i32
      %mul3A_187 = arith.constant 16 : i32
      %mul3A_188 = arith.muli %mul3A_187, %while3A_150 : i32
      %add3A_189 = arith.addi %add3A_186, %mul3A_188 : i32
      %mul3A_190 = arith.constant 128 : i32
      %mul3A_191 = arith.muli %add3A_189, %mul3A_190 : i32
      %dma_wait3A_192 = arith.constant 0 : i32
      %dma_wait3A_193 = arith.constant 0 : i32
      %dma_wait3A_194 = tpu.memref_slice %arg7[%rem3A_183, %dma_wait3A_192, %dma_wait3A_193] : memref<4x128x16xf32, #tpu.memory_space<vmem>> -> memref<1x128x16xf32, #tpu.memory_space<vmem>>
      %dma_wait3A_195 = tpu.memref_squeeze %dma_wait3A_194 : memref<1x128x16xf32, #tpu.memory_space<vmem>> -> memref<128x16xf32, #tpu.memory_space<vmem>>
      %dma_wait3A_196 = arith.constant 0 : i32
      %dma_wait3A_197 = tpu.memref_slice %arg2[%mul3A_191, %dma_wait3A_196] : memref<160000x16xf32, #tpu.memory_space<hbm>> -> memref<128x16xf32, #tpu.memory_space<hbm>>
      %dma_wait3A_198 = tpu.memref_slice %arg10[%rem3A_183] : memref<4x!tpu.dma_semaphore, #tpu.memory_space<semaphore_mem>> -> memref<1x!tpu.dma_semaphore, #tpu.memory_space<semaphore_mem>>
      %dma_wait3A_199 = tpu.memref_squeeze %dma_wait3A_198 : memref<1x!tpu.dma_semaphore, #tpu.memory_space<semaphore_mem>> -> memref<!tpu.dma_semaphore, #tpu.memory_space<semaphore_mem>>
      %dma_wait3A_200 = arith.constant 0 : i32
      %dma_wait3A_201 = arith.constant 0 : i32
      %dma_wait3A_202 = tpu.memref_slice %arg7[%rem3A_183, %dma_wait3A_200, %dma_wait3A_201] : memref<4x128x16xf32, #tpu.memory_space<vmem>> -> memref<1x128x16xf32, #tpu.memory_space<vmem>>
      %dma_wait3A_203 = tpu.memref_squeeze %dma_wait3A_202 : memref<1x128x16xf32, #tpu.memory_space<vmem>> -> memref<128x16xf32, #tpu.memory_space<vmem>>
      %dma_wait3A_204 = arith.constant 0 : i32
      %dma_wait3A_205 = tpu.memref_slice %arg2[%mul3A_191, %dma_wait3A_204] : memref<160000x16xf32, #tpu.memory_space<hbm>> -> memref<128x16xf32, #tpu.memory_space<hbm>>
      tpu.wait_dma2 semaphore(%dma_wait3A_199 : memref<!tpu.dma_semaphore, #tpu.memory_space<semaphore_mem>>) src(%dma_wait3A_205 : memref<128x16xf32, #tpu.memory_space<hbm>>) dst(%dma_wait3A_203 : memref<128x16xf32, #tpu.memory_space<vmem>>)
      %rem3A_206 = arith.constant 4 : i32
      %rem3A_207 = arith.remsi %while3A_150, %rem3A_206 : i32
      %dma_start3A_208 = arith.constant 0 : i32
      %dma_start3A_209 = arith.constant 0 : i32
      %dma_start3A_210 = tpu.memref_slice %arg7[%rem3A_207, %dma_start3A_208, %dma_start3A_209] : memref<4x128x16xf32, #tpu.memory_space<vmem>> -> memref<1x128x16xf32, #tpu.memory_space<vmem>>
      %dma_start3A_211 = tpu.memref_squeeze %dma_start3A_210 : memref<1x128x16xf32, #tpu.memory_space<vmem>> -> memref<128x16xf32, #tpu.memory_space<vmem>>
      %dma_start3A_212 = arith.constant 0 : i32
      %dma_start3A_213 = tpu.memref_slice %arg6[%rem3A_207, %dma_start3A_212] : memref<4x128xi32, #tpu.memory_space<vmem>> -> memref<1x128xi32, #tpu.memory_space<vmem>>
      %dma_start3A_214 = tpu.memref_squeeze %dma_start3A_213 : memref<1x128xi32, #tpu.memory_space<vmem>> -> memref<128xi32, #tpu.memory_space<vmem>>
      %dma_start3A_215 = arith.constant 0 : i32
      %dma_start3A_216 = arith.constant 0 : i32
      %dma_start3A_217 = tpu.memref_slice %arg5[%dma_start3A_215, %dma_start3A_216] : memref<10240x16xf32, #tpu.memory_space<vmem_shared>> -> memref<10240x16xf32, #tpu.memory_space<vmem_shared>>
      %dma_start3A_218 = tpu.memref_slice %arg11[%rem3A_207] : memref<4x!tpu.dma_semaphore, #tpu.memory_space<semaphore_mem>> -> memref<1x!tpu.dma_semaphore, #tpu.memory_space<semaphore_mem>>
      %dma_start3A_219 = tpu.memref_squeeze %dma_start3A_218 : memref<1x!tpu.dma_semaphore, #tpu.memory_space<semaphore_mem>> -> memref<!tpu.dma_semaphore, #tpu.memory_space<semaphore_mem>>
      tpu.enqueue_indirect_dma source(%dma_start3A_211 : memref<128x16xf32, #tpu.memory_space<vmem>>) target(%dma_start3A_217 : memref<10240x16xf32, #tpu.memory_space<vmem_shared>>) offsets(%dma_start3A_214 : memref<128xi32, #tpu.memory_space<vmem>>) semaphore(%dma_start3A_219 : memref<!tpu.dma_semaphore, #tpu.memory_space<semaphore_mem>>) {add = true}
    }
    %while3A_121 = arith.constant 1 : i32
    scf.for %while3A_150 = %while3A_119 to %while3A_115 step %while3A_121  : i32 {
      %ge3A_151 = arith.constant 2 : i32
      %ge3A_152 = arith.cmpi sge, %while3A_150, %ge3A_151 : i32
      %convert_element_type3A_153 = arith.extui %ge3A_152 : i1 to i32
      %cond3A_154 = arith.constant 0 : i32
      %cond3A_155 = arith.cmpi ne, %convert_element_type3A_153, %cond3A_154 : i32
      scf.if %cond3A_155 {
        %sub3A_220 = arith.constant 2 : i32
        %sub3A_221 = arith.subi %while3A_150, %sub3A_220 : i32
        %rem3A_222 = arith.constant 4 : i32
        %rem3A_223 = arith.remsi %sub3A_221, %rem3A_222 : i32
        %dma_wait3A_224 = arith.constant 0 : i32
        %dma_wait3A_225 = arith.constant 0 : i32
        %dma_wait3A_226 = tpu.memref_slice %arg7[%rem3A_223, %dma_wait3A_224, %dma_wait3A_225] : memref<4x128x16xf32, #tpu.memory_space<vmem>> -> memref<1x128x16xf32, #tpu.memory_space<vmem>>
        %dma_wait3A_227 = tpu.memref_squeeze %dma_wait3A_226 : memref<1x128x16xf32, #tpu.memory_space<vmem>> -> memref<128x16xf32, #tpu.memory_space<vmem>>
        %dma_wait3A_228 = arith.constant 0 : i32
        %dma_wait3A_229 = tpu.memref_slice %arg6[%rem3A_223, %dma_wait3A_228] : memref<4x128xi32, #tpu.memory_space<vmem>> -> memref<1x128xi32, #tpu.memory_space<vmem>>
        %dma_wait3A_230 = tpu.memref_squeeze %dma_wait3A_229 : memref<1x128xi32, #tpu.memory_space<vmem>> -> memref<128xi32, #tpu.memory_space<vmem>>
        %dma_wait3A_231 = arith.constant 0 : i32
        %dma_wait3A_232 = arith.constant 0 : i32
        %dma_wait3A_233 = tpu.memref_slice %arg5[%dma_wait3A_231, %dma_wait3A_232] : memref<10240x16xf32, #tpu.memory_space<vmem_shared>> -> memref<10240x16xf32, #tpu.memory_space<vmem_shared>>
        %dma_wait3A_234 = tpu.memref_slice %arg11[%rem3A_223] : memref<4x!tpu.dma_semaphore, #tpu.memory_space<semaphore_mem>> -> memref<1x!tpu.dma_semaphore, #tpu.memory_space<semaphore_mem>>
        %dma_wait3A_235 = tpu.memref_squeeze %dma_wait3A_234 : memref<1x!tpu.dma_semaphore, #tpu.memory_space<semaphore_mem>> -> memref<!tpu.dma_semaphore, #tpu.memory_space<semaphore_mem>>
        tpu.wait_indirect_dma semaphore(%dma_wait3A_235 : memref<!tpu.dma_semaphore, #tpu.memory_space<semaphore_mem>>) src(%dma_wait3A_227 : memref<128x16xf32, #tpu.memory_space<vmem>>) dst(%dma_wait3A_233 : memref<10240x16xf32, #tpu.memory_space<vmem_shared>>)
      } else {
      }
      %add3A_156 = arith.constant 2 : i32
      %add3A_157 = arith.addi %while3A_150, %add3A_156 : i32
      %lt3A_158 = arith.cmpi slt, %add3A_157, %add3A_26 : i32
      %convert_element_type3A_159 = arith.extui %lt3A_158 : i1 to i32
      %cond3A_160 = arith.constant 0 : i32
      %cond3A_161 = arith.cmpi ne, %convert_element_type3A_159, %cond3A_160 : i32
      scf.if %cond3A_161 {
        %add3A_220 = arith.constant 2 : i32
        %add3A_221 = arith.addi %while3A_150, %add3A_220 : i32
        %rem3A_222 = arith.constant 4 : i32
        %rem3A_223 = arith.remsi %add3A_221, %rem3A_222 : i32
        %mul3A_224 = arith.constant 625 : i32
        %mul3A_225 = arith.muli %arg0, %mul3A_224 : i32
        %add3A_226 = arith.addi %mul3A_225, %arg1 : i32
        %mul3A_227 = arith.constant 16 : i32
        %mul3A_228 = arith.muli %mul3A_227, %add3A_221 : i32
        %add3A_229 = arith.addi %add3A_226, %mul3A_228 : i32
        %mul3A_230 = arith.constant 128 : i32
        %mul3A_231 = arith.muli %add3A_229, %mul3A_230 : i32
        %dma_start3A_232 = arith.constant 0 : i32
        %dma_start3A_233 = tpu.memref_slice %arg6[%rem3A_223, %dma_start3A_232] : memref<4x128xi32, #tpu.memory_space<vmem>> -> memref<1x128xi32, #tpu.memory_space<vmem>>
        %dma_start3A_234 = tpu.memref_squeeze %dma_start3A_233 : memref<1x128xi32, #tpu.memory_space<vmem>> -> memref<128xi32, #tpu.memory_space<vmem>>
        %dma_start3A_235 = tpu.memref_slice %arg3[%mul3A_231] : memref<160000xi32, #tpu.memory_space<hbm>> -> memref<128xi32, #tpu.memory_space<hbm>>
        %dma_start3A_236 = tpu.memref_slice %arg9[%rem3A_223] : memref<4x!tpu.dma_semaphore, #tpu.memory_space<semaphore_mem>> -> memref<1x!tpu.dma_semaphore, #tpu.memory_space<semaphore_mem>>
        %dma_start3A_237 = tpu.memref_squeeze %dma_start3A_236 : memref<1x!tpu.dma_semaphore, #tpu.memory_space<semaphore_mem>> -> memref<!tpu.dma_semaphore, #tpu.memory_space<semaphore_mem>>
        %dma_start3A_238 = arith.constant 0 : i32
        %dma_start3A_239 = tpu.memref_slice %arg6[%rem3A_223, %dma_start3A_238] : memref<4x128xi32, #tpu.memory_space<vmem>> -> memref<1x128xi32, #tpu.memory_space<vmem>>
        %dma_start3A_240 = tpu.memref_squeeze %dma_start3A_239 : memref<1x128xi32, #tpu.memory_space<vmem>> -> memref<128xi32, #tpu.memory_space<vmem>>
        %dma_start3A_241 = tpu.memref_slice %arg3[%mul3A_231] : memref<160000xi32, #tpu.memory_space<hbm>> -> memref<128xi32, #tpu.memory_space<hbm>>
        tpu.enqueue_dma source(%dma_start3A_241 : memref<128xi32, #tpu.memory_space<hbm>>) target(%dma_start3A_240 : memref<128xi32, #tpu.memory_space<vmem>>) target_semaphore(%dma_start3A_237 : memref<!tpu.dma_semaphore, #tpu.memory_space<semaphore_mem>>)
        %add3A_242 = arith.constant 2 : i32
        %add3A_243 = arith.addi %while3A_150, %add3A_242 : i32
        %rem3A_244 = arith.constant 4 : i32
        %rem3A_245 = arith.remsi %add3A_243, %rem3A_244 : i32
        %mul3A_246 = arith.constant 625 : i32
        %mul3A_247 = arith.muli %arg0, %mul3A_246 : i32
        %add3A_248 = arith.addi %mul3A_247, %arg1 : i32
        %mul3A_249 = arith.constant 16 : i32
        %mul3A_250 = arith.muli %mul3A_249, %add3A_243 : i32
        %add3A_251 = arith.addi %add3A_248, %mul3A_250 : i32
        %mul3A_252 = arith.constant 128 : i32
        %mul3A_253 = arith.muli %add3A_251, %mul3A_252 : i32
        %dma_start3A_254 = arith.constant 0 : i32
        %dma_start3A_255 = arith.constant 0 : i32
        %dma_start3A_256 = tpu.memref_slice %arg7[%rem3A_245, %dma_start3A_254, %dma_start3A_255] : memref<4x128x16xf32, #tpu.memory_space<vmem>> -> memref<1x128x16xf32, #tpu.memory_space<vmem>>
        %dma_start3A_257 = tpu.memref_squeeze %dma_start3A_256 : memref<1x128x16xf32, #tpu.memory_space<vmem>> -> memref<128x16xf32, #tpu.memory_space<vmem>>
        %dma_start3A_258 = arith.constant 0 : i32
        %dma_start3A_259 = tpu.memref_slice %arg2[%mul3A_253, %dma_start3A_258] : memref<160000x16xf32, #tpu.memory_space<hbm>> -> memref<128x16xf32, #tpu.memory_space<hbm>>
        %dma_start3A_260 = tpu.memref_slice %arg10[%rem3A_245] : memref<4x!tpu.dma_semaphore, #tpu.memory_space<semaphore_mem>> -> memref<1x!tpu.dma_semaphore, #tpu.memory_space<semaphore_mem>>
        %dma_start3A_261 = tpu.memref_squeeze %dma_start3A_260 : memref<1x!tpu.dma_semaphore, #tpu.memory_space<semaphore_mem>> -> memref<!tpu.dma_semaphore, #tpu.memory_space<semaphore_mem>>
        %dma_start3A_262 = arith.constant 0 : i32
        %dma_start3A_263 = arith.constant 0 : i32
        %dma_start3A_264 = tpu.memref_slice %arg7[%rem3A_245, %dma_start3A_262, %dma_start3A_263] : memref<4x128x16xf32, #tpu.memory_space<vmem>> -> memref<1x128x16xf32, #tpu.memory_space<vmem>>
        %dma_start3A_265 = tpu.memref_squeeze %dma_start3A_264 : memref<1x128x16xf32, #tpu.memory_space<vmem>> -> memref<128x16xf32, #tpu.memory_space<vmem>>
        %dma_start3A_266 = arith.constant 0 : i32
        %dma_start3A_267 = tpu.memref_slice %arg2[%mul3A_253, %dma_start3A_266] : memref<160000x16xf32, #tpu.memory_space<hbm>> -> memref<128x16xf32, #tpu.memory_space<hbm>>
        tpu.enqueue_dma source(%dma_start3A_267 : memref<128x16xf32, #tpu.memory_space<hbm>>) target(%dma_start3A_265 : memref<128x16xf32, #tpu.memory_space<vmem>>) target_semaphore(%dma_start3A_261 : memref<!tpu.dma_semaphore, #tpu.memory_space<semaphore_mem>>)
      } else {
      }
      %rem3A_162 = arith.constant 4 : i32
      %rem3A_163 = arith.remsi %while3A_150, %rem3A_162 : i32
      %mul3A_164 = arith.constant 625 : i32
      %mul3A_165 = arith.muli %arg0, %mul3A_164 : i32
      %add3A_166 = arith.addi %mul3A_165, %arg1 : i32
      %mul3A_167 = arith.constant 16 : i32
      %mul3A_168 = arith.muli %mul3A_167, %while3A_150 : i32
      %add3A_169 = arith.addi %add3A_166, %mul3A_168 : i32
      %mul3A_170 = arith.constant 128 : i32
      %mul3A_171 = arith.muli %add3A_169, %mul3A_170 : i32
      %dma_wait3A_172 = arith.constant 0 : i32
      %dma_wait3A_173 = tpu.memref_slice %arg6[%rem3A_163, %dma_wait3A_172] : memref<4x128xi32, #tpu.memory_space<vmem>> -> memref<1x128xi32, #tpu.memory_space<vmem>>
      %dma_wait3A_174 = tpu.memref_squeeze %dma_wait3A_173 : memref<1x128xi32, #tpu.memory_space<vmem>> -> memref<128xi32, #tpu.memory_space<vmem>>
      %dma_wait3A_175 = tpu.memref_slice %arg3[%mul3A_171] : memref<160000xi32, #tpu.memory_space<hbm>> -> memref<128xi32, #tpu.memory_space<hbm>>
      %dma_wait3A_176 = tpu.memref_slice %arg9[%rem3A_163] : memref<4x!tpu.dma_semaphore, #tpu.memory_space<semaphore_mem>> -> memref<1x!tpu.dma_semaphore, #tpu.memory_space<semaphore_mem>>
      %dma_wait3A_177 = tpu.memref_squeeze %dma_wait3A_176 : memref<1x!tpu.dma_semaphore, #tpu.memory_space<semaphore_mem>> -> memref<!tpu.dma_semaphore, #tpu.memory_space<semaphore_mem>>
      %dma_wait3A_178 = arith.constant 0 : i32
      %dma_wait3A_179 = tpu.memref_slice %arg6[%rem3A_163, %dma_wait3A_178] : memref<4x128xi32, #tpu.memory_space<vmem>> -> memref<1x128xi32, #tpu.memory_space<vmem>>
      %dma_wait3A_180 = tpu.memref_squeeze %dma_wait3A_179 : memref<1x128xi32, #tpu.memory_space<vmem>> -> memref<128xi32, #tpu.memory_space<vmem>>
      %dma_wait3A_181 = tpu.memref_slice %arg3[%mul3A_171] : memref<160000xi32, #tpu.memory_space<hbm>> -> memref<128xi32, #tpu.memory_space<hbm>>
      tpu.wait_dma2 semaphore(%dma_wait3A_177 : memref<!tpu.dma_semaphore, #tpu.memory_space<semaphore_mem>>) src(%dma_wait3A_181 : memref<128xi32, #tpu.memory_space<hbm>>) dst(%dma_wait3A_180 : memref<128xi32, #tpu.memory_space<vmem>>)
      %rem3A_182 = arith.constant 4 : i32
      %rem3A_183 = arith.remsi %while3A_150, %rem3A_182 : i32
      %mul3A_184 = arith.constant 625 : i32
      %mul3A_185 = arith.muli %arg0, %mul3A_184 : i32
      %add3A_186 = arith.addi %mul3A_185, %arg1 : i32
      %mul3A_187 = arith.constant 16 : i32
      %mul3A_188 = arith.muli %mul3A_187, %while3A_150 : i32
      %add3A_189 = arith.addi %add3A_186, %mul3A_188 : i32
      %mul3A_190 = arith.constant 128 : i32
      %mul3A_191 = arith.muli %add3A_189, %mul3A_190 : i32
      %dma_wait3A_192 = arith.constant 0 : i32
      %dma_wait3A_193 = arith.constant 0 : i32
      %dma_wait3A_194 = tpu.memref_slice %arg7[%rem3A_183, %dma_wait3A_192, %dma_wait3A_193] : memref<4x128x16xf32, #tpu.memory_space<vmem>> -> memref<1x128x16xf32, #tpu.memory_space<vmem>>
      %dma_wait3A_195 = tpu.memref_squeeze %dma_wait3A_194 : memref<1x128x16xf32, #tpu.memory_space<vmem>> -> memref<128x16xf32, #tpu.memory_space<vmem>>
      %dma_wait3A_196 = arith.constant 0 : i32
      %dma_wait3A_197 = tpu.memref_slice %arg2[%mul3A_191, %dma_wait3A_196] : memref<160000x16xf32, #tpu.memory_space<hbm>> -> memref<128x16xf32, #tpu.memory_space<hbm>>
      %dma_wait3A_198 = tpu.memref_slice %arg10[%rem3A_183] : memref<4x!tpu.dma_semaphore, #tpu.memory_space<semaphore_mem>> -> memref<1x!tpu.dma_semaphore, #tpu.memory_space<semaphore_mem>>
      %dma_wait3A_199 = tpu.memref_squeeze %dma_wait3A_198 : memref<1x!tpu.dma_semaphore, #tpu.memory_space<semaphore_mem>> -> memref<!tpu.dma_semaphore, #tpu.memory_space<semaphore_mem>>
      %dma_wait3A_200 = arith.constant 0 : i32
      %dma_wait3A_201 = arith.constant 0 : i32
      %dma_wait3A_202 = tpu.memref_slice %arg7[%rem3A_183, %dma_wait3A_200, %dma_wait3A_201] : memref<4x128x16xf32, #tpu.memory_space<vmem>> -> memref<1x128x16xf32, #tpu.memory_space<vmem>>
      %dma_wait3A_203 = tpu.memref_squeeze %dma_wait3A_202 : memref<1x128x16xf32, #tpu.memory_space<vmem>> -> memref<128x16xf32, #tpu.memory_space<vmem>>
      %dma_wait3A_204 = arith.constant 0 : i32
      %dma_wait3A_205 = tpu.memref_slice %arg2[%mul3A_191, %dma_wait3A_204] : memref<160000x16xf32, #tpu.memory_space<hbm>> -> memref<128x16xf32, #tpu.memory_space<hbm>>
      tpu.wait_dma2 semaphore(%dma_wait3A_199 : memref<!tpu.dma_semaphore, #tpu.memory_space<semaphore_mem>>) src(%dma_wait3A_205 : memref<128x16xf32, #tpu.memory_space<hbm>>) dst(%dma_wait3A_203 : memref<128x16xf32, #tpu.memory_space<vmem>>)
      %rem3A_206 = arith.constant 4 : i32
      %rem3A_207 = arith.remsi %while3A_150, %rem3A_206 : i32
      %dma_start3A_208 = arith.constant 0 : i32
      %dma_start3A_209 = arith.constant 0 : i32
      %dma_start3A_210 = tpu.memref_slice %arg7[%rem3A_207, %dma_start3A_208, %dma_start3A_209] : memref<4x128x16xf32, #tpu.memory_space<vmem>> -> memref<1x128x16xf32, #tpu.memory_space<vmem>>
      %dma_start3A_211 = tpu.memref_squeeze %dma_start3A_210 : memref<1x128x16xf32, #tpu.memory_space<vmem>> -> memref<128x16xf32, #tpu.memory_space<vmem>>
      %dma_start3A_212 = arith.constant 0 : i32
      %dma_start3A_213 = tpu.memref_slice %arg6[%rem3A_207, %dma_start3A_212] : memref<4x128xi32, #tpu.memory_space<vmem>> -> memref<1x128xi32, #tpu.memory_space<vmem>>
      %dma_start3A_214 = tpu.memref_squeeze %dma_start3A_213 : memref<1x128xi32, #tpu.memory_space<vmem>> -> memref<128xi32, #tpu.memory_space<vmem>>
      %dma_start3A_215 = arith.constant 0 : i32
      %dma_start3A_216 = arith.constant 0 : i32
      %dma_start3A_217 = tpu.memref_slice %arg5[%dma_start3A_215, %dma_start3A_216] : memref<10240x16xf32, #tpu.memory_space<vmem_shared>> -> memref<10240x16xf32, #tpu.memory_space<vmem_shared>>
      %dma_start3A_218 = tpu.memref_slice %arg11[%rem3A_207] : memref<4x!tpu.dma_semaphore, #tpu.memory_space<semaphore_mem>> -> memref<1x!tpu.dma_semaphore, #tpu.memory_space<semaphore_mem>>
      %dma_start3A_219 = tpu.memref_squeeze %dma_start3A_218 : memref<1x!tpu.dma_semaphore, #tpu.memory_space<semaphore_mem>> -> memref<!tpu.dma_semaphore, #tpu.memory_space<semaphore_mem>>
      tpu.enqueue_indirect_dma source(%dma_start3A_211 : memref<128x16xf32, #tpu.memory_space<vmem>>) target(%dma_start3A_217 : memref<10240x16xf32, #tpu.memory_space<vmem_shared>>) offsets(%dma_start3A_214 : memref<128xi32, #tpu.memory_space<vmem>>) semaphore(%dma_start3A_219 : memref<!tpu.dma_semaphore, #tpu.memory_space<semaphore_mem>>) {add = true}
    }
    %ge3A = arith.constant 2 : i32
    %ge3A_122 = arith.cmpi sge, %add3A_26, %ge3A : i32
    %convert_element_type3A = arith.extui %ge3A_122 : i1 to i32
    %cond3A = arith.constant 0 : i32
    %cond3A_123 = arith.cmpi ne, %convert_element_type3A, %cond3A : i32
    scf.if %cond3A_123 {
      %sub3A_150 = arith.constant 2 : i32
      %sub3A_151 = arith.subi %add3A_26, %sub3A_150 : i32
      %rem3A_152 = arith.constant 4 : i32
      %rem3A_153 = arith.remsi %sub3A_151, %rem3A_152 : i32
      %dma_wait3A_154 = arith.constant 0 : i32
      %dma_wait3A_155 = arith.constant 0 : i32
      %dma_wait3A_156 = tpu.memref_slice %arg7[%rem3A_153, %dma_wait3A_154, %dma_wait3A_155] : memref<4x128x16xf32, #tpu.memory_space<vmem>> -> memref<1x128x16xf32, #tpu.memory_space<vmem>>
      %dma_wait3A_157 = tpu.memref_squeeze %dma_wait3A_156 : memref<1x128x16xf32, #tpu.memory_space<vmem>> -> memref<128x16xf32, #tpu.memory_space<vmem>>
      %dma_wait3A_158 = arith.constant 0 : i32
      %dma_wait3A_159 = tpu.memref_slice %arg6[%rem3A_153, %dma_wait3A_158] : memref<4x128xi32, #tpu.memory_space<vmem>> -> memref<1x128xi32, #tpu.memory_space<vmem>>
      %dma_wait3A_160 = tpu.memref_squeeze %dma_wait3A_159 : memref<1x128xi32, #tpu.memory_space<vmem>> -> memref<128xi32, #tpu.memory_space<vmem>>
      %dma_wait3A_161 = arith.constant 0 : i32
      %dma_wait3A_162 = arith.constant 0 : i32
      %dma_wait3A_163 = tpu.memref_slice %arg5[%dma_wait3A_161, %dma_wait3A_162] : memref<10240x16xf32, #tpu.memory_space<vmem_shared>> -> memref<10240x16xf32, #tpu.memory_space<vmem_shared>>
      %dma_wait3A_164 = tpu.memref_slice %arg11[%rem3A_153] : memref<4x!tpu.dma_semaphore, #tpu.memory_space<semaphore_mem>> -> memref<1x!tpu.dma_semaphore, #tpu.memory_space<semaphore_mem>>
      %dma_wait3A_165 = tpu.memref_squeeze %dma_wait3A_164 : memref<1x!tpu.dma_semaphore, #tpu.memory_space<semaphore_mem>> -> memref<!tpu.dma_semaphore, #tpu.memory_space<semaphore_mem>>
      tpu.wait_indirect_dma semaphore(%dma_wait3A_165 : memref<!tpu.dma_semaphore, #tpu.memory_space<semaphore_mem>>) src(%dma_wait3A_157 : memref<128x16xf32, #tpu.memory_space<vmem>>) dst(%dma_wait3A_163 : memref<10240x16xf32, #tpu.memory_space<vmem_shared>>)
    } else {
    }
    %sub3A = arith.constant 1 : i32
    %sub3A_124 = arith.subi %add3A_26, %sub3A : i32
    %rem3A_125 = arith.constant 4 : i32
    %rem3A_126 = arith.remsi %sub3A_124, %rem3A_125 : i32
    %dma_wait3A = arith.constant 0 : i32
    %dma_wait3A_127 = arith.constant 0 : i32
    %dma_wait3A_128 = tpu.memref_slice %arg7[%rem3A_126, %dma_wait3A, %dma_wait3A_127] : memref<4x128x16xf32, #tpu.memory_space<vmem>> -> memref<1x128x16xf32, #tpu.memory_space<vmem>>
    %dma_wait3A_129 = tpu.memref_squeeze %dma_wait3A_128 : memref<1x128x16xf32, #tpu.memory_space<vmem>> -> memref<128x16xf32, #tpu.memory_space<vmem>>
    %dma_wait3A_130 = arith.constant 0 : i32
    %dma_wait3A_131 = tpu.memref_slice %arg6[%rem3A_126, %dma_wait3A_130] : memref<4x128xi32, #tpu.memory_space<vmem>> -> memref<1x128xi32, #tpu.memory_space<vmem>>
    %dma_wait3A_132 = tpu.memref_squeeze %dma_wait3A_131 : memref<1x128xi32, #tpu.memory_space<vmem>> -> memref<128xi32, #tpu.memory_space<vmem>>
    %dma_wait3A_133 = arith.constant 0 : i32
    %dma_wait3A_134 = arith.constant 0 : i32
    %dma_wait3A_135 = tpu.memref_slice %arg5[%dma_wait3A_133, %dma_wait3A_134] : memref<10240x16xf32, #tpu.memory_space<vmem_shared>> -> memref<10240x16xf32, #tpu.memory_space<vmem_shared>>
    %dma_wait3A_136 = tpu.memref_slice %arg11[%rem3A_126] : memref<4x!tpu.dma_semaphore, #tpu.memory_space<semaphore_mem>> -> memref<1x!tpu.dma_semaphore, #tpu.memory_space<semaphore_mem>>
    %dma_wait3A_137 = tpu.memref_squeeze %dma_wait3A_136 : memref<1x!tpu.dma_semaphore, #tpu.memory_space<semaphore_mem>> -> memref<!tpu.dma_semaphore, #tpu.memory_space<semaphore_mem>>
    tpu.wait_indirect_dma semaphore(%dma_wait3A_137 : memref<!tpu.dma_semaphore, #tpu.memory_space<semaphore_mem>>) src(%dma_wait3A_129 : memref<128x16xf32, #tpu.memory_space<vmem>>) dst(%dma_wait3A_135 : memref<10240x16xf32, #tpu.memory_space<vmem_shared>>)
    %barrier3A_138 = arith.constant 0 : index
    tpu.barrier barrier_id(%barrier3A_138)
    %mul3A_139 = arith.constant 640 : i32
    %mul3A_140 = arith.muli %arg1, %mul3A_139 : i32
    %lt3A_141 = arith.constant 15 : i32
    %lt3A_142 = arith.cmpi slt, %arg1, %lt3A_141 : i32
    %convert_element_type3A_143 = arith.extui %lt3A_142 : i1 to i32
    %cond3A_144 = arith.constant 0 : i32
    %cond3A_145 = arith.cmpi ne, %convert_element_type3A_143, %cond3A_144 : i32
    scf.if %cond3A_145 {
      "tpu.region"() ({
        %run_scoped3A = tpu.sem_alloc : memref<!tpu.dma_semaphore, #tpu.memory_space<semaphore_mem>>
        %dma_start3A_150 = arith.constant 0 : i32
        %dma_start3A_151 = tpu.memref_slice %arg4[%arg0, %mul3A_140, %dma_start3A_150] : memref<2x10000x16xf32, #tpu.memory_space<hbm>> -> memref<1x640x16xf32, #tpu.memory_space<hbm>>
        %dma_start3A_152 = tpu.memref_squeeze %dma_start3A_151 : memref<1x640x16xf32, #tpu.memory_space<hbm>> -> memref<640x16xf32, #tpu.memory_space<hbm>>
        %dma_start3A_153 = arith.constant 0 : i32
        %dma_start3A_154 = tpu.memref_slice %arg5[%mul3A_140, %dma_start3A_153] : memref<10240x16xf32, #tpu.memory_space<vmem_shared>> -> memref<640x16xf32, #tpu.memory_space<vmem_shared>>
        tpu.enqueue_dma source(%dma_start3A_154 : memref<640x16xf32, #tpu.memory_space<vmem_shared>>) target(%dma_start3A_152 : memref<640x16xf32, #tpu.memory_space<hbm>>) target_semaphore(%run_scoped3A : memref<!tpu.dma_semaphore, #tpu.memory_space<semaphore_mem>>)
        %dma_wait3A_155 = arith.constant 0 : i32
        %dma_wait3A_156 = tpu.memref_slice %arg4[%arg0, %mul3A_140, %dma_wait3A_155] : memref<2x10000x16xf32, #tpu.memory_space<hbm>> -> memref<1x640x16xf32, #tpu.memory_space<hbm>>
        %dma_wait3A_157 = tpu.memref_squeeze %dma_wait3A_156 : memref<1x640x16xf32, #tpu.memory_space<hbm>> -> memref<640x16xf32, #tpu.memory_space<hbm>>
        %dma_wait3A_158 = arith.constant 0 : i32
        %dma_wait3A_159 = tpu.memref_slice %arg5[%mul3A_140, %dma_wait3A_158] : memref<10240x16xf32, #tpu.memory_space<vmem_shared>> -> memref<640x16xf32, #tpu.memory_space<vmem_shared>>
        tpu.wait_dma2 semaphore(%run_scoped3A : memref<!tpu.dma_semaphore, #tpu.memory_space<semaphore_mem>>) src(%dma_wait3A_159 : memref<640x16xf32, #tpu.memory_space<vmem_shared>>) dst(%dma_wait3A_157 : memref<640x16xf32, #tpu.memory_space<hbm>>)
        tpu.yield
      }) : () -> ()
    } else {
    }
    %eq3A = arith.constant 15 : i32
    %eq3A_146 = arith.cmpi eq, %arg1, %eq3A : i32
    %convert_element_type3A_147 = arith.extui %eq3A_146 : i1 to i32
    %cond3A_148 = arith.constant 0 : i32
    %cond3A_149 = arith.cmpi ne, %convert_element_type3A_147, %cond3A_148 : i32
    scf.if %cond3A_149 {
      "tpu.region"() ({
        %run_scoped3A = tpu.sem_alloc : memref<!tpu.dma_semaphore, #tpu.memory_space<semaphore_mem>>
        %dma_start3A_150 = arith.constant 9600 : i32
        %dma_start3A_151 = arith.constant 0 : i32
        %dma_start3A_152 = tpu.memref_slice %arg4[%arg0, %dma_start3A_150, %dma_start3A_151] : memref<2x10000x16xf32, #tpu.memory_space<hbm>> -> memref<1x400x16xf32, #tpu.memory_space<hbm>>
        %dma_start3A_153 = tpu.memref_squeeze %dma_start3A_152 : memref<1x400x16xf32, #tpu.memory_space<hbm>> -> memref<400x16xf32, #tpu.memory_space<hbm>>
        %dma_start3A_154 = arith.constant 9600 : i32
        %dma_start3A_155 = arith.constant 0 : i32
        %dma_start3A_156 = tpu.memref_slice %arg5[%dma_start3A_154, %dma_start3A_155] : memref<10240x16xf32, #tpu.memory_space<vmem_shared>> -> memref<400x16xf32, #tpu.memory_space<vmem_shared>>
        tpu.enqueue_dma source(%dma_start3A_156 : memref<400x16xf32, #tpu.memory_space<vmem_shared>>) target(%dma_start3A_153 : memref<400x16xf32, #tpu.memory_space<hbm>>) target_semaphore(%run_scoped3A : memref<!tpu.dma_semaphore, #tpu.memory_space<semaphore_mem>>)
        %dma_wait3A_157 = arith.constant 9600 : i32
        %dma_wait3A_158 = arith.constant 0 : i32
        %dma_wait3A_159 = tpu.memref_slice %arg4[%arg0, %dma_wait3A_157, %dma_wait3A_158] : memref<2x10000x16xf32, #tpu.memory_space<hbm>> -> memref<1x400x16xf32, #tpu.memory_space<hbm>>
        %dma_wait3A_160 = tpu.memref_squeeze %dma_wait3A_159 : memref<1x400x16xf32, #tpu.memory_space<hbm>> -> memref<400x16xf32, #tpu.memory_space<hbm>>
        %dma_wait3A_161 = arith.constant 9600 : i32
        %dma_wait3A_162 = arith.constant 0 : i32
        %dma_wait3A_163 = tpu.memref_slice %arg5[%dma_wait3A_161, %dma_wait3A_162] : memref<10240x16xf32, #tpu.memory_space<vmem_shared>> -> memref<400x16xf32, #tpu.memory_space<vmem_shared>>
        tpu.wait_dma2 semaphore(%run_scoped3A : memref<!tpu.dma_semaphore, #tpu.memory_space<semaphore_mem>>) src(%dma_wait3A_163 : memref<400x16xf32, #tpu.memory_space<vmem_shared>>) dst(%dma_wait3A_160 : memref<400x16xf32, #tpu.memory_space<hbm>>)
        tpu.yield
      }) : () -> ()
    } else {
    }
    return
  }
}

#map = affine_map<(d0, d1) -> (0, 0)>
#map1 = affine_map<(d0, d1) -> (0)>
module attributes {stable_mosaic.version = 14 : i64} {
  func.func @_gather_body(%arg0: i32, %arg1: i32, %arg2: memref<10000x16xf32, #tpu.memory_space<hbm>>, %arg3: memref<160000xi32, #tpu.memory_space<hbm>>, %arg4: memref<160000x16xf32, #tpu.memory_space<hbm>>, %arg5: memref<4x128xi32, #tpu.memory_space<vmem>>, %arg6: memref<4x128x16xf32, #tpu.memory_space<vmem>>, %arg7: memref<4x!tpu.dma_semaphore, #tpu.memory_space<semaphore_mem>>, %arg8: memref<4x!tpu.dma_semaphore, #tpu.memory_space<semaphore_mem>>, %arg9: memref<4x!tpu.dma_semaphore, #tpu.memory_space<semaphore_mem>>) attributes {dimension_semantics = [#tpu.dimension_semantics<core_parallel>, #tpu.dimension_semantics<subcore_parallel>], iteration_bounds = array<i64: 2, 16>, scalar_prefetch = 0 : i64, scratch_operands = 5 : i64, tpu.core_type = #tpu.core_type<sc_vector_subcore>, window_params = [{transform_indices = #map}, {transform_indices = #map1}, {transform_indices = #map}]} {
    %mul3A = arith.constant 2 : i32
    %mul3A_0 = arith.muli %arg1, %mul3A : i32
    %add3A = arith.addi %mul3A_0, %arg0 : i32
    %lt3A = arith.constant 2 : i32
    %lt3A_1 = arith.cmpi slt, %add3A, %lt3A : i32
    %jit3A = arith.constant 1 : i32
    %jit3A_2 = arith.constant 0 : i32
    %select_n3A = arith.select %lt3A_1, %jit3A, %jit3A_2 : i32
    %add3A_3 = arith.constant 39 : i32
    %add3A_4 = arith.addi %add3A_3, %select_n3A : i32
    %rem3A = arith.constant 0 : i32
    %rem3A_5 = arith.constant 4 : i32
    %rem3A_6 = arith.remsi %rem3A, %rem3A_5 : i32
    %add3A_7 = arith.constant 0 : i32
    %add3A_8 = arith.addi %add3A, %add3A_7 : i32
    %mul3A_9 = arith.constant 128 : i32
    %mul3A_10 = arith.muli %add3A_8, %mul3A_9 : i32
    %dma_start3A = arith.constant 0 : i32
    %dma_start3A_11 = tpu.memref_slice %arg5[%rem3A_6, %dma_start3A] : memref<4x128xi32, #tpu.memory_space<vmem>> -> memref<1x128xi32, #tpu.memory_space<vmem>>
    %dma_start3A_12 = tpu.memref_squeeze %dma_start3A_11 : memref<1x128xi32, #tpu.memory_space<vmem>> -> memref<128xi32, #tpu.memory_space<vmem>>
    %dma_start3A_13 = tpu.memref_slice %arg3[%mul3A_10] : memref<160000xi32, #tpu.memory_space<hbm>> -> memref<128xi32, #tpu.memory_space<hbm>>
    %dma_start3A_14 = tpu.memref_slice %arg7[%rem3A_6] : memref<4x!tpu.dma_semaphore, #tpu.memory_space<semaphore_mem>> -> memref<1x!tpu.dma_semaphore, #tpu.memory_space<semaphore_mem>>
    %dma_start3A_15 = tpu.memref_squeeze %dma_start3A_14 : memref<1x!tpu.dma_semaphore, #tpu.memory_space<semaphore_mem>> -> memref<!tpu.dma_semaphore, #tpu.memory_space<semaphore_mem>>
    %dma_start3A_16 = arith.constant 0 : i32
    %dma_start3A_17 = tpu.memref_slice %arg5[%rem3A_6, %dma_start3A_16] : memref<4x128xi32, #tpu.memory_space<vmem>> -> memref<1x128xi32, #tpu.memory_space<vmem>>
    %dma_start3A_18 = tpu.memref_squeeze %dma_start3A_17 : memref<1x128xi32, #tpu.memory_space<vmem>> -> memref<128xi32, #tpu.memory_space<vmem>>
    %dma_start3A_19 = tpu.memref_slice %arg3[%mul3A_10] : memref<160000xi32, #tpu.memory_space<hbm>> -> memref<128xi32, #tpu.memory_space<hbm>>
    tpu.enqueue_dma source(%dma_start3A_19 : memref<128xi32, #tpu.memory_space<hbm>>) target(%dma_start3A_18 : memref<128xi32, #tpu.memory_space<vmem>>) target_semaphore(%dma_start3A_15 : memref<!tpu.dma_semaphore, #tpu.memory_space<semaphore_mem>>)
    %rem3A_20 = arith.constant 1 : i32
    %rem3A_21 = arith.constant 4 : i32
    %rem3A_22 = arith.remsi %rem3A_20, %rem3A_21 : i32
    %add3A_23 = arith.constant 32 : i32
    %add3A_24 = arith.addi %add3A, %add3A_23 : i32
    %mul3A_25 = arith.constant 128 : i32
    %mul3A_26 = arith.muli %add3A_24, %mul3A_25 : i32
    %dma_start3A_27 = arith.constant 0 : i32
    %dma_start3A_28 = tpu.memref_slice %arg5[%rem3A_22, %dma_start3A_27] : memref<4x128xi32, #tpu.memory_space<vmem>> -> memref<1x128xi32, #tpu.memory_space<vmem>>
    %dma_start3A_29 = tpu.memref_squeeze %dma_start3A_28 : memref<1x128xi32, #tpu.memory_space<vmem>> -> memref<128xi32, #tpu.memory_space<vmem>>
    %dma_start3A_30 = tpu.memref_slice %arg3[%mul3A_26] : memref<160000xi32, #tpu.memory_space<hbm>> -> memref<128xi32, #tpu.memory_space<hbm>>
    %dma_start3A_31 = tpu.memref_slice %arg7[%rem3A_22] : memref<4x!tpu.dma_semaphore, #tpu.memory_space<semaphore_mem>> -> memref<1x!tpu.dma_semaphore, #tpu.memory_space<semaphore_mem>>
    %dma_start3A_32 = tpu.memref_squeeze %dma_start3A_31 : memref<1x!tpu.dma_semaphore, #tpu.memory_space<semaphore_mem>> -> memref<!tpu.dma_semaphore, #tpu.memory_space<semaphore_mem>>
    %dma_start3A_33 = arith.constant 0 : i32
    %dma_start3A_34 = tpu.memref_slice %arg5[%rem3A_22, %dma_start3A_33] : memref<4x128xi32, #tpu.memory_space<vmem>> -> memref<1x128xi32, #tpu.memory_space<vmem>>
    %dma_start3A_35 = tpu.memref_squeeze %dma_start3A_34 : memref<1x128xi32, #tpu.memory_space<vmem>> -> memref<128xi32, #tpu.memory_space<vmem>>
    %dma_start3A_36 = tpu.memref_slice %arg3[%mul3A_26] : memref<160000xi32, #tpu.memory_space<hbm>> -> memref<128xi32, #tpu.memory_space<hbm>>
    tpu.enqueue_dma source(%dma_start3A_36 : memref<128xi32, #tpu.memory_space<hbm>>) target(%dma_start3A_35 : memref<128xi32, #tpu.memory_space<vmem>>) target_semaphore(%dma_start3A_32 : memref<!tpu.dma_semaphore, #tpu.memory_space<semaphore_mem>>)
    %rem3A_37 = arith.constant 0 : i32
    %rem3A_38 = arith.constant 4 : i32
    %rem3A_39 = arith.remsi %rem3A_37, %rem3A_38 : i32
    %add3A_40 = arith.constant 0 : i32
    %add3A_41 = arith.addi %add3A, %add3A_40 : i32
    %mul3A_42 = arith.constant 128 : i32
    %mul3A_43 = arith.muli %add3A_41, %mul3A_42 : i32
    %dma_wait3A = arith.constant 0 : i32
    %dma_wait3A_44 = tpu.memref_slice %arg5[%rem3A_39, %dma_wait3A] : memref<4x128xi32, #tpu.memory_space<vmem>> -> memref<1x128xi32, #tpu.memory_space<vmem>>
    %dma_wait3A_45 = tpu.memref_squeeze %dma_wait3A_44 : memref<1x128xi32, #tpu.memory_space<vmem>> -> memref<128xi32, #tpu.memory_space<vmem>>
    %dma_wait3A_46 = tpu.memref_slice %arg3[%mul3A_43] : memref<160000xi32, #tpu.memory_space<hbm>> -> memref<128xi32, #tpu.memory_space<hbm>>
    %dma_wait3A_47 = tpu.memref_slice %arg7[%rem3A_39] : memref<4x!tpu.dma_semaphore, #tpu.memory_space<semaphore_mem>> -> memref<1x!tpu.dma_semaphore, #tpu.memory_space<semaphore_mem>>
    %dma_wait3A_48 = tpu.memref_squeeze %dma_wait3A_47 : memref<1x!tpu.dma_semaphore, #tpu.memory_space<semaphore_mem>> -> memref<!tpu.dma_semaphore, #tpu.memory_space<semaphore_mem>>
    %dma_wait3A_49 = arith.constant 0 : i32
    %dma_wait3A_50 = tpu.memref_slice %arg5[%rem3A_39, %dma_wait3A_49] : memref<4x128xi32, #tpu.memory_space<vmem>> -> memref<1x128xi32, #tpu.memory_space<vmem>>
    %dma_wait3A_51 = tpu.memref_squeeze %dma_wait3A_50 : memref<1x128xi32, #tpu.memory_space<vmem>> -> memref<128xi32, #tpu.memory_space<vmem>>
    %dma_wait3A_52 = tpu.memref_slice %arg3[%mul3A_43] : memref<160000xi32, #tpu.memory_space<hbm>> -> memref<128xi32, #tpu.memory_space<hbm>>
    tpu.wait_dma2 semaphore(%dma_wait3A_48 : memref<!tpu.dma_semaphore, #tpu.memory_space<semaphore_mem>>) src(%dma_wait3A_52 : memref<128xi32, #tpu.memory_space<hbm>>) dst(%dma_wait3A_51 : memref<128xi32, #tpu.memory_space<vmem>>)
    %rem3A_53 = arith.constant 0 : i32
    %rem3A_54 = arith.constant 4 : i32
    %rem3A_55 = arith.remsi %rem3A_53, %rem3A_54 : i32
    %dma_start3A_56 = arith.constant 0 : i32
    %dma_start3A_57 = arith.constant 0 : i32
    %dma_start3A_58 = tpu.memref_slice %arg6[%rem3A_55, %dma_start3A_56, %dma_start3A_57] : memref<4x128x16xf32, #tpu.memory_space<vmem>> -> memref<1x128x16xf32, #tpu.memory_space<vmem>>
    %dma_start3A_59 = tpu.memref_squeeze %dma_start3A_58 : memref<1x128x16xf32, #tpu.memory_space<vmem>> -> memref<128x16xf32, #tpu.memory_space<vmem>>
    %dma_start3A_60 = arith.constant 0 : i32
    %dma_start3A_61 = tpu.memref_slice %arg5[%rem3A_55, %dma_start3A_60] : memref<4x128xi32, #tpu.memory_space<vmem>> -> memref<1x128xi32, #tpu.memory_space<vmem>>
    %dma_start3A_62 = tpu.memref_squeeze %dma_start3A_61 : memref<1x128xi32, #tpu.memory_space<vmem>> -> memref<128xi32, #tpu.memory_space<vmem>>
    %dma_start3A_63 = arith.constant 0 : i32
    %dma_start3A_64 = arith.constant 0 : i32
    %dma_start3A_65 = tpu.memref_slice %arg2[%dma_start3A_63, %dma_start3A_64] : memref<10000x16xf32, #tpu.memory_space<hbm>> -> memref<10000x16xf32, #tpu.memory_space<hbm>>
    %dma_start3A_66 = tpu.memref_slice %arg8[%rem3A_55] : memref<4x!tpu.dma_semaphore, #tpu.memory_space<semaphore_mem>> -> memref<1x!tpu.dma_semaphore, #tpu.memory_space<semaphore_mem>>
    %dma_start3A_67 = tpu.memref_squeeze %dma_start3A_66 : memref<1x!tpu.dma_semaphore, #tpu.memory_space<semaphore_mem>> -> memref<!tpu.dma_semaphore, #tpu.memory_space<semaphore_mem>>
    tpu.enqueue_indirect_dma source(%dma_start3A_65 : memref<10000x16xf32, #tpu.memory_space<hbm>>) target(%dma_start3A_59 : memref<128x16xf32, #tpu.memory_space<vmem>>) offsets(%dma_start3A_62 : memref<128xi32, #tpu.memory_space<vmem>>) semaphore(%dma_start3A_67 : memref<!tpu.dma_semaphore, #tpu.memory_space<semaphore_mem>>)
    %while3A = arith.constant 0 : i32
    %while3A_68 = arith.constant 0 : i32
    %while3A_69 = arith.subi %add3A_4, %while3A_68 : i32
    %while3A_70 = arith.addi %while3A_68, %while3A_69 : i32
    %while3A_71 = arith.constant 1 : i32
    %while3A_72 = arith.divsi %while3A_69, %while3A_71 : i32
    %while3A_73 = arith.muli %while3A_72, %while3A_71 : i32
    %while3A_74 = arith.addi %while3A_68, %while3A_73 : i32
    %while3A_75 = arith.constant 1 : i32
    scf.for %while3A_101 = %while3A_68 to %while3A_74 step %while3A_75  : i32 {
      %ge3A_102 = arith.constant 2 : i32
      %ge3A_103 = arith.cmpi sge, %while3A_101, %ge3A_102 : i32
      %convert_element_type3A_104 = arith.extui %ge3A_103 : i1 to i32
      %cond3A_105 = arith.constant 0 : i32
      %cond3A_106 = arith.cmpi ne, %convert_element_type3A_104, %cond3A_105 : i32
      scf.if %cond3A_106 {
        %sub3A_154 = arith.constant 2 : i32
        %sub3A_155 = arith.subi %while3A_101, %sub3A_154 : i32
        %rem3A_156 = arith.constant 4 : i32
        %rem3A_157 = arith.remsi %sub3A_155, %rem3A_156 : i32
        %mul3A_158 = arith.constant 32 : i32
        %mul3A_159 = arith.muli %mul3A_158, %sub3A_155 : i32
        %add3A_160 = arith.addi %add3A, %mul3A_159 : i32
        %mul3A_161 = arith.constant 128 : i32
        %mul3A_162 = arith.muli %add3A_160, %mul3A_161 : i32
        %dma_wait3A_163 = arith.constant 0 : i32
        %dma_wait3A_164 = arith.constant 0 : i32
        %dma_wait3A_165 = tpu.memref_slice %arg6[%rem3A_157, %dma_wait3A_163, %dma_wait3A_164] : memref<4x128x16xf32, #tpu.memory_space<vmem>> -> memref<1x128x16xf32, #tpu.memory_space<vmem>>
        %dma_wait3A_166 = tpu.memref_squeeze %dma_wait3A_165 : memref<1x128x16xf32, #tpu.memory_space<vmem>> -> memref<128x16xf32, #tpu.memory_space<vmem>>
        %dma_wait3A_167 = arith.constant 0 : i32
        %dma_wait3A_168 = tpu.memref_slice %arg4[%mul3A_162, %dma_wait3A_167] : memref<160000x16xf32, #tpu.memory_space<hbm>> -> memref<128x16xf32, #tpu.memory_space<hbm>>
        %dma_wait3A_169 = tpu.memref_slice %arg9[%rem3A_157] : memref<4x!tpu.dma_semaphore, #tpu.memory_space<semaphore_mem>> -> memref<1x!tpu.dma_semaphore, #tpu.memory_space<semaphore_mem>>
        %dma_wait3A_170 = tpu.memref_squeeze %dma_wait3A_169 : memref<1x!tpu.dma_semaphore, #tpu.memory_space<semaphore_mem>> -> memref<!tpu.dma_semaphore, #tpu.memory_space<semaphore_mem>>
        %dma_wait3A_171 = arith.constant 0 : i32
        %dma_wait3A_172 = tpu.memref_slice %arg4[%mul3A_162, %dma_wait3A_171] : memref<160000x16xf32, #tpu.memory_space<hbm>> -> memref<128x16xf32, #tpu.memory_space<hbm>>
        %dma_wait3A_173 = arith.constant 0 : i32
        %dma_wait3A_174 = arith.constant 0 : i32
        %dma_wait3A_175 = tpu.memref_slice %arg6[%rem3A_157, %dma_wait3A_173, %dma_wait3A_174] : memref<4x128x16xf32, #tpu.memory_space<vmem>> -> memref<1x128x16xf32, #tpu.memory_space<vmem>>
        %dma_wait3A_176 = tpu.memref_squeeze %dma_wait3A_175 : memref<1x128x16xf32, #tpu.memory_space<vmem>> -> memref<128x16xf32, #tpu.memory_space<vmem>>
        tpu.wait_dma2 semaphore(%dma_wait3A_170 : memref<!tpu.dma_semaphore, #tpu.memory_space<semaphore_mem>>) src(%dma_wait3A_176 : memref<128x16xf32, #tpu.memory_space<vmem>>) dst(%dma_wait3A_172 : memref<128x16xf32, #tpu.memory_space<hbm>>)
      } else {
      }
      %add3A_107 = arith.constant 2 : i32
      %add3A_108 = arith.addi %while3A_101, %add3A_107 : i32
      %lt3A_109 = arith.cmpi slt, %add3A_108, %add3A_4 : i32
      %convert_element_type3A_110 = arith.extui %lt3A_109 : i1 to i32
      %cond3A_111 = arith.constant 0 : i32
      %cond3A_112 = arith.cmpi ne, %convert_element_type3A_110, %cond3A_111 : i32
      scf.if %cond3A_112 {
        %add3A_154 = arith.constant 2 : i32
        %add3A_155 = arith.addi %while3A_101, %add3A_154 : i32
        %rem3A_156 = arith.constant 4 : i32
        %rem3A_157 = arith.remsi %add3A_155, %rem3A_156 : i32
        %mul3A_158 = arith.constant 32 : i32
        %mul3A_159 = arith.muli %mul3A_158, %add3A_155 : i32
        %add3A_160 = arith.addi %add3A, %mul3A_159 : i32
        %mul3A_161 = arith.constant 128 : i32
        %mul3A_162 = arith.muli %add3A_160, %mul3A_161 : i32
        %dma_start3A_163 = arith.constant 0 : i32
        %dma_start3A_164 = tpu.memref_slice %arg5[%rem3A_157, %dma_start3A_163] : memref<4x128xi32, #tpu.memory_space<vmem>> -> memref<1x128xi32, #tpu.memory_space<vmem>>
        %dma_start3A_165 = tpu.memref_squeeze %dma_start3A_164 : memref<1x128xi32, #tpu.memory_space<vmem>> -> memref<128xi32, #tpu.memory_space<vmem>>
        %dma_start3A_166 = tpu.memref_slice %arg3[%mul3A_162] : memref<160000xi32, #tpu.memory_space<hbm>> -> memref<128xi32, #tpu.memory_space<hbm>>
        %dma_start3A_167 = tpu.memref_slice %arg7[%rem3A_157] : memref<4x!tpu.dma_semaphore, #tpu.memory_space<semaphore_mem>> -> memref<1x!tpu.dma_semaphore, #tpu.memory_space<semaphore_mem>>
        %dma_start3A_168 = tpu.memref_squeeze %dma_start3A_167 : memref<1x!tpu.dma_semaphore, #tpu.memory_space<semaphore_mem>> -> memref<!tpu.dma_semaphore, #tpu.memory_space<semaphore_mem>>
        %dma_start3A_169 = arith.constant 0 : i32
        %dma_start3A_170 = tpu.memref_slice %arg5[%rem3A_157, %dma_start3A_169] : memref<4x128xi32, #tpu.memory_space<vmem>> -> memref<1x128xi32, #tpu.memory_space<vmem>>
        %dma_start3A_171 = tpu.memref_squeeze %dma_start3A_170 : memref<1x128xi32, #tpu.memory_space<vmem>> -> memref<128xi32, #tpu.memory_space<vmem>>
        %dma_start3A_172 = tpu.memref_slice %arg3[%mul3A_162] : memref<160000xi32, #tpu.memory_space<hbm>> -> memref<128xi32, #tpu.memory_space<hbm>>
        tpu.enqueue_dma source(%dma_start3A_172 : memref<128xi32, #tpu.memory_space<hbm>>) target(%dma_start3A_171 : memref<128xi32, #tpu.memory_space<vmem>>) target_semaphore(%dma_start3A_168 : memref<!tpu.dma_semaphore, #tpu.memory_space<semaphore_mem>>)
      } else {
      }
      %add3A_113 = arith.constant 1 : i32
      %add3A_114 = arith.addi %while3A_101, %add3A_113 : i32
      %lt3A_115 = arith.cmpi slt, %add3A_114, %add3A_4 : i32
      %convert_element_type3A_116 = arith.extui %lt3A_115 : i1 to i32
      %cond3A_117 = arith.constant 0 : i32
      %cond3A_118 = arith.cmpi ne, %convert_element_type3A_116, %cond3A_117 : i32
      scf.if %cond3A_118 {
        %add3A_154 = arith.constant 1 : i32
        %add3A_155 = arith.addi %while3A_101, %add3A_154 : i32
        %rem3A_156 = arith.constant 4 : i32
        %rem3A_157 = arith.remsi %add3A_155, %rem3A_156 : i32
        %mul3A_158 = arith.constant 32 : i32
        %mul3A_159 = arith.muli %mul3A_158, %add3A_155 : i32
        %add3A_160 = arith.addi %add3A, %mul3A_159 : i32
        %mul3A_161 = arith.constant 128 : i32
        %mul3A_162 = arith.muli %add3A_160, %mul3A_161 : i32
        %dma_wait3A_163 = arith.constant 0 : i32
        %dma_wait3A_164 = tpu.memref_slice %arg5[%rem3A_157, %dma_wait3A_163] : memref<4x128xi32, #tpu.memory_space<vmem>> -> memref<1x128xi32, #tpu.memory_space<vmem>>
        %dma_wait3A_165 = tpu.memref_squeeze %dma_wait3A_164 : memref<1x128xi32, #tpu.memory_space<vmem>> -> memref<128xi32, #tpu.memory_space<vmem>>
        %dma_wait3A_166 = tpu.memref_slice %arg3[%mul3A_162] : memref<160000xi32, #tpu.memory_space<hbm>> -> memref<128xi32, #tpu.memory_space<hbm>>
        %dma_wait3A_167 = tpu.memref_slice %arg7[%rem3A_157] : memref<4x!tpu.dma_semaphore, #tpu.memory_space<semaphore_mem>> -> memref<1x!tpu.dma_semaphore, #tpu.memory_space<semaphore_mem>>
        %dma_wait3A_168 = tpu.memref_squeeze %dma_wait3A_167 : memref<1x!tpu.dma_semaphore, #tpu.memory_space<semaphore_mem>> -> memref<!tpu.dma_semaphore, #tpu.memory_space<semaphore_mem>>
        %dma_wait3A_169 = arith.constant 0 : i32
        %dma_wait3A_170 = tpu.memref_slice %arg5[%rem3A_157, %dma_wait3A_169] : memref<4x128xi32, #tpu.memory_space<vmem>> -> memref<1x128xi32, #tpu.memory_space<vmem>>
        %dma_wait3A_171 = tpu.memref_squeeze %dma_wait3A_170 : memref<1x128xi32, #tpu.memory_space<vmem>> -> memref<128xi32, #tpu.memory_space<vmem>>
        %dma_wait3A_172 = tpu.memref_slice %arg3[%mul3A_162] : memref<160000xi32, #tpu.memory_space<hbm>> -> memref<128xi32, #tpu.memory_space<hbm>>
        tpu.wait_dma2 semaphore(%dma_wait3A_168 : memref<!tpu.dma_semaphore, #tpu.memory_space<semaphore_mem>>) src(%dma_wait3A_172 : memref<128xi32, #tpu.memory_space<hbm>>) dst(%dma_wait3A_171 : memref<128xi32, #tpu.memory_space<vmem>>)
        %add3A_173 = arith.constant 1 : i32
        %add3A_174 = arith.addi %while3A_101, %add3A_173 : i32
        %rem3A_175 = arith.constant 4 : i32
        %rem3A_176 = arith.remsi %add3A_174, %rem3A_175 : i32
        %dma_start3A_177 = arith.constant 0 : i32
        %dma_start3A_178 = arith.constant 0 : i32
        %dma_start3A_179 = tpu.memref_slice %arg6[%rem3A_176, %dma_start3A_177, %dma_start3A_178] : memref<4x128x16xf32, #tpu.memory_space<vmem>> -> memref<1x128x16xf32, #tpu.memory_space<vmem>>
        %dma_start3A_180 = tpu.memref_squeeze %dma_start3A_179 : memref<1x128x16xf32, #tpu.memory_space<vmem>> -> memref<128x16xf32, #tpu.memory_space<vmem>>
        %dma_start3A_181 = arith.constant 0 : i32
        %dma_start3A_182 = tpu.memref_slice %arg5[%rem3A_176, %dma_start3A_181] : memref<4x128xi32, #tpu.memory_space<vmem>> -> memref<1x128xi32, #tpu.memory_space<vmem>>
        %dma_start3A_183 = tpu.memref_squeeze %dma_start3A_182 : memref<1x128xi32, #tpu.memory_space<vmem>> -> memref<128xi32, #tpu.memory_space<vmem>>
        %dma_start3A_184 = arith.constant 0 : i32
        %dma_start3A_185 = arith.constant 0 : i32
        %dma_start3A_186 = tpu.memref_slice %arg2[%dma_start3A_184, %dma_start3A_185] : memref<10000x16xf32, #tpu.memory_space<hbm>> -> memref<10000x16xf32, #tpu.memory_space<hbm>>
        %dma_start3A_187 = tpu.memref_slice %arg8[%rem3A_176] : memref<4x!tpu.dma_semaphore, #tpu.memory_space<semaphore_mem>> -> memref<1x!tpu.dma_semaphore, #tpu.memory_space<semaphore_mem>>
        %dma_start3A_188 = tpu.memref_squeeze %dma_start3A_187 : memref<1x!tpu.dma_semaphore, #tpu.memory_space<semaphore_mem>> -> memref<!tpu.dma_semaphore, #tpu.memory_space<semaphore_mem>>
        tpu.enqueue_indirect_dma source(%dma_start3A_186 : memref<10000x16xf32, #tpu.memory_space<hbm>>) target(%dma_start3A_180 : memref<128x16xf32, #tpu.memory_space<vmem>>) offsets(%dma_start3A_183 : memref<128xi32, #tpu.memory_space<vmem>>) semaphore(%dma_start3A_188 : memref<!tpu.dma_semaphore, #tpu.memory_space<semaphore_mem>>)
      } else {
      }
      %rem3A_119 = arith.constant 4 : i32
      %rem3A_120 = arith.remsi %while3A_101, %rem3A_119 : i32
      %dma_wait3A_121 = arith.constant 0 : i32
      %dma_wait3A_122 = arith.constant 0 : i32
      %dma_wait3A_123 = tpu.memref_slice %arg6[%rem3A_120, %dma_wait3A_121, %dma_wait3A_122] : memref<4x128x16xf32, #tpu.memory_space<vmem>> -> memref<1x128x16xf32, #tpu.memory_space<vmem>>
      %dma_wait3A_124 = tpu.memref_squeeze %dma_wait3A_123 : memref<1x128x16xf32, #tpu.memory_space<vmem>> -> memref<128x16xf32, #tpu.memory_space<vmem>>
      %dma_wait3A_125 = arith.constant 0 : i32
      %dma_wait3A_126 = tpu.memref_slice %arg5[%rem3A_120, %dma_wait3A_125] : memref<4x128xi32, #tpu.memory_space<vmem>> -> memref<1x128xi32, #tpu.memory_space<vmem>>
      %dma_wait3A_127 = tpu.memref_squeeze %dma_wait3A_126 : memref<1x128xi32, #tpu.memory_space<vmem>> -> memref<128xi32, #tpu.memory_space<vmem>>
      %dma_wait3A_128 = arith.constant 0 : i32
      %dma_wait3A_129 = arith.constant 0 : i32
      %dma_wait3A_130 = tpu.memref_slice %arg2[%dma_wait3A_128, %dma_wait3A_129] : memref<10000x16xf32, #tpu.memory_space<hbm>> -> memref<10000x16xf32, #tpu.memory_space<hbm>>
      %dma_wait3A_131 = tpu.memref_slice %arg8[%rem3A_120] : memref<4x!tpu.dma_semaphore, #tpu.memory_space<semaphore_mem>> -> memref<1x!tpu.dma_semaphore, #tpu.memory_space<semaphore_mem>>
      %dma_wait3A_132 = tpu.memref_squeeze %dma_wait3A_131 : memref<1x!tpu.dma_semaphore, #tpu.memory_space<semaphore_mem>> -> memref<!tpu.dma_semaphore, #tpu.memory_space<semaphore_mem>>
      tpu.wait_indirect_dma semaphore(%dma_wait3A_132 : memref<!tpu.dma_semaphore, #tpu.memory_space<semaphore_mem>>) src(%dma_wait3A_130 : memref<10000x16xf32, #tpu.memory_space<hbm>>) dst(%dma_wait3A_124 : memref<128x16xf32, #tpu.memory_space<vmem>>)
      %rem3A_133 = arith.constant 4 : i32
      %rem3A_134 = arith.remsi %while3A_101, %rem3A_133 : i32
      %mul3A_135 = arith.constant 32 : i32
      %mul3A_136 = arith.muli %mul3A_135, %while3A_101 : i32
      %add3A_137 = arith.addi %add3A, %mul3A_136 : i32
      %mul3A_138 = arith.constant 128 : i32
      %mul3A_139 = arith.muli %add3A_137, %mul3A_138 : i32
      %dma_start3A_140 = arith.constant 0 : i32
      %dma_start3A_141 = arith.constant 0 : i32
      %dma_start3A_142 = tpu.memref_slice %arg6[%rem3A_134, %dma_start3A_140, %dma_start3A_141] : memref<4x128x16xf32, #tpu.memory_space<vmem>> -> memref<1x128x16xf32, #tpu.memory_space<vmem>>
      %dma_start3A_143 = tpu.memref_squeeze %dma_start3A_142 : memref<1x128x16xf32, #tpu.memory_space<vmem>> -> memref<128x16xf32, #tpu.memory_space<vmem>>
      %dma_start3A_144 = arith.constant 0 : i32
      %dma_start3A_145 = tpu.memref_slice %arg4[%mul3A_139, %dma_start3A_144] : memref<160000x16xf32, #tpu.memory_space<hbm>> -> memref<128x16xf32, #tpu.memory_space<hbm>>
      %dma_start3A_146 = tpu.memref_slice %arg9[%rem3A_134] : memref<4x!tpu.dma_semaphore, #tpu.memory_space<semaphore_mem>> -> memref<1x!tpu.dma_semaphore, #tpu.memory_space<semaphore_mem>>
      %dma_start3A_147 = tpu.memref_squeeze %dma_start3A_146 : memref<1x!tpu.dma_semaphore, #tpu.memory_space<semaphore_mem>> -> memref<!tpu.dma_semaphore, #tpu.memory_space<semaphore_mem>>
      %dma_start3A_148 = arith.constant 0 : i32
      %dma_start3A_149 = tpu.memref_slice %arg4[%mul3A_139, %dma_start3A_148] : memref<160000x16xf32, #tpu.memory_space<hbm>> -> memref<128x16xf32, #tpu.memory_space<hbm>>
      %dma_start3A_150 = arith.constant 0 : i32
      %dma_start3A_151 = arith.constant 0 : i32
      %dma_start3A_152 = tpu.memref_slice %arg6[%rem3A_134, %dma_start3A_150, %dma_start3A_151] : memref<4x128x16xf32, #tpu.memory_space<vmem>> -> memref<1x128x16xf32, #tpu.memory_space<vmem>>
      %dma_start3A_153 = tpu.memref_squeeze %dma_start3A_152 : memref<1x128x16xf32, #tpu.memory_space<vmem>> -> memref<128x16xf32, #tpu.memory_space<vmem>>
      tpu.enqueue_dma source(%dma_start3A_153 : memref<128x16xf32, #tpu.memory_space<vmem>>) target(%dma_start3A_149 : memref<128x16xf32, #tpu.memory_space<hbm>>) target_semaphore(%dma_start3A_147 : memref<!tpu.dma_semaphore, #tpu.memory_space<semaphore_mem>>)
    }
    %while3A_76 = arith.constant 1 : i32
    scf.for %while3A_101 = %while3A_74 to %while3A_70 step %while3A_76  : i32 {
      %ge3A_102 = arith.constant 2 : i32
      %ge3A_103 = arith.cmpi sge, %while3A_101, %ge3A_102 : i32
      %convert_element_type3A_104 = arith.extui %ge3A_103 : i1 to i32
      %cond3A_105 = arith.constant 0 : i32
      %cond3A_106 = arith.cmpi ne, %convert_element_type3A_104, %cond3A_105 : i32
      scf.if %cond3A_106 {
        %sub3A_154 = arith.constant 2 : i32
        %sub3A_155 = arith.subi %while3A_101, %sub3A_154 : i32
        %rem3A_156 = arith.constant 4 : i32
        %rem3A_157 = arith.remsi %sub3A_155, %rem3A_156 : i32
        %mul3A_158 = arith.constant 32 : i32
        %mul3A_159 = arith.muli %mul3A_158, %sub3A_155 : i32
        %add3A_160 = arith.addi %add3A, %mul3A_159 : i32
        %mul3A_161 = arith.constant 128 : i32
        %mul3A_162 = arith.muli %add3A_160, %mul3A_161 : i32
        %dma_wait3A_163 = arith.constant 0 : i32
        %dma_wait3A_164 = arith.constant 0 : i32
        %dma_wait3A_165 = tpu.memref_slice %arg6[%rem3A_157, %dma_wait3A_163, %dma_wait3A_164] : memref<4x128x16xf32, #tpu.memory_space<vmem>> -> memref<1x128x16xf32, #tpu.memory_space<vmem>>
        %dma_wait3A_166 = tpu.memref_squeeze %dma_wait3A_165 : memref<1x128x16xf32, #tpu.memory_space<vmem>> -> memref<128x16xf32, #tpu.memory_space<vmem>>
        %dma_wait3A_167 = arith.constant 0 : i32
        %dma_wait3A_168 = tpu.memref_slice %arg4[%mul3A_162, %dma_wait3A_167] : memref<160000x16xf32, #tpu.memory_space<hbm>> -> memref<128x16xf32, #tpu.memory_space<hbm>>
        %dma_wait3A_169 = tpu.memref_slice %arg9[%rem3A_157] : memref<4x!tpu.dma_semaphore, #tpu.memory_space<semaphore_mem>> -> memref<1x!tpu.dma_semaphore, #tpu.memory_space<semaphore_mem>>
        %dma_wait3A_170 = tpu.memref_squeeze %dma_wait3A_169 : memref<1x!tpu.dma_semaphore, #tpu.memory_space<semaphore_mem>> -> memref<!tpu.dma_semaphore, #tpu.memory_space<semaphore_mem>>
        %dma_wait3A_171 = arith.constant 0 : i32
        %dma_wait3A_172 = tpu.memref_slice %arg4[%mul3A_162, %dma_wait3A_171] : memref<160000x16xf32, #tpu.memory_space<hbm>> -> memref<128x16xf32, #tpu.memory_space<hbm>>
        %dma_wait3A_173 = arith.constant 0 : i32
        %dma_wait3A_174 = arith.constant 0 : i32
        %dma_wait3A_175 = tpu.memref_slice %arg6[%rem3A_157, %dma_wait3A_173, %dma_wait3A_174] : memref<4x128x16xf32, #tpu.memory_space<vmem>> -> memref<1x128x16xf32, #tpu.memory_space<vmem>>
        %dma_wait3A_176 = tpu.memref_squeeze %dma_wait3A_175 : memref<1x128x16xf32, #tpu.memory_space<vmem>> -> memref<128x16xf32, #tpu.memory_space<vmem>>
        tpu.wait_dma2 semaphore(%dma_wait3A_170 : memref<!tpu.dma_semaphore, #tpu.memory_space<semaphore_mem>>) src(%dma_wait3A_176 : memref<128x16xf32, #tpu.memory_space<vmem>>) dst(%dma_wait3A_172 : memref<128x16xf32, #tpu.memory_space<hbm>>)
      } else {
      }
      %add3A_107 = arith.constant 2 : i32
      %add3A_108 = arith.addi %while3A_101, %add3A_107 : i32
      %lt3A_109 = arith.cmpi slt, %add3A_108, %add3A_4 : i32
      %convert_element_type3A_110 = arith.extui %lt3A_109 : i1 to i32
      %cond3A_111 = arith.constant 0 : i32
      %cond3A_112 = arith.cmpi ne, %convert_element_type3A_110, %cond3A_111 : i32
      scf.if %cond3A_112 {
        %add3A_154 = arith.constant 2 : i32
        %add3A_155 = arith.addi %while3A_101, %add3A_154 : i32
        %rem3A_156 = arith.constant 4 : i32
        %rem3A_157 = arith.remsi %add3A_155, %rem3A_156 : i32
        %mul3A_158 = arith.constant 32 : i32
        %mul3A_159 = arith.muli %mul3A_158, %add3A_155 : i32
        %add3A_160 = arith.addi %add3A, %mul3A_159 : i32
        %mul3A_161 = arith.constant 128 : i32
        %mul3A_162 = arith.muli %add3A_160, %mul3A_161 : i32
        %dma_start3A_163 = arith.constant 0 : i32
        %dma_start3A_164 = tpu.memref_slice %arg5[%rem3A_157, %dma_start3A_163] : memref<4x128xi32, #tpu.memory_space<vmem>> -> memref<1x128xi32, #tpu.memory_space<vmem>>
        %dma_start3A_165 = tpu.memref_squeeze %dma_start3A_164 : memref<1x128xi32, #tpu.memory_space<vmem>> -> memref<128xi32, #tpu.memory_space<vmem>>
        %dma_start3A_166 = tpu.memref_slice %arg3[%mul3A_162] : memref<160000xi32, #tpu.memory_space<hbm>> -> memref<128xi32, #tpu.memory_space<hbm>>
        %dma_start3A_167 = tpu.memref_slice %arg7[%rem3A_157] : memref<4x!tpu.dma_semaphore, #tpu.memory_space<semaphore_mem>> -> memref<1x!tpu.dma_semaphore, #tpu.memory_space<semaphore_mem>>
        %dma_start3A_168 = tpu.memref_squeeze %dma_start3A_167 : memref<1x!tpu.dma_semaphore, #tpu.memory_space<semaphore_mem>> -> memref<!tpu.dma_semaphore, #tpu.memory_space<semaphore_mem>>
        %dma_start3A_169 = arith.constant 0 : i32
        %dma_start3A_170 = tpu.memref_slice %arg5[%rem3A_157, %dma_start3A_169] : memref<4x128xi32, #tpu.memory_space<vmem>> -> memref<1x128xi32, #tpu.memory_space<vmem>>
        %dma_start3A_171 = tpu.memref_squeeze %dma_start3A_170 : memref<1x128xi32, #tpu.memory_space<vmem>> -> memref<128xi32, #tpu.memory_space<vmem>>
        %dma_start3A_172 = tpu.memref_slice %arg3[%mul3A_162] : memref<160000xi32, #tpu.memory_space<hbm>> -> memref<128xi32, #tpu.memory_space<hbm>>
        tpu.enqueue_dma source(%dma_start3A_172 : memref<128xi32, #tpu.memory_space<hbm>>) target(%dma_start3A_171 : memref<128xi32, #tpu.memory_space<vmem>>) target_semaphore(%dma_start3A_168 : memref<!tpu.dma_semaphore, #tpu.memory_space<semaphore_mem>>)
      } else {
      }
      %add3A_113 = arith.constant 1 : i32
      %add3A_114 = arith.addi %while3A_101, %add3A_113 : i32
      %lt3A_115 = arith.cmpi slt, %add3A_114, %add3A_4 : i32
      %convert_element_type3A_116 = arith.extui %lt3A_115 : i1 to i32
      %cond3A_117 = arith.constant 0 : i32
      %cond3A_118 = arith.cmpi ne, %convert_element_type3A_116, %cond3A_117 : i32
      scf.if %cond3A_118 {
        %add3A_154 = arith.constant 1 : i32
        %add3A_155 = arith.addi %while3A_101, %add3A_154 : i32
        %rem3A_156 = arith.constant 4 : i32
        %rem3A_157 = arith.remsi %add3A_155, %rem3A_156 : i32
        %mul3A_158 = arith.constant 32 : i32
        %mul3A_159 = arith.muli %mul3A_158, %add3A_155 : i32
        %add3A_160 = arith.addi %add3A, %mul3A_159 : i32
        %mul3A_161 = arith.constant 128 : i32
        %mul3A_162 = arith.muli %add3A_160, %mul3A_161 : i32
        %dma_wait3A_163 = arith.constant 0 : i32
        %dma_wait3A_164 = tpu.memref_slice %arg5[%rem3A_157, %dma_wait3A_163] : memref<4x128xi32, #tpu.memory_space<vmem>> -> memref<1x128xi32, #tpu.memory_space<vmem>>
        %dma_wait3A_165 = tpu.memref_squeeze %dma_wait3A_164 : memref<1x128xi32, #tpu.memory_space<vmem>> -> memref<128xi32, #tpu.memory_space<vmem>>
        %dma_wait3A_166 = tpu.memref_slice %arg3[%mul3A_162] : memref<160000xi32, #tpu.memory_space<hbm>> -> memref<128xi32, #tpu.memory_space<hbm>>
        %dma_wait3A_167 = tpu.memref_slice %arg7[%rem3A_157] : memref<4x!tpu.dma_semaphore, #tpu.memory_space<semaphore_mem>> -> memref<1x!tpu.dma_semaphore, #tpu.memory_space<semaphore_mem>>
        %dma_wait3A_168 = tpu.memref_squeeze %dma_wait3A_167 : memref<1x!tpu.dma_semaphore, #tpu.memory_space<semaphore_mem>> -> memref<!tpu.dma_semaphore, #tpu.memory_space<semaphore_mem>>
        %dma_wait3A_169 = arith.constant 0 : i32
        %dma_wait3A_170 = tpu.memref_slice %arg5[%rem3A_157, %dma_wait3A_169] : memref<4x128xi32, #tpu.memory_space<vmem>> -> memref<1x128xi32, #tpu.memory_space<vmem>>
        %dma_wait3A_171 = tpu.memref_squeeze %dma_wait3A_170 : memref<1x128xi32, #tpu.memory_space<vmem>> -> memref<128xi32, #tpu.memory_space<vmem>>
        %dma_wait3A_172 = tpu.memref_slice %arg3[%mul3A_162] : memref<160000xi32, #tpu.memory_space<hbm>> -> memref<128xi32, #tpu.memory_space<hbm>>
        tpu.wait_dma2 semaphore(%dma_wait3A_168 : memref<!tpu.dma_semaphore, #tpu.memory_space<semaphore_mem>>) src(%dma_wait3A_172 : memref<128xi32, #tpu.memory_space<hbm>>) dst(%dma_wait3A_171 : memref<128xi32, #tpu.memory_space<vmem>>)
        %add3A_173 = arith.constant 1 : i32
        %add3A_174 = arith.addi %while3A_101, %add3A_173 : i32
        %rem3A_175 = arith.constant 4 : i32
        %rem3A_176 = arith.remsi %add3A_174, %rem3A_175 : i32
        %dma_start3A_177 = arith.constant 0 : i32
        %dma_start3A_178 = arith.constant 0 : i32
        %dma_start3A_179 = tpu.memref_slice %arg6[%rem3A_176, %dma_start3A_177, %dma_start3A_178] : memref<4x128x16xf32, #tpu.memory_space<vmem>> -> memref<1x128x16xf32, #tpu.memory_space<vmem>>
        %dma_start3A_180 = tpu.memref_squeeze %dma_start3A_179 : memref<1x128x16xf32, #tpu.memory_space<vmem>> -> memref<128x16xf32, #tpu.memory_space<vmem>>
        %dma_start3A_181 = arith.constant 0 : i32
        %dma_start3A_182 = tpu.memref_slice %arg5[%rem3A_176, %dma_start3A_181] : memref<4x128xi32, #tpu.memory_space<vmem>> -> memref<1x128xi32, #tpu.memory_space<vmem>>
        %dma_start3A_183 = tpu.memref_squeeze %dma_start3A_182 : memref<1x128xi32, #tpu.memory_space<vmem>> -> memref<128xi32, #tpu.memory_space<vmem>>
        %dma_start3A_184 = arith.constant 0 : i32
        %dma_start3A_185 = arith.constant 0 : i32
        %dma_start3A_186 = tpu.memref_slice %arg2[%dma_start3A_184, %dma_start3A_185] : memref<10000x16xf32, #tpu.memory_space<hbm>> -> memref<10000x16xf32, #tpu.memory_space<hbm>>
        %dma_start3A_187 = tpu.memref_slice %arg8[%rem3A_176] : memref<4x!tpu.dma_semaphore, #tpu.memory_space<semaphore_mem>> -> memref<1x!tpu.dma_semaphore, #tpu.memory_space<semaphore_mem>>
        %dma_start3A_188 = tpu.memref_squeeze %dma_start3A_187 : memref<1x!tpu.dma_semaphore, #tpu.memory_space<semaphore_mem>> -> memref<!tpu.dma_semaphore, #tpu.memory_space<semaphore_mem>>
        tpu.enqueue_indirect_dma source(%dma_start3A_186 : memref<10000x16xf32, #tpu.memory_space<hbm>>) target(%dma_start3A_180 : memref<128x16xf32, #tpu.memory_space<vmem>>) offsets(%dma_start3A_183 : memref<128xi32, #tpu.memory_space<vmem>>) semaphore(%dma_start3A_188 : memref<!tpu.dma_semaphore, #tpu.memory_space<semaphore_mem>>)
      } else {
      }
      %rem3A_119 = arith.constant 4 : i32
      %rem3A_120 = arith.remsi %while3A_101, %rem3A_119 : i32
      %dma_wait3A_121 = arith.constant 0 : i32
      %dma_wait3A_122 = arith.constant 0 : i32
      %dma_wait3A_123 = tpu.memref_slice %arg6[%rem3A_120, %dma_wait3A_121, %dma_wait3A_122] : memref<4x128x16xf32, #tpu.memory_space<vmem>> -> memref<1x128x16xf32, #tpu.memory_space<vmem>>
      %dma_wait3A_124 = tpu.memref_squeeze %dma_wait3A_123 : memref<1x128x16xf32, #tpu.memory_space<vmem>> -> memref<128x16xf32, #tpu.memory_space<vmem>>
      %dma_wait3A_125 = arith.constant 0 : i32
      %dma_wait3A_126 = tpu.memref_slice %arg5[%rem3A_120, %dma_wait3A_125] : memref<4x128xi32, #tpu.memory_space<vmem>> -> memref<1x128xi32, #tpu.memory_space<vmem>>
      %dma_wait3A_127 = tpu.memref_squeeze %dma_wait3A_126 : memref<1x128xi32, #tpu.memory_space<vmem>> -> memref<128xi32, #tpu.memory_space<vmem>>
      %dma_wait3A_128 = arith.constant 0 : i32
      %dma_wait3A_129 = arith.constant 0 : i32
      %dma_wait3A_130 = tpu.memref_slice %arg2[%dma_wait3A_128, %dma_wait3A_129] : memref<10000x16xf32, #tpu.memory_space<hbm>> -> memref<10000x16xf32, #tpu.memory_space<hbm>>
      %dma_wait3A_131 = tpu.memref_slice %arg8[%rem3A_120] : memref<4x!tpu.dma_semaphore, #tpu.memory_space<semaphore_mem>> -> memref<1x!tpu.dma_semaphore, #tpu.memory_space<semaphore_mem>>
      %dma_wait3A_132 = tpu.memref_squeeze %dma_wait3A_131 : memref<1x!tpu.dma_semaphore, #tpu.memory_space<semaphore_mem>> -> memref<!tpu.dma_semaphore, #tpu.memory_space<semaphore_mem>>
      tpu.wait_indirect_dma semaphore(%dma_wait3A_132 : memref<!tpu.dma_semaphore, #tpu.memory_space<semaphore_mem>>) src(%dma_wait3A_130 : memref<10000x16xf32, #tpu.memory_space<hbm>>) dst(%dma_wait3A_124 : memref<128x16xf32, #tpu.memory_space<vmem>>)
      %rem3A_133 = arith.constant 4 : i32
      %rem3A_134 = arith.remsi %while3A_101, %rem3A_133 : i32
      %mul3A_135 = arith.constant 32 : i32
      %mul3A_136 = arith.muli %mul3A_135, %while3A_101 : i32
      %add3A_137 = arith.addi %add3A, %mul3A_136 : i32
      %mul3A_138 = arith.constant 128 : i32
      %mul3A_139 = arith.muli %add3A_137, %mul3A_138 : i32
      %dma_start3A_140 = arith.constant 0 : i32
      %dma_start3A_141 = arith.constant 0 : i32
      %dma_start3A_142 = tpu.memref_slice %arg6[%rem3A_134, %dma_start3A_140, %dma_start3A_141] : memref<4x128x16xf32, #tpu.memory_space<vmem>> -> memref<1x128x16xf32, #tpu.memory_space<vmem>>
      %dma_start3A_143 = tpu.memref_squeeze %dma_start3A_142 : memref<1x128x16xf32, #tpu.memory_space<vmem>> -> memref<128x16xf32, #tpu.memory_space<vmem>>
      %dma_start3A_144 = arith.constant 0 : i32
      %dma_start3A_145 = tpu.memref_slice %arg4[%mul3A_139, %dma_start3A_144] : memref<160000x16xf32, #tpu.memory_space<hbm>> -> memref<128x16xf32, #tpu.memory_space<hbm>>
      %dma_start3A_146 = tpu.memref_slice %arg9[%rem3A_134] : memref<4x!tpu.dma_semaphore, #tpu.memory_space<semaphore_mem>> -> memref<1x!tpu.dma_semaphore, #tpu.memory_space<semaphore_mem>>
      %dma_start3A_147 = tpu.memref_squeeze %dma_start3A_146 : memref<1x!tpu.dma_semaphore, #tpu.memory_space<semaphore_mem>> -> memref<!tpu.dma_semaphore, #tpu.memory_space<semaphore_mem>>
      %dma_start3A_148 = arith.constant 0 : i32
      %dma_start3A_149 = tpu.memref_slice %arg4[%mul3A_139, %dma_start3A_148] : memref<160000x16xf32, #tpu.memory_space<hbm>> -> memref<128x16xf32, #tpu.memory_space<hbm>>
      %dma_start3A_150 = arith.constant 0 : i32
      %dma_start3A_151 = arith.constant 0 : i32
      %dma_start3A_152 = tpu.memref_slice %arg6[%rem3A_134, %dma_start3A_150, %dma_start3A_151] : memref<4x128x16xf32, #tpu.memory_space<vmem>> -> memref<1x128x16xf32, #tpu.memory_space<vmem>>
      %dma_start3A_153 = tpu.memref_squeeze %dma_start3A_152 : memref<1x128x16xf32, #tpu.memory_space<vmem>> -> memref<128x16xf32, #tpu.memory_space<vmem>>
      tpu.enqueue_dma source(%dma_start3A_153 : memref<128x16xf32, #tpu.memory_space<vmem>>) target(%dma_start3A_149 : memref<128x16xf32, #tpu.memory_space<hbm>>) target_semaphore(%dma_start3A_147 : memref<!tpu.dma_semaphore, #tpu.memory_space<semaphore_mem>>)
    }
    %ge3A = arith.constant 2 : i32
    %ge3A_77 = arith.cmpi sge, %add3A_4, %ge3A : i32
    %convert_element_type3A = arith.extui %ge3A_77 : i1 to i32
    %cond3A = arith.constant 0 : i32
    %cond3A_78 = arith.cmpi ne, %convert_element_type3A, %cond3A : i32
    scf.if %cond3A_78 {
      %sub3A_101 = arith.constant 2 : i32
      %sub3A_102 = arith.subi %add3A_4, %sub3A_101 : i32
      %rem3A_103 = arith.constant 4 : i32
      %rem3A_104 = arith.remsi %sub3A_102, %rem3A_103 : i32
      %mul3A_105 = arith.constant 32 : i32
      %mul3A_106 = arith.muli %mul3A_105, %sub3A_102 : i32
      %add3A_107 = arith.addi %add3A, %mul3A_106 : i32
      %mul3A_108 = arith.constant 128 : i32
      %mul3A_109 = arith.muli %add3A_107, %mul3A_108 : i32
      %dma_wait3A_110 = arith.constant 0 : i32
      %dma_wait3A_111 = arith.constant 0 : i32
      %dma_wait3A_112 = tpu.memref_slice %arg6[%rem3A_104, %dma_wait3A_110, %dma_wait3A_111] : memref<4x128x16xf32, #tpu.memory_space<vmem>> -> memref<1x128x16xf32, #tpu.memory_space<vmem>>
      %dma_wait3A_113 = tpu.memref_squeeze %dma_wait3A_112 : memref<1x128x16xf32, #tpu.memory_space<vmem>> -> memref<128x16xf32, #tpu.memory_space<vmem>>
      %dma_wait3A_114 = arith.constant 0 : i32
      %dma_wait3A_115 = tpu.memref_slice %arg4[%mul3A_109, %dma_wait3A_114] : memref<160000x16xf32, #tpu.memory_space<hbm>> -> memref<128x16xf32, #tpu.memory_space<hbm>>
      %dma_wait3A_116 = tpu.memref_slice %arg9[%rem3A_104] : memref<4x!tpu.dma_semaphore, #tpu.memory_space<semaphore_mem>> -> memref<1x!tpu.dma_semaphore, #tpu.memory_space<semaphore_mem>>
      %dma_wait3A_117 = tpu.memref_squeeze %dma_wait3A_116 : memref<1x!tpu.dma_semaphore, #tpu.memory_space<semaphore_mem>> -> memref<!tpu.dma_semaphore, #tpu.memory_space<semaphore_mem>>
      %dma_wait3A_118 = arith.constant 0 : i32
      %dma_wait3A_119 = tpu.memref_slice %arg4[%mul3A_109, %dma_wait3A_118] : memref<160000x16xf32, #tpu.memory_space<hbm>> -> memref<128x16xf32, #tpu.memory_space<hbm>>
      %dma_wait3A_120 = arith.constant 0 : i32
      %dma_wait3A_121 = arith.constant 0 : i32
      %dma_wait3A_122 = tpu.memref_slice %arg6[%rem3A_104, %dma_wait3A_120, %dma_wait3A_121] : memref<4x128x16xf32, #tpu.memory_space<vmem>> -> memref<1x128x16xf32, #tpu.memory_space<vmem>>
      %dma_wait3A_123 = tpu.memref_squeeze %dma_wait3A_122 : memref<1x128x16xf32, #tpu.memory_space<vmem>> -> memref<128x16xf32, #tpu.memory_space<vmem>>
      tpu.wait_dma2 semaphore(%dma_wait3A_117 : memref<!tpu.dma_semaphore, #tpu.memory_space<semaphore_mem>>) src(%dma_wait3A_123 : memref<128x16xf32, #tpu.memory_space<vmem>>) dst(%dma_wait3A_119 : memref<128x16xf32, #tpu.memory_space<hbm>>)
    } else {
    }
    %sub3A = arith.constant 1 : i32
    %sub3A_79 = arith.subi %add3A_4, %sub3A : i32
    %rem3A_80 = arith.constant 4 : i32
    %rem3A_81 = arith.remsi %sub3A_79, %rem3A_80 : i32
    %mul3A_82 = arith.constant 32 : i32
    %mul3A_83 = arith.muli %mul3A_82, %sub3A_79 : i32
    %add3A_84 = arith.addi %add3A, %mul3A_83 : i32
    %mul3A_85 = arith.constant 128 : i32
    %mul3A_86 = arith.muli %add3A_84, %mul3A_85 : i32
    %dma_wait3A_87 = arith.constant 0 : i32
    %dma_wait3A_88 = arith.constant 0 : i32
    %dma_wait3A_89 = tpu.memref_slice %arg6[%rem3A_81, %dma_wait3A_87, %dma_wait3A_88] : memref<4x128x16xf32, #tpu.memory_space<vmem>> -> memref<1x128x16xf32, #tpu.memory_space<vmem>>
    %dma_wait3A_90 = tpu.memref_squeeze %dma_wait3A_89 : memref<1x128x16xf32, #tpu.memory_space<vmem>> -> memref<128x16xf32, #tpu.memory_space<vmem>>
    %dma_wait3A_91 = arith.constant 0 : i32
    %dma_wait3A_92 = tpu.memref_slice %arg4[%mul3A_86, %dma_wait3A_91] : memref<160000x16xf32, #tpu.memory_space<hbm>> -> memref<128x16xf32, #tpu.memory_space<hbm>>
    %dma_wait3A_93 = tpu.memref_slice %arg9[%rem3A_81] : memref<4x!tpu.dma_semaphore, #tpu.memory_space<semaphore_mem>> -> memref<1x!tpu.dma_semaphore, #tpu.memory_space<semaphore_mem>>
    %dma_wait3A_94 = tpu.memref_squeeze %dma_wait3A_93 : memref<1x!tpu.dma_semaphore, #tpu.memory_space<semaphore_mem>> -> memref<!tpu.dma_semaphore, #tpu.memory_space<semaphore_mem>>
    %dma_wait3A_95 = arith.constant 0 : i32
    %dma_wait3A_96 = tpu.memref_slice %arg4[%mul3A_86, %dma_wait3A_95] : memref<160000x16xf32, #tpu.memory_space<hbm>> -> memref<128x16xf32, #tpu.memory_space<hbm>>
    %dma_wait3A_97 = arith.constant 0 : i32
    %dma_wait3A_98 = arith.constant 0 : i32
    %dma_wait3A_99 = tpu.memref_slice %arg6[%rem3A_81, %dma_wait3A_97, %dma_wait3A_98] : memref<4x128x16xf32, #tpu.memory_space<vmem>> -> memref<1x128x16xf32, #tpu.memory_space<vmem>>
    %dma_wait3A_100 = tpu.memref_squeeze %dma_wait3A_99 : memref<1x128x16xf32, #tpu.memory_space<vmem>> -> memref<128x16xf32, #tpu.memory_space<vmem>>
    tpu.wait_dma2 semaphore(%dma_wait3A_94 : memref<!tpu.dma_semaphore, #tpu.memory_space<semaphore_mem>>) src(%dma_wait3A_100 : memref<128x16xf32, #tpu.memory_space<vmem>>) dst(%dma_wait3A_96 : memref<128x16xf32, #tpu.memory_space<hbm>>)
    return
  }
}

#map = affine_map<(d0, d1) -> (0, 0)>
#map1 = affine_map<(d0, d1) -> (0)>
#map2 = affine_map<(d0, d1) -> (0, 0, 0)>
module attributes {stable_mosaic.version = 14 : i64} {
  func.func @_scatter_body(%arg0: i32, %arg1: i32, %arg2: memref<160000x16xf32, #tpu.memory_space<hbm>>, %arg3: memref<160000xi32, #tpu.memory_space<hbm>>, %arg4: memref<2x10000x16xf32, #tpu.memory_space<hbm>>, %arg5: memref<10240x16xf32, #tpu.memory_space<vmem_shared>>, %arg6: memref<4x128xi32, #tpu.memory_space<vmem>>, %arg7: memref<4x128x16xf32, #tpu.memory_space<vmem>>, %arg8: memref<128x16xf32, #tpu.memory_space<vmem>>, %arg9: memref<4x!tpu.dma_semaphore, #tpu.memory_space<semaphore_mem>>, %arg10: memref<4x!tpu.dma_semaphore, #tpu.memory_space<semaphore_mem>>, %arg11: memref<4x!tpu.dma_semaphore, #tpu.memory_space<semaphore_mem>>) attributes {dimension_semantics = [#tpu.dimension_semantics<core_parallel>, #tpu.dimension_semantics<subcore_parallel>], iteration_bounds = array<i64: 2, 16>, scalar_prefetch = 0 : i64, scratch_operands = 7 : i64, tpu.core_type = #tpu.core_type<sc_vector_subcore>, window_params = [{transform_indices = #map}, {transform_indices = #map1}, {transform_indices = #map2}]} {
    %scan3A = arith.constant 0 : i32
    %scan3A_0 = arith.constant 0 : i32
    %scan3A_1 = arith.constant 128 : i32
    %scan3A_2 = arith.addi %scan3A_0, %scan3A_1 : i32
    %scan3A_3 = arith.constant 1 : i32
    scf.for %scan3A_150 = %scan3A_0 to %scan3A_2 step %scan3A_3  : i32 {
      %broadcast_in_dim3A = arith.constant 0.000000e+00 : f32
      %broadcast_in_dim3A_151 = vector.broadcast %broadcast_in_dim3A : f32 to vector<16xf32>
      %swap3A = arith.index_cast %scan3A_150 : i32 to index
      %swap3A_152 = arith.constant 0 : index
      %swap3A_153 = tpu.vector_load %arg8[%swap3A, %swap3A_152] {strides = array<i32>} : memref<128x16xf32, #tpu.memory_space<vmem>>, vector<1x16xf32>,
      %swap3A_154 = vector.shape_cast %swap3A_153 : vector<1x16xf32> to vector<16xf32>
      %swap3A_155 = vector.shape_cast %broadcast_in_dim3A_151 : vector<16xf32> to vector<1x16xf32>
      tpu.vector_store %arg8[%swap3A, %swap3A_152], %swap3A_155 {strides = array<i32>} : memref<128x16xf32, #tpu.memory_space<vmem>>, vector<1x16xf32>,
    }
    %scan3A_4 = arith.constant 128 : i32
    %mul3A = arith.constant 640 : i32
    %mul3A_5 = arith.muli %arg1, %mul3A : i32
    %add3A = arith.constant 0 : i32
    %add3A_6 = arith.addi %mul3A_5, %add3A : i32
    "tpu.region"() ({
      %run_scoped3A = tpu.sem_alloc : memref<!tpu.dma_semaphore, #tpu.memory_space<semaphore_mem>>
      %dma_start3A_150 = arith.constant 0 : i32
      %dma_start3A_151 = tpu.memref_slice %arg5[%add3A_6, %dma_start3A_150] : memref<10240x16xf32, #tpu.memory_space<vmem_shared>> -> memref<128x16xf32, #tpu.memory_space<vmem_shared>>
      %dma_start3A_152 = arith.constant 0 : i32
      %dma_start3A_153 = tpu.memref_slice %arg5[%add3A_6, %dma_start3A_152] : memref<10240x16xf32, #tpu.memory_space<vmem_shared>> -> memref<128x16xf32, #tpu.memory_space<vmem_shared>>
      tpu.enqueue_dma source(%arg8 : memref<128x16xf32, #tpu.memory_space<vmem>>) target(%dma_start3A_153 : memref<128x16xf32, #tpu.memory_space<vmem_shared>>) target_semaphore(%run_scoped3A : memref<!tpu.dma_semaphore, #tpu.memory_space<semaphore_mem>>)
      %dma_wait3A_154 = arith.constant 0 : i32
      %dma_wait3A_155 = tpu.memref_slice %arg5[%add3A_6, %dma_wait3A_154] : memref<10240x16xf32, #tpu.memory_space<vmem_shared>> -> memref<128x16xf32, #tpu.memory_space<vmem_shared>>
      %dma_wait3A_156 = arith.constant 0 : i32
      %dma_wait3A_157 = tpu.memref_slice %arg5[%add3A_6, %dma_wait3A_156] : memref<10240x16xf32, #tpu.memory_space<vmem_shared>> -> memref<128x16xf32, #tpu.memory_space<vmem_shared>>
      tpu.wait_dma2 semaphore(%run_scoped3A : memref<!tpu.dma_semaphore, #tpu.memory_space<semaphore_mem>>) src(%arg8 : memref<128x16xf32, #tpu.memory_space<vmem>>) dst(%dma_wait3A_157 : memref<128x16xf32, #tpu.memory_space<vmem_shared>>)
      tpu.yield
    }) : () -> ()
    %mul3A_7 = arith.constant 640 : i32
    %mul3A_8 = arith.muli %arg1, %mul3A_7 : i32
    %add3A_9 = arith.constant 128 : i32
    %add3A_10 = arith.addi %mul3A_8, %add3A_9 : i32
    "tpu.region"() ({
      %run_scoped3A = tpu.sem_alloc : memref<!tpu.dma_semaphore, #tpu.memory_space<semaphore_mem>>
      %dma_start3A_150 = arith.constant 0 : i32
      %dma_start3A_151 = tpu.memref_slice %arg5[%add3A_10, %dma_start3A_150] : memref<10240x16xf32, #tpu.memory_space<vmem_shared>> -> memref<128x16xf32, #tpu.memory_space<vmem_shared>>
      %dma_start3A_152 = arith.constant 0 : i32
      %dma_start3A_153 = tpu.memref_slice %arg5[%add3A_10, %dma_start3A_152] : memref<10240x16xf32, #tpu.memory_space<vmem_shared>> -> memref<128x16xf32, #tpu.memory_space<vmem_shared>>
      tpu.enqueue_dma source(%arg8 : memref<128x16xf32, #tpu.memory_space<vmem>>) target(%dma_start3A_153 : memref<128x16xf32, #tpu.memory_space<vmem_shared>>) target_semaphore(%run_scoped3A : memref<!tpu.dma_semaphore, #tpu.memory_space<semaphore_mem>>)
      %dma_wait3A_154 = arith.constant 0 : i32
      %dma_wait3A_155 = tpu.memref_slice %arg5[%add3A_10, %dma_wait3A_154] : memref<10240x16xf32, #tpu.memory_space<vmem_shared>> -> memref<128x16xf32, #tpu.memory_space<vmem_shared>>
      %dma_wait3A_156 = arith.constant 0 : i32
      %dma_wait3A_157 = tpu.memref_slice %arg5[%add3A_10, %dma_wait3A_156] : memref<10240x16xf32, #tpu.memory_space<vmem_shared>> -> memref<128x16xf32, #tpu.memory_space<vmem_shared>>
      tpu.wait_dma2 semaphore(%run_scoped3A : memref<!tpu.dma_semaphore, #tpu.memory_space<semaphore_mem>>) src(%arg8 : memref<128x16xf32, #tpu.memory_space<vmem>>) dst(%dma_wait3A_157 : memref<128x16xf32, #tpu.memory_space<vmem_shared>>)
      tpu.yield
    }) : () -> ()
    %mul3A_11 = arith.constant 640 : i32
    %mul3A_12 = arith.muli %arg1, %mul3A_11 : i32
    %add3A_13 = arith.constant 256 : i32
    %add3A_14 = arith.addi %mul3A_12, %add3A_13 : i32
    "tpu.region"() ({
      %run_scoped3A = tpu.sem_alloc : memref<!tpu.dma_semaphore, #tpu.memory_space<semaphore_mem>>
      %dma_start3A_150 = arith.constant 0 : i32
      %dma_start3A_151 = tpu.memref_slice %arg5[%add3A_14, %dma_start3A_150] : memref<10240x16xf32, #tpu.memory_space<vmem_shared>> -> memref<128x16xf32, #tpu.memory_space<vmem_shared>>
      %dma_start3A_152 = arith.constant 0 : i32
      %dma_start3A_153 = tpu.memref_slice %arg5[%add3A_14, %dma_start3A_152] : memref<10240x16xf32, #tpu.memory_space<vmem_shared>> -> memref<128x16xf32, #tpu.memory_space<vmem_shared>>
      tpu.enqueue_dma source(%arg8 : memref<128x16xf32, #tpu.memory_space<vmem>>) target(%dma_start3A_153 : memref<128x16xf32, #tpu.memory_space<vmem_shared>>) target_semaphore(%run_scoped3A : memref<!tpu.dma_semaphore, #tpu.memory_space<semaphore_mem>>)
      %dma_wait3A_154 = arith.constant 0 : i32
      %dma_wait3A_155 = tpu.memref_slice %arg5[%add3A_14, %dma_wait3A_154] : memref<10240x16xf32, #tpu.memory_space<vmem_shared>> -> memref<128x16xf32, #tpu.memory_space<vmem_shared>>
      %dma_wait3A_156 = arith.constant 0 : i32
      %dma_wait3A_157 = tpu.memref_slice %arg5[%add3A_14, %dma_wait3A_156] : memref<10240x16xf32, #tpu.memory_space<vmem_shared>> -> memref<128x16xf32, #tpu.memory_space<vmem_shared>>
      tpu.wait_dma2 semaphore(%run_scoped3A : memref<!tpu.dma_semaphore, #tpu.memory_space<semaphore_mem>>) src(%arg8 : memref<128x16xf32, #tpu.memory_space<vmem>>) dst(%dma_wait3A_157 : memref<128x16xf32, #tpu.memory_space<vmem_shared>>)
      tpu.yield
    }) : () -> ()
    %mul3A_15 = arith.constant 640 : i32
    %mul3A_16 = arith.muli %arg1, %mul3A_15 : i32
    %add3A_17 = arith.constant 384 : i32
    %add3A_18 = arith.addi %mul3A_16, %add3A_17 : i32
    "tpu.region"() ({
      %run_scoped3A = tpu.sem_alloc : memref<!tpu.dma_semaphore, #tpu.memory_space<semaphore_mem>>
      %dma_start3A_150 = arith.constant 0 : i32
      %dma_start3A_151 = tpu.memref_slice %arg5[%add3A_18, %dma_start3A_150] : memref<10240x16xf32, #tpu.memory_space<vmem_shared>> -> memref<128x16xf32, #tpu.memory_space<vmem_shared>>
      %dma_start3A_152 = arith.constant 0 : i32
      %dma_start3A_153 = tpu.memref_slice %arg5[%add3A_18, %dma_start3A_152] : memref<10240x16xf32, #tpu.memory_space<vmem_shared>> -> memref<128x16xf32, #tpu.memory_space<vmem_shared>>
      tpu.enqueue_dma source(%arg8 : memref<128x16xf32, #tpu.memory_space<vmem>>) target(%dma_start3A_153 : memref<128x16xf32, #tpu.memory_space<vmem_shared>>) target_semaphore(%run_scoped3A : memref<!tpu.dma_semaphore, #tpu.memory_space<semaphore_mem>>)
      %dma_wait3A_154 = arith.constant 0 : i32
      %dma_wait3A_155 = tpu.memref_slice %arg5[%add3A_18, %dma_wait3A_154] : memref<10240x16xf32, #tpu.memory_space<vmem_shared>> -> memref<128x16xf32, #tpu.memory_space<vmem_shared>>
      %dma_wait3A_156 = arith.constant 0 : i32
      %dma_wait3A_157 = tpu.memref_slice %arg5[%add3A_18, %dma_wait3A_156] : memref<10240x16xf32, #tpu.memory_space<vmem_shared>> -> memref<128x16xf32, #tpu.memory_space<vmem_shared>>
      tpu.wait_dma2 semaphore(%run_scoped3A : memref<!tpu.dma_semaphore, #tpu.memory_space<semaphore_mem>>) src(%arg8 : memref<128x16xf32, #tpu.memory_space<vmem>>) dst(%dma_wait3A_157 : memref<128x16xf32, #tpu.memory_space<vmem_shared>>)
      tpu.yield
    }) : () -> ()
    %mul3A_19 = arith.constant 640 : i32
    %mul3A_20 = arith.muli %arg1, %mul3A_19 : i32
    %add3A_21 = arith.constant 512 : i32
    %add3A_22 = arith.addi %mul3A_20, %add3A_21 : i32
    "tpu.region"() ({
      %run_scoped3A = tpu.sem_alloc : memref<!tpu.dma_semaphore, #tpu.memory_space<semaphore_mem>>
      %dma_start3A_150 = arith.constant 0 : i32
      %dma_start3A_151 = tpu.memref_slice %arg5[%add3A_22, %dma_start3A_150] : memref<10240x16xf32, #tpu.memory_space<vmem_shared>> -> memref<128x16xf32, #tpu.memory_space<vmem_shared>>
      %dma_start3A_152 = arith.constant 0 : i32
      %dma_start3A_153 = tpu.memref_slice %arg5[%add3A_22, %dma_start3A_152] : memref<10240x16xf32, #tpu.memory_space<vmem_shared>> -> memref<128x16xf32, #tpu.memory_space<vmem_shared>>
      tpu.enqueue_dma source(%arg8 : memref<128x16xf32, #tpu.memory_space<vmem>>) target(%dma_start3A_153 : memref<128x16xf32, #tpu.memory_space<vmem_shared>>) target_semaphore(%run_scoped3A : memref<!tpu.dma_semaphore, #tpu.memory_space<semaphore_mem>>)
      %dma_wait3A_154 = arith.constant 0 : i32
      %dma_wait3A_155 = tpu.memref_slice %arg5[%add3A_22, %dma_wait3A_154] : memref<10240x16xf32, #tpu.memory_space<vmem_shared>> -> memref<128x16xf32, #tpu.memory_space<vmem_shared>>
      %dma_wait3A_156 = arith.constant 0 : i32
      %dma_wait3A_157 = tpu.memref_slice %arg5[%add3A_22, %dma_wait3A_156] : memref<10240x16xf32, #tpu.memory_space<vmem_shared>> -> memref<128x16xf32, #tpu.memory_space<vmem_shared>>
      tpu.wait_dma2 semaphore(%run_scoped3A : memref<!tpu.dma_semaphore, #tpu.memory_space<semaphore_mem>>) src(%arg8 : memref<128x16xf32, #tpu.memory_space<vmem>>) dst(%dma_wait3A_157 : memref<128x16xf32, #tpu.memory_space<vmem_shared>>)
      tpu.yield
    }) : () -> ()
    %barrier3A = arith.constant 0 : index
    tpu.barrier barrier_id(%barrier3A)
    %lt3A = arith.constant 1 : i32
    %lt3A_23 = arith.cmpi slt, %arg1, %lt3A : i32
    %jit3A = arith.constant 1 : i32
    %jit3A_24 = arith.constant 0 : i32
    %select_n3A = arith.select %lt3A_23, %jit3A, %jit3A_24 : i32
    %add3A_25 = arith.constant 39 : i32
    %add3A_26 = arith.addi %add3A_25, %select_n3A : i32
    %rem3A = arith.constant 0 : i32
    %rem3A_27 = arith.constant 4 : i32
    %rem3A_28 = arith.remsi %rem3A, %rem3A_27 : i32
    %mul3A_29 = arith.constant 625 : i32
    %mul3A_30 = arith.muli %arg0, %mul3A_29 : i32
    %add3A_31 = arith.addi %mul3A_30, %arg1 : i32
    %add3A_32 = arith.constant 0 : i32
    %add3A_33 = arith.addi %add3A_31, %add3A_32 : i32
    %mul3A_34 = arith.constant 128 : i32
    %mul3A_35 = arith.muli %add3A_33, %mul3A_34 : i32
    %dma_start3A = arith.constant 0 : i32
    %dma_start3A_36 = tpu.memref_slice %arg6[%rem3A_28, %dma_start3A] : memref<4x128xi32, #tpu.memory_space<vmem>> -> memref<1x128xi32, #tpu.memory_space<vmem>>
    %dma_start3A_37 = tpu.memref_squeeze %dma_start3A_36 : memref<1x128xi32, #tpu.memory_space<vmem>> -> memref<128xi32, #tpu.memory_space<vmem>>
    %dma_start3A_38 = tpu.memref_slice %arg3[%mul3A_35] : memref<160000xi32, #tpu.memory_space<hbm>> -> memref<128xi32, #tpu.memory_space<hbm>>
    %dma_start3A_39 = tpu.memref_slice %arg9[%rem3A_28] : memref<4x!tpu.dma_semaphore, #tpu.memory_space<semaphore_mem>> -> memref<1x!tpu.dma_semaphore, #tpu.memory_space<semaphore_mem>>
    %dma_start3A_40 = tpu.memref_squeeze %dma_start3A_39 : memref<1x!tpu.dma_semaphore, #tpu.memory_space<semaphore_mem>> -> memref<!tpu.dma_semaphore, #tpu.memory_space<semaphore_mem>>
    %dma_start3A_41 = arith.constant 0 : i32
    %dma_start3A_42 = tpu.memref_slice %arg6[%rem3A_28, %dma_start3A_41] : memref<4x128xi32, #tpu.memory_space<vmem>> -> memref<1x128xi32, #tpu.memory_space<vmem>>
    %dma_start3A_43 = tpu.memref_squeeze %dma_start3A_42 : memref<1x128xi32, #tpu.memory_space<vmem>> -> memref<128xi32, #tpu.memory_space<vmem>>
    %dma_start3A_44 = tpu.memref_slice %arg3[%mul3A_35] : memref<160000xi32, #tpu.memory_space<hbm>> -> memref<128xi32, #tpu.memory_space<hbm>>
    tpu.enqueue_dma source(%dma_start3A_44 : memref<128xi32, #tpu.memory_space<hbm>>) target(%dma_start3A_43 : memref<128xi32, #tpu.memory_space<vmem>>) target_semaphore(%dma_start3A_40 : memref<!tpu.dma_semaphore, #tpu.memory_space<semaphore_mem>>)
    %rem3A_45 = arith.constant 0 : i32
    %rem3A_46 = arith.constant 4 : i32
    %rem3A_47 = arith.remsi %rem3A_45, %rem3A_46 : i32
    %mul3A_48 = arith.constant 625 : i32
    %mul3A_49 = arith.muli %arg0, %mul3A_48 : i32
    %add3A_50 = arith.addi %mul3A_49, %arg1 : i32
    %add3A_51 = arith.constant 0 : i32
    %add3A_52 = arith.addi %add3A_50, %add3A_51 : i32
    %mul3A_53 = arith.constant 128 : i32
    %mul3A_54 = arith.muli %add3A_52, %mul3A_53 : i32
    %dma_start3A_55 = arith.constant 0 : i32
    %dma_start3A_56 = arith.constant 0 : i32
    %dma_start3A_57 = tpu.memref_slice %arg7[%rem3A_47, %dma_start3A_55, %dma_start3A_56] : memref<4x128x16xf32, #tpu.memory_space<vmem>> -> memref<1x128x16xf32, #tpu.memory_space<vmem>>
    %dma_start3A_58 = tpu.memref_squeeze %dma_start3A_57 : memref<1x128x16xf32, #tpu.memory_space<vmem>> -> memref<128x16xf32, #tpu.memory_space<vmem>>
    %dma_start3A_59 = arith.constant 0 : i32
    %dma_start3A_60 = tpu.memref_slice %arg2[%mul3A_54, %dma_start3A_59] : memref<160000x16xf32, #tpu.memory_space<hbm>> -> memref<128x16xf32, #tpu.memory_space<hbm>>
    %dma_start3A_61 = tpu.memref_slice %arg10[%rem3A_47] : memref<4x!tpu.dma_semaphore, #tpu.memory_space<semaphore_mem>> -> memref<1x!tpu.dma_semaphore, #tpu.memory_space<semaphore_mem>>
    %dma_start3A_62 = tpu.memref_squeeze %dma_start3A_61 : memref<1x!tpu.dma_semaphore, #tpu.memory_space<semaphore_mem>> -> memref<!tpu.dma_semaphore, #tpu.memory_space<semaphore_mem>>
    %dma_start3A_63 = arith.constant 0 : i32
    %dma_start3A_64 = arith.constant 0 : i32
    %dma_start3A_65 = tpu.memref_slice %arg7[%rem3A_47, %dma_start3A_63, %dma_start3A_64] : memref<4x128x16xf32, #tpu.memory_space<vmem>> -> memref<1x128x16xf32, #tpu.memory_space<vmem>>
    %dma_start3A_66 = tpu.memref_squeeze %dma_start3A_65 : memref<1x128x16xf32, #tpu.memory_space<vmem>> -> memref<128x16xf32, #tpu.memory_space<vmem>>
    %dma_start3A_67 = arith.constant 0 : i32
    %dma_start3A_68 = tpu.memref_slice %arg2[%mul3A_54, %dma_start3A_67] : memref<160000x16xf32, #tpu.memory_space<hbm>> -> memref<128x16xf32, #tpu.memory_space<hbm>>
    tpu.enqueue_dma source(%dma_start3A_68 : memref<128x16xf32, #tpu.memory_space<hbm>>) target(%dma_start3A_66 : memref<128x16xf32, #tpu.memory_space<vmem>>) target_semaphore(%dma_start3A_62 : memref<!tpu.dma_semaphore, #tpu.memory_space<semaphore_mem>>)
    %rem3A_69 = arith.constant 1 : i32
    %rem3A_70 = arith.constant 4 : i32
    %rem3A_71 = arith.remsi %rem3A_69, %rem3A_70 : i32
    %mul3A_72 = arith.constant 625 : i32
    %mul3A_73 = arith.muli %arg0, %mul3A_72 : i32
    %add3A_74 = arith.addi %mul3A_73, %arg1 : i32
    %add3A_75 = arith.constant 16 : i32
    %add3A_76 = arith.addi %add3A_74, %add3A_75 : i32
    %mul3A_77 = arith.constant 128 : i32
    %mul3A_78 = arith.muli %add3A_76, %mul3A_77 : i32
    %dma_start3A_79 = arith.constant 0 : i32
    %dma_start3A_80 = tpu.memref_slice %arg6[%rem3A_71, %dma_start3A_79] : memref<4x128xi32, #tpu.memory_space<vmem>> -> memref<1x128xi32, #tpu.memory_space<vmem>>
    %dma_start3A_81 = tpu.memref_squeeze %dma_start3A_80 : memref<1x128xi32, #tpu.memory_space<vmem>> -> memref<128xi32, #tpu.memory_space<vmem>>
    %dma_start3A_82 = tpu.memref_slice %arg3[%mul3A_78] : memref<160000xi32, #tpu.memory_space<hbm>> -> memref<128xi32, #tpu.memory_space<hbm>>
    %dma_start3A_83 = tpu.memref_slice %arg9[%rem3A_71] : memref<4x!tpu.dma_semaphore, #tpu.memory_space<semaphore_mem>> -> memref<1x!tpu.dma_semaphore, #tpu.memory_space<semaphore_mem>>
    %dma_start3A_84 = tpu.memref_squeeze %dma_start3A_83 : memref<1x!tpu.dma_semaphore, #tpu.memory_space<semaphore_mem>> -> memref<!tpu.dma_semaphore, #tpu.memory_space<semaphore_mem>>
    %dma_start3A_85 = arith.constant 0 : i32
    %dma_start3A_86 = tpu.memref_slice %arg6[%rem3A_71, %dma_start3A_85] : memref<4x128xi32, #tpu.memory_space<vmem>> -> memref<1x128xi32, #tpu.memory_space<vmem>>
    %dma_start3A_87 = tpu.memref_squeeze %dma_start3A_86 : memref<1x128xi32, #tpu.memory_space<vmem>> -> memref<128xi32, #tpu.memory_space<vmem>>
    %dma_start3A_88 = tpu.memref_slice %arg3[%mul3A_78] : memref<160000xi32, #tpu.memory_space<hbm>> -> memref<128xi32, #tpu.memory_space<hbm>>
    tpu.enqueue_dma source(%dma_start3A_88 : memref<128xi32, #tpu.memory_space<hbm>>) target(%dma_start3A_87 : memref<128xi32, #tpu.memory_space<vmem>>) target_semaphore(%dma_start3A_84 : memref<!tpu.dma_semaphore, #tpu.memory_space<semaphore_mem>>)
    %rem3A_89 = arith.constant 1 : i32
    %rem3A_90 = arith.constant 4 : i32
    %rem3A_91 = arith.remsi %rem3A_89, %rem3A_90 : i32
    %mul3A_92 = arith.constant 625 : i32
    %mul3A_93 = arith.muli %arg0, %mul3A_92 : i32
    %add3A_94 = arith.addi %mul3A_93, %arg1 : i32
    %add3A_95 = arith.constant 16 : i32
    %add3A_96 = arith.addi %add3A_94, %add3A_95 : i32
    %mul3A_97 = arith.constant 128 : i32
    %mul3A_98 = arith.muli %add3A_96, %mul3A_97 : i32
    %dma_start3A_99 = arith.constant 0 : i32
    %dma_start3A_100 = arith.constant 0 : i32
    %dma_start3A_101 = tpu.memref_slice %arg7[%rem3A_91, %dma_start3A_99, %dma_start3A_100] : memref<4x128x16xf32, #tpu.memory_space<vmem>> -> memref<1x128x16xf32, #tpu.memory_space<vmem>>
    %dma_start3A_102 = tpu.memref_squeeze %dma_start3A_101 : memref<1x128x16xf32, #tpu.memory_space<vmem>> -> memref<128x16xf32, #tpu.memory_space<vmem>>
    %dma_start3A_103 = arith.constant 0 : i32
    %dma_start3A_104 = tpu.memref_slice %arg2[%mul3A_98, %dma_start3A_103] : memref<160000x16xf32, #tpu.memory_space<hbm>> -> memref<128x16xf32, #tpu.memory_space<hbm>>
    %dma_start3A_105 = tpu.memref_slice %arg10[%rem3A_91] : memref<4x!tpu.dma_semaphore, #tpu.memory_space<semaphore_mem>> -> memref<1x!tpu.dma_semaphore, #tpu.memory_space<semaphore_mem>>
    %dma_start3A_106 = tpu.memref_squeeze %dma_start3A_105 : memref<1x!tpu.dma_semaphore, #tpu.memory_space<semaphore_mem>> -> memref<!tpu.dma_semaphore, #tpu.memory_space<semaphore_mem>>
    %dma_start3A_107 = arith.constant 0 : i32
    %dma_start3A_108 = arith.constant 0 : i32
    %dma_start3A_109 = tpu.memref_slice %arg7[%rem3A_91, %dma_start3A_107, %dma_start3A_108] : memref<4x128x16xf32, #tpu.memory_space<vmem>> -> memref<1x128x16xf32, #tpu.memory_space<vmem>>
    %dma_start3A_110 = tpu.memref_squeeze %dma_start3A_109 : memref<1x128x16xf32, #tpu.memory_space<vmem>> -> memref<128x16xf32, #tpu.memory_space<vmem>>
    %dma_start3A_111 = arith.constant 0 : i32
    %dma_start3A_112 = tpu.memref_slice %arg2[%mul3A_98, %dma_start3A_111] : memref<160000x16xf32, #tpu.memory_space<hbm>> -> memref<128x16xf32, #tpu.memory_space<hbm>>
    tpu.enqueue_dma source(%dma_start3A_112 : memref<128x16xf32, #tpu.memory_space<hbm>>) target(%dma_start3A_110 : memref<128x16xf32, #tpu.memory_space<vmem>>) target_semaphore(%dma_start3A_106 : memref<!tpu.dma_semaphore, #tpu.memory_space<semaphore_mem>>)
    %while3A = arith.constant 0 : i32
    %while3A_113 = arith.constant 0 : i32
    %while3A_114 = arith.subi %add3A_26, %while3A_113 : i32
    %while3A_115 = arith.addi %while3A_113, %while3A_114 : i32
    %while3A_116 = arith.constant 1 : i32
    %while3A_117 = arith.divsi %while3A_114, %while3A_116 : i32
    %while3A_118 = arith.muli %while3A_117, %while3A_116 : i32
    %while3A_119 = arith.addi %while3A_113, %while3A_118 : i32
    %while3A_120 = arith.constant 1 : i32
    scf.for %while3A_150 = %while3A_113 to %while3A_119 step %while3A_120  : i32 {
      %ge3A_151 = arith.constant 2 : i32
      %ge3A_152 = arith.cmpi sge, %while3A_150, %ge3A_151 : i32
      %convert_element_type3A_153 = arith.extui %ge3A_152 : i1 to i32
      %cond3A_154 = arith.constant 0 : i32
      %cond3A_155 = arith.cmpi ne, %convert_element_type3A_153, %cond3A_154 : i32
      scf.if %cond3A_155 {
        %sub3A_220 = arith.constant 2 : i32
        %sub3A_221 = arith.subi %while3A_150, %sub3A_220 : i32
        %rem3A_222 = arith.constant 4 : i32
        %rem3A_223 = arith.remsi %sub3A_221, %rem3A_222 : i32
        %dma_wait3A_224 = arith.constant 0 : i32
        %dma_wait3A_225 = arith.constant 0 : i32
        %dma_wait3A_226 = tpu.memref_slice %arg7[%rem3A_223, %dma_wait3A_224, %dma_wait3A_225] : memref<4x128x16xf32, #tpu.memory_space<vmem>> -> memref<1x128x16xf32, #tpu.memory_space<vmem>>
        %dma_wait3A_227 = tpu.memref_squeeze %dma_wait3A_226 : memref<1x128x16xf32, #tpu.memory_space<vmem>> -> memref<128x16xf32, #tpu.memory_space<vmem>>
        %dma_wait3A_228 = arith.constant 0 : i32
        %dma_wait3A_229 = tpu.memref_slice %arg6[%rem3A_223, %dma_wait3A_228] : memref<4x128xi32, #tpu.memory_space<vmem>> -> memref<1x128xi32, #tpu.memory_space<vmem>>
        %dma_wait3A_230 = tpu.memref_squeeze %dma_wait3A_229 : memref<1x128xi32, #tpu.memory_space<vmem>> -> memref<128xi32, #tpu.memory_space<vmem>>
        %dma_wait3A_231 = arith.constant 0 : i32
        %dma_wait3A_232 = arith.constant 0 : i32
        %dma_wait3A_233 = tpu.memref_slice %arg5[%dma_wait3A_231, %dma_wait3A_232] : memref<10240x16xf32, #tpu.memory_space<vmem_shared>> -> memref<10240x16xf32, #tpu.memory_space<vmem_shared>>
        %dma_wait3A_234 = tpu.memref_slice %arg11[%rem3A_223] : memref<4x!tpu.dma_semaphore, #tpu.memory_space<semaphore_mem>> -> memref<1x!tpu.dma_semaphore, #tpu.memory_space<semaphore_mem>>
        %dma_wait3A_235 = tpu.memref_squeeze %dma_wait3A_234 : memref<1x!tpu.dma_semaphore, #tpu.memory_space<semaphore_mem>> -> memref<!tpu.dma_semaphore, #tpu.memory_space<semaphore_mem>>
        tpu.wait_indirect_dma semaphore(%dma_wait3A_235 : memref<!tpu.dma_semaphore, #tpu.memory_space<semaphore_mem>>) src(%dma_wait3A_227 : memref<128x16xf32, #tpu.memory_space<vmem>>) dst(%dma_wait3A_233 : memref<10240x16xf32, #tpu.memory_space<vmem_shared>>)
      } else {
      }
      %add3A_156 = arith.constant 2 : i32
      %add3A_157 = arith.addi %while3A_150, %add3A_156 : i32
      %lt3A_158 = arith.cmpi slt, %add3A_157, %add3A_26 : i32
      %convert_element_type3A_159 = arith.extui %lt3A_158 : i1 to i32
      %cond3A_160 = arith.constant 0 : i32
      %cond3A_161 = arith.cmpi ne, %convert_element_type3A_159, %cond3A_160 : i32
      scf.if %cond3A_161 {
        %add3A_220 = arith.constant 2 : i32
        %add3A_221 = arith.addi %while3A_150, %add3A_220 : i32
        %rem3A_222 = arith.constant 4 : i32
        %rem3A_223 = arith.remsi %add3A_221, %rem3A_222 : i32
        %mul3A_224 = arith.constant 625 : i32
        %mul3A_225 = arith.muli %arg0, %mul3A_224 : i32
        %add3A_226 = arith.addi %mul3A_225, %arg1 : i32
        %mul3A_227 = arith.constant 16 : i32
        %mul3A_228 = arith.muli %mul3A_227, %add3A_221 : i32
        %add3A_229 = arith.addi %add3A_226, %mul3A_228 : i32
        %mul3A_230 = arith.constant 128 : i32
        %mul3A_231 = arith.muli %add3A_229, %mul3A_230 : i32
        %dma_start3A_232 = arith.constant 0 : i32
        %dma_start3A_233 = tpu.memref_slice %arg6[%rem3A_223, %dma_start3A_232] : memref<4x128xi32, #tpu.memory_space<vmem>> -> memref<1x128xi32, #tpu.memory_space<vmem>>
        %dma_start3A_234 = tpu.memref_squeeze %dma_start3A_233 : memref<1x128xi32, #tpu.memory_space<vmem>> -> memref<128xi32, #tpu.memory_space<vmem>>
        %dma_start3A_235 = tpu.memref_slice %arg3[%mul3A_231] : memref<160000xi32, #tpu.memory_space<hbm>> -> memref<128xi32, #tpu.memory_space<hbm>>
        %dma_start3A_236 = tpu.memref_slice %arg9[%rem3A_223] : memref<4x!tpu.dma_semaphore, #tpu.memory_space<semaphore_mem>> -> memref<1x!tpu.dma_semaphore, #tpu.memory_space<semaphore_mem>>
        %dma_start3A_237 = tpu.memref_squeeze %dma_start3A_236 : memref<1x!tpu.dma_semaphore, #tpu.memory_space<semaphore_mem>> -> memref<!tpu.dma_semaphore, #tpu.memory_space<semaphore_mem>>
        %dma_start3A_238 = arith.constant 0 : i32
        %dma_start3A_239 = tpu.memref_slice %arg6[%rem3A_223, %dma_start3A_238] : memref<4x128xi32, #tpu.memory_space<vmem>> -> memref<1x128xi32, #tpu.memory_space<vmem>>
        %dma_start3A_240 = tpu.memref_squeeze %dma_start3A_239 : memref<1x128xi32, #tpu.memory_space<vmem>> -> memref<128xi32, #tpu.memory_space<vmem>>
        %dma_start3A_241 = tpu.memref_slice %arg3[%mul3A_231] : memref<160000xi32, #tpu.memory_space<hbm>> -> memref<128xi32, #tpu.memory_space<hbm>>
        tpu.enqueue_dma source(%dma_start3A_241 : memref<128xi32, #tpu.memory_space<hbm>>) target(%dma_start3A_240 : memref<128xi32, #tpu.memory_space<vmem>>) target_semaphore(%dma_start3A_237 : memref<!tpu.dma_semaphore, #tpu.memory_space<semaphore_mem>>)
        %add3A_242 = arith.constant 2 : i32
        %add3A_243 = arith.addi %while3A_150, %add3A_242 : i32
        %rem3A_244 = arith.constant 4 : i32
        %rem3A_245 = arith.remsi %add3A_243, %rem3A_244 : i32
        %mul3A_246 = arith.constant 625 : i32
        %mul3A_247 = arith.muli %arg0, %mul3A_246 : i32
        %add3A_248 = arith.addi %mul3A_247, %arg1 : i32
        %mul3A_249 = arith.constant 16 : i32
        %mul3A_250 = arith.muli %mul3A_249, %add3A_243 : i32
        %add3A_251 = arith.addi %add3A_248, %mul3A_250 : i32
        %mul3A_252 = arith.constant 128 : i32
        %mul3A_253 = arith.muli %add3A_251, %mul3A_252 : i32
        %dma_start3A_254 = arith.constant 0 : i32
        %dma_start3A_255 = arith.constant 0 : i32
        %dma_start3A_256 = tpu.memref_slice %arg7[%rem3A_245, %dma_start3A_254, %dma_start3A_255] : memref<4x128x16xf32, #tpu.memory_space<vmem>> -> memref<1x128x16xf32, #tpu.memory_space<vmem>>
        %dma_start3A_257 = tpu.memref_squeeze %dma_start3A_256 : memref<1x128x16xf32, #tpu.memory_space<vmem>> -> memref<128x16xf32, #tpu.memory_space<vmem>>
        %dma_start3A_258 = arith.constant 0 : i32
        %dma_start3A_259 = tpu.memref_slice %arg2[%mul3A_253, %dma_start3A_258] : memref<160000x16xf32, #tpu.memory_space<hbm>> -> memref<128x16xf32, #tpu.memory_space<hbm>>
        %dma_start3A_260 = tpu.memref_slice %arg10[%rem3A_245] : memref<4x!tpu.dma_semaphore, #tpu.memory_space<semaphore_mem>> -> memref<1x!tpu.dma_semaphore, #tpu.memory_space<semaphore_mem>>
        %dma_start3A_261 = tpu.memref_squeeze %dma_start3A_260 : memref<1x!tpu.dma_semaphore, #tpu.memory_space<semaphore_mem>> -> memref<!tpu.dma_semaphore, #tpu.memory_space<semaphore_mem>>
        %dma_start3A_262 = arith.constant 0 : i32
        %dma_start3A_263 = arith.constant 0 : i32
        %dma_start3A_264 = tpu.memref_slice %arg7[%rem3A_245, %dma_start3A_262, %dma_start3A_263] : memref<4x128x16xf32, #tpu.memory_space<vmem>> -> memref<1x128x16xf32, #tpu.memory_space<vmem>>
        %dma_start3A_265 = tpu.memref_squeeze %dma_start3A_264 : memref<1x128x16xf32, #tpu.memory_space<vmem>> -> memref<128x16xf32, #tpu.memory_space<vmem>>
        %dma_start3A_266 = arith.constant 0 : i32
        %dma_start3A_267 = tpu.memref_slice %arg2[%mul3A_253, %dma_start3A_266] : memref<160000x16xf32, #tpu.memory_space<hbm>> -> memref<128x16xf32, #tpu.memory_space<hbm>>
        tpu.enqueue_dma source(%dma_start3A_267 : memref<128x16xf32, #tpu.memory_space<hbm>>) target(%dma_start3A_265 : memref<128x16xf32, #tpu.memory_space<vmem>>) target_semaphore(%dma_start3A_261 : memref<!tpu.dma_semaphore, #tpu.memory_space<semaphore_mem>>)
      } else {
      }
      %rem3A_162 = arith.constant 4 : i32
      %rem3A_163 = arith.remsi %while3A_150, %rem3A_162 : i32
      %mul3A_164 = arith.constant 625 : i32
      %mul3A_165 = arith.muli %arg0, %mul3A_164 : i32
      %add3A_166 = arith.addi %mul3A_165, %arg1 : i32
      %mul3A_167 = arith.constant 16 : i32
      %mul3A_168 = arith.muli %mul3A_167, %while3A_150 : i32
      %add3A_169 = arith.addi %add3A_166, %mul3A_168 : i32
      %mul3A_170 = arith.constant 128 : i32
      %mul3A_171 = arith.muli %add3A_169, %mul3A_170 : i32
      %dma_wait3A_172 = arith.constant 0 : i32
      %dma_wait3A_173 = tpu.memref_slice %arg6[%rem3A_163, %dma_wait3A_172] : memref<4x128xi32, #tpu.memory_space<vmem>> -> memref<1x128xi32, #tpu.memory_space<vmem>>
      %dma_wait3A_174 = tpu.memref_squeeze %dma_wait3A_173 : memref<1x128xi32, #tpu.memory_space<vmem>> -> memref<128xi32, #tpu.memory_space<vmem>>
      %dma_wait3A_175 = tpu.memref_slice %arg3[%mul3A_171] : memref<160000xi32, #tpu.memory_space<hbm>> -> memref<128xi32, #tpu.memory_space<hbm>>
      %dma_wait3A_176 = tpu.memref_slice %arg9[%rem3A_163] : memref<4x!tpu.dma_semaphore, #tpu.memory_space<semaphore_mem>> -> memref<1x!tpu.dma_semaphore, #tpu.memory_space<semaphore_mem>>
      %dma_wait3A_177 = tpu.memref_squeeze %dma_wait3A_176 : memref<1x!tpu.dma_semaphore, #tpu.memory_space<semaphore_mem>> -> memref<!tpu.dma_semaphore, #tpu.memory_space<semaphore_mem>>
      %dma_wait3A_178 = arith.constant 0 : i32
      %dma_wait3A_179 = tpu.memref_slice %arg6[%rem3A_163, %dma_wait3A_178] : memref<4x128xi32, #tpu.memory_space<vmem>> -> memref<1x128xi32, #tpu.memory_space<vmem>>
      %dma_wait3A_180 = tpu.memref_squeeze %dma_wait3A_179 : memref<1x128xi32, #tpu.memory_space<vmem>> -> memref<128xi32, #tpu.memory_space<vmem>>
      %dma_wait3A_181 = tpu.memref_slice %arg3[%mul3A_171] : memref<160000xi32, #tpu.memory_space<hbm>> -> memref<128xi32, #tpu.memory_space<hbm>>
      tpu.wait_dma2 semaphore(%dma_wait3A_177 : memref<!tpu.dma_semaphore, #tpu.memory_space<semaphore_mem>>) src(%dma_wait3A_181 : memref<128xi32, #tpu.memory_space<hbm>>) dst(%dma_wait3A_180 : memref<128xi32, #tpu.memory_space<vmem>>)
      %rem3A_182 = arith.constant 4 : i32
      %rem3A_183 = arith.remsi %while3A_150, %rem3A_182 : i32
      %mul3A_184 = arith.constant 625 : i32
      %mul3A_185 = arith.muli %arg0, %mul3A_184 : i32
      %add3A_186 = arith.addi %mul3A_185, %arg1 : i32
      %mul3A_187 = arith.constant 16 : i32
      %mul3A_188 = arith.muli %mul3A_187, %while3A_150 : i32
      %add3A_189 = arith.addi %add3A_186, %mul3A_188 : i32
      %mul3A_190 = arith.constant 128 : i32
      %mul3A_191 = arith.muli %add3A_189, %mul3A_190 : i32
      %dma_wait3A_192 = arith.constant 0 : i32
      %dma_wait3A_193 = arith.constant 0 : i32
      %dma_wait3A_194 = tpu.memref_slice %arg7[%rem3A_183, %dma_wait3A_192, %dma_wait3A_193] : memref<4x128x16xf32, #tpu.memory_space<vmem>> -> memref<1x128x16xf32, #tpu.memory_space<vmem>>
      %dma_wait3A_195 = tpu.memref_squeeze %dma_wait3A_194 : memref<1x128x16xf32, #tpu.memory_space<vmem>> -> memref<128x16xf32, #tpu.memory_space<vmem>>
      %dma_wait3A_196 = arith.constant 0 : i32
      %dma_wait3A_197 = tpu.memref_slice %arg2[%mul3A_191, %dma_wait3A_196] : memref<160000x16xf32, #tpu.memory_space<hbm>> -> memref<128x16xf32, #tpu.memory_space<hbm>>
      %dma_wait3A_198 = tpu.memref_slice %arg10[%rem3A_183] : memref<4x!tpu.dma_semaphore, #tpu.memory_space<semaphore_mem>> -> memref<1x!tpu.dma_semaphore, #tpu.memory_space<semaphore_mem>>
      %dma_wait3A_199 = tpu.memref_squeeze %dma_wait3A_198 : memref<1x!tpu.dma_semaphore, #tpu.memory_space<semaphore_mem>> -> memref<!tpu.dma_semaphore, #tpu.memory_space<semaphore_mem>>
      %dma_wait3A_200 = arith.constant 0 : i32
      %dma_wait3A_201 = arith.constant 0 : i32
      %dma_wait3A_202 = tpu.memref_slice %arg7[%rem3A_183, %dma_wait3A_200, %dma_wait3A_201] : memref<4x128x16xf32, #tpu.memory_space<vmem>> -> memref<1x128x16xf32, #tpu.memory_space<vmem>>
      %dma_wait3A_203 = tpu.memref_squeeze %dma_wait3A_202 : memref<1x128x16xf32, #tpu.memory_space<vmem>> -> memref<128x16xf32, #tpu.memory_space<vmem>>
      %dma_wait3A_204 = arith.constant 0 : i32
      %dma_wait3A_205 = tpu.memref_slice %arg2[%mul3A_191, %dma_wait3A_204] : memref<160000x16xf32, #tpu.memory_space<hbm>> -> memref<128x16xf32, #tpu.memory_space<hbm>>
      tpu.wait_dma2 semaphore(%dma_wait3A_199 : memref<!tpu.dma_semaphore, #tpu.memory_space<semaphore_mem>>) src(%dma_wait3A_205 : memref<128x16xf32, #tpu.memory_space<hbm>>) dst(%dma_wait3A_203 : memref<128x16xf32, #tpu.memory_space<vmem>>)
      %rem3A_206 = arith.constant 4 : i32
      %rem3A_207 = arith.remsi %while3A_150, %rem3A_206 : i32
      %dma_start3A_208 = arith.constant 0 : i32
      %dma_start3A_209 = arith.constant 0 : i32
      %dma_start3A_210 = tpu.memref_slice %arg7[%rem3A_207, %dma_start3A_208, %dma_start3A_209] : memref<4x128x16xf32, #tpu.memory_space<vmem>> -> memref<1x128x16xf32, #tpu.memory_space<vmem>>
      %dma_start3A_211 = tpu.memref_squeeze %dma_start3A_210 : memref<1x128x16xf32, #tpu.memory_space<vmem>> -> memref<128x16xf32, #tpu.memory_space<vmem>>
      %dma_start3A_212 = arith.constant 0 : i32
      %dma_start3A_213 = tpu.memref_slice %arg6[%rem3A_207, %dma_start3A_212] : memref<4x128xi32, #tpu.memory_space<vmem>> -> memref<1x128xi32, #tpu.memory_space<vmem>>
      %dma_start3A_214 = tpu.memref_squeeze %dma_start3A_213 : memref<1x128xi32, #tpu.memory_space<vmem>> -> memref<128xi32, #tpu.memory_space<vmem>>
      %dma_start3A_215 = arith.constant 0 : i32
      %dma_start3A_216 = arith.constant 0 : i32
      %dma_start3A_217 = tpu.memref_slice %arg5[%dma_start3A_215, %dma_start3A_216] : memref<10240x16xf32, #tpu.memory_space<vmem_shared>> -> memref<10240x16xf32, #tpu.memory_space<vmem_shared>>
      %dma_start3A_218 = tpu.memref_slice %arg11[%rem3A_207] : memref<4x!tpu.dma_semaphore, #tpu.memory_space<semaphore_mem>> -> memref<1x!tpu.dma_semaphore, #tpu.memory_space<semaphore_mem>>
      %dma_start3A_219 = tpu.memref_squeeze %dma_start3A_218 : memref<1x!tpu.dma_semaphore, #tpu.memory_space<semaphore_mem>> -> memref<!tpu.dma_semaphore, #tpu.memory_space<semaphore_mem>>
      tpu.enqueue_indirect_dma source(%dma_start3A_211 : memref<128x16xf32, #tpu.memory_space<vmem>>) target(%dma_start3A_217 : memref<10240x16xf32, #tpu.memory_space<vmem_shared>>) offsets(%dma_start3A_214 : memref<128xi32, #tpu.memory_space<vmem>>) semaphore(%dma_start3A_219 : memref<!tpu.dma_semaphore, #tpu.memory_space<semaphore_mem>>) {add = true}
    }
    %while3A_121 = arith.constant 1 : i32
    scf.for %while3A_150 = %while3A_119 to %while3A_115 step %while3A_121  : i32 {
      %ge3A_151 = arith.constant 2 : i32
      %ge3A_152 = arith.cmpi sge, %while3A_150, %ge3A_151 : i32
      %convert_element_type3A_153 = arith.extui %ge3A_152 : i1 to i32
      %cond3A_154 = arith.constant 0 : i32
      %cond3A_155 = arith.cmpi ne, %convert_element_type3A_153, %cond3A_154 : i32
      scf.if %cond3A_155 {
        %sub3A_220 = arith.constant 2 : i32
        %sub3A_221 = arith.subi %while3A_150, %sub3A_220 : i32
        %rem3A_222 = arith.constant 4 : i32
        %rem3A_223 = arith.remsi %sub3A_221, %rem3A_222 : i32
        %dma_wait3A_224 = arith.constant 0 : i32
        %dma_wait3A_225 = arith.constant 0 : i32
        %dma_wait3A_226 = tpu.memref_slice %arg7[%rem3A_223, %dma_wait3A_224, %dma_wait3A_225] : memref<4x128x16xf32, #tpu.memory_space<vmem>> -> memref<1x128x16xf32, #tpu.memory_space<vmem>>
        %dma_wait3A_227 = tpu.memref_squeeze %dma_wait3A_226 : memref<1x128x16xf32, #tpu.memory_space<vmem>> -> memref<128x16xf32, #tpu.memory_space<vmem>>
        %dma_wait3A_228 = arith.constant 0 : i32
        %dma_wait3A_229 = tpu.memref_slice %arg6[%rem3A_223, %dma_wait3A_228] : memref<4x128xi32, #tpu.memory_space<vmem>> -> memref<1x128xi32, #tpu.memory_space<vmem>>
        %dma_wait3A_230 = tpu.memref_squeeze %dma_wait3A_229 : memref<1x128xi32, #tpu.memory_space<vmem>> -> memref<128xi32, #tpu.memory_space<vmem>>
        %dma_wait3A_231 = arith.constant 0 : i32
        %dma_wait3A_232 = arith.constant 0 : i32
        %dma_wait3A_233 = tpu.memref_slice %arg5[%dma_wait3A_231, %dma_wait3A_232] : memref<10240x16xf32, #tpu.memory_space<vmem_shared>> -> memref<10240x16xf32, #tpu.memory_space<vmem_shared>>
        %dma_wait3A_234 = tpu.memref_slice %arg11[%rem3A_223] : memref<4x!tpu.dma_semaphore, #tpu.memory_space<semaphore_mem>> -> memref<1x!tpu.dma_semaphore, #tpu.memory_space<semaphore_mem>>
        %dma_wait3A_235 = tpu.memref_squeeze %dma_wait3A_234 : memref<1x!tpu.dma_semaphore, #tpu.memory_space<semaphore_mem>> -> memref<!tpu.dma_semaphore, #tpu.memory_space<semaphore_mem>>
        tpu.wait_indirect_dma semaphore(%dma_wait3A_235 : memref<!tpu.dma_semaphore, #tpu.memory_space<semaphore_mem>>) src(%dma_wait3A_227 : memref<128x16xf32, #tpu.memory_space<vmem>>) dst(%dma_wait3A_233 : memref<10240x16xf32, #tpu.memory_space<vmem_shared>>)
      } else {
      }
      %add3A_156 = arith.constant 2 : i32
      %add3A_157 = arith.addi %while3A_150, %add3A_156 : i32
      %lt3A_158 = arith.cmpi slt, %add3A_157, %add3A_26 : i32
      %convert_element_type3A_159 = arith.extui %lt3A_158 : i1 to i32
      %cond3A_160 = arith.constant 0 : i32
      %cond3A_161 = arith.cmpi ne, %convert_element_type3A_159, %cond3A_160 : i32
      scf.if %cond3A_161 {
        %add3A_220 = arith.constant 2 : i32
        %add3A_221 = arith.addi %while3A_150, %add3A_220 : i32
        %rem3A_222 = arith.constant 4 : i32
        %rem3A_223 = arith.remsi %add3A_221, %rem3A_222 : i32
        %mul3A_224 = arith.constant 625 : i32
        %mul3A_225 = arith.muli %arg0, %mul3A_224 : i32
        %add3A_226 = arith.addi %mul3A_225, %arg1 : i32
        %mul3A_227 = arith.constant 16 : i32
        %mul3A_228 = arith.muli %mul3A_227, %add3A_221 : i32
        %add3A_229 = arith.addi %add3A_226, %mul3A_228 : i32
        %mul3A_230 = arith.constant 128 : i32
        %mul3A_231 = arith.muli %add3A_229, %mul3A_230 : i32
        %dma_start3A_232 = arith.constant 0 : i32
        %dma_start3A_233 = tpu.memref_slice %arg6[%rem3A_223, %dma_start3A_232] : memref<4x128xi32, #tpu.memory_space<vmem>> -> memref<1x128xi32, #tpu.memory_space<vmem>>
        %dma_start3A_234 = tpu.memref_squeeze %dma_start3A_233 : memref<1x128xi32, #tpu.memory_space<vmem>> -> memref<128xi32, #tpu.memory_space<vmem>>
        %dma_start3A_235 = tpu.memref_slice %arg3[%mul3A_231] : memref<160000xi32, #tpu.memory_space<hbm>> -> memref<128xi32, #tpu.memory_space<hbm>>
        %dma_start3A_236 = tpu.memref_slice %arg9[%rem3A_223] : memref<4x!tpu.dma_semaphore, #tpu.memory_space<semaphore_mem>> -> memref<1x!tpu.dma_semaphore, #tpu.memory_space<semaphore_mem>>
        %dma_start3A_237 = tpu.memref_squeeze %dma_start3A_236 : memref<1x!tpu.dma_semaphore, #tpu.memory_space<semaphore_mem>> -> memref<!tpu.dma_semaphore, #tpu.memory_space<semaphore_mem>>
        %dma_start3A_238 = arith.constant 0 : i32
        %dma_start3A_239 = tpu.memref_slice %arg6[%rem3A_223, %dma_start3A_238] : memref<4x128xi32, #tpu.memory_space<vmem>> -> memref<1x128xi32, #tpu.memory_space<vmem>>
        %dma_start3A_240 = tpu.memref_squeeze %dma_start3A_239 : memref<1x128xi32, #tpu.memory_space<vmem>> -> memref<128xi32, #tpu.memory_space<vmem>>
        %dma_start3A_241 = tpu.memref_slice %arg3[%mul3A_231] : memref<160000xi32, #tpu.memory_space<hbm>> -> memref<128xi32, #tpu.memory_space<hbm>>
        tpu.enqueue_dma source(%dma_start3A_241 : memref<128xi32, #tpu.memory_space<hbm>>) target(%dma_start3A_240 : memref<128xi32, #tpu.memory_space<vmem>>) target_semaphore(%dma_start3A_237 : memref<!tpu.dma_semaphore, #tpu.memory_space<semaphore_mem>>)
        %add3A_242 = arith.constant 2 : i32
        %add3A_243 = arith.addi %while3A_150, %add3A_242 : i32
        %rem3A_244 = arith.constant 4 : i32
        %rem3A_245 = arith.remsi %add3A_243, %rem3A_244 : i32
        %mul3A_246 = arith.constant 625 : i32
        %mul3A_247 = arith.muli %arg0, %mul3A_246 : i32
        %add3A_248 = arith.addi %mul3A_247, %arg1 : i32
        %mul3A_249 = arith.constant 16 : i32
        %mul3A_250 = arith.muli %mul3A_249, %add3A_243 : i32
        %add3A_251 = arith.addi %add3A_248, %mul3A_250 : i32
        %mul3A_252 = arith.constant 128 : i32
        %mul3A_253 = arith.muli %add3A_251, %mul3A_252 : i32
        %dma_start3A_254 = arith.constant 0 : i32
        %dma_start3A_255 = arith.constant 0 : i32
        %dma_start3A_256 = tpu.memref_slice %arg7[%rem3A_245, %dma_start3A_254, %dma_start3A_255] : memref<4x128x16xf32, #tpu.memory_space<vmem>> -> memref<1x128x16xf32, #tpu.memory_space<vmem>>
        %dma_start3A_257 = tpu.memref_squeeze %dma_start3A_256 : memref<1x128x16xf32, #tpu.memory_space<vmem>> -> memref<128x16xf32, #tpu.memory_space<vmem>>
        %dma_start3A_258 = arith.constant 0 : i32
        %dma_start3A_259 = tpu.memref_slice %arg2[%mul3A_253, %dma_start3A_258] : memref<160000x16xf32, #tpu.memory_space<hbm>> -> memref<128x16xf32, #tpu.memory_space<hbm>>
        %dma_start3A_260 = tpu.memref_slice %arg10[%rem3A_245] : memref<4x!tpu.dma_semaphore, #tpu.memory_space<semaphore_mem>> -> memref<1x!tpu.dma_semaphore, #tpu.memory_space<semaphore_mem>>
        %dma_start3A_261 = tpu.memref_squeeze %dma_start3A_260 : memref<1x!tpu.dma_semaphore, #tpu.memory_space<semaphore_mem>> -> memref<!tpu.dma_semaphore, #tpu.memory_space<semaphore_mem>>
        %dma_start3A_262 = arith.constant 0 : i32
        %dma_start3A_263 = arith.constant 0 : i32
        %dma_start3A_264 = tpu.memref_slice %arg7[%rem3A_245, %dma_start3A_262, %dma_start3A_263] : memref<4x128x16xf32, #tpu.memory_space<vmem>> -> memref<1x128x16xf32, #tpu.memory_space<vmem>>
        %dma_start3A_265 = tpu.memref_squeeze %dma_start3A_264 : memref<1x128x16xf32, #tpu.memory_space<vmem>> -> memref<128x16xf32, #tpu.memory_space<vmem>>
        %dma_start3A_266 = arith.constant 0 : i32
        %dma_start3A_267 = tpu.memref_slice %arg2[%mul3A_253, %dma_start3A_266] : memref<160000x16xf32, #tpu.memory_space<hbm>> -> memref<128x16xf32, #tpu.memory_space<hbm>>
        tpu.enqueue_dma source(%dma_start3A_267 : memref<128x16xf32, #tpu.memory_space<hbm>>) target(%dma_start3A_265 : memref<128x16xf32, #tpu.memory_space<vmem>>) target_semaphore(%dma_start3A_261 : memref<!tpu.dma_semaphore, #tpu.memory_space<semaphore_mem>>)
      } else {
      }
      %rem3A_162 = arith.constant 4 : i32
      %rem3A_163 = arith.remsi %while3A_150, %rem3A_162 : i32
      %mul3A_164 = arith.constant 625 : i32
      %mul3A_165 = arith.muli %arg0, %mul3A_164 : i32
      %add3A_166 = arith.addi %mul3A_165, %arg1 : i32
      %mul3A_167 = arith.constant 16 : i32
      %mul3A_168 = arith.muli %mul3A_167, %while3A_150 : i32
      %add3A_169 = arith.addi %add3A_166, %mul3A_168 : i32
      %mul3A_170 = arith.constant 128 : i32
      %mul3A_171 = arith.muli %add3A_169, %mul3A_170 : i32
      %dma_wait3A_172 = arith.constant 0 : i32
      %dma_wait3A_173 = tpu.memref_slice %arg6[%rem3A_163, %dma_wait3A_172] : memref<4x128xi32, #tpu.memory_space<vmem>> -> memref<1x128xi32, #tpu.memory_space<vmem>>
      %dma_wait3A_174 = tpu.memref_squeeze %dma_wait3A_173 : memref<1x128xi32, #tpu.memory_space<vmem>> -> memref<128xi32, #tpu.memory_space<vmem>>
      %dma_wait3A_175 = tpu.memref_slice %arg3[%mul3A_171] : memref<160000xi32, #tpu.memory_space<hbm>> -> memref<128xi32, #tpu.memory_space<hbm>>
      %dma_wait3A_176 = tpu.memref_slice %arg9[%rem3A_163] : memref<4x!tpu.dma_semaphore, #tpu.memory_space<semaphore_mem>> -> memref<1x!tpu.dma_semaphore, #tpu.memory_space<semaphore_mem>>
      %dma_wait3A_177 = tpu.memref_squeeze %dma_wait3A_176 : memref<1x!tpu.dma_semaphore, #tpu.memory_space<semaphore_mem>> -> memref<!tpu.dma_semaphore, #tpu.memory_space<semaphore_mem>>
      %dma_wait3A_178 = arith.constant 0 : i32
      %dma_wait3A_179 = tpu.memref_slice %arg6[%rem3A_163, %dma_wait3A_178] : memref<4x128xi32, #tpu.memory_space<vmem>> -> memref<1x128xi32, #tpu.memory_space<vmem>>
      %dma_wait3A_180 = tpu.memref_squeeze %dma_wait3A_179 : memref<1x128xi32, #tpu.memory_space<vmem>> -> memref<128xi32, #tpu.memory_space<vmem>>
      %dma_wait3A_181 = tpu.memref_slice %arg3[%mul3A_171] : memref<160000xi32, #tpu.memory_space<hbm>> -> memref<128xi32, #tpu.memory_space<hbm>>
      tpu.wait_dma2 semaphore(%dma_wait3A_177 : memref<!tpu.dma_semaphore, #tpu.memory_space<semaphore_mem>>) src(%dma_wait3A_181 : memref<128xi32, #tpu.memory_space<hbm>>) dst(%dma_wait3A_180 : memref<128xi32, #tpu.memory_space<vmem>>)
      %rem3A_182 = arith.constant 4 : i32
      %rem3A_183 = arith.remsi %while3A_150, %rem3A_182 : i32
      %mul3A_184 = arith.constant 625 : i32
      %mul3A_185 = arith.muli %arg0, %mul3A_184 : i32
      %add3A_186 = arith.addi %mul3A_185, %arg1 : i32
      %mul3A_187 = arith.constant 16 : i32
      %mul3A_188 = arith.muli %mul3A_187, %while3A_150 : i32
      %add3A_189 = arith.addi %add3A_186, %mul3A_188 : i32
      %mul3A_190 = arith.constant 128 : i32
      %mul3A_191 = arith.muli %add3A_189, %mul3A_190 : i32
      %dma_wait3A_192 = arith.constant 0 : i32
      %dma_wait3A_193 = arith.constant 0 : i32
      %dma_wait3A_194 = tpu.memref_slice %arg7[%rem3A_183, %dma_wait3A_192, %dma_wait3A_193] : memref<4x128x16xf32, #tpu.memory_space<vmem>> -> memref<1x128x16xf32, #tpu.memory_space<vmem>>
      %dma_wait3A_195 = tpu.memref_squeeze %dma_wait3A_194 : memref<1x128x16xf32, #tpu.memory_space<vmem>> -> memref<128x16xf32, #tpu.memory_space<vmem>>
      %dma_wait3A_196 = arith.constant 0 : i32
      %dma_wait3A_197 = tpu.memref_slice %arg2[%mul3A_191, %dma_wait3A_196] : memref<160000x16xf32, #tpu.memory_space<hbm>> -> memref<128x16xf32, #tpu.memory_space<hbm>>
      %dma_wait3A_198 = tpu.memref_slice %arg10[%rem3A_183] : memref<4x!tpu.dma_semaphore, #tpu.memory_space<semaphore_mem>> -> memref<1x!tpu.dma_semaphore, #tpu.memory_space<semaphore_mem>>
      %dma_wait3A_199 = tpu.memref_squeeze %dma_wait3A_198 : memref<1x!tpu.dma_semaphore, #tpu.memory_space<semaphore_mem>> -> memref<!tpu.dma_semaphore, #tpu.memory_space<semaphore_mem>>
      %dma_wait3A_200 = arith.constant 0 : i32
      %dma_wait3A_201 = arith.constant 0 : i32
      %dma_wait3A_202 = tpu.memref_slice %arg7[%rem3A_183, %dma_wait3A_200, %dma_wait3A_201] : memref<4x128x16xf32, #tpu.memory_space<vmem>> -> memref<1x128x16xf32, #tpu.memory_space<vmem>>
      %dma_wait3A_203 = tpu.memref_squeeze %dma_wait3A_202 : memref<1x128x16xf32, #tpu.memory_space<vmem>> -> memref<128x16xf32, #tpu.memory_space<vmem>>
      %dma_wait3A_204 = arith.constant 0 : i32
      %dma_wait3A_205 = tpu.memref_slice %arg2[%mul3A_191, %dma_wait3A_204] : memref<160000x16xf32, #tpu.memory_space<hbm>> -> memref<128x16xf32, #tpu.memory_space<hbm>>
      tpu.wait_dma2 semaphore(%dma_wait3A_199 : memref<!tpu.dma_semaphore, #tpu.memory_space<semaphore_mem>>) src(%dma_wait3A_205 : memref<128x16xf32, #tpu.memory_space<hbm>>) dst(%dma_wait3A_203 : memref<128x16xf32, #tpu.memory_space<vmem>>)
      %rem3A_206 = arith.constant 4 : i32
      %rem3A_207 = arith.remsi %while3A_150, %rem3A_206 : i32
      %dma_start3A_208 = arith.constant 0 : i32
      %dma_start3A_209 = arith.constant 0 : i32
      %dma_start3A_210 = tpu.memref_slice %arg7[%rem3A_207, %dma_start3A_208, %dma_start3A_209] : memref<4x128x16xf32, #tpu.memory_space<vmem>> -> memref<1x128x16xf32, #tpu.memory_space<vmem>>
      %dma_start3A_211 = tpu.memref_squeeze %dma_start3A_210 : memref<1x128x16xf32, #tpu.memory_space<vmem>> -> memref<128x16xf32, #tpu.memory_space<vmem>>
      %dma_start3A_212 = arith.constant 0 : i32
      %dma_start3A_213 = tpu.memref_slice %arg6[%rem3A_207, %dma_start3A_212] : memref<4x128xi32, #tpu.memory_space<vmem>> -> memref<1x128xi32, #tpu.memory_space<vmem>>
      %dma_start3A_214 = tpu.memref_squeeze %dma_start3A_213 : memref<1x128xi32, #tpu.memory_space<vmem>> -> memref<128xi32, #tpu.memory_space<vmem>>
      %dma_start3A_215 = arith.constant 0 : i32
      %dma_start3A_216 = arith.constant 0 : i32
      %dma_start3A_217 = tpu.memref_slice %arg5[%dma_start3A_215, %dma_start3A_216] : memref<10240x16xf32, #tpu.memory_space<vmem_shared>> -> memref<10240x16xf32, #tpu.memory_space<vmem_shared>>
      %dma_start3A_218 = tpu.memref_slice %arg11[%rem3A_207] : memref<4x!tpu.dma_semaphore, #tpu.memory_space<semaphore_mem>> -> memref<1x!tpu.dma_semaphore, #tpu.memory_space<semaphore_mem>>
      %dma_start3A_219 = tpu.memref_squeeze %dma_start3A_218 : memref<1x!tpu.dma_semaphore, #tpu.memory_space<semaphore_mem>> -> memref<!tpu.dma_semaphore, #tpu.memory_space<semaphore_mem>>
      tpu.enqueue_indirect_dma source(%dma_start3A_211 : memref<128x16xf32, #tpu.memory_space<vmem>>) target(%dma_start3A_217 : memref<10240x16xf32, #tpu.memory_space<vmem_shared>>) offsets(%dma_start3A_214 : memref<128xi32, #tpu.memory_space<vmem>>) semaphore(%dma_start3A_219 : memref<!tpu.dma_semaphore, #tpu.memory_space<semaphore_mem>>) {add = true}
    }
    %ge3A = arith.constant 2 : i32
    %ge3A_122 = arith.cmpi sge, %add3A_26, %ge3A : i32
    %convert_element_type3A = arith.extui %ge3A_122 : i1 to i32
    %cond3A = arith.constant 0 : i32
    %cond3A_123 = arith.cmpi ne, %convert_element_type3A, %cond3A : i32
    scf.if %cond3A_123 {
      %sub3A_150 = arith.constant 2 : i32
      %sub3A_151 = arith.subi %add3A_26, %sub3A_150 : i32
      %rem3A_152 = arith.constant 4 : i32
      %rem3A_153 = arith.remsi %sub3A_151, %rem3A_152 : i32
      %dma_wait3A_154 = arith.constant 0 : i32
      %dma_wait3A_155 = arith.constant 0 : i32
      %dma_wait3A_156 = tpu.memref_slice %arg7[%rem3A_153, %dma_wait3A_154, %dma_wait3A_155] : memref<4x128x16xf32, #tpu.memory_space<vmem>> -> memref<1x128x16xf32, #tpu.memory_space<vmem>>
      %dma_wait3A_157 = tpu.memref_squeeze %dma_wait3A_156 : memref<1x128x16xf32, #tpu.memory_space<vmem>> -> memref<128x16xf32, #tpu.memory_space<vmem>>
      %dma_wait3A_158 = arith.constant 0 : i32
      %dma_wait3A_159 = tpu.memref_slice %arg6[%rem3A_153, %dma_wait3A_158] : memref<4x128xi32, #tpu.memory_space<vmem>> -> memref<1x128xi32, #tpu.memory_space<vmem>>
      %dma_wait3A_160 = tpu.memref_squeeze %dma_wait3A_159 : memref<1x128xi32, #tpu.memory_space<vmem>> -> memref<128xi32, #tpu.memory_space<vmem>>
      %dma_wait3A_161 = arith.constant 0 : i32
      %dma_wait3A_162 = arith.constant 0 : i32
      %dma_wait3A_163 = tpu.memref_slice %arg5[%dma_wait3A_161, %dma_wait3A_162] : memref<10240x16xf32, #tpu.memory_space<vmem_shared>> -> memref<10240x16xf32, #tpu.memory_space<vmem_shared>>
      %dma_wait3A_164 = tpu.memref_slice %arg11[%rem3A_153] : memref<4x!tpu.dma_semaphore, #tpu.memory_space<semaphore_mem>> -> memref<1x!tpu.dma_semaphore, #tpu.memory_space<semaphore_mem>>
      %dma_wait3A_165 = tpu.memref_squeeze %dma_wait3A_164 : memref<1x!tpu.dma_semaphore, #tpu.memory_space<semaphore_mem>> -> memref<!tpu.dma_semaphore, #tpu.memory_space<semaphore_mem>>
      tpu.wait_indirect_dma semaphore(%dma_wait3A_165 : memref<!tpu.dma_semaphore, #tpu.memory_space<semaphore_mem>>) src(%dma_wait3A_157 : memref<128x16xf32, #tpu.memory_space<vmem>>) dst(%dma_wait3A_163 : memref<10240x16xf32, #tpu.memory_space<vmem_shared>>)
    } else {
    }
    %sub3A = arith.constant 1 : i32
    %sub3A_124 = arith.subi %add3A_26, %sub3A : i32
    %rem3A_125 = arith.constant 4 : i32
    %rem3A_126 = arith.remsi %sub3A_124, %rem3A_125 : i32
    %dma_wait3A = arith.constant 0 : i32
    %dma_wait3A_127 = arith.constant 0 : i32
    %dma_wait3A_128 = tpu.memref_slice %arg7[%rem3A_126, %dma_wait3A, %dma_wait3A_127] : memref<4x128x16xf32, #tpu.memory_space<vmem>> -> memref<1x128x16xf32, #tpu.memory_space<vmem>>
    %dma_wait3A_129 = tpu.memref_squeeze %dma_wait3A_128 : memref<1x128x16xf32, #tpu.memory_space<vmem>> -> memref<128x16xf32, #tpu.memory_space<vmem>>
    %dma_wait3A_130 = arith.constant 0 : i32
    %dma_wait3A_131 = tpu.memref_slice %arg6[%rem3A_126, %dma_wait3A_130] : memref<4x128xi32, #tpu.memory_space<vmem>> -> memref<1x128xi32, #tpu.memory_space<vmem>>
    %dma_wait3A_132 = tpu.memref_squeeze %dma_wait3A_131 : memref<1x128xi32, #tpu.memory_space<vmem>> -> memref<128xi32, #tpu.memory_space<vmem>>
    %dma_wait3A_133 = arith.constant 0 : i32
    %dma_wait3A_134 = arith.constant 0 : i32
    %dma_wait3A_135 = tpu.memref_slice %arg5[%dma_wait3A_133, %dma_wait3A_134] : memref<10240x16xf32, #tpu.memory_space<vmem_shared>> -> memref<10240x16xf32, #tpu.memory_space<vmem_shared>>
    %dma_wait3A_136 = tpu.memref_slice %arg11[%rem3A_126] : memref<4x!tpu.dma_semaphore, #tpu.memory_space<semaphore_mem>> -> memref<1x!tpu.dma_semaphore, #tpu.memory_space<semaphore_mem>>
    %dma_wait3A_137 = tpu.memref_squeeze %dma_wait3A_136 : memref<1x!tpu.dma_semaphore, #tpu.memory_space<semaphore_mem>> -> memref<!tpu.dma_semaphore, #tpu.memory_space<semaphore_mem>>
    tpu.wait_indirect_dma semaphore(%dma_wait3A_137 : memref<!tpu.dma_semaphore, #tpu.memory_space<semaphore_mem>>) src(%dma_wait3A_129 : memref<128x16xf32, #tpu.memory_space<vmem>>) dst(%dma_wait3A_135 : memref<10240x16xf32, #tpu.memory_space<vmem_shared>>)
    %barrier3A_138 = arith.constant 0 : index
    tpu.barrier barrier_id(%barrier3A_138)
    %mul3A_139 = arith.constant 640 : i32
    %mul3A_140 = arith.muli %arg1, %mul3A_139 : i32
    %lt3A_141 = arith.constant 15 : i32
    %lt3A_142 = arith.cmpi slt, %arg1, %lt3A_141 : i32
    %convert_element_type3A_143 = arith.extui %lt3A_142 : i1 to i32
    %cond3A_144 = arith.constant 0 : i32
    %cond3A_145 = arith.cmpi ne, %convert_element_type3A_143, %cond3A_144 : i32
    scf.if %cond3A_145 {
      "tpu.region"() ({
        %run_scoped3A = tpu.sem_alloc : memref<!tpu.dma_semaphore, #tpu.memory_space<semaphore_mem>>
        %dma_start3A_150 = arith.constant 0 : i32
        %dma_start3A_151 = tpu.memref_slice %arg4[%arg0, %mul3A_140, %dma_start3A_150] : memref<2x10000x16xf32, #tpu.memory_space<hbm>> -> memref<1x640x16xf32, #tpu.memory_space<hbm>>
        %dma_start3A_152 = tpu.memref_squeeze %dma_start3A_151 : memref<1x640x16xf32, #tpu.memory_space<hbm>> -> memref<640x16xf32, #tpu.memory_space<hbm>>
        %dma_start3A_153 = arith.constant 0 : i32
        %dma_start3A_154 = tpu.memref_slice %arg5[%mul3A_140, %dma_start3A_153] : memref<10240x16xf32, #tpu.memory_space<vmem_shared>> -> memref<640x16xf32, #tpu.memory_space<vmem_shared>>
        tpu.enqueue_dma source(%dma_start3A_154 : memref<640x16xf32, #tpu.memory_space<vmem_shared>>) target(%dma_start3A_152 : memref<640x16xf32, #tpu.memory_space<hbm>>) target_semaphore(%run_scoped3A : memref<!tpu.dma_semaphore, #tpu.memory_space<semaphore_mem>>)
        %dma_wait3A_155 = arith.constant 0 : i32
        %dma_wait3A_156 = tpu.memref_slice %arg4[%arg0, %mul3A_140, %dma_wait3A_155] : memref<2x10000x16xf32, #tpu.memory_space<hbm>> -> memref<1x640x16xf32, #tpu.memory_space<hbm>>
        %dma_wait3A_157 = tpu.memref_squeeze %dma_wait3A_156 : memref<1x640x16xf32, #tpu.memory_space<hbm>> -> memref<640x16xf32, #tpu.memory_space<hbm>>
        %dma_wait3A_158 = arith.constant 0 : i32
        %dma_wait3A_159 = tpu.memref_slice %arg5[%mul3A_140, %dma_wait3A_158] : memref<10240x16xf32, #tpu.memory_space<vmem_shared>> -> memref<640x16xf32, #tpu.memory_space<vmem_shared>>
        tpu.wait_dma2 semaphore(%run_scoped3A : memref<!tpu.dma_semaphore, #tpu.memory_space<semaphore_mem>>) src(%dma_wait3A_159 : memref<640x16xf32, #tpu.memory_space<vmem_shared>>) dst(%dma_wait3A_157 : memref<640x16xf32, #tpu.memory_space<hbm>>)
        tpu.yield
      }) : () -> ()
    } else {
    }
    %eq3A = arith.constant 15 : i32
    %eq3A_146 = arith.cmpi eq, %arg1, %eq3A : i32
    %convert_element_type3A_147 = arith.extui %eq3A_146 : i1 to i32
    %cond3A_148 = arith.constant 0 : i32
    %cond3A_149 = arith.cmpi ne, %convert_element_type3A_147, %cond3A_148 : i32
    scf.if %cond3A_149 {
      "tpu.region"() ({
        %run_scoped3A = tpu.sem_alloc : memref<!tpu.dma_semaphore, #tpu.memory_space<semaphore_mem>>
        %dma_start3A_150 = arith.constant 9600 : i32
        %dma_start3A_151 = arith.constant 0 : i32
        %dma_start3A_152 = tpu.memref_slice %arg4[%arg0, %dma_start3A_150, %dma_start3A_151] : memref<2x10000x16xf32, #tpu.memory_space<hbm>> -> memref<1x400x16xf32, #tpu.memory_space<hbm>>
        %dma_start3A_153 = tpu.memref_squeeze %dma_start3A_152 : memref<1x400x16xf32, #tpu.memory_space<hbm>> -> memref<400x16xf32, #tpu.memory_space<hbm>>
        %dma_start3A_154 = arith.constant 9600 : i32
        %dma_start3A_155 = arith.constant 0 : i32
        %dma_start3A_156 = tpu.memref_slice %arg5[%dma_start3A_154, %dma_start3A_155] : memref<10240x16xf32, #tpu.memory_space<vmem_shared>> -> memref<400x16xf32, #tpu.memory_space<vmem_shared>>
        tpu.enqueue_dma source(%dma_start3A_156 : memref<400x16xf32, #tpu.memory_space<vmem_shared>>) target(%dma_start3A_153 : memref<400x16xf32, #tpu.memory_space<hbm>>) target_semaphore(%run_scoped3A : memref<!tpu.dma_semaphore, #tpu.memory_space<semaphore_mem>>)
        %dma_wait3A_157 = arith.constant 9600 : i32
        %dma_wait3A_158 = arith.constant 0 : i32
        %dma_wait3A_159 = tpu.memref_slice %arg4[%arg0, %dma_wait3A_157, %dma_wait3A_158] : memref<2x10000x16xf32, #tpu.memory_space<hbm>> -> memref<1x400x16xf32, #tpu.memory_space<hbm>>
        %dma_wait3A_160 = tpu.memref_squeeze %dma_wait3A_159 : memref<1x400x16xf32, #tpu.memory_space<hbm>> -> memref<400x16xf32, #tpu.memory_space<hbm>>
        %dma_wait3A_161 = arith.constant 9600 : i32
        %dma_wait3A_162 = arith.constant 0 : i32
        %dma_wait3A_163 = tpu.memref_slice %arg5[%dma_wait3A_161, %dma_wait3A_162] : memref<10240x16xf32, #tpu.memory_space<vmem_shared>> -> memref<400x16xf32, #tpu.memory_space<vmem_shared>>
        tpu.wait_dma2 semaphore(%run_scoped3A : memref<!tpu.dma_semaphore, #tpu.memory_space<semaphore_mem>>) src(%dma_wait3A_163 : memref<400x16xf32, #tpu.memory_space<vmem_shared>>) dst(%dma_wait3A_160 : memref<400x16xf32, #tpu.memory_space<hbm>>)
        tpu.yield
      }) : () -> ()
    } else {
    }
    return
  }
}

module attributes {stable_mosaic.version = 14 : i64} {
  func.func @_lin0_body(%arg0: i32, %arg1: memref<1000x128xf32, #tpu.memory_space<vmem>>, %arg2: memref<128x16xf32, #tpu.memory_space<vmem>>, %arg3: memref<1x16xf32, #tpu.memory_space<vmem>>, %arg4: memref<1000x16xf32, #tpu.memory_space<vmem>>) attributes {dimension_semantics = [#tpu.dimension_semantics<arbitrary>], iteration_bounds = array<i64: 10>, scalar_prefetch = 0 : i64, scratch_operands = 0 : i64, tpu.core_type = #tpu.core_type<tc>, window_params = [{transform_indices = @transform_0, window_bounds = array<i64: 1000, 128>}, {pipeline_mode = #tpu.pipeline_mode<synchronous>, transform_indices = @transform_1, window_bounds = array<i64: 128, 16>}, {pipeline_mode = #tpu.pipeline_mode<synchronous>, transform_indices = @transform_2, window_bounds = array<i64: 1, 16>}, {transform_indices = @transform_3, window_bounds = array<i64: 1000, 16>}]} {
    %get3A = arith.constant 0 : index
    %get3A_0 = arith.constant 0 : index
    %get3A_1 = vector.load %arg1[%get3A, %get3A_0] : memref<1000x128xf32, #tpu.memory_space<vmem>>, vector<1000x128xf32>
    %get3A_2 = arith.constant 0 : index
    %get3A_3 = arith.constant 0 : index
    %get3A_4 = vector.load %arg2[%get3A_2, %get3A_3] : memref<128x16xf32, #tpu.memory_space<vmem>>, vector<128x16xf32>
    %dot_general3A = arith.constant dense<0.000000e+00> : vector<1000x16xf32>
    %dot_general3A_5 = tpu.matmul %get3A_1, %get3A_4, %dot_general3A {dimension_numbers = #tpu.dot_dimension_numbers<[1], [0], [0], [1], [0, 0, 1, 1], [], []>, precision = #tpu.contract_precision<fp32>, transpose_lhs_hint = false} : vector<1000x128xf32>, vector<128x16xf32>, vector<1000x16xf32> -> vector<1000x16xf32>
    %get3A_6 = arith.constant 0 : index
    %get3A_7 = arith.constant 0 : index
    %get3A_8 = vector.load %arg3[%get3A_6, %get3A_7] : memref<1x16xf32, #tpu.memory_space<vmem>>, vector<1x16xf32>
    %add3A = vector.broadcast %get3A_8 : vector<1x16xf32> to vector<1000x16xf32>
    %add3A_9 = arith.addf %dot_general3A_5, %add3A : vector<1000x16xf32>
    %max3A = arith.constant 0.000000e+00 : f32
    %max3A_10 = vector.broadcast %max3A : f32 to vector<1000x16xf32>
    %max3A_11 = arith.maximumf %add3A_9, %max3A_10 : vector<1000x16xf32>
    %swap3A = arith.constant 0 : index
    %swap3A_12 = arith.constant 0 : index
    %swap3A_13 = vector.load %arg4[%swap3A, %swap3A_12] : memref<1000x16xf32, #tpu.memory_space<vmem>>, vector<1000x16xf32>
    tpu.vector_store %arg4[%swap3A, %swap3A_12], %max3A_11 {strides = array<i32>} : memref<1000x16xf32, #tpu.memory_space<vmem>>, vector<1000x16xf32>,
    return
  }
  func.func @transform_0(%arg0: i32) -> (i32, i32) {
    %c0_i32 = arith.constant 0 : i32
    %c0_i32_0 = arith.constant 0 : i32
    return %arg0, %c0_i32 : i32, i32
  }
  func.func @transform_1(%arg0: i32) -> (i32, i32) {
    %c0_i32 = arith.constant 0 : i32
    %c0_i32_0 = arith.constant 0 : i32
    %c0_i32_1 = arith.constant 0 : i32
    return %c0_i32, %c0_i32_0 : i32, i32
  }
  func.func @transform_2(%arg0: i32) -> (i32, i32) {
    %c0_i32 = arith.constant 0 : i32
    %c0_i32_0 = arith.constant 0 : i32
    %c0_i32_1 = arith.constant 0 : i32
    return %c0_i32, %c0_i32_0 : i32, i32
  }
  func.func @transform_3(%arg0: i32) -> (i32, i32) {
    %c0_i32 = arith.constant 0 : i32
    %c0_i32_0 = arith.constant 0 : i32
    return %arg0, %c0_i32 : i32, i32
  }
}

module attributes {stable_mosaic.version = 14 : i64} {
  func.func @_edge_body(%arg0: i32, %arg1: memref<6400x16xf32, #tpu.memory_space<vmem>>, %arg2: memref<6400x16xf32, #tpu.memory_space<vmem>>, %arg3: memref<16x64xf32, #tpu.memory_space<vmem>>, %arg4: memref<1x64xf32, #tpu.memory_space<vmem>>, %arg5: memref<64x256xf32, #tpu.memory_space<vmem>>, %arg6: memref<1x256xf32, #tpu.memory_space<vmem>>, %arg7: memref<16x256xbf16, #tpu.memory_space<vmem>>, %arg8: memref<256x16xbf16, #tpu.memory_space<vmem>>, %arg9: memref<6400x16xf32, #tpu.memory_space<vmem>>) attributes {dimension_semantics = [#tpu.dimension_semantics<arbitrary>], iteration_bounds = array<i64: 25>, scalar_prefetch = 0 : i64, scratch_operands = 0 : i64, tpu.core_type = #tpu.core_type<tc>, window_params = [{transform_indices = @transform_0, window_bounds = array<i64: 6400, 16>}, {transform_indices = @transform_1, window_bounds = array<i64: 6400, 16>}, {pipeline_mode = #tpu.pipeline_mode<synchronous>, transform_indices = @transform_2, window_bounds = array<i64: 16, 64>}, {pipeline_mode = #tpu.pipeline_mode<synchronous>, transform_indices = @transform_3, window_bounds = array<i64: 1, 64>}, {pipeline_mode = #tpu.pipeline_mode<synchronous>, transform_indices = @transform_4, window_bounds = array<i64: 64, 256>}, {pipeline_mode = #tpu.pipeline_mode<synchronous>, transform_indices = @transform_5, window_bounds = array<i64: 1, 256>}, {pipeline_mode = #tpu.pipeline_mode<synchronous>, transform_indices = @transform_6, window_bounds = array<i64: 16, 256>}, {pipeline_mode = #tpu.pipeline_mode<synchronous>, transform_indices = @transform_7, window_bounds = array<i64: 256, 16>}, {transform_indices = @transform_8, window_bounds = array<i64: 6400, 16>}]} {
    %get3A = arith.constant 0 : index
    %get3A_0 = arith.constant 0 : index
    %get3A_1 = vector.load %arg1[%get3A, %get3A_0] : memref<6400x16xf32, #tpu.memory_space<vmem>>, vector<6400x16xf32>
    %convert_element_type3A = arith.truncf %get3A_1 : vector<6400x16xf32> to vector<6400x16xbf16>
    %get3A_2 = arith.constant 0 : index
    %get3A_3 = arith.constant 0 : index
    %get3A_4 = vector.load %arg3[%get3A_2, %get3A_3] : memref<16x64xf32, #tpu.memory_space<vmem>>, vector<16x64xf32>
    %convert_element_type3A_5 = arith.truncf %get3A_4 : vector<16x64xf32> to vector<16x64xbf16>
    %dot_general3A = arith.constant dense<0.000000e+00> : vector<6400x64xf32>
    %dot_general3A_6 = tpu.matmul %convert_element_type3A, %convert_element_type3A_5, %dot_general3A {dimension_numbers = #tpu.dot_dimension_numbers<[1], [0], [0], [1], [0, 0, 1, 1], [], []>, transpose_lhs_hint = false} : vector<6400x16xbf16>, vector<16x64xbf16>, vector<6400x64xf32> -> vector<6400x64xf32>
    %get3A_7 = arith.constant 0 : index
    %get3A_8 = arith.constant 0 : index
    %get3A_9 = vector.load %arg4[%get3A_7, %get3A_8] : memref<1x64xf32, #tpu.memory_space<vmem>>, vector<1x64xf32>
    %add3A = vector.broadcast %get3A_9 : vector<1x64xf32> to vector<6400x64xf32>
    %add3A_10 = arith.addf %dot_general3A_6, %add3A : vector<6400x64xf32>
    %max3A = arith.constant 0.000000e+00 : f32
    %max3A_11 = vector.broadcast %max3A : f32 to vector<6400x64xf32>
    %max3A_12 = arith.maximumf %add3A_10, %max3A_11 : vector<6400x64xf32>
    %convert_element_type3A_13 = arith.truncf %max3A_12 : vector<6400x64xf32> to vector<6400x64xbf16>
    %get3A_14 = arith.constant 0 : index
    %get3A_15 = arith.constant 0 : index
    %get3A_16 = vector.load %arg5[%get3A_14, %get3A_15] : memref<64x256xf32, #tpu.memory_space<vmem>>, vector<64x256xf32>
    %convert_element_type3A_17 = arith.truncf %get3A_16 : vector<64x256xf32> to vector<64x256xbf16>
    %dot_general3A_18 = arith.constant dense<0.000000e+00> : vector<6400x256xf32>
    %dot_general3A_19 = tpu.matmul %convert_element_type3A_13, %convert_element_type3A_17, %dot_general3A_18 {dimension_numbers = #tpu.dot_dimension_numbers<[1], [0], [0], [1], [0, 0, 1, 1], [], []>, transpose_lhs_hint = false} : vector<6400x64xbf16>, vector<64x256xbf16>, vector<6400x256xf32> -> vector<6400x256xf32>
    %get3A_20 = arith.constant 0 : index
    %get3A_21 = arith.constant 0 : index
    %get3A_22 = vector.load %arg6[%get3A_20, %get3A_21] : memref<1x256xf32, #tpu.memory_space<vmem>>, vector<1x256xf32>
    %add3A_23 = vector.broadcast %get3A_22 : vector<1x256xf32> to vector<6400x256xf32>
    %add3A_24 = arith.addf %dot_general3A_19, %add3A_23 : vector<6400x256xf32>
    %get3A_25 = arith.constant 0 : index
    %get3A_26 = arith.constant 0 : index
    %get3A_27 = vector.load %arg2[%get3A_25, %get3A_26] : memref<6400x16xf32, #tpu.memory_space<vmem>>, vector<6400x16xf32>
    %convert_element_type3A_28 = arith.truncf %get3A_27 : vector<6400x16xf32> to vector<6400x16xbf16>
    %get3A_29 = arith.constant 0 : index
    %get3A_30 = arith.constant 0 : index
    %get3A_31 = vector.load %arg7[%get3A_29, %get3A_30] : memref<16x256xbf16, #tpu.memory_space<vmem>>, vector<16x256xbf16>
    %dot_general3A_32 = arith.constant dense<0.000000e+00> : vector<6400x256xf32>
    %dot_general3A_33 = tpu.matmul %convert_element_type3A_28, %get3A_31, %dot_general3A_32 {dimension_numbers = #tpu.dot_dimension_numbers<[1], [0], [0], [1], [0, 0, 1, 1], [], []>, transpose_lhs_hint = false} : vector<6400x16xbf16>, vector<16x256xbf16>, vector<6400x256xf32> -> vector<6400x256xf32>
    %mul3A = arith.mulf %add3A_24, %dot_general3A_33 : vector<6400x256xf32>
    %convert_element_type3A_34 = arith.truncf %mul3A : vector<6400x256xf32> to vector<6400x256xbf16>
    %get3A_35 = arith.constant 0 : index
    %get3A_36 = arith.constant 0 : index
    %get3A_37 = vector.load %arg8[%get3A_35, %get3A_36] : memref<256x16xbf16, #tpu.memory_space<vmem>>, vector<256x16xbf16>
    %dot_general3A_38 = arith.constant dense<0.000000e+00> : vector<6400x16xf32>
    %dot_general3A_39 = tpu.matmul %convert_element_type3A_34, %get3A_37, %dot_general3A_38 {dimension_numbers = #tpu.dot_dimension_numbers<[1], [0], [0], [1], [0, 0, 1, 1], [], []>, transpose_lhs_hint = false} : vector<6400x256xbf16>, vector<256x16xbf16>, vector<6400x16xf32> -> vector<6400x16xf32>
    %swap3A = arith.constant 0 : index
    %swap3A_40 = arith.constant 0 : index
    %swap3A_41 = vector.load %arg9[%swap3A, %swap3A_40] : memref<6400x16xf32, #tpu.memory_space<vmem>>, vector<6400x16xf32>
    tpu.vector_store %arg9[%swap3A, %swap3A_40], %dot_general3A_39 {strides = array<i32>} : memref<6400x16xf32, #tpu.memory_space<vmem>>, vector<6400x16xf32>,
    return
  }
  func.func @transform_0(%arg0: i32) -> (i32, i32) {
    %c0_i32 = arith.constant 0 : i32
    %c0_i32_0 = arith.constant 0 : i32
    return %arg0, %c0_i32 : i32, i32
  }
  func.func @transform_1(%arg0: i32) -> (i32, i32) {
    %c0_i32 = arith.constant 0 : i32
    %c0_i32_0 = arith.constant 0 : i32
    return %arg0, %c0_i32 : i32, i32
  }
  func.func @transform_2(%arg0: i32) -> (i32, i32) {
    %c0_i32 = arith.constant 0 : i32
    %c0_i32_0 = arith.constant 0 : i32
    %c0_i32_1 = arith.constant 0 : i32
    return %c0_i32, %c0_i32_0 : i32, i32
  }
  func.func @transform_3(%arg0: i32) -> (i32, i32) {
    %c0_i32 = arith.constant 0 : i32
    %c0_i32_0 = arith.constant 0 : i32
    %c0_i32_1 = arith.constant 0 : i32
    return %c0_i32, %c0_i32_0 : i32, i32
  }
  func.func @transform_4(%arg0: i32) -> (i32, i32) {
    %c0_i32 = arith.constant 0 : i32
    %c0_i32_0 = arith.constant 0 : i32
    %c0_i32_1 = arith.constant 0 : i32
    return %c0_i32, %c0_i32_0 : i32, i32
  }
  func.func @transform_5(%arg0: i32) -> (i32, i32) {
    %c0_i32 = arith.constant 0 : i32
    %c0_i32_0 = arith.constant 0 : i32
    %c0_i32_1 = arith.constant 0 : i32
    return %c0_i32, %c0_i32_0 : i32, i32
  }
  func.func @transform_6(%arg0: i32) -> (i32, i32) {
    %c0_i32 = arith.constant 0 : i32
    %c0_i32_0 = arith.constant 0 : i32
    %c0_i32_1 = arith.constant 0 : i32
    return %c0_i32, %c0_i32_0 : i32, i32
  }
  func.func @transform_7(%arg0: i32) -> (i32, i32) {
    %c0_i32 = arith.constant 0 : i32
    %c0_i32_0 = arith.constant 0 : i32
    %c0_i32_1 = arith.constant 0 : i32
    return %c0_i32, %c0_i32_0 : i32, i32
  }
  func.func @transform_8(%arg0: i32) -> (i32, i32) {
    %c0_i32 = arith.constant 0 : i32
    %c0_i32_0 = arith.constant 0 : i32
    return %arg0, %c0_i32 : i32, i32
  }
}

module attributes {stable_mosaic.version = 14 : i64} {
  func.func @_gru_body(%arg0: i32, %arg1: memref<2x2000x16xf32, #tpu.memory_space<vmem>>, %arg2: memref<2x2000x16xf32, #tpu.memory_space<vmem>>, %arg3: memref<1x16xf32, #tpu.memory_space<vmem>>, %arg4: memref<2000x16xf32, #tpu.memory_space<vmem>>, %arg5: memref<16x48xf32, #tpu.memory_space<vmem>>, %arg6: memref<16x48xf32, #tpu.memory_space<vmem>>, %arg7: memref<1x48xf32, #tpu.memory_space<vmem>>, %arg8: memref<1x48xf32, #tpu.memory_space<vmem>>, %arg9: memref<2000x16xf32, #tpu.memory_space<vmem>>) attributes {dimension_semantics = [#tpu.dimension_semantics<arbitrary>], iteration_bounds = array<i64: 5>, scalar_prefetch = 0 : i64, scratch_operands = 0 : i64, tpu.core_type = #tpu.core_type<tc>, window_params = [{transform_indices = @transform_0, window_bounds = array<i64: 2, 2000, 16>}, {transform_indices = @transform_1, window_bounds = array<i64: 2, 2000, 16>}, {pipeline_mode = #tpu.pipeline_mode<synchronous>, transform_indices = @transform_2, window_bounds = array<i64: 1, 16>}, {transform_indices = @transform_3, window_bounds = array<i64: 2000, 16>}, {pipeline_mode = #tpu.pipeline_mode<synchronous>, transform_indices = @transform_4, window_bounds = array<i64: 16, 48>}, {pipeline_mode = #tpu.pipeline_mode<synchronous>, transform_indices = @transform_5, window_bounds = array<i64: 16, 48>}, {pipeline_mode = #tpu.pipeline_mode<synchronous>, transform_indices = @transform_6, window_bounds = array<i64: 1, 48>}, {pipeline_mode = #tpu.pipeline_mode<synchronous>, transform_indices = @transform_7, window_bounds = array<i64: 1, 48>}, {transform_indices = @transform_8, window_bounds = array<i64: 2000, 16>}]} {
    %get3A = arith.constant 0 : index
    %get3A_0 = arith.constant 0 : index
    %get3A_1 = arith.constant 0 : index
    %get3A_2 = vector.load %arg1[%get3A, %get3A_0, %get3A_1] : memref<2x2000x16xf32, #tpu.memory_space<vmem>>, vector<1x2000x16xf32>
    %get3A_3 = vector.shape_cast %get3A_2 : vector<1x2000x16xf32> to vector<2000x16xf32>
    %get3A_4 = arith.constant 1 : index
    %get3A_5 = arith.constant 0 : index
    %get3A_6 = arith.constant 0 : index
    %get3A_7 = vector.load %arg1[%get3A_4, %get3A_5, %get3A_6] : memref<2x2000x16xf32, #tpu.memory_space<vmem>>, vector<1x2000x16xf32>
    %get3A_8 = vector.shape_cast %get3A_7 : vector<1x2000x16xf32> to vector<2000x16xf32>
    %add3A = arith.addf %get3A_3, %get3A_8 : vector<2000x16xf32>
    %get3A_9 = arith.constant 0 : index
    %get3A_10 = arith.constant 0 : index
    %get3A_11 = arith.constant 0 : index
    %get3A_12 = vector.load %arg2[%get3A_9, %get3A_10, %get3A_11] : memref<2x2000x16xf32, #tpu.memory_space<vmem>>, vector<1x2000x16xf32>
    %get3A_13 = vector.shape_cast %get3A_12 : vector<1x2000x16xf32> to vector<2000x16xf32>
    %get3A_14 = arith.constant 1 : index
    %get3A_15 = arith.constant 0 : index
    %get3A_16 = arith.constant 0 : index
    %get3A_17 = vector.load %arg2[%get3A_14, %get3A_15, %get3A_16] : memref<2x2000x16xf32, #tpu.memory_space<vmem>>, vector<1x2000x16xf32>
    %get3A_18 = vector.shape_cast %get3A_17 : vector<1x2000x16xf32> to vector<2000x16xf32>
    %add3A_19 = arith.addf %get3A_13, %get3A_18 : vector<2000x16xf32>
    %max3A = arith.constant 1.000000e+00 : f32
    %max3A_20 = vector.broadcast %max3A : f32 to vector<2000x16xf32>
    %max3A_21 = arith.maximumf %add3A_19, %max3A_20 : vector<2000x16xf32>
    %div3A = arith.divf %add3A, %max3A_21 : vector<2000x16xf32>
    %get3A_22 = arith.constant 0 : index
    %get3A_23 = arith.constant 0 : index
    %get3A_24 = vector.load %arg3[%get3A_22, %get3A_23] : memref<1x16xf32, #tpu.memory_space<vmem>>, vector<1x16xf32>
    %add3A_25 = vector.broadcast %get3A_24 : vector<1x16xf32> to vector<2000x16xf32>
    %add3A_26 = arith.addf %div3A, %add3A_25 : vector<2000x16xf32>
    %max3A_27 = arith.constant 0.000000e+00 : f32
    %max3A_28 = vector.broadcast %max3A_27 : f32 to vector<2000x16xf32>
    %max3A_29 = arith.maximumf %add3A_26, %max3A_28 : vector<2000x16xf32>
    %get3A_30 = arith.constant 0 : index
    %get3A_31 = arith.constant 0 : index
    %get3A_32 = vector.load %arg5[%get3A_30, %get3A_31] : memref<16x48xf32, #tpu.memory_space<vmem>>, vector<16x48xf32>
    %dot_general3A = arith.constant dense<0.000000e+00> : vector<2000x48xf32>
    %dot_general3A_33 = tpu.matmul %max3A_29, %get3A_32, %dot_general3A {dimension_numbers = #tpu.dot_dimension_numbers<[1], [0], [0], [1], [0, 0, 1, 1], [], []>, precision = #tpu.contract_precision<fp32>, transpose_lhs_hint = false} : vector<2000x16xf32>, vector<16x48xf32>, vector<2000x48xf32> -> vector<2000x48xf32>
    %get3A_34 = arith.constant 0 : index
    %get3A_35 = arith.constant 0 : index
    %get3A_36 = vector.load %arg7[%get3A_34, %get3A_35] : memref<1x48xf32, #tpu.memory_space<vmem>>, vector<1x48xf32>
    %add3A_37 = vector.broadcast %get3A_36 : vector<1x48xf32> to vector<2000x48xf32>
    %add3A_38 = arith.addf %dot_general3A_33, %add3A_37 : vector<2000x48xf32>
    %get3A_39 = arith.constant 0 : index
    %get3A_40 = arith.constant 0 : index
    %get3A_41 = vector.load %arg4[%get3A_39, %get3A_40] : memref<2000x16xf32, #tpu.memory_space<vmem>>, vector<2000x16xf32>
    %get3A_42 = arith.constant 0 : index
    %get3A_43 = arith.constant 0 : index
    %get3A_44 = vector.load %arg6[%get3A_42, %get3A_43] : memref<16x48xf32, #tpu.memory_space<vmem>>, vector<16x48xf32>
    %dot_general3A_45 = arith.constant dense<0.000000e+00> : vector<2000x48xf32>
    %dot_general3A_46 = tpu.matmul %get3A_41, %get3A_44, %dot_general3A_45 {dimension_numbers = #tpu.dot_dimension_numbers<[1], [0], [0], [1], [0, 0, 1, 1], [], []>, precision = #tpu.contract_precision<fp32>, transpose_lhs_hint = false} : vector<2000x16xf32>, vector<16x48xf32>, vector<2000x48xf32> -> vector<2000x48xf32>
    %get3A_47 = arith.constant 0 : index
    %get3A_48 = arith.constant 0 : index
    %get3A_49 = vector.load %arg8[%get3A_47, %get3A_48] : memref<1x48xf32, #tpu.memory_space<vmem>>, vector<1x48xf32>
    %add3A_50 = vector.broadcast %get3A_49 : vector<1x48xf32> to vector<2000x48xf32>
    %add3A_51 = arith.addf %dot_general3A_46, %add3A_50 : vector<2000x48xf32>
    %slice3A = vector.extract_strided_slice %add3A_38 {offsets = [0, 0], sizes = [2000, 16], strides = [1, 1]} : vector<2000x48xf32> to vector<2000x16xf32>
    %slice3A_52 = vector.extract_strided_slice %add3A_51 {offsets = [0, 0], sizes = [2000, 16], strides = [1, 1]} : vector<2000x48xf32> to vector<2000x16xf32>
    %add3A_53 = arith.addf %slice3A, %slice3A_52 : vector<2000x16xf32>
    %logistic3A = arith.negf %add3A_53 : vector<2000x16xf32>
    %logistic3A_54 = math.exp %logistic3A : vector<2000x16xf32>
    %logistic3A_55 = arith.constant 1.000000e+00 : f32
    %logistic3A_56 = vector.broadcast %logistic3A_55 : f32 to vector<2000x16xf32>
    %logistic3A_57 = arith.addf %logistic3A_56, %logistic3A_54 : vector<2000x16xf32>
    %logistic3A_58 = arith.divf %logistic3A_56, %logistic3A_57 : vector<2000x16xf32>
    %slice3A_59 = vector.extract_strided_slice %add3A_38 {offsets = [0, 16], sizes = [2000, 16], strides = [1, 1]} : vector<2000x48xf32> to vector<2000x16xf32>
    %slice3A_60 = vector.extract_strided_slice %add3A_51 {offsets = [0, 16], sizes = [2000, 16], strides = [1, 1]} : vector<2000x48xf32> to vector<2000x16xf32>
    %add3A_61 = arith.addf %slice3A_59, %slice3A_60 : vector<2000x16xf32>
    %logistic3A_62 = arith.negf %add3A_61 : vector<2000x16xf32>
    %logistic3A_63 = math.exp %logistic3A_62 : vector<2000x16xf32>
    %logistic3A_64 = arith.constant 1.000000e+00 : f32
    %logistic3A_65 = vector.broadcast %logistic3A_64 : f32 to vector<2000x16xf32>
    %logistic3A_66 = arith.addf %logistic3A_65, %logistic3A_63 : vector<2000x16xf32>
    %logistic3A_67 = arith.divf %logistic3A_65, %logistic3A_66 : vector<2000x16xf32>
    %slice3A_68 = vector.extract_strided_slice %add3A_38 {offsets = [0, 32], sizes = [2000, 16], strides = [1, 1]} : vector<2000x48xf32> to vector<2000x16xf32>
    %slice3A_69 = vector.extract_strided_slice %add3A_51 {offsets = [0, 32], sizes = [2000, 16], strides = [1, 1]} : vector<2000x48xf32> to vector<2000x16xf32>
    %mul3A = arith.mulf %logistic3A_58, %slice3A_69 : vector<2000x16xf32>
    %add3A_70 = arith.addf %slice3A_68, %mul3A : vector<2000x16xf32>
    %tanh3A = math.tanh %add3A_70 : vector<2000x16xf32>
    %sub3A = arith.constant 1.000000e+00 : f32
    %sub3A_71 = vector.broadcast %sub3A : f32 to vector<2000x16xf32>
    %sub3A_72 = arith.subf %sub3A_71, %logistic3A_67 : vector<2000x16xf32>
    %mul3A_73 = arith.mulf %sub3A_72, %tanh3A : vector<2000x16xf32>
    %mul3A_74 = arith.mulf %logistic3A_67, %get3A_41 : vector<2000x16xf32>
    %add3A_75 = arith.addf %mul3A_73, %mul3A_74 : vector<2000x16xf32>
    %swap3A = arith.constant 0 : index
    %swap3A_76 = arith.constant 0 : index
    %swap3A_77 = vector.load %arg9[%swap3A, %swap3A_76] : memref<2000x16xf32, #tpu.memory_space<vmem>>, vector<2000x16xf32>
    tpu.vector_store %arg9[%swap3A, %swap3A_76], %add3A_75 {strides = array<i32>} : memref<2000x16xf32, #tpu.memory_space<vmem>>, vector<2000x16xf32>,
    return
  }
  func.func @transform_0(%arg0: i32) -> (i32, i32, i32) {
    %c0_i32 = arith.constant 0 : i32
    %c0_i32_0 = arith.constant 0 : i32
    %c0_i32_1 = arith.constant 0 : i32
    return %c0_i32, %arg0, %c0_i32_0 : i32, i32, i32
  }
  func.func @transform_1(%arg0: i32) -> (i32, i32, i32) {
    %c0_i32 = arith.constant 0 : i32
    %c0_i32_0 = arith.constant 0 : i32
    %c0_i32_1 = arith.constant 0 : i32
    return %c0_i32, %arg0, %c0_i32_0 : i32, i32, i32
  }
  func.func @transform_2(%arg0: i32) -> (i32, i32) {
    %c0_i32 = arith.constant 0 : i32
    %c0_i32_0 = arith.constant 0 : i32
    %c0_i32_1 = arith.constant 0 : i32
    return %c0_i32, %c0_i32_0 : i32, i32
  }
  func.func @transform_3(%arg0: i32) -> (i32, i32) {
    %c0_i32 = arith.constant 0 : i32
    %c0_i32_0 = arith.constant 0 : i32
    return %arg0, %c0_i32 : i32, i32
  }
  func.func @transform_4(%arg0: i32) -> (i32, i32) {
    %c0_i32 = arith.constant 0 : i32
    %c0_i32_0 = arith.constant 0 : i32
    %c0_i32_1 = arith.constant 0 : i32
    return %c0_i32, %c0_i32_0 : i32, i32
  }
  func.func @transform_5(%arg0: i32) -> (i32, i32) {
    %c0_i32 = arith.constant 0 : i32
    %c0_i32_0 = arith.constant 0 : i32
    %c0_i32_1 = arith.constant 0 : i32
    return %c0_i32, %c0_i32_0 : i32, i32
  }
  func.func @transform_6(%arg0: i32) -> (i32, i32) {
    %c0_i32 = arith.constant 0 : i32
    %c0_i32_0 = arith.constant 0 : i32
    %c0_i32_1 = arith.constant 0 : i32
    return %c0_i32, %c0_i32_0 : i32, i32
  }
  func.func @transform_7(%arg0: i32) -> (i32, i32) {
    %c0_i32 = arith.constant 0 : i32
    %c0_i32_0 = arith.constant 0 : i32
    %c0_i32_1 = arith.constant 0 : i32
    return %c0_i32, %c0_i32_0 : i32, i32
  }
  func.func @transform_8(%arg0: i32) -> (i32, i32) {
    %c0_i32 = arith.constant 0 : i32
    %c0_i32_0 = arith.constant 0 : i32
    return %arg0, %c0_i32 : i32, i32
  }
}

module attributes {stable_mosaic.version = 14 : i64} {
  func.func @_s2s_body(%arg0: memref<10000x16xf32, #tpu.memory_space<vmem>>, %arg1: memref<1x10000xi32, #tpu.memory_space<vmem>>, %arg2: memref<32x64xf32, #tpu.memory_space<vmem>>, %arg3: memref<16x64xf32, #tpu.memory_space<vmem>>, %arg4: memref<1x64xf32, #tpu.memory_space<vmem>>, %arg5: memref<1x64xf32, #tpu.memory_space<vmem>>, %arg6: memref<32x16xf32, #tpu.memory_space<vmem>>, %arg7: memref<1x16xf32, #tpu.memory_space<vmem>>, %arg8: memref<16x12xf32, #tpu.memory_space<vmem>>, %arg9: memref<1x12xf32, #tpu.memory_space<vmem>>, %arg10: memref<64x12xf32, #tpu.memory_space<vmem>>) attributes {dimension_semantics = [], scalar_prefetch = 0 : i64, scratch_operands = 0 : i64, tpu.core_type = #tpu.core_type<tc>} {
    %get3A = arith.constant 0 : index
    %get3A_0 = arith.constant 0 : index
    %get3A_1 = vector.load %arg0[%get3A, %get3A_0] : memref<10000x16xf32, #tpu.memory_space<vmem>>, vector<10000x16xf32>
    %iota3A = tpu.iota {dimensions = array<i32: 0>} : vector<64x10000xi32>
    %get3A_2 = arith.constant 0 : index
    %get3A_3 = arith.constant 0 : index
    %get3A_4 = vector.load %arg1[%get3A_2, %get3A_3] : memref<1x10000xi32, #tpu.memory_space<vmem>>, vector<1x10000xi32>
    %broadcast_in_dim3A = vector.shape_cast %get3A_4 : vector<1x10000xi32> to vector<1x10000xi32>
    %broadcast_in_dim3A_5 = vector.broadcast %broadcast_in_dim3A : vector<1x10000xi32> to vector<64x10000xi32>
    %eq3A = arith.cmpi eq, %iota3A, %broadcast_in_dim3A_5 : vector<64x10000xi32>
    %broadcast_in_dim3A_6 = arith.constant 0.000000e+00 : f32
    %broadcast_in_dim3A_7 = vector.broadcast %broadcast_in_dim3A_6 : f32 to vector<64x32xf32>
    %broadcast_in_dim3A_8 = arith.constant 0.000000e+00 : f32
    %broadcast_in_dim3A_9 = vector.broadcast %broadcast_in_dim3A_8 : f32 to vector<64x16xf32>
    %broadcast_in_dim3A_10 = arith.constant 0.000000e+00 : f32
    %broadcast_in_dim3A_11 = vector.broadcast %broadcast_in_dim3A_10 : f32 to vector<64x16xf32>
    %get3A_12 = arith.constant 0 : index
    %get3A_13 = arith.constant 0 : index
    %get3A_14 = vector.load %arg2[%get3A_12, %get3A_13] : memref<32x64xf32, #tpu.memory_space<vmem>>, vector<32x64xf32>
    %dot_general3A = arith.constant dense<0.000000e+00> : vector<64x64xf32>
    %dot_general3A_15 = tpu.matmul %broadcast_in_dim3A_7, %get3A_14, %dot_general3A {dimension_numbers = #tpu.dot_dimension_numbers<[1], [0], [0], [1], [0, 0, 1, 1], [], []>, precision = #tpu.contract_precision<fp32>, transpose_lhs_hint = false} : vector<64x32xf32>, vector<32x64xf32>, vector<64x64xf32> -> vector<64x64xf32>
    %get3A_16 = arith.constant 0 : index
    %get3A_17 = arith.constant 0 : index
    %get3A_18 = vector.load %arg4[%get3A_16, %get3A_17] : memref<1x64xf32, #tpu.memory_space<vmem>>, vector<1x64xf32>
    %add3A = vector.broadcast %get3A_18 : vector<1x64xf32> to vector<64x64xf32>
    %add3A_19 = arith.addf %dot_general3A_15, %add3A : vector<64x64xf32>
    %get3A_20 = arith.constant 0 : index
    %get3A_21 = arith.constant 0 : index
    %get3A_22 = vector.load %arg3[%get3A_20, %get3A_21] : memref<16x64xf32, #tpu.memory_space<vmem>>, vector<16x64xf32>
    %dot_general3A_23 = arith.constant dense<0.000000e+00> : vector<64x64xf32>
    %dot_general3A_24 = tpu.matmul %broadcast_in_dim3A_9, %get3A_22, %dot_general3A_23 {dimension_numbers = #tpu.dot_dimension_numbers<[1], [0], [0], [1], [0, 0, 1, 1], [], []>, precision = #tpu.contract_precision<fp32>, transpose_lhs_hint = false} : vector<64x16xf32>, vector<16x64xf32>, vector<64x64xf32> -> vector<64x64xf32>
    %add3A_25 = arith.addf %add3A_19, %dot_general3A_24 : vector<64x64xf32>
    %get3A_26 = arith.constant 0 : index
    %get3A_27 = arith.constant 0 : index
    %get3A_28 = vector.load %arg5[%get3A_26, %get3A_27] : memref<1x64xf32, #tpu.memory_space<vmem>>, vector<1x64xf32>
    %add3A_29 = vector.broadcast %get3A_28 : vector<1x64xf32> to vector<64x64xf32>
    %add3A_30 = arith.addf %add3A_25, %add3A_29 : vector<64x64xf32>
    %slice3A = vector.extract_strided_slice %add3A_30 {offsets = [0, 0], sizes = [64, 16], strides = [1, 1]} : vector<64x64xf32> to vector<64x16xf32>
    %logistic3A = arith.negf %slice3A : vector<64x16xf32>
    %logistic3A_31 = math.exp %logistic3A : vector<64x16xf32>
    %logistic3A_32 = arith.constant 1.000000e+00 : f32
    %logistic3A_33 = vector.broadcast %logistic3A_32 : f32 to vector<64x16xf32>
    %logistic3A_34 = arith.addf %logistic3A_33, %logistic3A_31 : vector<64x16xf32>
    %logistic3A_35 = arith.divf %logistic3A_33, %logistic3A_34 : vector<64x16xf32>
    %slice3A_36 = vector.extract_strided_slice %add3A_30 {offsets = [0, 16], sizes = [64, 16], strides = [1, 1]} : vector<64x64xf32> to vector<64x16xf32>
    %logistic3A_37 = arith.negf %slice3A_36 : vector<64x16xf32>
    %logistic3A_38 = math.exp %logistic3A_37 : vector<64x16xf32>
    %logistic3A_39 = arith.constant 1.000000e+00 : f32
    %logistic3A_40 = vector.broadcast %logistic3A_39 : f32 to vector<64x16xf32>
    %logistic3A_41 = arith.addf %logistic3A_40, %logistic3A_38 : vector<64x16xf32>
    %logistic3A_42 = arith.divf %logistic3A_40, %logistic3A_41 : vector<64x16xf32>
    %slice3A_43 = vector.extract_strided_slice %add3A_30 {offsets = [0, 32], sizes = [64, 16], strides = [1, 1]} : vector<64x64xf32> to vector<64x16xf32>
    %tanh3A = math.tanh %slice3A_43 : vector<64x16xf32>
    %slice3A_44 = vector.extract_strided_slice %add3A_30 {offsets = [0, 48], sizes = [64, 16], strides = [1, 1]} : vector<64x64xf32> to vector<64x16xf32>
    %logistic3A_45 = arith.negf %slice3A_44 : vector<64x16xf32>
    %logistic3A_46 = math.exp %logistic3A_45 : vector<64x16xf32>
    %logistic3A_47 = arith.constant 1.000000e+00 : f32
    %logistic3A_48 = vector.broadcast %logistic3A_47 : f32 to vector<64x16xf32>
    %logistic3A_49 = arith.addf %logistic3A_48, %logistic3A_46 : vector<64x16xf32>
    %logistic3A_50 = arith.divf %logistic3A_48, %logistic3A_49 : vector<64x16xf32>
    %mul3A = arith.mulf %logistic3A_42, %broadcast_in_dim3A_11 : vector<64x16xf32>
    %mul3A_51 = arith.mulf %logistic3A_35, %tanh3A : vector<64x16xf32>
    %add3A_52 = arith.addf %mul3A, %mul3A_51 : vector<64x16xf32>
    %tanh3A_53 = math.tanh %add3A_52 : vector<64x16xf32>
    %mul3A_54 = arith.mulf %logistic3A_50, %tanh3A_53 : vector<64x16xf32>
    %dot_general3A_55 = arith.constant dense<0.000000e+00> : vector<64x10000xf32>
    %dot_general3A_56 = tpu.matmul %mul3A_54, %get3A_1, %dot_general3A_55 {dimension_numbers = #tpu.dot_dimension_numbers<[1], [1], [0], [0], [0, 0, 1, 0], [], []>, precision = #tpu.contract_precision<fp32>, transpose_lhs_hint = false} : vector<64x16xf32>, vector<10000x16xf32>, vector<64x10000xf32> -> vector<64x10000xf32>
    %jit3A = arith.constant 0xFF800000 : f32
    %broadcast_in_dim3A_57 = vector.broadcast %jit3A : f32 to vector<64x10000xf32>
    %select_n3A = arith.select %eq3A, %dot_general3A_56, %broadcast_in_dim3A_57 : vector<64x10000xi1>, vector<64x10000xf32>
    %reduce_max3A = arith.constant dense<0xFF800000> : vector<64xf32>
    %reduce_max3A_58 = vector.multi_reduction <maximumf>, %select_n3A, %reduce_max3A [1] : vector<64x10000xf32> to vector<64xf32>
    %broadcast_in_dim3A_59 = vector.shape_cast %reduce_max3A_58 : vector<64xf32> to vector<64x1xf32>
    %is_finite3A = tpu.weird %broadcast_in_dim3A_59 : vector<64x1xf32> -> vector<64x1xi1>
    %is_finite3A_60 = arith.constant dense<true> : vector<64x1xi1>
    %is_finite3A_61 = arith.xori %is_finite3A, %is_finite3A_60 : vector<64x1xi1>
    %jit3A_62 = arith.constant 0.000000e+00 : f32
    %broadcast_in_dim3A_63 = vector.broadcast %jit3A_62 : f32 to vector<64x1xf32>
    %select_n3A_64 = arith.select %is_finite3A_61, %broadcast_in_dim3A_59, %broadcast_in_dim3A_63 : vector<64x1xi1>, vector<64x1xf32>
    %sub3A = vector.broadcast %select_n3A_64 : vector<64x1xf32> to vector<64x10000xf32>
    %sub3A_65 = arith.subf %dot_general3A_56, %sub3A : vector<64x10000xf32>
    %exp3A = math.exp %sub3A_65 : vector<64x10000xf32>
    %jit3A_66 = arith.constant 0.000000e+00 : f32
    %broadcast_in_dim3A_67 = vector.broadcast %jit3A_66 : f32 to vector<64x10000xf32>
    %select_n3A_68 = arith.select %eq3A, %exp3A, %broadcast_in_dim3A_67 : vector<64x10000xi1>, vector<64x10000xf32>
    %reduce_sum3A = arith.constant dense<0.000000e+00> : vector<64xf32>
    %reduce_sum3A_69 = vector.multi_reduction <add>, %select_n3A_68, %reduce_sum3A [1] : vector<64x10000xf32> to vector<64xf32>
    %broadcast_in_dim3A_70 = vector.shape_cast %reduce_sum3A_69 : vector<64xf32> to vector<64x1xf32>
    %max3A = arith.constant 1.000000e-30 : f32
    %max3A_71 = vector.broadcast %max3A : f32 to vector<64x1xf32>
    %max3A_72 = arith.maximumf %broadcast_in_dim3A_70, %max3A_71 : vector<64x1xf32>
    %div3A = vector.broadcast %max3A_72 : vector<64x1xf32> to vector<64x10000xf32>
    %div3A_73 = arith.divf %select_n3A_68, %div3A : vector<64x10000xf32>
    %dot_general3A_74 = arith.constant dense<0.000000e+00> : vector<64x16xf32>
    %dot_general3A_75 = tpu.matmul %div3A_73, %get3A_1, %dot_general3A_74 {dimension_numbers = #tpu.dot_dimension_numbers<[1], [0], [0], [1], [0, 0, 1, 1], [], []>, precision = #tpu.contract_precision<fp32>, transpose_lhs_hint = false} : vector<64x10000xf32>, vector<10000x16xf32>, vector<64x16xf32> -> vector<64x16xf32>
    %concatenate3A = tpu.concatenate %mul3A_54, %dot_general3A_75 in 1 : vector<64x16xf32>, vector<64x16xf32> -> vector<64x32xf32>
    %get3A_76 = arith.constant 0 : index
    %get3A_77 = arith.constant 0 : index
    %get3A_78 = vector.load %arg2[%get3A_76, %get3A_77] : memref<32x64xf32, #tpu.memory_space<vmem>>, vector<32x64xf32>
    %dot_general3A_79 = arith.constant dense<0.000000e+00> : vector<64x64xf32>
    %dot_general3A_80 = tpu.matmul %concatenate3A, %get3A_78, %dot_general3A_79 {dimension_numbers = #tpu.dot_dimension_numbers<[1], [0], [0], [1], [0, 0, 1, 1], [], []>, precision = #tpu.contract_precision<fp32>, transpose_lhs_hint = false} : vector<64x32xf32>, vector<32x64xf32>, vector<64x64xf32> -> vector<64x64xf32>
    %get3A_81 = arith.constant 0 : index
    %get3A_82 = arith.constant 0 : index
    %get3A_83 = vector.load %arg4[%get3A_81, %get3A_82] : memref<1x64xf32, #tpu.memory_space<vmem>>, vector<1x64xf32>
    %add3A_84 = vector.broadcast %get3A_83 : vector<1x64xf32> to vector<64x64xf32>
    %add3A_85 = arith.addf %dot_general3A_80, %add3A_84 : vector<64x64xf32>
    %get3A_86 = arith.constant 0 : index
    %get3A_87 = arith.constant 0 : index
    %get3A_88 = vector.load %arg3[%get3A_86, %get3A_87] : memref<16x64xf32, #tpu.memory_space<vmem>>, vector<16x64xf32>
    %dot_general3A_89 = arith.constant dense<0.000000e+00> : vector<64x64xf32>
    %dot_general3A_90 = tpu.matmul %mul3A_54, %get3A_88, %dot_general3A_89 {dimension_numbers = #tpu.dot_dimension_numbers<[1], [0], [0], [1], [0, 0, 1, 1], [], []>, precision = #tpu.contract_precision<fp32>, transpose_lhs_hint = false} : vector<64x16xf32>, vector<16x64xf32>, vector<64x64xf32> -> vector<64x64xf32>
    %add3A_91 = arith.addf %add3A_85, %dot_general3A_90 : vector<64x64xf32>
    %get3A_92 = arith.constant 0 : index
    %get3A_93 = arith.constant 0 : index
    %get3A_94 = vector.load %arg5[%get3A_92, %get3A_93] : memref<1x64xf32, #tpu.memory_space<vmem>>, vector<1x64xf32>
    %add3A_95 = vector.broadcast %get3A_94 : vector<1x64xf32> to vector<64x64xf32>
    %add3A_96 = arith.addf %add3A_91, %add3A_95 : vector<64x64xf32>
    %slice3A_97 = vector.extract_strided_slice %add3A_96 {offsets = [0, 0], sizes = [64, 16], strides = [1, 1]} : vector<64x64xf32> to vector<64x16xf32>
    %logistic3A_98 = arith.negf %slice3A_97 : vector<64x16xf32>
    %logistic3A_99 = math.exp %logistic3A_98 : vector<64x16xf32>
    %logistic3A_100 = arith.constant 1.000000e+00 : f32
    %logistic3A_101 = vector.broadcast %logistic3A_100 : f32 to vector<64x16xf32>
    %logistic3A_102 = arith.addf %logistic3A_101, %logistic3A_99 : vector<64x16xf32>
    %logistic3A_103 = arith.divf %logistic3A_101, %logistic3A_102 : vector<64x16xf32>
    %slice3A_104 = vector.extract_strided_slice %add3A_96 {offsets = [0, 16], sizes = [64, 16], strides = [1, 1]} : vector<64x64xf32> to vector<64x16xf32>
    %logistic3A_105 = arith.negf %slice3A_104 : vector<64x16xf32>
    %logistic3A_106 = math.exp %logistic3A_105 : vector<64x16xf32>
    %logistic3A_107 = arith.constant 1.000000e+00 : f32
    %logistic3A_108 = vector.broadcast %logistic3A_107 : f32 to vector<64x16xf32>
    %logistic3A_109 = arith.addf %logistic3A_108, %logistic3A_106 : vector<64x16xf32>
    %logistic3A_110 = arith.divf %logistic3A_108, %logistic3A_109 : vector<64x16xf32>
    %slice3A_111 = vector.extract_strided_slice %add3A_96 {offsets = [0, 32], sizes = [64, 16], strides = [1, 1]} : vector<64x64xf32> to vector<64x16xf32>
    %tanh3A_112 = math.tanh %slice3A_111 : vector<64x16xf32>
    %slice3A_113 = vector.extract_strided_slice %add3A_96 {offsets = [0, 48], sizes = [64, 16], strides = [1, 1]} : vector<64x64xf32> to vector<64x16xf32>
    %logistic3A_114 = arith.negf %slice3A_113 : vector<64x16xf32>
    %logistic3A_115 = math.exp %logistic3A_114 : vector<64x16xf32>
    %logistic3A_116 = arith.constant 1.000000e+00 : f32
    %logistic3A_117 = vector.broadcast %logistic3A_116 : f32 to vector<64x16xf32>
    %logistic3A_118 = arith.addf %logistic3A_117, %logistic3A_115 : vector<64x16xf32>
    %logistic3A_119 = arith.divf %logistic3A_117, %logistic3A_118 : vector<64x16xf32>
    %mul3A_120 = arith.mulf %logistic3A_110, %add3A_52 : vector<64x16xf32>
    %mul3A_121 = arith.mulf %logistic3A_103, %tanh3A_112 : vector<64x16xf32>
    %add3A_122 = arith.addf %mul3A_120, %mul3A_121 : vector<64x16xf32>
    %tanh3A_123 = math.tanh %add3A_122 : vector<64x16xf32>
    %mul3A_124 = arith.mulf %logistic3A_119, %tanh3A_123 : vector<64x16xf32>
    %dot_general3A_125 = arith.constant dense<0.000000e+00> : vector<64x10000xf32>
    %dot_general3A_126 = tpu.matmul %mul3A_124, %get3A_1, %dot_general3A_125 {dimension_numbers = #tpu.dot_dimension_numbers<[1], [1], [0], [0], [0, 0, 1, 0], [], []>, precision = #tpu.contract_precision<fp32>, transpose_lhs_hint = false} : vector<64x16xf32>, vector<10000x16xf32>, vector<64x10000xf32> -> vector<64x10000xf32>
    %jit3A_127 = arith.constant 0xFF800000 : f32
    %broadcast_in_dim3A_128 = vector.broadcast %jit3A_127 : f32 to vector<64x10000xf32>
    %select_n3A_129 = arith.select %eq3A, %dot_general3A_126, %broadcast_in_dim3A_128 : vector<64x10000xi1>, vector<64x10000xf32>
    %reduce_max3A_130 = arith.constant dense<0xFF800000> : vector<64xf32>
    %reduce_max3A_131 = vector.multi_reduction <maximumf>, %select_n3A_129, %reduce_max3A_130 [1] : vector<64x10000xf32> to vector<64xf32>
    %broadcast_in_dim3A_132 = vector.shape_cast %reduce_max3A_131 : vector<64xf32> to vector<64x1xf32>
    %is_finite3A_133 = tpu.weird %broadcast_in_dim3A_132 : vector<64x1xf32> -> vector<64x1xi1>
    %is_finite3A_134 = arith.constant dense<true> : vector<64x1xi1>
    %is_finite3A_135 = arith.xori %is_finite3A_133, %is_finite3A_134 : vector<64x1xi1>
    %jit3A_136 = arith.constant 0.000000e+00 : f32
    %broadcast_in_dim3A_137 = vector.broadcast %jit3A_136 : f32 to vector<64x1xf32>
    %select_n3A_138 = arith.select %is_finite3A_135, %broadcast_in_dim3A_132, %broadcast_in_dim3A_137 : vector<64x1xi1>, vector<64x1xf32>
    %sub3A_139 = vector.broadcast %select_n3A_138 : vector<64x1xf32> to vector<64x10000xf32>
    %sub3A_140 = arith.subf %dot_general3A_126, %sub3A_139 : vector<64x10000xf32>
    %exp3A_141 = math.exp %sub3A_140 : vector<64x10000xf32>
    %jit3A_142 = arith.constant 0.000000e+00 : f32
    %broadcast_in_dim3A_143 = vector.broadcast %jit3A_142 : f32 to vector<64x10000xf32>
    %select_n3A_144 = arith.select %eq3A, %exp3A_141, %broadcast_in_dim3A_143 : vector<64x10000xi1>, vector<64x10000xf32>
    %reduce_sum3A_145 = arith.constant dense<0.000000e+00> : vector<64xf32>
    %reduce_sum3A_146 = vector.multi_reduction <add>, %select_n3A_144, %reduce_sum3A_145 [1] : vector<64x10000xf32> to vector<64xf32>
    %broadcast_in_dim3A_147 = vector.shape_cast %reduce_sum3A_146 : vector<64xf32> to vector<64x1xf32>
    %max3A_148 = arith.constant 1.000000e-30 : f32
    %max3A_149 = vector.broadcast %max3A_148 : f32 to vector<64x1xf32>
    %max3A_150 = arith.maximumf %broadcast_in_dim3A_147, %max3A_149 : vector<64x1xf32>
    %div3A_151 = vector.broadcast %max3A_150 : vector<64x1xf32> to vector<64x10000xf32>
    %div3A_152 = arith.divf %select_n3A_144, %div3A_151 : vector<64x10000xf32>
    %dot_general3A_153 = arith.constant dense<0.000000e+00> : vector<64x16xf32>
    %dot_general3A_154 = tpu.matmul %div3A_152, %get3A_1, %dot_general3A_153 {dimension_numbers = #tpu.dot_dimension_numbers<[1], [0], [0], [1], [0, 0, 1, 1], [], []>, precision = #tpu.contract_precision<fp32>, transpose_lhs_hint = false} : vector<64x10000xf32>, vector<10000x16xf32>, vector<64x16xf32> -> vector<64x16xf32>
    %concatenate3A_155 = tpu.concatenate %mul3A_124, %dot_general3A_154 in 1 : vector<64x16xf32>, vector<64x16xf32> -> vector<64x32xf32>
    %get3A_156 = arith.constant 0 : index
    %get3A_157 = arith.constant 0 : index
    %get3A_158 = vector.load %arg2[%get3A_156, %get3A_157] : memref<32x64xf32, #tpu.memory_space<vmem>>, vector<32x64xf32>
    %dot_general3A_159 = arith.constant dense<0.000000e+00> : vector<64x64xf32>
    %dot_general3A_160 = tpu.matmul %concatenate3A_155, %get3A_158, %dot_general3A_159 {dimension_numbers = #tpu.dot_dimension_numbers<[1], [0], [0], [1], [0, 0, 1, 1], [], []>, precision = #tpu.contract_precision<fp32>, transpose_lhs_hint = false} : vector<64x32xf32>, vector<32x64xf32>, vector<64x64xf32> -> vector<64x64xf32>
    %get3A_161 = arith.constant 0 : index
    %get3A_162 = arith.constant 0 : index
    %get3A_163 = vector.load %arg4[%get3A_161, %get3A_162] : memref<1x64xf32, #tpu.memory_space<vmem>>, vector<1x64xf32>
    %add3A_164 = vector.broadcast %get3A_163 : vector<1x64xf32> to vector<64x64xf32>
    %add3A_165 = arith.addf %dot_general3A_160, %add3A_164 : vector<64x64xf32>
    %get3A_166 = arith.constant 0 : index
    %get3A_167 = arith.constant 0 : index
    %get3A_168 = vector.load %arg3[%get3A_166, %get3A_167] : memref<16x64xf32, #tpu.memory_space<vmem>>, vector<16x64xf32>
    %dot_general3A_169 = arith.constant dense<0.000000e+00> : vector<64x64xf32>
    %dot_general3A_170 = tpu.matmul %mul3A_124, %get3A_168, %dot_general3A_169 {dimension_numbers = #tpu.dot_dimension_numbers<[1], [0], [0], [1], [0, 0, 1, 1], [], []>, precision = #tpu.contract_precision<fp32>, transpose_lhs_hint = false} : vector<64x16xf32>, vector<16x64xf32>, vector<64x64xf32> -> vector<64x64xf32>
    %add3A_171 = arith.addf %add3A_165, %dot_general3A_170 : vector<64x64xf32>
    %get3A_172 = arith.constant 0 : index
    %get3A_173 = arith.constant 0 : index
    %get3A_174 = vector.load %arg5[%get3A_172, %get3A_173] : memref<1x64xf32, #tpu.memory_space<vmem>>, vector<1x64xf32>
    %add3A_175 = vector.broadcast %get3A_174 : vector<1x64xf32> to vector<64x64xf32>
    %add3A_176 = arith.addf %add3A_171, %add3A_175 : vector<64x64xf32>
    %slice3A_177 = vector.extract_strided_slice %add3A_176 {offsets = [0, 0], sizes = [64, 16], strides = [1, 1]} : vector<64x64xf32> to vector<64x16xf32>
    %logistic3A_178 = arith.negf %slice3A_177 : vector<64x16xf32>
    %logistic3A_179 = math.exp %logistic3A_178 : vector<64x16xf32>
    %logistic3A_180 = arith.constant 1.000000e+00 : f32
    %logistic3A_181 = vector.broadcast %logistic3A_180 : f32 to vector<64x16xf32>
    %logistic3A_182 = arith.addf %logistic3A_181, %logistic3A_179 : vector<64x16xf32>
    %logistic3A_183 = arith.divf %logistic3A_181, %logistic3A_182 : vector<64x16xf32>
    %slice3A_184 = vector.extract_strided_slice %add3A_176 {offsets = [0, 16], sizes = [64, 16], strides = [1, 1]} : vector<64x64xf32> to vector<64x16xf32>
    %logistic3A_185 = arith.negf %slice3A_184 : vector<64x16xf32>
    %logistic3A_186 = math.exp %logistic3A_185 : vector<64x16xf32>
    %logistic3A_187 = arith.constant 1.000000e+00 : f32
    %logistic3A_188 = vector.broadcast %logistic3A_187 : f32 to vector<64x16xf32>
    %logistic3A_189 = arith.addf %logistic3A_188, %logistic3A_186 : vector<64x16xf32>
    %logistic3A_190 = arith.divf %logistic3A_188, %logistic3A_189 : vector<64x16xf32>
    %slice3A_191 = vector.extract_strided_slice %add3A_176 {offsets = [0, 32], sizes = [64, 16], strides = [1, 1]} : vector<64x64xf32> to vector<64x16xf32>
    %tanh3A_192 = math.tanh %slice3A_191 : vector<64x16xf32>
    %slice3A_193 = vector.extract_strided_slice %add3A_176 {offsets = [0, 48], sizes = [64, 16], strides = [1, 1]} : vector<64x64xf32> to vector<64x16xf32>
    %logistic3A_194 = arith.negf %slice3A_193 : vector<64x16xf32>
    %logistic3A_195 = math.exp %logistic3A_194 : vector<64x16xf32>
    %logistic3A_196 = arith.constant 1.000000e+00 : f32
    %logistic3A_197 = vector.broadcast %logistic3A_196 : f32 to vector<64x16xf32>
    %logistic3A_198 = arith.addf %logistic3A_197, %logistic3A_195 : vector<64x16xf32>
    %logistic3A_199 = arith.divf %logistic3A_197, %logistic3A_198 : vector<64x16xf32>
    %mul3A_200 = arith.mulf %logistic3A_190, %add3A_122 : vector<64x16xf32>
    %mul3A_201 = arith.mulf %logistic3A_183, %tanh3A_192 : vector<64x16xf32>
    %add3A_202 = arith.addf %mul3A_200, %mul3A_201 : vector<64x16xf32>
    %tanh3A_203 = math.tanh %add3A_202 : vector<64x16xf32>
    %mul3A_204 = arith.mulf %logistic3A_199, %tanh3A_203 : vector<64x16xf32>
    %dot_general3A_205 = arith.constant dense<0.000000e+00> : vector<64x10000xf32>
    %dot_general3A_206 = tpu.matmul %mul3A_204, %get3A_1, %dot_general3A_205 {dimension_numbers = #tpu.dot_dimension_numbers<[1], [1], [0], [0], [0, 0, 1, 0], [], []>, precision = #tpu.contract_precision<fp32>, transpose_lhs_hint = false} : vector<64x16xf32>, vector<10000x16xf32>, vector<64x10000xf32> -> vector<64x10000xf32>
    %jit3A_207 = arith.constant 0xFF800000 : f32
    %broadcast_in_dim3A_208 = vector.broadcast %jit3A_207 : f32 to vector<64x10000xf32>
    %select_n3A_209 = arith.select %eq3A, %dot_general3A_206, %broadcast_in_dim3A_208 : vector<64x10000xi1>, vector<64x10000xf32>
    %reduce_max3A_210 = arith.constant dense<0xFF800000> : vector<64xf32>
    %reduce_max3A_211 = vector.multi_reduction <maximumf>, %select_n3A_209, %reduce_max3A_210 [1] : vector<64x10000xf32> to vector<64xf32>
    %broadcast_in_dim3A_212 = vector.shape_cast %reduce_max3A_211 : vector<64xf32> to vector<64x1xf32>
    %is_finite3A_213 = tpu.weird %broadcast_in_dim3A_212 : vector<64x1xf32> -> vector<64x1xi1>
    %is_finite3A_214 = arith.constant dense<true> : vector<64x1xi1>
    %is_finite3A_215 = arith.xori %is_finite3A_213, %is_finite3A_214 : vector<64x1xi1>
    %jit3A_216 = arith.constant 0.000000e+00 : f32
    %broadcast_in_dim3A_217 = vector.broadcast %jit3A_216 : f32 to vector<64x1xf32>
    %select_n3A_218 = arith.select %is_finite3A_215, %broadcast_in_dim3A_212, %broadcast_in_dim3A_217 : vector<64x1xi1>, vector<64x1xf32>
    %sub3A_219 = vector.broadcast %select_n3A_218 : vector<64x1xf32> to vector<64x10000xf32>
    %sub3A_220 = arith.subf %dot_general3A_206, %sub3A_219 : vector<64x10000xf32>
    %exp3A_221 = math.exp %sub3A_220 : vector<64x10000xf32>
    %jit3A_222 = arith.constant 0.000000e+00 : f32
    %broadcast_in_dim3A_223 = vector.broadcast %jit3A_222 : f32 to vector<64x10000xf32>
    %select_n3A_224 = arith.select %eq3A, %exp3A_221, %broadcast_in_dim3A_223 : vector<64x10000xi1>, vector<64x10000xf32>
    %reduce_sum3A_225 = arith.constant dense<0.000000e+00> : vector<64xf32>
    %reduce_sum3A_226 = vector.multi_reduction <add>, %select_n3A_224, %reduce_sum3A_225 [1] : vector<64x10000xf32> to vector<64xf32>
    %broadcast_in_dim3A_227 = vector.shape_cast %reduce_sum3A_226 : vector<64xf32> to vector<64x1xf32>
    %max3A_228 = arith.constant 1.000000e-30 : f32
    %max3A_229 = vector.broadcast %max3A_228 : f32 to vector<64x1xf32>
    %max3A_230 = arith.maximumf %broadcast_in_dim3A_227, %max3A_229 : vector<64x1xf32>
    %div3A_231 = vector.broadcast %max3A_230 : vector<64x1xf32> to vector<64x10000xf32>
    %div3A_232 = arith.divf %select_n3A_224, %div3A_231 : vector<64x10000xf32>
    %dot_general3A_233 = arith.constant dense<0.000000e+00> : vector<64x16xf32>
    %dot_general3A_234 = tpu.matmul %div3A_232, %get3A_1, %dot_general3A_233 {dimension_numbers = #tpu.dot_dimension_numbers<[1], [0], [0], [1], [0, 0, 1, 1], [], []>, precision = #tpu.contract_precision<fp32>, transpose_lhs_hint = false} : vector<64x10000xf32>, vector<10000x16xf32>, vector<64x16xf32> -> vector<64x16xf32>
    %concatenate3A_235 = tpu.concatenate %mul3A_204, %dot_general3A_234 in 1 : vector<64x16xf32>, vector<64x16xf32> -> vector<64x32xf32>
    %get3A_236 = arith.constant 0 : index
    %get3A_237 = arith.constant 0 : index
    %get3A_238 = vector.load %arg6[%get3A_236, %get3A_237] : memref<32x16xf32, #tpu.memory_space<vmem>>, vector<32x16xf32>
    %dot_general3A_239 = arith.constant dense<0.000000e+00> : vector<64x16xf32>
    %dot_general3A_240 = tpu.matmul %concatenate3A_235, %get3A_238, %dot_general3A_239 {dimension_numbers = #tpu.dot_dimension_numbers<[1], [0], [0], [1], [0, 0, 1, 1], [], []>, precision = #tpu.contract_precision<fp32>, transpose_lhs_hint = false} : vector<64x32xf32>, vector<32x16xf32>, vector<64x16xf32> -> vector<64x16xf32>
    %get3A_241 = arith.constant 0 : index
    %get3A_242 = arith.constant 0 : index
    %get3A_243 = vector.load %arg7[%get3A_241, %get3A_242] : memref<1x16xf32, #tpu.memory_space<vmem>>, vector<1x16xf32>
    %add3A_244 = vector.broadcast %get3A_243 : vector<1x16xf32> to vector<64x16xf32>
    %add3A_245 = arith.addf %dot_general3A_240, %add3A_244 : vector<64x16xf32>
    %max3A_246 = arith.constant 0.000000e+00 : f32
    %max3A_247 = vector.broadcast %max3A_246 : f32 to vector<64x16xf32>
    %max3A_248 = arith.maximumf %add3A_245, %max3A_247 : vector<64x16xf32>
    %get3A_249 = arith.constant 0 : index
    %get3A_250 = arith.constant 0 : index
    %get3A_251 = vector.load %arg8[%get3A_249, %get3A_250] : memref<16x12xf32, #tpu.memory_space<vmem>>, vector<16x12xf32>
    %dot_general3A_252 = arith.constant dense<0.000000e+00> : vector<64x12xf32>
    %dot_general3A_253 = tpu.matmul %max3A_248, %get3A_251, %dot_general3A_252 {dimension_numbers = #tpu.dot_dimension_numbers<[1], [0], [0], [1], [0, 0, 1, 1], [], []>, precision = #tpu.contract_precision<fp32>, transpose_lhs_hint = false} : vector<64x16xf32>, vector<16x12xf32>, vector<64x12xf32> -> vector<64x12xf32>
    %get3A_254 = arith.constant 0 : index
    %get3A_255 = arith.constant 0 : index
    %get3A_256 = vector.load %arg9[%get3A_254, %get3A_255] : memref<1x12xf32, #tpu.memory_space<vmem>>, vector<1x12xf32>
    %add3A_257 = vector.broadcast %get3A_256 : vector<1x12xf32> to vector<64x12xf32>
    %add3A_258 = arith.addf %dot_general3A_253, %add3A_257 : vector<64x12xf32>
    %swap3A = arith.constant 0 : index
    %swap3A_259 = arith.constant 0 : index
    %swap3A_260 = vector.load %arg10[%swap3A, %swap3A_259] : memref<64x12xf32, #tpu.memory_space<vmem>>, vector<64x12xf32>
    tpu.vector_store %arg10[%swap3A, %swap3A_259], %add3A_258 {strides = array<i32>} : memref<64x12xf32, #tpu.memory_space<vmem>>, vector<64x12xf32>,
    return
  }
}

</mosaic_0001>

<sc_bundles>
// kernel: kernel.16.cloned.1.call-start
scs
__scs_entry_jumppad:
0x0: {  	(pc) =	sbr.rel $0x88, $3  }
0x1: {  	(tag) =	ssettag $0x0;
	lr =	simm.s32 $0x1  }
0x2: {  	[smem:$0x3F8A] =	sst lr;
	_ =	strace $0xD0000000  }
0x3: {  	_ = 	snop  }
0x4: {  	_ = 	snop  }
0x5: {  	_ = 	snop  }
0x6: {  	_ = 	snop  }
0x7: {  	_ = 	snop  }
__scs_overlays_trampoline_lowered:
0x8: {  	[smem:$0x3F99] =	sst s0  }
0x9: {  	[smem:$0x3F9A] =	sst s1  }
0xa: {  	[smem:$0x3F9B] =	sst s2  }
0xb: {  	[smem:$0x3F9C] =	sst s3  }
0xc: {  	[smem:$0x3F9D] =	sst s4  }
0xd: {  	[smem:$0x3F9E] =	sst s5  }
0xe: {  	[smem:$0x3F9F] =	sst s6  }
0xf: {  	[smem:$0x3FA0] =	sst s7  }
0x10: {  	[smem:$0x3FA1] =	sst s8  }
0x11: {  	[smem:$0x3FA2] =	sst s9;
	s0 =	simm.s32 @!p0 $0x0  }
0x12: {  	s1 =	sld [smem:$0x3F88];
	s0 =	simm.s32 @p0 $0x1  }
0x13: {  	[smem:$0x3FA3] =	sst s0;
	s0 =	simm.s32 @!p1 $0x0  }
0x14: {  	s2 =	sld [smem:$0x3F87];
	s0 =	simm.s32 @p1 $0x1  }
0x15: {  	[smem:$0x3FA4] =	sst s0;
	s0 =	simm.s32 @!p2 $0x0  }
0x16: {  	s3 =	sld [smem:$0x3FDB];
	s0 =	simm.s32 @p2 $0x1  }
0x17: {  	s4 =	simm.s32 $0x1BF5;
	[smem:$0x3FA6] =	sst s0  }
0x18: {  	s0 =	sld [smem:$0x3F89];
	_ =	swait.ge [sflag:s4], $0x0  }
0x19: {  	s7 =	sld [smem:$0x3F8A]  }
0x1a: {  	s8 =	sadd.s32 $0xFFFFE003, lr  }
0x1b: {  	s9 =	sadd.s32 $0xFFFFFEF7, lr;
	s5 =	simm.s32 $0xFFFFFFFF;
	p2 =	slt.u32 s8, $0xFFFFF086  }
0x1c: {  	p1 =	slt.u32 s9, $0xF7A;
	s5 =	simm.s32 @!p2 $0x0  }
0x1d: {  	s5 =	simm.s32 @p1 $0x1;
	p0 =	seq.s32 s7, s2  }
0x1e: {  	s7 =	smul.u32 @!p0 $0xF7A, s2;
	p2 =	seq.s32 @!p0 s5, $0x0  }
0x1f: {  	s9 =	smul.u32 $0xF7A, s1;
	s8 =	simm.s32 @!p0 $0x1BF5;
	p2 =	por !p2, p0  }
0x20: {  	[sflag:s8] =	ssyncset.s32 @!p0 $0xFFFFF086;
	s6 =	sadd.s32 @!p0 s3, s7;
	s7 =	simm.s32 @!p0 $0x108  }
0x21: {  	s3 =	sadd.s32 s3, s9;
	s6 =	sadd.s32 @!p0 $0x88, s6;
	s7 =	simm.s32 @p2 $0x1082  }
0x22: {  	[simem:s7], [sflag:s8] =	dma.local @!p0 [hbm:s6], $0xF7A  }
0x23: {  	s9 =	sor.u32 $0xD0000000, s2;
	s6 =	simm.s32 $0x108;
	_ =	swait.ge @!p0 [sflag:s8], $0x0  }
0x24: {  	s3 =	sadd.s32 $0x88, s3;
	s6 =	simm.s32 @!p1 $0x1082;
	[sflag:s4] =	ssyncset.s32 $0xFFFFF086  }
0x25: {  	[simem:s6], [sflag:s4] =	dma.local [hbm:s3], $0xF7A  }
0x26: {  	[smem:$0x3F8A] =	sst s1;
	(tag) =	ssettag s2;
	_ =	strace s9  }
0x27: {  	s1 =	sld [smem:$0x3F9A]  }
0x28: {  	s2 =	sld [smem:$0x3F9B]  }
0x29: {  	s4 =	sld [smem:$0x3F9D]  }
0x2a: {  	p0 =	seq.s32 s5, $0x0;
	s5 =	sld [smem:$0x3F9E]  }
0x2b: {  	s6 =	sld [smem:$0x3F9F]  }
0x2c: {  	s7 =	sld [smem:$0x3FA0]  }
0x2d: {  	s3 =	simm.s32 $0x108;
	s8 =	sld [smem:$0x3FA1]  }
0x2e: {  	s3 =	simm.s32 @!p0 $0x1082;
	s9 =	sld [smem:$0x3FA2]  }
0x2f: {  	lr =	sadd.s32 s0, s3;
	s0 =	sld [smem:$0x3F99]  }
0x30: {  	s3 =	sld [smem:$0x3F9C]  }
0x31: {  	[smem:$0x3FA5] =	sst s10  }
0x32: {  	s10 =	sld [smem:$0x3FA3];
	_ =	sdelay $0x3  }
0x33: {  	p0 =	seq.s32 s10, $0x1;
	s10 =	sld [smem:$0x3FA5];
	_ =	sdelay $0x3  }
0x34: {  	[smem:$0x3FA5] =	sst s10  }
0x35: {  	s10 =	sld [smem:$0x3FA4];
	_ =	sdelay $0x3  }
0x36: {  	p1 =	seq.s32 s10, $0x1;
	s10 =	sld [smem:$0x3FA5];
	_ =	sdelay $0x3  }
0x37: {  	[smem:$0x3FA5] =	sst s10  }
0x38: {  	s10 =	sld [smem:$0x3FA6]  }
0x39: {  	_ = 	snop;
	(pc) =	sbr.ind lr, $3  }
0x3a: {  	_ = 	snop  }
0x3b: {  	_ = 	snop  }
0x3c: {  	p2 =	seq.s32 s10, $0x1;
	s10 =	sld [smem:$0x3FA5]  }
0x3d: {  	_ =	shalt  }
0x3e: {  	_ =	shalt  }
0x3f: {  	_ =	shalt  }
0x40: {  	_ =	shalt  }
0x41: {  	_ =	shalt  }
0x42: {  	_ =	shalt  }
0x43: {  	_ =	shalt  }
0x44: {  	_ =	shalt  }
0x45: {  	_ =	shalt  }
0x46: {  	_ =	shalt  }
0x47: {  	_ =	shalt  }
0x48: {  	_ =	shalt  }
0x49: {  	_ =	shalt  }
0x4a: {  	_ =	shalt  }
0x4b: {  	_ =	shalt  }
0x4c: {  	_ =	shalt  }
0x4d: {  	_ =	shalt  }
0x4e: {  	_ =	shalt  }
0x4f: {  	_ =	shalt  }
0x50: {  	_ =	shalt  }
0x51: {  	_ =	shalt  }
0x52: {  	_ =	shalt  }
0x53: {  	_ =	shalt  }
0x54: {  	_ =	shalt  }
0x55: {  	_ =	shalt  }
0x56: {  	_ =	shalt  }
0x57: {  	_ =	shalt  }
0x58: {  	_ =	shalt  }
0x59: {  	_ =	shalt  }
0x5a: {  	_ =	shalt  }
0x5b: {  	_ =	shalt  }
0x5c: {  	_ =	shalt  }
0x5d: {  	_ =	shalt  }
0x5e: {  	_ =	shalt  }
0x5f: {  	_ =	shalt  }
0x60: {  	_ =	shalt  }
0x61: {  	_ =	shalt  }
0x62: {  	_ =	shalt  }
0x63: {  	_ =	shalt  }
0x64: {  	_ =	shalt  }
0x65: {  	_ =	shalt  }
0x66: {  	_ =	shalt  }
0x67: {  	_ =	shalt  }
0x68: {  	_ =	shalt  }
0x69: {  	_ =	shalt  }
0x6a: {  	_ =	shalt  }
0x6b: {  	_ =	shalt  }
0x6c: {  	_ =	shalt  }
0x6d: {  	_ =	shalt  }
0x6e: {  	_ =	shalt  }
0x6f: {  	_ =	shalt  }
0x70: {  	_ =	shalt  }
0x71: {  	_ =	shalt  }
0x72: {  	_ =	shalt  }
0x73: {  	_ =	shalt  }
0x74: {  	_ =	shalt  }
0x75: {  	_ =	shalt  }
0x76: {  	_ =	shalt  }
0x77: {  	_ =	shalt  }
0x78: {  	_ =	shalt  }
0x79: {  	_ =	shalt  }
0x7a: {  	_ =	shalt  }
0x7b: {  	_ =	shalt  }
0x7c: {  	_ =	shalt  }
0x7d: {  	_ =	shalt  }
0x7e: {  	_ =	shalt  }
0x7f: {  	_ =	shalt  }
0x80: {  	_ =	shalt  }
0x81: {  	_ =	shalt  }
0x82: {  	_ =	shalt  }
0x83: {  	_ =	shalt  }
0x84: {  	_ =	shalt  }
0x85: {  	_ =	shalt  }
0x86: {  	_ =	shalt  }
0x87: {  	_ =	shalt  }
.Lfunc_end0:
.L_simem_size_0:
called_computation_lowered:
.L_overlay_start_0:
0x88: {  	s2 =	sld [smem:$0x3FD9]  }
0x89: {  	s3 =	sld [smem:$0x3FFE];
	_ =	sdelay $0x1  }
0x8a: {  	s1 =	srdreg.scid  }
0x8b: {  	s0 =	sand.u32 $0x1, s1  }
0x8c: {  	s16 =	sshll.u32 s0, $0xA;
	s2 =	sadd.s32 s3, s2  }
0x8d: {  	s2 =	sadd.s32 s2, s16  }
0x8e: {  	[smem:$0x3FB1] =	sst s2  }
0x8f: {  	_ = 	snop  }
0x90: {  	(tm) =	ssettm $0x1  }
0x91: {  	s17 =	sld [smem:$0x3FFB];
	_ =	sdelay $0x3  }
0x92: {  	_ =	strace s17  }
0x93: {  	s2 =	sld [smem:$0x3FFC];
	_ =	sdelay $0x3  }
0x94: {  	_ =	strace s2  }
0x95: {  	s2 =	sld [smem:$0x3FFD];
	_ =	sdelay $0x3  }
0x96: {  	_ =	strace s2  }
0x97: {  	_ =	strace $0x8FFFFFFF  }
0x98: {  	s18 =	sld [smem:$0x3FDB];
	_ =	sdelay $0x1  }
0x99: {  	s19 =	simm.s32 $_scs_section_size  }
0x9a: {  	s4 =	simm.s32 $_size__tile_overlayer_lowered;
	s5 =	simm.s32 $_tile_overlayer_lowered  }
0x9b: {  	s22 =	simm.s32 $0x1BFF;
	s21 =	sshll.u32 s5, $0x1;
	s2 =	sadd.s32 s19, s18  }
0x9c: {  	s6 =	simm.s32 $0x0;
	s20 =	sshll.u32 s4, $0x1;
	s4 =	sadd.s32 s21, s2  }
0x9d: {  	[timem:s6], [sflag:s22] =	dma.local [hbm:s4], s20  }
0x9e: {  	_ =	swait.ge [sflag:s22], s20  }
0x9f: {  	s3 =	ssub.s32 $0x0, s20;
	[sflag:s22] =	ssyncset.done $0x0  }
0xa0: {  	[sflag:s22] =	ssyncadd.s32 s3;
	_ =	sdelay $0x1  }
0xa1: {  	s23 =	simm.s32 $0x1B8B  }
0xa2: {  	_ =	swait.ge [sflag:s23], $0x1  }
0xa3: {  	[sflag:s23] =	ssyncset.done $0x0  }
0xa4: {  	s25 =	simm.s32 $0x1B8E;
	s24 =	sld [smem:$0x3FFE];
	[sflag:s23] =	ssyncadd.s32 $0xFFFFFFFF  }
0xa5: {  	s26 =	simm.s32 $execute0_lowered;
	[smem:$0x3FD2] =	sst s25  }
0xa6: {  	s4 =	sshll.u32 s26, $0x1;
	_ =	strace $0x80000046;
	[dreg:$0x1] =	wrdreg $0xFFFFFFFF  }
0xa7: {  	s28 =	simm.s32 $_size_execute0_lowered;
	s2 =	sadd.s32 s2, s4;
	[dreg:$0x0] =	wrdreg $0x0  }
0xa8: {  	s4 =	sshll.u32 s28, $0x1;
	[dreg:$0x2] =	wrdreg s2  }
0xa9: {  	[dreg:$0x3] =	wrdreg s4  }
0xaa: {  	[dreg:$0x4] =	wrdreg $0xC0  }
0xab: {  	_ =	task [dreg:s6], $0x5FFFF  }
0xac: {  	[dreg:$0x1] =	wrdreg $0xFFFFFFFF  }
0xad: {  	[dreg:$0x0] =	wrdreg $0x60  }
0xae: {  	[dreg:$0x2] =	wrdreg s24  }
0xaf: {  	[dreg:$0x3] =	wrdreg $0x9  }
0xb0: {  	_ =	task.clear_ibuf [dreg:s6], $0x4FFFF;
	_ =	strace $0x90000046  }
0xb1: {  	s29 =	simm.s32 $0x9;
	_ =	strace $0x80000048  }
0xb2: {  	_ =	swait.ge [sflag:s29], $0x1  }
0xb3: {  	[sflag:s29] =	ssyncadd.s32 $0xFFFFFFFF  }
0xb4: {  	_ =	strace $0x90000048  }
0xb5: {  	_ =	sfence  }
0xb6: {  	s30 =	sld [smem:$0x0];
	_ =	sdelay $0x2  }
0xb7: {  	s31 =	sshll.u32 s1, $0xD;
	s1 =	sshrl.u32 s1, $0x2  }
0xb8: {  	s3 =	sand.u32 $0x4000, s31;
	s1 =	sadd.s32 s1, s30  }
0xb9: {  	s0 =	sor.u32 s3, s0;
	s1 =	sshll.u32 s1, $0x11  }
0xba: {  	s0 =	sor.u32 s1, s0  }
0xbb: {  	s0 =	sadd.s32 $0x8F2B, s0  }
0xbc: {  	[sflag:s0] =	ssyncadd.remote.s32 $0x1  }
0xbd: {  	_ =	sfence.sel $0xFFFF  }
0xbe: {  	[dreg:$0x0] =	wrdreg $0xFFFFFFFF;
	(pc) =	sbr.abs _section_cstart, $3  }
0xbf: {  	[dreg:$0x1] =	wrdreg $0xFFFFFFFF  }
0xc0: {  	_ =	task.clear_ibuf [dreg:s6], $0x2FFFF;
	_ =	strace $0x9FFFFFFF  }
0xc1: {  	(tm) =	ssettm $0x7FFFFFFF  }
tec
execute0_lowered:
.L_overlay_start_1:
0x0: {  	(tag) =	ssettag $0x1  }
0x1: {  	s0 =	rddreg [dreg:$0x0]  }
0x2: {  	s1 =	simm.s32 $0x0;
	s3 =	srdreg.scid;
	s10 =	stileid.u32  }
0x3: {  	s5 =	simm.s32 $0x28;
	s9 =	simm.s32 $0xC;
	s17 =	simm.s32 $0x80  }
0x4: {  	s18 =	simm.s32 $0x1;
	s20 =	simm.s32 $0x0;
	[smem:$0x7FF] =	sst s1  }
0x5: {  	s2 =	sadd.s32 $0x38400, s0;
	s4 =	sadd.s32 $0x7200, s0;
	s3 =	sand.u32 $0x1, s3  }
0x6: {  	s12 =	sadd.s32 $0x3D400, s0;
	s7 =	sshll.u32 s10, $0x5;
	p0 =	seq.s32 s10, $0x0  }
0x7: {  	s24 =	sshll.u32 s10, $0x8;
	s11 =	sshll.u32 s10, $0xC;
	_ =	strace $0x80000047  }
0x8: {  	s22 =	ssub.s32 $0x2, s3;
	s8 =	sshll.u32 s3, $0x4;
	s5 =	simm.s32 @!p0 $0x27  }
0x9: {  	s25 =	sshll.u32 s3, $0x7;
	s9 =	simm.s32 @!p0 $0xB;
	s7 =	sor.u32 s8, s7  }
0xa: {  	s3 =	sshll.u32 s3, $0xB;
	s6 =	sshrl.u32 s22, $0x1;
	s23 =	sadd.s32 s4, s7  }
0xb: {  	s13 =	smov.u32 s12;
	s0 =	ssub.s32 s22, s6;
	s6 =	sadd.s32 $0x200, s23  }
0xc: {  	s8 =	simm.s32 $0xB;
	[dreg:$0x3] =	wrdreg s6;
	s6 =	sor.u32 s25, s24  }
0xd: {  	s11 =	sor.u32 s3, s11;
	s28 =	sadd.s32 $0xFFFFFFFE, s5;
	s7 =	sor.u32 $0x3000, s6  }
0xe: {  	s8 =	simm.s32 @!p0 $0xA;
	[dreg:$0x5] =	wrdreg s28;
	s7 =	sshrl.u32 s7, $0x3  }
0xf: {  	s29 =	sor.u32 $0x20000, s11;
	s0 =	smax.u32 s0, $0x1;
	s26 =	sadd.s32 s7, s4  }
0x10: {  	s30 =	sshrl.u32 s11, $0x3;
	[dreg:$0x4] =	wrdreg s0;
	s0 =	ssub.s32 $0x200, s26  }
0x11: {  	s6 =	sor.u32 $0x2000, s6;
	[dreg:$0x6] =	wrdreg s0;
	s0 =	sshrl.u32 s29, $0x3  }
0x12: {  	[dreg:$0x2] =	wrdreg s23;
	s31 =	sshrl.u32 s6, $0x3;
	s0 =	sadd.s32 s0, s12  }
0x13: {  	s19 =	sadd.s32 s30, s12;
	s16 =	sadd.s32 s31, s4;
	s15 =	ssub.s32 $0x2000, s0  }
.LBB2_1:
0x14: {  	s0 =	rddreg [dreg:$0x2]  }
0x15: {  	s14 =	rddreg [dreg:$0x3]  }
0x16: {  	s21 =	simm.s32 $0x200;
	p0 =	por $0x1, $0x1;
	s4 =	simm.s32 $0x2  }
0x17: {  	[tilespmem:s1], [sflag:$0x1] =	stream.linear.gather [hbm4b:s0+s1], $0x80, $0x38;
	[tilespmem:$0x2200] =	vst v63  }
0x18: {  	s22 =	simm.s32 $0x1;
	s26 =	sadd.s32 $0x200, s16;
	s0 =	simm.s32 $0x0  }
0x19: {  	[tilespmem:s17], [sflag:$0x2] =	stream.linear.gather [hbm4b:s14+s1], $0x80, $0x38;
	[tilespmem:$0x2200] =	vst v63  }
0x1a: {  	s31 =	sadd.s32 $0x2000, s19;
	s3 =	sand.u32 @!p0 $0x3, s0;
	_ =	swait.ge [sflag:s18], $0x80  }
0x1b: {  	s23 =	sand.u32 $0x3, s4;
	s3 =	sxor.u32 @!p0 $0x2, s3;
	[sflag:s18] =	ssyncset.done $0x0  }
0x1c: {  	s28 =	sand.u32 $0x3, s22;
	s3 =	sadd.s32 @!p0 $0x9, s3;
	[sflag:s18] =	ssyncadd.s32 $0xFFFFFF80  }
0x1d: {  	[tilespmem:s21], [sflag:$0x5] =	stream.indirect.gather [hbm4b:s2+s17], $0x10, s1, s17, $0xb8;
	[tilespmem:$0x2200] =	vst v63  }
0x1e: {  	s22 =	simm.s32 $0x3;
	s25 =	sshll.u32 s23, $0x7;
	_ =	swait.ge @!p0 [sflag:s3], $0x800  }
0x1f: {  	s30 =	sadd.s32 $0x1, s23;
	s4 =	sadd.s32 $0x1, s28;
	[sflag:s3] =	ssyncset.done @!p0 $0x0  }
0x20: {  	s0 =	sand.u32 $0x3, s0;
	s6 =	sshll.u32 s28, $0xB;
	[sflag:s3] =	ssyncadd.s32 @!p0 $0xFFFFF800  }
0x21: {  	[tilespmem:s25], [sflag:s30] =	stream.linear.gather [hbm4b:s16+s1], $0x80, $0x38;
	[tilespmem:$0x2200] =	vst v63  }
0x22: {  	s24 =	sshll.u32 s28, $0x7;
	p0 =	sne.s32 s5, $0x3;
	_ =	swait.ge [sflag:s4], $0x80  }
.Ltmp0:
0x23: {  	s7 =	sor.u32 $0x200, s6;
	[sflag:s4] =	ssyncset.done $0x0;
	(pc) =	sbr.rel @!p0 .LBB2_3-.Ltmp0, $4  }
0x24: {  	s6 =	sadd.s32 $0x5, s0;
	s3 =	sadd.s32 $0x5, s28;
	[sflag:s4] =	ssyncadd.s32 $0xFFFFFF80  }
0x25: {  	[tilespmem:s7], [sflag:s3] =	stream.indirect.gather [hbm4b:s2+s17], $0x10, s24, s17, $0xb8;
	[tilespmem:$0x2200] =	vst v63  }
0x26: {  	s14 =	smov.u32 s19;
	s21 =	sadd.s32 $0xFFFFE000, s15;
	_ =	swait.ge [sflag:s6], $0x800  }
0x27: {  	s4 =	sshll.u32 s0, $0xB;
	s24 =	sadd.s32 $0x10000, s11;
	s29 =	rddreg [dreg:$0x6]  }
.LBB2_2:
0x28: {  	[sflag:s6] =	ssyncset.done $0x0;
	s29 =	sadd.s32 $0xFFFFFE00, s29;
	s3 =	smov.u32 s22  }
0x29: {  	s22 =	sadd.s32 $0x1, s22;
	s7 =	smov.u32 s26;
	s23 =	smov.u32 s14  }
0x2a: {  	s10 =	sadd.s32 $0xFFFFFFFE, s3;
	p0 =	sne.s32 s5, s22;
	[sflag:s6] =	ssyncadd.s32 $0xFFFFF800  }
0x2b: {  	s14 =	smov.u32 s31;
	p1 =	slt.u32 s10, $0x2  }
0x2c: {  	s6 =	sand.u32 @!p1 $0x3, s10  }
0x2d: {  	s0 =	sadd.s32 $0x9, s0;
	s4 =	sor.u32 $0x200, s4;
	s6 =	sxor.u32 @!p1 $0x2, s6  }
0x2e: {  	s26 =	sadd.s32 $0x200, s26;
	s6 =	sadd.s32 @!p1 $0x9, s6  }
0x2f: {  	[hbm4b:s23+s1] =	stream.linear.scatter [tilespmem:s4], [sflag:s0], $0x800, $0x38;
	[tilespmem:$0x2200] =	vst v63  }
0x30: {  	s23 =	sand.u32 $0x3, s3;
	s0 =	sadd.s32 $0xFFFFFFFF, s3;
	_ =	swait.ge @!p1 [sflag:s6], $0x800  }
0x31: {  	s25 =	sshll.u32 s23, $0x7;
	s30 =	sadd.s32 $0x1, s23;
	[sflag:s6] =	ssyncset.done @!p1 $0x0  }
0x32: {  	s28 =	sand.u32 $0x3, s0;
	s0 =	sand.u32 $0x3, s10;
	[sflag:s6] =	ssyncadd.s32 @!p1 $0xFFFFF800  }
0x33: {  	[tilespmem:s25], [sflag:s30] =	stream.linear.gather [hbm4b:s7+s1], $0x80, $0x38;
	[tilespmem:$0x2200] =	vst v63  }
0x34: {  	s10 =	sadd.s32 $0x1, s28;
	s4 =	sshll.u32 s28, $0xB;
	s3 =	sadd.s32 $0x5, s28  }
.Ltmp1:
0x35: {  	s7 =	sor.u32 $0x200, s4;
	_ =	swait.ge [sflag:s10], $0x80;
	(pc) =	sbr.rel @p0 .LBB2_2-.Ltmp1, $4  }
0x36: {  	s6 =	sadd.s32 $0x5, s0;
	s4 =	sshll.u32 s0, $0xB;
	[sflag:s10] =	ssyncset.done $0x0  }
0x37: {  	s21 =	sadd.s32 $0xFFFFE000, s21;
	s12 =	sshll.u32 s28, $0x7;
	[sflag:s10] =	ssyncadd.s32 $0xFFFFFF80  }
0x38: {  	[tilespmem:s7], [sflag:s3] =	stream.indirect.gather [hbm4b:s2+s17], $0x10, s12, s17, $0xb8;
	[tilespmem:$0x2200] =	vst v63  }
0x39: {  	s31 =	sadd.s32 $0x2000, s31;
	s24 =	sadd.s32 $0x10000, s24;
	_ =	swait.ge [sflag:s6], $0x800  }
.LBB2_3:
0x3a: {  	[sflag:s6] =	ssyncset.done $0x0;
	s0 =	sadd.s32 $0x9, s0  }
0x3b: {  	s4 =	sor.u32 $0x200, s4;
	p0 =	seq.s32 s22, $0x3;
	[sflag:s6] =	ssyncadd.s32 $0xFFFFF800  }
0x3c: {  	[hbm4b:s14+s1] =	stream.linear.scatter [tilespmem:s4], [sflag:s0], $0x800, $0x38;
	[tilespmem:$0x2200] =	vst v63  }
0x3d: {  	s0 =	sxor.u32 @!p0 $0x2, s28  }
0x3e: {  	s0 =	sadd.s32 @!p0 $0x9, s0  }
0x3f: {  	p1 =	sge.u32 s22, s5;
	_ =	swait.ge @!p0 [sflag:s0], $0x800  }
0x40: {  	s10 =	simm.s32 @!p1 $0x0;
	[sflag:s0] =	ssyncset.done @!p0 $0x0  }
0x41: {  	s4 =	sand.u32 @!p1 $0x3, s22;
	[sflag:s0] =	ssyncadd.s32 @!p0 $0xFFFFF800;
	s0 =	sadd.s32 $0xFFFFFE00, s29  }
0x42: {  	s6 =	sshll.u32 @!p1 s4, $0x7;
	s4 =	sadd.s32 @!p1 $0x1, s4;
	s0 =	ssub.s32 @!p1 $0x0, s0  }
0x43: {  	[tilespmem:s6], [sflag:s4] =	stream.linear.gather @!p1 [hbm4b:s0+s10], $0x80, $0x38;
	[tilespmem:$0x2200] =	vst v63  }
0x44: {  	_ =	swait.ge [sflag:s30], $0x80  }
0x45: {  	s10 =	sshll.u32 s23, $0xB;
	[sflag:s30] =	ssyncset.done $0x0  }
0x46: {  	s12 =	sadd.s32 $0x5, s23;
	s0 =	sor.u32 $0x200, s10;
	[sflag:s30] =	ssyncadd.s32 $0xFFFFFF80  }
0x47: {  	[tilespmem:s0], [sflag:s12] =	stream.indirect.gather [hbm4b:s2+s17], $0x10, s25, s17, $0xb8;
	[tilespmem:$0x2200] =	vst v63  }
0x48: {  	s14 =	sshrl.u32 s24, $0x3;
	_ =	swait.ge [sflag:s3], $0x800  }
0x49: {  	s24 =	sadd.s32 $0x9, s28;
	s25 =	sxor.u32 $0x2, s23;
	[sflag:s3] =	ssyncset.done $0x0  }
0x4a: {  	s6 =	sadd.s32 s13, s14;
	[sflag:s3] =	ssyncadd.s32 $0xFFFFF800;
	s3 =	sadd.s32 $0x9, s25  }
0x4b: {  	[hbm4b:s6+s1] =	stream.linear.scatter [tilespmem:s7], [sflag:s24], $0x800, $0x38;
	[tilespmem:$0x2200] =	vst v63  }
0x4c: {  	_ =	swait.ge [sflag:s3], $0x800  }
0x4d: {  	s26 =	sadd.s32 $0xFFFFFFFE, s22;
	s28 =	rddreg [dreg:$0x5]  }
0x4e: {  	[sflag:s3] =	ssyncset.done $0x0;
	p0 =	sge.u32 s26, s28  }
0x4f: {  	[sflag:s3] =	ssyncadd.s32 $0xFFFFF800;
	s3 =	simm.s32 @!p0 $0x4  }
0x50: {  	_ =	swait.ge @!p0 [sflag:s3], $0x80  }
0x51: {  	s6 =	simm.s32 @!p0 $0x180;
	[sflag:s3] =	ssyncset.done @!p0 $0x0  }
0x52: {  	s7 =	simm.s32 @!p0 $0x1A00;
	[sflag:s3] =	ssyncadd.s32 @!p0 $0xFFFFFF80;
	s3 =	simm.s32 @!p0 $0x80  }
0x53: {  	[tilespmem:s7], [sflag:$0x8] =	stream.indirect.gather @!p0 [hbm4b:s2+s3], $0x10, s6, s3, $0xb8;
	[tilespmem:$0x2200] =	vst v63  }
0x54: {  	_ =	swait.ge [sflag:s12], $0x800  }
0x55: {  	[sflag:s12] =	ssyncset.done $0x0  }
0x56: {  	s29 =	sadd.s32 $0x9, s23;
	s30 =	ssub.s32 $0x0, s21;
	[sflag:s12] =	ssyncadd.s32 $0xFFFFF800  }
0x57: {  	[hbm4b:s30+s1] =	stream.linear.scatter [tilespmem:s0], [sflag:s29], $0x800, $0x38;
	[tilespmem:$0x2200] =	vst v63  }
0x58: {  	_ =	swait.ge [sflag:s8], $0x800  }
0x59: {  	[sflag:s8] =	ssyncset.done $0x0  }
0x5a: {  	[sflag:s8] =	ssyncadd.s32 $0xFFFFF800  }
0x5b: {  	_ =	swait.ge [sflag:s9], $0x800  }
0x5c: {  	s20 =	sadd.s32 $0x1, s20;
	s31 =	rddreg [dreg:$0x4]  }
0x5d: {  	p0 =	sne.s32 s20, s31  }
.Ltmp2:
0x5e: {  	_ = 	snop;
	(pc) =	sbr.rel @p0 .LBB2_1-.Ltmp2, $3  }
0x5f: {  	_ =	sdelay $0x1  }
0x60: {  	[sflag:s9] =	ssyncset.done $0x0  }
0x61: {  	[sflag:s9] =	ssyncadd.s32 $0xFFFFF800  }
0x62: {  	_ =	sfence.sel $0x180000  }
0x63: {  	[bflag:$0x0] =	sbarrier.arrive $0xFFFF  }
0x64: {  	_ =	strace $0x90000047  }
0x65: {  	s0 =	stileid.u32;
	[bflag:$0x2] =	sbarrier.arrive $0xFFFF  }
0x66: {  	p0 =	sne.s32 s0, $0x0;
	s0 =	rddreg [dreg:$0x1]  }
0x67: {  	s0 =	sadd.s32 @!p0 $0x100000, s0  }
0x68: {  	[sflag:s0] =	ssyncadd.tile.s32 @!p0 $0x1;
	_ =	shalt  }
.Lfunc_end2:
_tile_overlayer_lowered:
.L_overlay_start_2:
0x69: {  	(tag) =	ssettag $0x2  }
0x6a: {  	s0 =	rddreg [dreg:$0x0];
	s2 =	stileid.u32  }
0x6b: {  	s1 =	rddreg [dreg:$0x1];
	p0 =	sne.s32 s2, $0x0  }
0x6c: {  	s3 =	rddreg [dreg:$0x2];
	[bflag:$0x3] =	sbarrier.arrive $0xFFFF;
	s2 =	simm.s32 @!p0 $0x1C0D  }
0x6d: {  	[timem:s3], [sflag:s2] =	dma.local @!p0 [hbm:s0], s1  }
0x6e: {  	s0 =	simm.s32 @!p0 $0xD  }
0x6f: {  	_ =	swait.ge @!p0 [sflag:s0], s1  }
0x70: {  	s1 =	ssub.s32 @!p0 $0x0, s1;
	[sflag:s0] =	ssyncset.done @!p0 $0x0  }
0x71: {  	[sflag:s0] =	ssyncadd.s32 @!p0 s1  }
0x72: {  	[bflag:$0x3] =	sbarrier.arrive $0xFFFF  }
0x73: {  	_ =	shalt  }

// kernel: kernel.19.cloned.1.call-start
scs
__scs_entry_jumppad:
0x0: {  	(pc) =	sbr.rel $0x88, $3  }
0x1: {  	(tag) =	ssettag $0x0;
	lr =	simm.s32 $0x1  }
0x2: {  	[smem:$0x3F8A] =	sst lr;
	_ =	strace $0xD0000000  }
0x3: {  	_ = 	snop  }
0x4: {  	_ = 	snop  }
0x5: {  	_ = 	snop  }
0x6: {  	_ = 	snop  }
0x7: {  	_ = 	snop  }
__scs_overlays_trampoline_lowered:
0x8: {  	[smem:$0x3F99] =	sst s0  }
0x9: {  	[smem:$0x3F9A] =	sst s1  }
0xa: {  	[smem:$0x3F9B] =	sst s2  }
0xb: {  	[smem:$0x3F9C] =	sst s3  }
0xc: {  	[smem:$0x3F9D] =	sst s4  }
0xd: {  	[smem:$0x3F9E] =	sst s5  }
0xe: {  	[smem:$0x3F9F] =	sst s6  }
0xf: {  	[smem:$0x3FA0] =	sst s7  }
0x10: {  	[smem:$0x3FA1] =	sst s8  }
0x11: {  	[smem:$0x3FA2] =	sst s9;
	s0 =	simm.s32 @!p0 $0x0  }
0x12: {  	s1 =	sld [smem:$0x3F88];
	s0 =	simm.s32 @p0 $0x1  }
0x13: {  	[smem:$0x3FA3] =	sst s0;
	s0 =	simm.s32 @!p1 $0x0  }
0x14: {  	s2 =	sld [smem:$0x3F87];
	s0 =	simm.s32 @p1 $0x1  }
0x15: {  	[smem:$0x3FA4] =	sst s0;
	s0 =	simm.s32 @!p2 $0x0  }
0x16: {  	s3 =	sld [smem:$0x3FDB];
	s0 =	simm.s32 @p2 $0x1  }
0x17: {  	s4 =	simm.s32 $0x1BF5;
	[smem:$0x3FA6] =	sst s0  }
0x18: {  	s0 =	sld [smem:$0x3F89];
	_ =	swait.ge [sflag:s4], $0x0  }
0x19: {  	s7 =	sld [smem:$0x3F8A]  }
0x1a: {  	s8 =	sadd.s32 $0xFFFFE003, lr  }
0x1b: {  	s9 =	sadd.s32 $0xFFFFFEF7, lr;
	s5 =	simm.s32 $0xFFFFFFFF;
	p2 =	slt.u32 s8, $0xFFFFF086  }
0x1c: {  	p1 =	slt.u32 s9, $0xF7A;
	s5 =	simm.s32 @!p2 $0x0  }
0x1d: {  	s5 =	simm.s32 @p1 $0x1;
	p0 =	seq.s32 s7, s2  }
0x1e: {  	s7 =	smul.u32 @!p0 $0xF7A, s2;
	p2 =	seq.s32 @!p0 s5, $0x0  }
0x1f: {  	s9 =	smul.u32 $0xF7A, s1;
	s8 =	simm.s32 @!p0 $0x1BF5;
	p2 =	por !p2, p0  }
0x20: {  	[sflag:s8] =	ssyncset.s32 @!p0 $0xFFFFF086;
	s6 =	sadd.s32 @!p0 s3, s7;
	s7 =	simm.s32 @!p0 $0x108  }
0x21: {  	s3 =	sadd.s32 s3, s9;
	s6 =	sadd.s32 @!p0 $0x88, s6;
	s7 =	simm.s32 @p2 $0x1082  }
0x22: {  	[simem:s7], [sflag:s8] =	dma.local @!p0 [hbm:s6], $0xF7A  }
0x23: {  	s9 =	sor.u32 $0xD0000000, s2;
	s6 =	simm.s32 $0x108;
	_ =	swait.ge @!p0 [sflag:s8], $0x0  }
0x24: {  	s3 =	sadd.s32 $0x88, s3;
	s6 =	simm.s32 @!p1 $0x1082;
	[sflag:s4] =	ssyncset.s32 $0xFFFFF086  }
0x25: {  	[simem:s6], [sflag:s4] =	dma.local [hbm:s3], $0xF7A  }
0x26: {  	[smem:$0x3F8A] =	sst s1;
	(tag) =	ssettag s2;
	_ =	strace s9  }
0x27: {  	s1 =	sld [smem:$0x3F9A]  }
0x28: {  	s2 =	sld [smem:$0x3F9B]  }
0x29: {  	s4 =	sld [smem:$0x3F9D]  }
0x2a: {  	p0 =	seq.s32 s5, $0x0;
	s5 =	sld [smem:$0x3F9E]  }
0x2b: {  	s6 =	sld [smem:$0x3F9F]  }
0x2c: {  	s7 =	sld [smem:$0x3FA0]  }
0x2d: {  	s3 =	simm.s32 $0x108;
	s8 =	sld [smem:$0x3FA1]  }
0x2e: {  	s3 =	simm.s32 @!p0 $0x1082;
	s9 =	sld [smem:$0x3FA2]  }
0x2f: {  	lr =	sadd.s32 s0, s3;
	s0 =	sld [smem:$0x3F99]  }
0x30: {  	s3 =	sld [smem:$0x3F9C]  }
0x31: {  	[smem:$0x3FA5] =	sst s10  }
0x32: {  	s10 =	sld [smem:$0x3FA3];
	_ =	sdelay $0x3  }
0x33: {  	p0 =	seq.s32 s10, $0x1;
	s10 =	sld [smem:$0x3FA5];
	_ =	sdelay $0x3  }
0x34: {  	[smem:$0x3FA5] =	sst s10  }
0x35: {  	s10 =	sld [smem:$0x3FA4];
	_ =	sdelay $0x3  }
0x36: {  	p1 =	seq.s32 s10, $0x1;
	s10 =	sld [smem:$0x3FA5];
	_ =	sdelay $0x3  }
0x37: {  	[smem:$0x3FA5] =	sst s10  }
0x38: {  	s10 =	sld [smem:$0x3FA6]  }
0x39: {  	_ = 	snop;
	(pc) =	sbr.ind lr, $3  }
0x3a: {  	_ = 	snop  }
0x3b: {  	_ = 	snop  }
0x3c: {  	p2 =	seq.s32 s10, $0x1;
	s10 =	sld [smem:$0x3FA5]  }
0x3d: {  	_ =	shalt  }
0x3e: {  	_ =	shalt  }
0x3f: {  	_ =	shalt  }
0x40: {  	_ =	shalt  }
0x41: {  	_ =	shalt  }
0x42: {  	_ =	shalt  }
0x43: {  	_ =	shalt  }
0x44: {  	_ =	shalt  }
0x45: {  	_ =	shalt  }
0x46: {  	_ =	shalt  }
0x47: {  	_ =	shalt  }
0x48: {  	_ =	shalt  }
0x49: {  	_ =	shalt  }
0x4a: {  	_ =	shalt  }
0x4b: {  	_ =	shalt  }
0x4c: {  	_ =	shalt  }
0x4d: {  	_ =	shalt  }
0x4e: {  	_ =	shalt  }
0x4f: {  	_ =	shalt  }
0x50: {  	_ =	shalt  }
0x51: {  	_ =	shalt  }
0x52: {  	_ =	shalt  }
0x53: {  	_ =	shalt  }
0x54: {  	_ =	shalt  }
0x55: {  	_ =	shalt  }
0x56: {  	_ =	shalt  }
0x57: {  	_ =	shalt  }
0x58: {  	_ =	shalt  }
0x59: {  	_ =	shalt  }
0x5a: {  	_ =	shalt  }
0x5b: {  	_ =	shalt  }
0x5c: {  	_ =	shalt  }
0x5d: {  	_ =	shalt  }
0x5e: {  	_ =	shalt  }
0x5f: {  	_ =	shalt  }
0x60: {  	_ =	shalt  }
0x61: {  	_ =	shalt  }
0x62: {  	_ =	shalt  }
0x63: {  	_ =	shalt  }
0x64: {  	_ =	shalt  }
0x65: {  	_ =	shalt  }
0x66: {  	_ =	shalt  }
0x67: {  	_ =	shalt  }
0x68: {  	_ =	shalt  }
0x69: {  	_ =	shalt  }
0x6a: {  	_ =	shalt  }
0x6b: {  	_ =	shalt  }
0x6c: {  	_ =	shalt  }
0x6d: {  	_ =	shalt  }
0x6e: {  	_ =	shalt  }
0x6f: {  	_ =	shalt  }
0x70: {  	_ =	shalt  }
0x71: {  	_ =	shalt  }
0x72: {  	_ =	shalt  }
0x73: {  	_ =	shalt  }
0x74: {  	_ =	shalt  }
0x75: {  	_ =	shalt  }
0x76: {  	_ =	shalt  }
0x77: {  	_ =	shalt  }
0x78: {  	_ =	shalt  }
0x79: {  	_ =	shalt  }
0x7a: {  	_ =	shalt  }
0x7b: {  	_ =	shalt  }
0x7c: {  	_ =	shalt  }
0x7d: {  	_ =	shalt  }
0x7e: {  	_ =	shalt  }
0x7f: {  	_ =	shalt  }
0x80: {  	_ =	shalt  }
0x81: {  	_ =	shalt  }
0x82: {  	_ =	shalt  }
0x83: {  	_ =	shalt  }
0x84: {  	_ =	shalt  }
0x85: {  	_ =	shalt  }
0x86: {  	_ =	shalt  }
0x87: {  	_ =	shalt  }
.Lfunc_end0:
.L_simem_size_0:
called_computation.1_lowered:
.L_overlay_start_0:
0x88: {  	s2 =	sld [smem:$0x3FD9]  }
0x89: {  	s3 =	sld [smem:$0x3FFE];
	_ =	sdelay $0x1  }
0x8a: {  	s1 =	srdreg.scid  }
0x8b: {  	s0 =	sand.u32 $0x1, s1  }
0x8c: {  	s16 =	sshll.u32 s0, $0xA;
	s2 =	sadd.s32 s3, s2  }
0x8d: {  	s2 =	sadd.s32 s2, s16  }
0x8e: {  	[smem:$0x3FB1] =	sst s2  }
0x8f: {  	_ = 	snop  }
0x90: {  	(tm) =	ssettm $0x1  }
0x91: {  	s17 =	sld [smem:$0x3FFB];
	_ =	sdelay $0x3  }
0x92: {  	_ =	strace s17  }
0x93: {  	s2 =	sld [smem:$0x3FFC];
	_ =	sdelay $0x3  }
0x94: {  	_ =	strace s2  }
0x95: {  	s2 =	sld [smem:$0x3FFD];
	_ =	sdelay $0x3  }
0x96: {  	_ =	strace s2  }
0x97: {  	_ =	strace $0x8FFFFFFF  }
0x98: {  	s18 =	sld [smem:$0x3FDB];
	_ =	sdelay $0x1  }
0x99: {  	s19 =	simm.s32 $_scs_section_size  }
0x9a: {  	s4 =	simm.s32 $_size__tile_overlayer_lowered;
	s5 =	simm.s32 $_tile_overlayer_lowered  }
0x9b: {  	s22 =	simm.s32 $0x1BFF;
	s21 =	sshll.u32 s5, $0x1;
	s2 =	sadd.s32 s19, s18  }
0x9c: {  	s6 =	simm.s32 $0x0;
	s20 =	sshll.u32 s4, $0x1;
	s4 =	sadd.s32 s21, s2  }
0x9d: {  	[timem:s6], [sflag:s22] =	dma.local [hbm:s4], s20  }
0x9e: {  	_ =	swait.ge [sflag:s22], s20  }
0x9f: {  	s3 =	ssub.s32 $0x0, s20;
	[sflag:s22] =	ssyncset.done $0x0  }
0xa0: {  	[sflag:s22] =	ssyncadd.s32 s3;
	_ =	sdelay $0x1  }
0xa1: {  	s23 =	simm.s32 $0x1B8B  }
0xa2: {  	_ =	swait.ge [sflag:s23], $0x1  }
0xa3: {  	[sflag:s23] =	ssyncset.done $0x0  }
0xa4: {  	s25 =	simm.s32 $0x1B8E;
	s24 =	sld [smem:$0x3FFE];
	[sflag:s23] =	ssyncadd.s32 $0xFFFFFFFF  }
0xa5: {  	s26 =	simm.s32 $execute0_lowered;
	[smem:$0x3FD2] =	sst s25  }
0xa6: {  	s4 =	sshll.u32 s26, $0x1;
	_ =	strace $0x80000049;
	[dreg:$0x1] =	wrdreg $0xFFFFFFFF  }
0xa7: {  	s28 =	simm.s32 $_size_execute0_lowered;
	s2 =	sadd.s32 s2, s4;
	[dreg:$0x0] =	wrdreg $0x0  }
0xa8: {  	s4 =	sshll.u32 s28, $0x1;
	[dreg:$0x2] =	wrdreg s2  }
0xa9: {  	[dreg:$0x3] =	wrdreg s4  }
0xaa: {  	[dreg:$0x4] =	wrdreg $0xC0  }
0xab: {  	_ =	task [dreg:s6], $0x5FFFF  }
0xac: {  	[dreg:$0x1] =	wrdreg $0xFFFFFFFF  }
0xad: {  	[dreg:$0x0] =	wrdreg $0x60  }
0xae: {  	[dreg:$0x2] =	wrdreg s24  }
0xaf: {  	[dreg:$0x3] =	wrdreg $0x0  }
0xb0: {  	[dreg:$0x4] =	wrdreg $0x28000  }
0xb1: {  	[dreg:$0x5] =	wrdreg $0x9  }
0xb2: {  	_ =	task.clear_ibuf [dreg:s6], $0x6FFFF;
	_ =	strace $0x90000049  }
0xb3: {  	s29 =	simm.s32 $0x9;
	_ =	strace $0x8000004B  }
0xb4: {  	_ =	swait.ge [sflag:s29], $0x1  }
0xb5: {  	[sflag:s29] =	ssyncadd.s32 $0xFFFFFFFF  }
0xb6: {  	_ =	strace $0x9000004B  }
0xb7: {  	_ =	sfence  }
0xb8: {  	s30 =	sld [smem:$0x0];
	_ =	sdelay $0x2  }
0xb9: {  	s31 =	sshll.u32 s1, $0xD;
	s1 =	sshrl.u32 s1, $0x2  }
0xba: {  	s3 =	sand.u32 $0x4000, s31;
	s1 =	sadd.s32 s1, s30  }
0xbb: {  	s0 =	sor.u32 s3, s0;
	s1 =	sshll.u32 s1, $0x11  }
0xbc: {  	s0 =	sor.u32 s1, s0  }
0xbd: {  	s0 =	sadd.s32 $0x8F2B, s0  }
0xbe: {  	[sflag:s0] =	ssyncadd.remote.s32 $0x1  }
0xbf: {  	_ =	sfence.sel $0xFFFF  }
0xc0: {  	[dreg:$0x0] =	wrdreg $0xFFFFFFFF;
	(pc) =	sbr.abs _section_cstart, $3  }
0xc1: {  	[dreg:$0x1] =	wrdreg $0xFFFFFFFF  }
0xc2: {  	_ =	task.clear_ibuf [dreg:s6], $0x2FFFF;
	_ =	strace $0x9FFFFFFF  }
0xc3: {  	(tm) =	ssettm $0x7FFFFFFF  }
tec
execute0_lowered:
.L_overlay_start_1:
0x0: {  	(tag) =	ssettag $0x1  }
0x1: {  	s0 =	rddreg [dreg:$0x0]  }
0x2: {  	s1 =	rddreg [dreg:$0x1]  }
0x3: {  	s2 =	rddreg [dreg:$0x2];
	s3 =	simm.s32 $0x0;
	s4 =	srdreg.scid  }
0x4: {  	s18 =	stileid.u32;
	[smem:$0x7FF] =	sst s3;
	s4 =	sand.u32 $0x1, s4  }
0x5: {  	s7 =	sadd.s32 $0x38400, s0;
	s8 =	smul.u32 $0x2800, s18;
	s9 =	sadd.s32 $0xC200, s0  }
0x6: {  	s10 =	sadd.s32 $0x307E00, s0;
	s0 =	sadd.s32 $0x2FE000, s0;
	s13 =	smul.u32 $0x271, s4  }
0x7: {  	s26 =	sshll.u32 s18, $0x7;
	p0 =	seq.s32 s18, $0x0;
	s15 =	smul.u32 $0x27100, s4  }
0x8: {  	_ =	strace $0x8000004A;
	s5 =	ssub.s32 $0x2, s4;
	s4 =	smul.u32 $0x13880, s4  }
0x9: {  	s6 =	sshrl.u32 s5, $0x1;
	s11 =	sadd.s32 $0x800, s8;
	s22 =	sadd.s32 $0x1000, s8  }
0xa: {  	s17 =	sadd.s32 $0x1800, s8;
	s12 =	ssub.s32 s5, s6;
	s5 =	sadd.s32 s8, s1  }
0xb: {  	s6 =	sadd.s32 s8, s2;
	s14 =	sadd.s32 s11, s1;
	s11 =	sadd.s32 s11, s2  }
0xc: {  	s23 =	sadd.s32 s22, s1;
	s16 =	sadd.s32 s8, s15;
	[dreg:$0x4] =	wrdreg s14  }
0xd: {  	s4 =	sadd.s32 s26, s4;
	s15 =	sshrl.u32 s15, $0x3;
	[dreg:$0x5] =	wrdreg s11  }
0xe: {  	[dreg:$0x6] =	wrdreg s23;
	s11 =	sadd.s32 s22, s2;
	s25 =	sshrl.u32 s16, $0x3  }
0xf: {  	s20 =	sadd.s32 $0x4B00, s15;
	s4 =	sadd.s32 $0x1000, s4;
	s22 =	sadd.s32 s17, s1  }
0x10: {  	s23 =	sadd.s32 s17, s2;
	s31 =	smax.u32 s12, $0x1;
	[dreg:$0x7] =	wrdreg s11  }
0x11: {  	s11 =	sadd.s32 s18, s13;
	s19 =	sadd.s32 s10, s25;
	[dreg:$0xe] =	wrdreg s22  }
0x12: {  	s10 =	sadd.s32 s10, s20;
	s21 =	sshll.u32 s4, $0x1;
	[dreg:$0xf] =	wrdreg s23  }
0x13: {  	s4 =	sshrl.u32 s4, $0x3;
	s13 =	sshll.u32 s11, $0x8;
	[dreg:$0xa] =	wrdreg s19  }
0x14: {  	s24 =	sshll.u32 s11, $0x7;
	[dreg:$0xc] =	wrdreg s10;
	s13 =	sadd.s32 s7, s13  }
0x15: {  	s10 =	sadd.s32 s21, s7;
	[dreg:$0x8] =	wrdreg s13;
	s13 =	sadd.s32 $0x800, s24  }
0x16: {  	s24 =	sadd.s32 $0x2000, s8;
	s8 =	simm.s32 $0x11;
	s14 =	sshll.u32 s13, $0x1  }
0x17: {  	s26 =	sshrl.u32 s13, $0x3;
	s23 =	sadd.s32 s24, s1;
	s24 =	sadd.s32 s24, s2  }
0x18: {  	s14 =	sadd.s32 s7, s14;
	s21 =	sadd.s32 s9, s26;
	s7 =	simm.s32 $0x7200  }
0x19: {  	[dreg:$0x9] =	wrdreg s14;
	s14 =	sadd.s32 s0, s25;
	s0 =	sadd.s32 s0, s20  }
0x1a: {  	s25 =	sshll.u32 s11, $0x4;
	s11 =	sadd.s32 s4, s9;
	[dreg:$0xb] =	wrdreg s14  }
0x1b: {  	s4 =	simm.s32 $0x3;
	[dreg:$0xd] =	wrdreg s0;
	s20 =	sadd.s32 s9, s25  }
0x1c: {  	s25 =	simm.s32 $0x28;
	s0 =	simm.s32 $0x2;
	s4 =	simm.s32 @!p0 $0x2  }
0x1d: {  	s25 =	simm.s32 @!p0 $0x27;
	s0 =	simm.s32 @!p0 $0x1;
	s29 =	sadd.s32 $0x9, s4  }
0x1e: {  	s30 =	sadd.s32 $0xD, s4;
	p0 =	seq.s32 s18, $0xF;
	s4 =	sadd.s32 $0x25800, s2  }
0x1f: {  	s26 =	sadd.s32 $0x9, s0;
	s28 =	sadd.s32 $0xD, s0;
	s0 =	sadd.s32 $0x25800, s1  }
0x20: {  	v0 =	vimm.f32 $0.0e+00;
	v1 =	vimm.f32 $1.000000000e+00;
	s9 =	simm.s32 $0x80;
	s4 =	sshrl.u32 @p0 s4, $0x3;
	s0 =	sshrl.u32 @p0 s0, $0x3  }
.LBB2_1:
0x21: {  	s12 =	simm.s32 $0x40;
	s13 =	simm.s32 $0x0  }
.LBB2_2:
0x22: {  	p1 =	sne.s32 s12, $0x1FC0;
	[tilespmem:s13+$0x7200] =	vst v0;
	s13 =	smov.u32 s12;
	s12 =	sadd.s32 $0x40, s12  }
.Ltmp0:
0x23: {  	(pc) =	sbr.rel @p1 .LBB2_2-.Ltmp0, $2  }
0x24: {  	_ =	sdelay $0x2  }
0x25: {  	s13 =	sshra.s32 s13, $0x2  }
0x26: {  	[tilespmem:s13+$0x7200] =	vst v0  }
0x27: {  	[spmem:s5] =	stream.linear.scatter [tilespmem:s7], [sflag:$0x11], $0x800, $0x38;
	[tilespmem:$0x7A00] =	vst v63  }
0x28: {  	_ =	swait.ge [sflag:s8], $0x800  }
0x29: {  	[sflag:s8] =	ssyncset.done $0x0  }
0x2a: {  	[sflag:s8] =	ssyncadd.s32 $0xFFFFF800  }
0x2b: {  	[spmem:s6] =	stream.linear.scatter [tilespmem:s7], [sflag:$0x11], $0x800, $0x38;
	[tilespmem:$0x7A00] =	vst v63  }
0x2c: {  	_ =	swait.ge [sflag:s8], $0x800  }
0x2d: {  	[sflag:s8] =	ssyncset.done $0x0  }
0x2e: {  	s12 =	rddreg [dreg:$0x4];
	[sflag:s8] =	ssyncadd.s32 $0xFFFFF800  }
0x2f: {  	[spmem:s12] =	stream.linear.scatter [tilespmem:s7], [sflag:$0x11], $0x800, $0x38;
	[tilespmem:$0x7A00] =	vst v63  }
0x30: {  	_ =	swait.ge [sflag:s8], $0x800  }
0x31: {  	[sflag:s8] =	ssyncset.done $0x0  }
0x32: {  	s16 =	rddreg [dreg:$0x5];
	[sflag:s8] =	ssyncadd.s32 $0xFFFFF800  }
0x33: {  	[spmem:s16] =	stream.linear.scatter [tilespmem:s7], [sflag:$0x11], $0x800, $0x38;
	[tilespmem:$0x7A00] =	vst v63  }
0x34: {  	_ =	swait.ge [sflag:s8], $0x800  }
0x35: {  	[sflag:s8] =	ssyncset.done $0x0  }
0x36: {  	s17 =	rddreg [dreg:$0x6];
	[sflag:s8] =	ssyncadd.s32 $0xFFFFF800  }
0x37: {  	[spmem:s17] =	stream.linear.scatter [tilespmem:s7], [sflag:$0x11], $0x800, $0x38;
	[tilespmem:$0x7A00] =	vst v63  }
0x38: {  	_ =	swait.ge [sflag:s8], $0x800  }
0x39: {  	[sflag:s8] =	ssyncset.done $0x0  }
0x3a: {  	s18 =	rddreg [dreg:$0x7];
	[sflag:s8] =	ssyncadd.s32 $0xFFFFF800  }
0x3b: {  	[spmem:s18] =	stream.linear.scatter [tilespmem:s7], [sflag:$0x11], $0x800, $0x38;
	[tilespmem:$0x7A00] =	vst v63  }
0x3c: {  	_ =	swait.ge [sflag:s8], $0x800  }
0x3d: {  	[sflag:s8] =	ssyncset.done $0x0  }
0x3e: {  	s19 =	rddreg [dreg:$0xe];
	[sflag:s8] =	ssyncadd.s32 $0xFFFFF800  }
0x3f: {  	[spmem:s19] =	stream.linear.scatter [tilespmem:s7], [sflag:$0x11], $0x800, $0x38;
	[tilespmem:$0x7A00] =	vst v63  }
0x40: {  	_ =	swait.ge [sflag:s8], $0x800  }
0x41: {  	[sflag:s8] =	ssyncset.done $0x0  }
0x42: {  	s22 =	rddreg [dreg:$0xf];
	[sflag:s8] =	ssyncadd.s32 $0xFFFFF800  }
0x43: {  	[spmem:s22] =	stream.linear.scatter [tilespmem:s7], [sflag:$0x11], $0x800, $0x38;
	[tilespmem:$0x7A00] =	vst v63  }
0x44: {  	_ =	swait.ge [sflag:s8], $0x800  }
0x45: {  	[sflag:s8] =	ssyncset.done $0x0  }
0x46: {  	[sflag:s8] =	ssyncadd.s32 $0xFFFFF800  }
0x47: {  	[spmem:s23] =	stream.linear.scatter [tilespmem:s7], [sflag:$0x11], $0x800, $0x38;
	[tilespmem:$0x7A00] =	vst v63  }
0x48: {  	_ =	swait.ge [sflag:s8], $0x800  }
0x49: {  	[sflag:s8] =	ssyncset.done $0x0  }
0x4a: {  	[sflag:s8] =	ssyncadd.s32 $0xFFFFF800  }
0x4b: {  	[spmem:s24] =	stream.linear.scatter [tilespmem:s7], [sflag:$0x11], $0x800, $0x38;
	[tilespmem:$0x7A00] =	vst v63  }
0x4c: {  	_ =	swait.ge [sflag:s8], $0x800  }
0x4d: {  	[sflag:s8] =	ssyncset.done $0x0  }
0x4e: {  	s13 =	simm.s32 $0x0;
	s12 =	simm.s32 $0x40;
	[sflag:s8] =	ssyncadd.s32 $0xFFFFF800  }
.LBB2_4:
0x4f: {  	p1 =	sne.s32 s12, $0x1FC0;
	[tilespmem:s13+$0x7200] =	vst v1;
	s13 =	smov.u32 s12;
	s12 =	sadd.s32 $0x40, s12  }
.Ltmp1:
0x50: {  	(pc) =	sbr.rel @p1 .LBB2_4-.Ltmp1, $2  }
0x51: {  	_ =	sdelay $0x2  }
0x52: {  	s13 =	sshra.s32 s13, $0x2  }
0x53: {  	[tilespmem:s13+$0x7200] =	vst v1;
	s12 =	simm.s32 $0x0  }
0x54: {  	s15 =	simm.s32 $0x5000;
	p1 =	por $0x1, $0x1;
	[bflag:$0x0] =	sbarrier.arrive $0xFFFF  }
0x55: {  	[tilespmem:s15], [sflag:$0x1] =	stream.linear.gather [hbm4b:s20+s12], $0x80, $0x38;
	[tilespmem:$0x7A00] =	vst v63  }
0x56: {  	s14 =	simm.s32 $0x5200;
	s13 =	sand.u32 @!p1 $0x3, s12;
	s16 =	rddreg [dreg:$0x8]  }
0x57: {  	[tilespmem:s14], [sflag:$0x5] =	stream.linear.gather [hbm4b:s16+s12], $0x800, $0x38;
	[tilespmem:$0x7A00] =	vst v63  }
0x58: {  	s17 =	simm.s32 $0x5080;
	s13 =	sxor.u32 @!p1 $0x2, s13  }
0x59: {  	[tilespmem:s17], [sflag:$0x2] =	stream.linear.gather [hbm4b:s21+s12], $0x80, $0x38;
	[tilespmem:$0x7A00] =	vst v63  }
0x5a: {  	s19 =	simm.s32 $0x5A00;
	s18 =	rddreg [dreg:$0x9];
	s14 =	sadd.s32 @!p1 $0x9, s13  }
0x5b: {  	[tilespmem:s19], [sflag:$0x6] =	stream.linear.gather [hbm4b:s18+s12], $0x800, $0x38;
	[tilespmem:$0x7A00] =	vst v63  }
0x5c: {  	_ =	swait.ge @!p1 [sflag:s14], $0x800  }
0x5d: {  	p2 =	sle.u32 s25, $0x2;
	[sflag:s14] =	ssyncset.done @!p1 $0x0  }
0x5e: {  	s13 =	sadd.s32 @!p1 $0xD, s13;
	s17 =	simm.s32 $0x2;
	[sflag:s14] =	ssyncadd.s32 @!p1 $0xFFFFF800  }
0x5f: {  	s14 =	sand.u32 @!p2 $0x3, s17;
	_ =	swait.ge @!p1 [sflag:s13], $0x800  }
0x60: {  	s17 =	simm.s32 @!p2 $0x0;
	s22 =	sshll.u32 @!p2 s14, $0x7;
	[sflag:s13] =	ssyncset.done @!p1 $0x0  }
0x61: {  	s15 =	sadd.s32 @!p2 $0x1, s14;
	[sflag:s13] =	ssyncadd.s32 @!p1 $0xFFFFF800;
	s13 =	sor.u32 @!p2 $0x5000, s22  }
0x62: {  	[tilespmem:s13], [sflag:s15] =	stream.linear.gather @!p2 [hbm4b:s11+s17], $0x80, $0x38;
	[tilespmem:$0x7A00] =	vst v63  }
0x63: {  	s22 =	sshll.u32 @!p2 s14, $0xB;
	s15 =	sand.u32 $0x3, s12  }
0x64: {  	s14 =	sadd.s32 @!p2 $0x5, s14;
	s13 =	sadd.s32 @!p2 $0x5200, s22;
	s12 =	sadd.s32 $0x1, s15  }
0x65: {  	[tilespmem:s13], [sflag:s14] =	stream.linear.gather @!p2 [hbm4b:s10+s17], $0x800, $0x38;
	[tilespmem:$0x7A00] =	vst v63  }
0x66: {  	p1 =	sne.s32 s25, $0x1;
	s22 =	sadd.s32 $0x5, s15;
	_ =	swait.ge [sflag:s12], $0x80  }
0x67: {  	s16 =	sshll.u32 s15, $0xB;
	s18 =	sadd.s32 $0x9, s15;
	[sflag:s12] =	ssyncset.done $0x0  }
.Ltmp2:
0x68: {  	s13 =	sshll.u32 s15, $0x7;
	[sflag:s12] =	ssyncadd.s32 $0xFFFFFF80;
	(pc) =	sbr.rel @!p1 .LBB2_7-.Ltmp2, $4  }
0x69: {  	s19 =	sadd.s32 $0x5200, s16;
	s14 =	sadd.s32 $0xD, s15;
	_ =	swait.ge [sflag:s22], $0x800  }
0x6a: {  	s17 =	smov.u32 s10;
	s13 =	sor.u32 $0x5000, s13;
	[sflag:s22] =	ssyncset.done $0x0  }
0x6b: {  	s12 =	simm.s32 $0x1;
	[sflag:s22] =	ssyncadd.s32 $0xFFFFF800;
	s22 =	smov.u32 s11  }
0x6c: {  	[spmem:s1] =	stream.indirect.scatter.add.f32 [tilespmem:s19], [sflag:s18], $0x10, s13, s9, $0xb8;
	[tilespmem:$0x7A00] =	vst v63  }
.LBB2_6:
0x6d: {  	p1 =	slt.u32 s12, $0x2;
	s17 =	sadd.s32 $0x1000, s17;
	s22 =	sadd.s32 $0x100, s22  }
0x6e: {  	[spmem:s2] =	stream.indirect.scatter.add.f32 [tilespmem:s7], [sflag:s14], $0x10, s13, s9, $0xb8;
	[tilespmem:$0x7A00] =	vst v63  }
0x6f: {  	s13 =	sand.u32 @!p1 $0x3, s12  }
0x70: {  	s13 =	sxor.u32 @!p1 $0x2, s13  }
0x71: {  	s14 =	sadd.s32 @!p1 $0x9, s13  }
0x72: {  	_ =	swait.ge @!p1 [sflag:s14], $0x800  }
0x73: {  	s15 =	sadd.s32 $0x2, s12;
	[sflag:s14] =	ssyncset.done @!p1 $0x0  }
0x74: {  	p2 =	sge.u32 s15, s25;
	s13 =	sadd.s32 @!p1 $0xD, s13;
	[sflag:s14] =	ssyncadd.s32 @!p1 $0xFFFFF800  }
0x75: {  	s16 =	simm.s32 @!p2 $0x0;
	s14 =	sand.u32 @!p2 $0x3, s15;
	_ =	swait.ge @!p1 [sflag:s13], $0x800  }
0x76: {  	s18 =	sshll.u32 @!p2 s14, $0x7;
	s19 =	sadd.s32 @!p2 $0x1, s14;
	[sflag:s13] =	ssyncset.done @!p1 $0x0  }
0x77: {  	[sflag:s13] =	ssyncadd.s32 @!p1 $0xFFFFF800;
	s13 =	sor.u32 @!p2 $0x5000, s18;
	s18 =	sshll.u32 @!p2 s14, $0xB  }
0x78: {  	[tilespmem:s13], [sflag:s19] =	stream.linear.gather @!p2 [hbm4b:s22+s16], $0x80, $0x38;
	[tilespmem:$0x7A00] =	vst v63  }
0x79: {  	s14 =	sadd.s32 @!p2 $0x5, s14;
	s13 =	sadd.s32 @!p2 $0x5200, s18;
	s18 =	sand.u32 $0x3, s12  }
0x7a: {  	[tilespmem:s13], [sflag:s14] =	stream.linear.gather @!p2 [hbm4b:s17+s16], $0x800, $0x38;
	[tilespmem:$0x7A00] =	vst v63  }
0x7b: {  	s13 =	sadd.s32 $0x1, s18;
	s14 =	sshll.u32 s18, $0x7;
	s16 =	sshll.u32 s18, $0xB  }
0x7c: {  	s12 =	sadd.s32 $0xFFFFFFFF, s15;
	_ =	swait.ge [sflag:s13], $0x80  }
0x7d: {  	s15 =	sadd.s32 $0x5, s18;
	p1 =	sne.s32 s12, s25;
	[sflag:s13] =	ssyncset.done $0x0  }
.Ltmp3:
0x7e: {  	[sflag:s13] =	ssyncadd.s32 $0xFFFFFF80;
	(pc) =	sbr.rel @p1 .LBB2_6-.Ltmp3, $4  }
0x7f: {  	s19 =	sadd.s32 $0x9, s18;
	_ =	swait.ge [sflag:s15], $0x800  }
0x80: {  	s16 =	sadd.s32 $0x5200, s16;
	s13 =	sor.u32 $0x5000, s14;
	[sflag:s15] =	ssyncset.done $0x0  }
0x81: {  	s14 =	sadd.s32 $0xD, s18;
	[sflag:s15] =	ssyncadd.s32 $0xFFFFF800  }
0x82: {  	[spmem:s1] =	stream.indirect.scatter.add.f32 [tilespmem:s16], [sflag:s19], $0x10, s13, s9, $0xb8;
	[tilespmem:$0x7A00] =	vst v63  }
.LBB2_7:
0x83: {  	[spmem:s2] =	stream.indirect.scatter.add.f32 [tilespmem:s7], [sflag:s14], $0x10, s13, s9, $0xb8;
	[tilespmem:$0x7A00] =	vst v63  }
0x84: {  	_ =	swait.ge [sflag:s26], $0x800  }
0x85: {  	[sflag:s26] =	ssyncset.done $0x0  }
0x86: {  	[sflag:s26] =	ssyncadd.s32 $0xFFFFF800  }
0x87: {  	_ =	swait.ge [sflag:s28], $0x800  }
0x88: {  	[sflag:s28] =	ssyncset.done $0x0  }
0x89: {  	[sflag:s28] =	ssyncadd.s32 $0xFFFFF800  }
0x8a: {  	_ =	swait.ge [sflag:s29], $0x800  }
0x8b: {  	[sflag:s29] =	ssyncset.done $0x0  }
0x8c: {  	[sflag:s29] =	ssyncadd.s32 $0xFFFFF800  }
0x8d: {  	_ =	swait.ge [sflag:s30], $0x800  }
0x8e: {  	[sflag:s30] =	ssyncset.done $0x0  }
0x8f: {  	[sflag:s30] =	ssyncadd.s32 $0xFFFFF800  }
0x90: {  	[bflag:$0x0] =	sbarrier.arrive $0xFFFF  }
0x91: {  	s12 =	simm.s32 @p0 $0x1FD1;
	s13 =	rddreg [dreg:$0xc]  }
0x92: {  	[hbm:s13], [sflag:s12] =	dma.local @p0 [spmem:s0], $0x320  }
0x93: {  	s13 =	simm.s32 @p0 $0x11  }
0x94: {  	_ =	swait.ge @p0 [sflag:s13], $0x320  }
0x95: {  	[sflag:s13] =	ssyncset.done @p0 $0x0  }
0x96: {  	s14 =	rddreg [dreg:$0xd];
	[sflag:s13] =	ssyncadd.s32 @p0 $0xFFFFFCE0  }
0x97: {  	[hbm:s14], [sflag:s12] =	dma.local @p0 [spmem:s4], $0x320  }
0x98: {  	s12 =	stileid.u32  }
0x99: {  	_ =	swait.ge @p0 [sflag:s13], $0x320;
	s12 =	sshll.u32 @!p0 s12, $0x6  }
0x9a: {  	[sflag:s13] =	ssyncset.done @p0 $0x0;
	s12 =	sor.u32 @!p0 $0x1C11, s12  }
0x9b: {  	s14 =	rddreg [dreg:$0xa];
	[sflag:s13] =	ssyncadd.s32 @p0 $0xFFFFFCE0;
	s13 =	sshrl.u32 @!p0 s5, $0x3  }
0x9c: {  	[hbm:s14], [sflag:s12] =	dma.local @!p0 [spmem:s13], $0x500  }
0x9d: {  	s13 =	simm.s32 @!p0 $0x11  }
0x9e: {  	s3 =	sadd.s32 $0x1, s3;
	_ =	swait.ge @!p0 [sflag:s13], $0x500  }
0x9f: {  	p1 =	sne.s32 s3, s31;
	s14 =	sshrl.u32 @!p0 s6, $0x3;
	[sflag:s13] =	ssyncset.done @!p0 $0x0  }
.Ltmp4:
0xa0: {  	s15 =	rddreg [dreg:$0xb];
	[sflag:s13] =	ssyncadd.s32 @!p0 $0xFFFFFB00;
	(pc) =	sbr.rel @p1 .LBB2_1-.Ltmp4, $4  }
0xa1: {  	[hbm:s15], [sflag:s12] =	dma.local @!p0 [spmem:s14], $0x500  }
0xa2: {  	_ =	swait.ge @!p0 [sflag:s13], $0x500  }
0xa3: {  	[sflag:s13] =	ssyncset.done @!p0 $0x0  }
0xa4: {  	[sflag:s13] =	ssyncadd.s32 @!p0 $0xFFFFFB00  }
0xa5: {  	_ =	sfence.sel $0x180000  }
0xa6: {  	[bflag:$0x0] =	sbarrier.arrive $0xFFFF  }
0xa7: {  	_ =	strace $0x9000004A  }
0xa8: {  	s0 =	stileid.u32;
	[bflag:$0x2] =	sbarrier.arrive $0xFFFF  }
0xa9: {  	p0 =	sne.s32 s0, $0x0;
	s0 =	rddreg [dreg:$0x3]  }
0xaa: {  	s0 =	sadd.s32 @!p0 $0x100000, s0  }
0xab: {  	[sflag:s0] =	ssyncadd.tile.s32 @!p0 $0x1;
	_ =	shalt  }
.Lfunc_end2:
_tile_overlayer_lowered:
.L_overlay_start_2:
0xac: {  	(tag) =	ssettag $0x2  }
0xad: {  	s0 =	rddreg [dreg:$0x0];
	s2 =	stileid.u32  }
0xae: {  	s1 =	rddreg [dreg:$0x1];
	p0 =	sne.s32 s2, $0x0  }
0xaf: {  	s3 =	rddreg [dreg:$0x2];
	[bflag:$0x3] =	sbarrier.arrive $0xFFFF;
	s2 =	simm.s32 @!p0 $0x1C11  }
0xb0: {  	[timem:s3], [sflag:s2] =	dma.local @!p0 [hbm:s0], s1  }
0xb1: {  	s0 =	simm.s32 @!p0 $0x11  }
0xb2: {  	_ =	swait.ge @!p0 [sflag:s0], s1  }
0xb3: {  	s1 =	ssub.s32 @!p0 $0x0, s1;
	[sflag:s0] =	ssyncset.done @!p0 $0x0  }
0xb4: {  	[sflag:s0] =	ssyncadd.s32 @!p0 s1  }
0xb5: {  	[bflag:$0x3] =	sbarrier.arrive $0xFFFF  }
0xb6: {  	_ =	shalt  }

// kernel: kernel.22.cloned.1.call-start
scs
__scs_entry_jumppad:
0x0: {  	(pc) =	sbr.rel $0x88, $3  }
0x1: {  	(tag) =	ssettag $0x0;
	lr =	simm.s32 $0x1  }
0x2: {  	[smem:$0x3F8A] =	sst lr;
	_ =	strace $0xD0000000  }
0x3: {  	_ = 	snop  }
0x4: {  	_ = 	snop  }
0x5: {  	_ = 	snop  }
0x6: {  	_ = 	snop  }
0x7: {  	_ = 	snop  }
__scs_overlays_trampoline_lowered:
0x8: {  	[smem:$0x3F99] =	sst s0  }
0x9: {  	[smem:$0x3F9A] =	sst s1  }
0xa: {  	[smem:$0x3F9B] =	sst s2  }
0xb: {  	[smem:$0x3F9C] =	sst s3  }
0xc: {  	[smem:$0x3F9D] =	sst s4  }
0xd: {  	[smem:$0x3F9E] =	sst s5  }
0xe: {  	[smem:$0x3F9F] =	sst s6  }
0xf: {  	[smem:$0x3FA0] =	sst s7  }
0x10: {  	[smem:$0x3FA1] =	sst s8  }
0x11: {  	[smem:$0x3FA2] =	sst s9;
	s0 =	simm.s32 @!p0 $0x0  }
0x12: {  	s1 =	sld [smem:$0x3F88];
	s0 =	simm.s32 @p0 $0x1  }
0x13: {  	[smem:$0x3FA3] =	sst s0;
	s0 =	simm.s32 @!p1 $0x0  }
0x14: {  	s2 =	sld [smem:$0x3F87];
	s0 =	simm.s32 @p1 $0x1  }
0x15: {  	[smem:$0x3FA4] =	sst s0;
	s0 =	simm.s32 @!p2 $0x0  }
0x16: {  	s3 =	sld [smem:$0x3FDB];
	s0 =	simm.s32 @p2 $0x1  }
0x17: {  	s4 =	simm.s32 $0x1BF5;
	[smem:$0x3FA6] =	sst s0  }
0x18: {  	s0 =	sld [smem:$0x3F89];
	_ =	swait.ge [sflag:s4], $0x0  }
0x19: {  	s7 =	sld [smem:$0x3F8A]  }
0x1a: {  	s8 =	sadd.s32 $0xFFFFE003, lr  }
0x1b: {  	s9 =	sadd.s32 $0xFFFFFEF7, lr;
	s5 =	simm.s32 $0xFFFFFFFF;
	p2 =	slt.u32 s8, $0xFFFFF086  }
0x1c: {  	p1 =	slt.u32 s9, $0xF7A;
	s5 =	simm.s32 @!p2 $0x0  }
0x1d: {  	s5 =	simm.s32 @p1 $0x1;
	p0 =	seq.s32 s7, s2  }
0x1e: {  	s7 =	smul.u32 @!p0 $0xF7A, s2;
	p2 =	seq.s32 @!p0 s5, $0x0  }
0x1f: {  	s9 =	smul.u32 $0xF7A, s1;
	s8 =	simm.s32 @!p0 $0x1BF5;
	p2 =	por !p2, p0  }
0x20: {  	[sflag:s8] =	ssyncset.s32 @!p0 $0xFFFFF086;
	s6 =	sadd.s32 @!p0 s3, s7;
	s7 =	simm.s32 @!p0 $0x108  }
0x21: {  	s3 =	sadd.s32 s3, s9;
	s6 =	sadd.s32 @!p0 $0x88, s6;
	s7 =	simm.s32 @p2 $0x1082  }
0x22: {  	[simem:s7], [sflag:s8] =	dma.local @!p0 [hbm:s6], $0xF7A  }
0x23: {  	s9 =	sor.u32 $0xD0000000, s2;
	s6 =	simm.s32 $0x108;
	_ =	swait.ge @!p0 [sflag:s8], $0x0  }
0x24: {  	s3 =	sadd.s32 $0x88, s3;
	s6 =	simm.s32 @!p1 $0x1082;
	[sflag:s4] =	ssyncset.s32 $0xFFFFF086  }
0x25: {  	[simem:s6], [sflag:s4] =	dma.local [hbm:s3], $0xF7A  }
0x26: {  	[smem:$0x3F8A] =	sst s1;
	(tag) =	ssettag s2;
	_ =	strace s9  }
0x27: {  	s1 =	sld [smem:$0x3F9A]  }
0x28: {  	s2 =	sld [smem:$0x3F9B]  }
0x29: {  	s4 =	sld [smem:$0x3F9D]  }
0x2a: {  	p0 =	seq.s32 s5, $0x0;
	s5 =	sld [smem:$0x3F9E]  }
0x2b: {  	s6 =	sld [smem:$0x3F9F]  }
0x2c: {  	s7 =	sld [smem:$0x3FA0]  }
0x2d: {  	s3 =	simm.s32 $0x108;
	s8 =	sld [smem:$0x3FA1]  }
0x2e: {  	s3 =	simm.s32 @!p0 $0x1082;
	s9 =	sld [smem:$0x3FA2]  }
0x2f: {  	lr =	sadd.s32 s0, s3;
	s0 =	sld [smem:$0x3F99]  }
0x30: {  	s3 =	sld [smem:$0x3F9C]  }
0x31: {  	[smem:$0x3FA5] =	sst s10  }
0x32: {  	s10 =	sld [smem:$0x3FA3];
	_ =	sdelay $0x3  }
0x33: {  	p0 =	seq.s32 s10, $0x1;
	s10 =	sld [smem:$0x3FA5];
	_ =	sdelay $0x3  }
0x34: {  	[smem:$0x3FA5] =	sst s10  }
0x35: {  	s10 =	sld [smem:$0x3FA4];
	_ =	sdelay $0x3  }
0x36: {  	p1 =	seq.s32 s10, $0x1;
	s10 =	sld [smem:$0x3FA5];
	_ =	sdelay $0x3  }
0x37: {  	[smem:$0x3FA5] =	sst s10  }
0x38: {  	s10 =	sld [smem:$0x3FA6]  }
0x39: {  	_ = 	snop;
	(pc) =	sbr.ind lr, $3  }
0x3a: {  	_ = 	snop  }
0x3b: {  	_ = 	snop  }
0x3c: {  	p2 =	seq.s32 s10, $0x1;
	s10 =	sld [smem:$0x3FA5]  }
0x3d: {  	_ =	shalt  }
0x3e: {  	_ =	shalt  }
0x3f: {  	_ =	shalt  }
0x40: {  	_ =	shalt  }
0x41: {  	_ =	shalt  }
0x42: {  	_ =	shalt  }
0x43: {  	_ =	shalt  }
0x44: {  	_ =	shalt  }
0x45: {  	_ =	shalt  }
0x46: {  	_ =	shalt  }
0x47: {  	_ =	shalt  }
0x48: {  	_ =	shalt  }
0x49: {  	_ =	shalt  }
0x4a: {  	_ =	shalt  }
0x4b: {  	_ =	shalt  }
0x4c: {  	_ =	shalt  }
0x4d: {  	_ =	shalt  }
0x4e: {  	_ =	shalt  }
0x4f: {  	_ =	shalt  }
0x50: {  	_ =	shalt  }
0x51: {  	_ =	shalt  }
0x52: {  	_ =	shalt  }
0x53: {  	_ =	shalt  }
0x54: {  	_ =	shalt  }
0x55: {  	_ =	shalt  }
0x56: {  	_ =	shalt  }
0x57: {  	_ =	shalt  }
0x58: {  	_ =	shalt  }
0x59: {  	_ =	shalt  }
0x5a: {  	_ =	shalt  }
0x5b: {  	_ =	shalt  }
0x5c: {  	_ =	shalt  }
0x5d: {  	_ =	shalt  }
0x5e: {  	_ =	shalt  }
0x5f: {  	_ =	shalt  }
0x60: {  	_ =	shalt  }
0x61: {  	_ =	shalt  }
0x62: {  	_ =	shalt  }
0x63: {  	_ =	shalt  }
0x64: {  	_ =	shalt  }
0x65: {  	_ =	shalt  }
0x66: {  	_ =	shalt  }
0x67: {  	_ =	shalt  }
0x68: {  	_ =	shalt  }
0x69: {  	_ =	shalt  }
0x6a: {  	_ =	shalt  }
0x6b: {  	_ =	shalt  }
0x6c: {  	_ =	shalt  }
0x6d: {  	_ =	shalt  }
0x6e: {  	_ =	shalt  }
0x6f: {  	_ =	shalt  }
0x70: {  	_ =	shalt  }
0x71: {  	_ =	shalt  }
0x72: {  	_ =	shalt  }
0x73: {  	_ =	shalt  }
0x74: {  	_ =	shalt  }
0x75: {  	_ =	shalt  }
0x76: {  	_ =	shalt  }
0x77: {  	_ =	shalt  }
0x78: {  	_ =	shalt  }
0x79: {  	_ =	shalt  }
0x7a: {  	_ =	shalt  }
0x7b: {  	_ =	shalt  }
0x7c: {  	_ =	shalt  }
0x7d: {  	_ =	shalt  }
0x7e: {  	_ =	shalt  }
0x7f: {  	_ =	shalt  }
0x80: {  	_ =	shalt  }
0x81: {  	_ =	shalt  }
0x82: {  	_ =	shalt  }
0x83: {  	_ =	shalt  }
0x84: {  	_ =	shalt  }
0x85: {  	_ =	shalt  }
0x86: {  	_ =	shalt  }
0x87: {  	_ =	shalt  }
.Lfunc_end0:
.L_simem_size_0:
called_computation.2_lowered:
.L_overlay_start_0:
0x88: {  	s2 =	sld [smem:$0x3FD9]  }
0x89: {  	s3 =	sld [smem:$0x3FFE];
	_ =	sdelay $0x1  }
0x8a: {  	s1 =	srdreg.scid  }
0x8b: {  	s0 =	sand.u32 $0x1, s1  }
0x8c: {  	s16 =	sshll.u32 s0, $0xA;
	s2 =	sadd.s32 s3, s2  }
0x8d: {  	s2 =	sadd.s32 s2, s16  }
0x8e: {  	[smem:$0x3FB1] =	sst s2  }
0x8f: {  	_ = 	snop  }
0x90: {  	(tm) =	ssettm $0x1  }
0x91: {  	s17 =	sld [smem:$0x3FFB];
	_ =	sdelay $0x3  }
0x92: {  	_ =	strace s17  }
0x93: {  	s2 =	sld [smem:$0x3FFC];
	_ =	sdelay $0x3  }
0x94: {  	_ =	strace s2  }
0x95: {  	s2 =	sld [smem:$0x3FFD];
	_ =	sdelay $0x3  }
0x96: {  	_ =	strace s2  }
0x97: {  	_ =	strace $0x8FFFFFFF  }
0x98: {  	s18 =	sld [smem:$0x3FDB];
	_ =	sdelay $0x1  }
0x99: {  	s19 =	simm.s32 $_scs_section_size  }
0x9a: {  	s4 =	simm.s32 $_size__tile_overlayer_lowered;
	s5 =	simm.s32 $_tile_overlayer_lowered  }
0x9b: {  	s22 =	simm.s32 $0x1BFF;
	s21 =	sshll.u32 s5, $0x1;
	s2 =	sadd.s32 s19, s18  }
0x9c: {  	s6 =	simm.s32 $0x0;
	s20 =	sshll.u32 s4, $0x1;
	s4 =	sadd.s32 s21, s2  }
0x9d: {  	[timem:s6], [sflag:s22] =	dma.local [hbm:s4], s20  }
0x9e: {  	_ =	swait.ge [sflag:s22], s20  }
0x9f: {  	s3 =	ssub.s32 $0x0, s20;
	[sflag:s22] =	ssyncset.done $0x0  }
0xa0: {  	[sflag:s22] =	ssyncadd.s32 s3;
	_ =	sdelay $0x1  }
0xa1: {  	s23 =	simm.s32 $0x1B8B  }
0xa2: {  	_ =	swait.ge [sflag:s23], $0x1  }
0xa3: {  	[sflag:s23] =	ssyncset.done $0x0  }
0xa4: {  	s25 =	simm.s32 $0x1B8E;
	s24 =	sld [smem:$0x3FFE];
	[sflag:s23] =	ssyncadd.s32 $0xFFFFFFFF  }
0xa5: {  	s26 =	simm.s32 $execute0_lowered;
	[smem:$0x3FD2] =	sst s25  }
0xa6: {  	s4 =	sshll.u32 s26, $0x1;
	_ =	strace $0x8000004C;
	[dreg:$0x1] =	wrdreg $0xFFFFFFFF  }
0xa7: {  	s28 =	simm.s32 $_size_execute0_lowered;
	s2 =	sadd.s32 s2, s4;
	[dreg:$0x0] =	wrdreg $0x0  }
0xa8: {  	s4 =	sshll.u32 s28, $0x1;
	[dreg:$0x2] =	wrdreg s2  }
0xa9: {  	[dreg:$0x3] =	wrdreg s4  }
0xaa: {  	[dreg:$0x4] =	wrdreg $0xC0  }
0xab: {  	_ =	task [dreg:s6], $0x5FFFF  }
0xac: {  	[dreg:$0x1] =	wrdreg $0xFFFFFFFF  }
0xad: {  	[dreg:$0x0] =	wrdreg $0x60  }
0xae: {  	[dreg:$0x2] =	wrdreg s24  }
0xaf: {  	[dreg:$0x3] =	wrdreg $0x9  }
0xb0: {  	_ =	task.clear_ibuf [dreg:s6], $0x4FFFF;
	_ =	strace $0x9000004C  }
0xb1: {  	s29 =	simm.s32 $0x9;
	_ =	strace $0x8000004E  }
0xb2: {  	_ =	swait.ge [sflag:s29], $0x1  }
0xb3: {  	[sflag:s29] =	ssyncadd.s32 $0xFFFFFFFF  }
0xb4: {  	_ =	strace $0x9000004E  }
0xb5: {  	_ =	sfence  }
0xb6: {  	s30 =	sld [smem:$0x0];
	_ =	sdelay $0x2  }
0xb7: {  	s31 =	sshll.u32 s1, $0xD;
	s1 =	sshrl.u32 s1, $0x2  }
0xb8: {  	s3 =	sand.u32 $0x4000, s31;
	s1 =	sadd.s32 s1, s30  }
0xb9: {  	s0 =	sor.u32 s3, s0;
	s1 =	sshll.u32 s1, $0x11  }
0xba: {  	s0 =	sor.u32 s1, s0  }
0xbb: {  	s0 =	sadd.s32 $0x8F2B, s0  }
0xbc: {  	[sflag:s0] =	ssyncadd.remote.s32 $0x1  }
0xbd: {  	_ =	sfence.sel $0xFFFF  }
0xbe: {  	[dreg:$0x0] =	wrdreg $0xFFFFFFFF;
	(pc) =	sbr.abs _section_cstart, $3  }
0xbf: {  	[dreg:$0x1] =	wrdreg $0xFFFFFFFF  }
0xc0: {  	_ =	task.clear_ibuf [dreg:s6], $0x2FFFF;
	_ =	strace $0x9FFFFFFF  }
0xc1: {  	(tm) =	ssettm $0x7FFFFFFF  }
tec
execute0_lowered:
.L_overlay_start_1:
0x0: {  	(tag) =	ssettag $0x1  }
0x1: {  	s0 =	rddreg [dreg:$0x0]  }
0x2: {  	s1 =	simm.s32 $0x0;
	s3 =	srdreg.scid;
	s10 =	stileid.u32  }
0x3: {  	s5 =	simm.s32 $0x28;
	s9 =	simm.s32 $0xC;
	s17 =	simm.s32 $0x80  }
0x4: {  	s18 =	simm.s32 $0x1;
	s20 =	simm.s32 $0x0;
	[smem:$0x7FF] =	sst s1  }
0x5: {  	s2 =	sadd.s32 $0x11200, s0;
	s4 =	sadd.s32 $0x7200, s0;
	s3 =	sand.u32 $0x1, s3  }
0x6: {  	s12 =	sadd.s32 $0x2FE000, s0;
	s7 =	sshll.u32 s10, $0x5;
	p0 =	seq.s32 s10, $0x0  }
0x7: {  	s24 =	sshll.u32 s10, $0x8;
	s11 =	sshll.u32 s10, $0xC;
	_ =	strace $0x8000004D  }
0x8: {  	s22 =	ssub.s32 $0x2, s3;
	s8 =	sshll.u32 s3, $0x4;
	s5 =	simm.s32 @!p0 $0x27  }
0x9: {  	s25 =	sshll.u32 s3, $0x7;
	s9 =	simm.s32 @!p0 $0xB;
	s7 =	sor.u32 s8, s7  }
0xa: {  	s3 =	sshll.u32 s3, $0xB;
	s6 =	sshrl.u32 s22, $0x1;
	s23 =	sadd.s32 s4, s7  }
0xb: {  	s13 =	smov.u32 s12;
	s0 =	ssub.s32 s22, s6;
	s6 =	sadd.s32 $0x200, s23  }
0xc: {  	s8 =	simm.s32 $0xB;
	[dreg:$0x3] =	wrdreg s6;
	s6 =	sor.u32 s25, s24  }
0xd: {  	s11 =	sor.u32 s3, s11;
	s28 =	sadd.s32 $0xFFFFFFFE, s5;
	s7 =	sor.u32 $0x3000, s6  }
0xe: {  	s8 =	simm.s32 @!p0 $0xA;
	[dreg:$0x5] =	wrdreg s28;
	s7 =	sshrl.u32 s7, $0x3  }
0xf: {  	s29 =	sor.u32 $0x20000, s11;
	s0 =	smax.u32 s0, $0x1;
	s26 =	sadd.s32 s7, s4  }
0x10: {  	s30 =	sshrl.u32 s11, $0x3;
	[dreg:$0x4] =	wrdreg s0;
	s0 =	ssub.s32 $0x200, s26  }
0x11: {  	s6 =	sor.u32 $0x2000, s6;
	[dreg:$0x6] =	wrdreg s0;
	s0 =	sshrl.u32 s29, $0x3  }
0x12: {  	[dreg:$0x2] =	wrdreg s23;
	s31 =	sshrl.u32 s6, $0x3;
	s0 =	sadd.s32 s0, s12  }
0x13: {  	s19 =	sadd.s32 s30, s12;
	s16 =	sadd.s32 s31, s4;
	s15 =	ssub.s32 $0x2000, s0  }
.LBB2_1:
0x14: {  	s0 =	rddreg [dreg:$0x2]  }
0x15: {  	s14 =	rddreg [dreg:$0x3]  }
0x16: {  	s21 =	simm.s32 $0x200;
	p0 =	por $0x1, $0x1;
	s4 =	simm.s32 $0x2  }
0x17: {  	[tilespmem:s1], [sflag:$0x1] =	stream.linear.gather [hbm4b:s0+s1], $0x80, $0x38;
	[tilespmem:$0x2200] =	vst v63  }
0x18: {  	s22 =	simm.s32 $0x1;
	s26 =	sadd.s32 $0x200, s16;
	s0 =	simm.s32 $0x0  }
0x19: {  	[tilespmem:s17], [sflag:$0x2] =	stream.linear.gather [hbm4b:s14+s1], $0x80, $0x38;
	[tilespmem:$0x2200] =	vst v63  }
0x1a: {  	s31 =	sadd.s32 $0x2000, s19;
	s3 =	sand.u32 @!p0 $0x3, s0;
	_ =	swait.ge [sflag:s18], $0x80  }
0x1b: {  	s23 =	sand.u32 $0x3, s4;
	s3 =	sxor.u32 @!p0 $0x2, s3;
	[sflag:s18] =	ssyncset.done $0x0  }
0x1c: {  	s28 =	sand.u32 $0x3, s22;
	s3 =	sadd.s32 @!p0 $0x9, s3;
	[sflag:s18] =	ssyncadd.s32 $0xFFFFFF80  }
0x1d: {  	[tilespmem:s21], [sflag:$0x5] =	stream.indirect.gather [hbm4b:s2+s17], $0x10, s1, s17, $0xb8;
	[tilespmem:$0x2200] =	vst v63  }
0x1e: {  	s22 =	simm.s32 $0x3;
	s25 =	sshll.u32 s23, $0x7;
	_ =	swait.ge @!p0 [sflag:s3], $0x800  }
0x1f: {  	s30 =	sadd.s32 $0x1, s23;
	s4 =	sadd.s32 $0x1, s28;
	[sflag:s3] =	ssyncset.done @!p0 $0x0  }
0x20: {  	s0 =	sand.u32 $0x3, s0;
	s6 =	sshll.u32 s28, $0xB;
	[sflag:s3] =	ssyncadd.s32 @!p0 $0xFFFFF800  }
0x21: {  	[tilespmem:s25], [sflag:s30] =	stream.linear.gather [hbm4b:s16+s1], $0x80, $0x38;
	[tilespmem:$0x2200] =	vst v63  }
0x22: {  	s24 =	sshll.u32 s28, $0x7;
	p0 =	sne.s32 s5, $0x3;
	_ =	swait.ge [sflag:s4], $0x80  }
.Ltmp0:
0x23: {  	s7 =	sor.u32 $0x200, s6;
	[sflag:s4] =	ssyncset.done $0x0;
	(pc) =	sbr.rel @!p0 .LBB2_3-.Ltmp0, $4  }
0x24: {  	s6 =	sadd.s32 $0x5, s0;
	s3 =	sadd.s32 $0x5, s28;
	[sflag:s4] =	ssyncadd.s32 $0xFFFFFF80  }
0x25: {  	[tilespmem:s7], [sflag:s3] =	stream.indirect.gather [hbm4b:s2+s17], $0x10, s24, s17, $0xb8;
	[tilespmem:$0x2200] =	vst v63  }
0x26: {  	s14 =	smov.u32 s19;
	s21 =	sadd.s32 $0xFFFFE000, s15;
	_ =	swait.ge [sflag:s6], $0x800  }
0x27: {  	s4 =	sshll.u32 s0, $0xB;
	s24 =	sadd.s32 $0x10000, s11;
	s29 =	rddreg [dreg:$0x6]  }
.LBB2_2:
0x28: {  	[sflag:s6] =	ssyncset.done $0x0;
	s29 =	sadd.s32 $0xFFFFFE00, s29;
	s3 =	smov.u32 s22  }
0x29: {  	s22 =	sadd.s32 $0x1, s22;
	s7 =	smov.u32 s26;
	s23 =	smov.u32 s14  }
0x2a: {  	s10 =	sadd.s32 $0xFFFFFFFE, s3;
	p0 =	sne.s32 s5, s22;
	[sflag:s6] =	ssyncadd.s32 $0xFFFFF800  }
0x2b: {  	s14 =	smov.u32 s31;
	p1 =	slt.u32 s10, $0x2  }
0x2c: {  	s6 =	sand.u32 @!p1 $0x3, s10  }
0x2d: {  	s0 =	sadd.s32 $0x9, s0;
	s4 =	sor.u32 $0x200, s4;
	s6 =	sxor.u32 @!p1 $0x2, s6  }
0x2e: {  	s26 =	sadd.s32 $0x200, s26;
	s6 =	sadd.s32 @!p1 $0x9, s6  }
0x2f: {  	[hbm4b:s23+s1] =	stream.linear.scatter [tilespmem:s4], [sflag:s0], $0x800, $0x38;
	[tilespmem:$0x2200] =	vst v63  }
0x30: {  	s23 =	sand.u32 $0x3, s3;
	s0 =	sadd.s32 $0xFFFFFFFF, s3;
	_ =	swait.ge @!p1 [sflag:s6], $0x800  }
0x31: {  	s25 =	sshll.u32 s23, $0x7;
	s30 =	sadd.s32 $0x1, s23;
	[sflag:s6] =	ssyncset.done @!p1 $0x0  }
0x32: {  	s28 =	sand.u32 $0x3, s0;
	s0 =	sand.u32 $0x3, s10;
	[sflag:s6] =	ssyncadd.s32 @!p1 $0xFFFFF800  }
0x33: {  	[tilespmem:s25], [sflag:s30] =	stream.linear.gather [hbm4b:s7+s1], $0x80, $0x38;
	[tilespmem:$0x2200] =	vst v63  }
0x34: {  	s10 =	sadd.s32 $0x1, s28;
	s4 =	sshll.u32 s28, $0xB;
	s3 =	sadd.s32 $0x5, s28  }
.Ltmp1:
0x35: {  	s7 =	sor.u32 $0x200, s4;
	_ =	swait.ge [sflag:s10], $0x80;
	(pc) =	sbr.rel @p0 .LBB2_2-.Ltmp1, $4  }
0x36: {  	s6 =	sadd.s32 $0x5, s0;
	s4 =	sshll.u32 s0, $0xB;
	[sflag:s10] =	ssyncset.done $0x0  }
0x37: {  	s21 =	sadd.s32 $0xFFFFE000, s21;
	s12 =	sshll.u32 s28, $0x7;
	[sflag:s10] =	ssyncadd.s32 $0xFFFFFF80  }
0x38: {  	[tilespmem:s7], [sflag:s3] =	stream.indirect.gather [hbm4b:s2+s17], $0x10, s12, s17, $0xb8;
	[tilespmem:$0x2200] =	vst v63  }
0x39: {  	s31 =	sadd.s32 $0x2000, s31;
	s24 =	sadd.s32 $0x10000, s24;
	_ =	swait.ge [sflag:s6], $0x800  }
.LBB2_3:
0x3a: {  	[sflag:s6] =	ssyncset.done $0x0;
	s0 =	sadd.s32 $0x9, s0  }
0x3b: {  	s4 =	sor.u32 $0x200, s4;
	p0 =	seq.s32 s22, $0x3;
	[sflag:s6] =	ssyncadd.s32 $0xFFFFF800  }
0x3c: {  	[hbm4b:s14+s1] =	stream.linear.scatter [tilespmem:s4], [sflag:s0], $0x800, $0x38;
	[tilespmem:$0x2200] =	vst v63  }
0x3d: {  	s0 =	sxor.u32 @!p0 $0x2, s28  }
0x3e: {  	s0 =	sadd.s32 @!p0 $0x9, s0  }
0x3f: {  	p1 =	sge.u32 s22, s5;
	_ =	swait.ge @!p0 [sflag:s0], $0x800  }
0x40: {  	s10 =	simm.s32 @!p1 $0x0;
	[sflag:s0] =	ssyncset.done @!p0 $0x0  }
0x41: {  	s4 =	sand.u32 @!p1 $0x3, s22;
	[sflag:s0] =	ssyncadd.s32 @!p0 $0xFFFFF800;
	s0 =	sadd.s32 $0xFFFFFE00, s29  }
0x42: {  	s6 =	sshll.u32 @!p1 s4, $0x7;
	s4 =	sadd.s32 @!p1 $0x1, s4;
	s0 =	ssub.s32 @!p1 $0x0, s0  }
0x43: {  	[tilespmem:s6], [sflag:s4] =	stream.linear.gather @!p1 [hbm4b:s0+s10], $0x80, $0x38;
	[tilespmem:$0x2200] =	vst v63  }
0x44: {  	_ =	swait.ge [sflag:s30], $0x80  }
0x45: {  	s10 =	sshll.u32 s23, $0xB;
	[sflag:s30] =	ssyncset.done $0x0  }
0x46: {  	s12 =	sadd.s32 $0x5, s23;
	s0 =	sor.u32 $0x200, s10;
	[sflag:s30] =	ssyncadd.s32 $0xFFFFFF80  }
0x47: {  	[tilespmem:s0], [sflag:s12] =	stream.indirect.gather [hbm4b:s2+s17], $0x10, s25, s17, $0xb8;
	[tilespmem:$0x2200] =	vst v63  }
0x48: {  	s14 =	sshrl.u32 s24, $0x3;
	_ =	swait.ge [sflag:s3], $0x800  }
0x49: {  	s24 =	sadd.s32 $0x9, s28;
	s25 =	sxor.u32 $0x2, s23;
	[sflag:s3] =	ssyncset.done $0x0  }
0x4a: {  	s6 =	sadd.s32 s13, s14;
	[sflag:s3] =	ssyncadd.s32 $0xFFFFF800;
	s3 =	sadd.s32 $0x9, s25  }
0x4b: {  	[hbm4b:s6+s1] =	stream.linear.scatter [tilespmem:s7], [sflag:s24], $0x800, $0x38;
	[tilespmem:$0x2200] =	vst v63  }
0x4c: {  	_ =	swait.ge [sflag:s3], $0x800  }
0x4d: {  	s26 =	sadd.s32 $0xFFFFFFFE, s22;
	s28 =	rddreg [dreg:$0x5]  }
0x4e: {  	[sflag:s3] =	ssyncset.done $0x0;
	p0 =	sge.u32 s26, s28  }
0x4f: {  	[sflag:s3] =	ssyncadd.s32 $0xFFFFF800;
	s3 =	simm.s32 @!p0 $0x4  }
0x50: {  	_ =	swait.ge @!p0 [sflag:s3], $0x80  }
0x51: {  	s6 =	simm.s32 @!p0 $0x180;
	[sflag:s3] =	ssyncset.done @!p0 $0x0  }
0x52: {  	s7 =	simm.s32 @!p0 $0x1A00;
	[sflag:s3] =	ssyncadd.s32 @!p0 $0xFFFFFF80;
	s3 =	simm.s32 @!p0 $0x80  }
0x53: {  	[tilespmem:s7], [sflag:$0x8] =	stream.indirect.gather @!p0 [hbm4b:s2+s3], $0x10, s6, s3, $0xb8;
	[tilespmem:$0x2200] =	vst v63  }
0x54: {  	_ =	swait.ge [sflag:s12], $0x800  }
0x55: {  	[sflag:s12] =	ssyncset.done $0x0  }
0x56: {  	s29 =	sadd.s32 $0x9, s23;
	s30 =	ssub.s32 $0x0, s21;
	[sflag:s12] =	ssyncadd.s32 $0xFFFFF800  }
0x57: {  	[hbm4b:s30+s1] =	stream.linear.scatter [tilespmem:s0], [sflag:s29], $0x800, $0x38;
	[tilespmem:$0x2200] =	vst v63  }
0x58: {  	_ =	swait.ge [sflag:s8], $0x800  }
0x59: {  	[sflag:s8] =	ssyncset.done $0x0  }
0x5a: {  	[sflag:s8] =	ssyncadd.s32 $0xFFFFF800  }
0x5b: {  	_ =	swait.ge [sflag:s9], $0x800  }
0x5c: {  	s20 =	sadd.s32 $0x1, s20;
	s31 =	rddreg [dreg:$0x4]  }
0x5d: {  	p0 =	sne.s32 s20, s31  }
.Ltmp2:
0x5e: {  	_ = 	snop;
	(pc) =	sbr.rel @p0 .LBB2_1-.Ltmp2, $3  }
0x5f: {  	_ =	sdelay $0x1  }
0x60: {  	[sflag:s9] =	ssyncset.done $0x0  }
0x61: {  	[sflag:s9] =	ssyncadd.s32 $0xFFFFF800  }
0x62: {  	_ =	sfence.sel $0x180000  }
0x63: {  	[bflag:$0x0] =	sbarrier.arrive $0xFFFF  }
0x64: {  	_ =	strace $0x9000004D  }
0x65: {  	s0 =	stileid.u32;
	[bflag:$0x2] =	sbarrier.arrive $0xFFFF  }
0x66: {  	p0 =	sne.s32 s0, $0x0;
	s0 =	rddreg [dreg:$0x1]  }
0x67: {  	s0 =	sadd.s32 @!p0 $0x100000, s0  }
0x68: {  	[sflag:s0] =	ssyncadd.tile.s32 @!p0 $0x1;
	_ =	shalt  }
.Lfunc_end2:
_tile_overlayer_lowered:
.L_overlay_start_2:
0x69: {  	(tag) =	ssettag $0x2  }
0x6a: {  	s0 =	rddreg [dreg:$0x0];
	s2 =	stileid.u32  }
0x6b: {  	s1 =	rddreg [dreg:$0x1];
	p0 =	sne.s32 s2, $0x0  }
0x6c: {  	s3 =	rddreg [dreg:$0x2];
	[bflag:$0x3] =	sbarrier.arrive $0xFFFF;
	s2 =	simm.s32 @!p0 $0x1C0D  }
0x6d: {  	[timem:s3], [sflag:s2] =	dma.local @!p0 [hbm:s0], s1  }
0x6e: {  	s0 =	simm.s32 @!p0 $0xD  }
0x6f: {  	_ =	swait.ge @!p0 [sflag:s0], s1  }
0x70: {  	s1 =	ssub.s32 @!p0 $0x0, s1;
	[sflag:s0] =	ssyncset.done @!p0 $0x0  }
0x71: {  	[sflag:s0] =	ssyncadd.s32 @!p0 s1  }
0x72: {  	[bflag:$0x3] =	sbarrier.arrive $0xFFFF  }
0x73: {  	_ =	shalt  }

// kernel: kernel.25.cloned.1.call-start
scs
__scs_entry_jumppad:
0x0: {  	(pc) =	sbr.rel $0x88, $3  }
0x1: {  	(tag) =	ssettag $0x0;
	lr =	simm.s32 $0x1  }
0x2: {  	[smem:$0x3F8A] =	sst lr;
	_ =	strace $0xD0000000  }
0x3: {  	_ = 	snop  }
0x4: {  	_ = 	snop  }
0x5: {  	_ = 	snop  }
0x6: {  	_ = 	snop  }
0x7: {  	_ = 	snop  }
__scs_overlays_trampoline_lowered:
0x8: {  	[smem:$0x3F99] =	sst s0  }
0x9: {  	[smem:$0x3F9A] =	sst s1  }
0xa: {  	[smem:$0x3F9B] =	sst s2  }
0xb: {  	[smem:$0x3F9C] =	sst s3  }
0xc: {  	[smem:$0x3F9D] =	sst s4  }
0xd: {  	[smem:$0x3F9E] =	sst s5  }
0xe: {  	[smem:$0x3F9F] =	sst s6  }
0xf: {  	[smem:$0x3FA0] =	sst s7  }
0x10: {  	[smem:$0x3FA1] =	sst s8  }
0x11: {  	[smem:$0x3FA2] =	sst s9;
	s0 =	simm.s32 @!p0 $0x0  }
0x12: {  	s1 =	sld [smem:$0x3F88];
	s0 =	simm.s32 @p0 $0x1  }
0x13: {  	[smem:$0x3FA3] =	sst s0;
	s0 =	simm.s32 @!p1 $0x0  }
0x14: {  	s2 =	sld [smem:$0x3F87];
	s0 =	simm.s32 @p1 $0x1  }
0x15: {  	[smem:$0x3FA4] =	sst s0;
	s0 =	simm.s32 @!p2 $0x0  }
0x16: {  	s3 =	sld [smem:$0x3FDB];
	s0 =	simm.s32 @p2 $0x1  }
0x17: {  	s4 =	simm.s32 $0x1BF5;
	[smem:$0x3FA6] =	sst s0  }
0x18: {  	s0 =	sld [smem:$0x3F89];
	_ =	swait.ge [sflag:s4], $0x0  }
0x19: {  	s7 =	sld [smem:$0x3F8A]  }
0x1a: {  	s8 =	sadd.s32 $0xFFFFE003, lr  }
0x1b: {  	s9 =	sadd.s32 $0xFFFFFEF7, lr;
	s5 =	simm.s32 $0xFFFFFFFF;
	p2 =	slt.u32 s8, $0xFFFFF086  }
0x1c: {  	p1 =	slt.u32 s9, $0xF7A;
	s5 =	simm.s32 @!p2 $0x0  }
0x1d: {  	s5 =	simm.s32 @p1 $0x1;
	p0 =	seq.s32 s7, s2  }
0x1e: {  	s7 =	smul.u32 @!p0 $0xF7A, s2;
	p2 =	seq.s32 @!p0 s5, $0x0  }
0x1f: {  	s9 =	smul.u32 $0xF7A, s1;
	s8 =	simm.s32 @!p0 $0x1BF5;
	p2 =	por !p2, p0  }
0x20: {  	[sflag:s8] =	ssyncset.s32 @!p0 $0xFFFFF086;
	s6 =	sadd.s32 @!p0 s3, s7;
	s7 =	simm.s32 @!p0 $0x108  }
0x21: {  	s3 =	sadd.s32 s3, s9;
	s6 =	sadd.s32 @!p0 $0x88, s6;
	s7 =	simm.s32 @p2 $0x1082  }
0x22: {  	[simem:s7], [sflag:s8] =	dma.local @!p0 [hbm:s6], $0xF7A  }
0x23: {  	s9 =	sor.u32 $0xD0000000, s2;
	s6 =	simm.s32 $0x108;
	_ =	swait.ge @!p0 [sflag:s8], $0x0  }
0x24: {  	s3 =	sadd.s32 $0x88, s3;
	s6 =	simm.s32 @!p1 $0x1082;
	[sflag:s4] =	ssyncset.s32 $0xFFFFF086  }
0x25: {  	[simem:s6], [sflag:s4] =	dma.local [hbm:s3], $0xF7A  }
0x26: {  	[smem:$0x3F8A] =	sst s1;
	(tag) =	ssettag s2;
	_ =	strace s9  }
0x27: {  	s1 =	sld [smem:$0x3F9A]  }
0x28: {  	s2 =	sld [smem:$0x3F9B]  }
0x29: {  	s4 =	sld [smem:$0x3F9D]  }
0x2a: {  	p0 =	seq.s32 s5, $0x0;
	s5 =	sld [smem:$0x3F9E]  }
0x2b: {  	s6 =	sld [smem:$0x3F9F]  }
0x2c: {  	s7 =	sld [smem:$0x3FA0]  }
0x2d: {  	s3 =	simm.s32 $0x108;
	s8 =	sld [smem:$0x3FA1]  }
0x2e: {  	s3 =	simm.s32 @!p0 $0x1082;
	s9 =	sld [smem:$0x3FA2]  }
0x2f: {  	lr =	sadd.s32 s0, s3;
	s0 =	sld [smem:$0x3F99]  }
0x30: {  	s3 =	sld [smem:$0x3F9C]  }
0x31: {  	[smem:$0x3FA5] =	sst s10  }
0x32: {  	s10 =	sld [smem:$0x3FA3];
	_ =	sdelay $0x3  }
0x33: {  	p0 =	seq.s32 s10, $0x1;
	s10 =	sld [smem:$0x3FA5];
	_ =	sdelay $0x3  }
0x34: {  	[smem:$0x3FA5] =	sst s10  }
0x35: {  	s10 =	sld [smem:$0x3FA4];
	_ =	sdelay $0x3  }
0x36: {  	p1 =	seq.s32 s10, $0x1;
	s10 =	sld [smem:$0x3FA5];
	_ =	sdelay $0x3  }
0x37: {  	[smem:$0x3FA5] =	sst s10  }
0x38: {  	s10 =	sld [smem:$0x3FA6]  }
0x39: {  	_ = 	snop;
	(pc) =	sbr.ind lr, $3  }
0x3a: {  	_ = 	snop  }
0x3b: {  	_ = 	snop  }
0x3c: {  	p2 =	seq.s32 s10, $0x1;
	s10 =	sld [smem:$0x3FA5]  }
0x3d: {  	_ =	shalt  }
0x3e: {  	_ =	shalt  }
0x3f: {  	_ =	shalt  }
0x40: {  	_ =	shalt  }
0x41: {  	_ =	shalt  }
0x42: {  	_ =	shalt  }
0x43: {  	_ =	shalt  }
0x44: {  	_ =	shalt  }
0x45: {  	_ =	shalt  }
0x46: {  	_ =	shalt  }
0x47: {  	_ =	shalt  }
0x48: {  	_ =	shalt  }
0x49: {  	_ =	shalt  }
0x4a: {  	_ =	shalt  }
0x4b: {  	_ =	shalt  }
0x4c: {  	_ =	shalt  }
0x4d: {  	_ =	shalt  }
0x4e: {  	_ =	shalt  }
0x4f: {  	_ =	shalt  }
0x50: {  	_ =	shalt  }
0x51: {  	_ =	shalt  }
0x52: {  	_ =	shalt  }
0x53: {  	_ =	shalt  }
0x54: {  	_ =	shalt  }
0x55: {  	_ =	shalt  }
0x56: {  	_ =	shalt  }
0x57: {  	_ =	shalt  }
0x58: {  	_ =	shalt  }
0x59: {  	_ =	shalt  }
0x5a: {  	_ =	shalt  }
0x5b: {  	_ =	shalt  }
0x5c: {  	_ =	shalt  }
0x5d: {  	_ =	shalt  }
0x5e: {  	_ =	shalt  }
0x5f: {  	_ =	shalt  }
0x60: {  	_ =	shalt  }
0x61: {  	_ =	shalt  }
0x62: {  	_ =	shalt  }
0x63: {  	_ =	shalt  }
0x64: {  	_ =	shalt  }
0x65: {  	_ =	shalt  }
0x66: {  	_ =	shalt  }
0x67: {  	_ =	shalt  }
0x68: {  	_ =	shalt  }
0x69: {  	_ =	shalt  }
0x6a: {  	_ =	shalt  }
0x6b: {  	_ =	shalt  }
0x6c: {  	_ =	shalt  }
0x6d: {  	_ =	shalt  }
0x6e: {  	_ =	shalt  }
0x6f: {  	_ =	shalt  }
0x70: {  	_ =	shalt  }
0x71: {  	_ =	shalt  }
0x72: {  	_ =	shalt  }
0x73: {  	_ =	shalt  }
0x74: {  	_ =	shalt  }
0x75: {  	_ =	shalt  }
0x76: {  	_ =	shalt  }
0x77: {  	_ =	shalt  }
0x78: {  	_ =	shalt  }
0x79: {  	_ =	shalt  }
0x7a: {  	_ =	shalt  }
0x7b: {  	_ =	shalt  }
0x7c: {  	_ =	shalt  }
0x7d: {  	_ =	shalt  }
0x7e: {  	_ =	shalt  }
0x7f: {  	_ =	shalt  }
0x80: {  	_ =	shalt  }
0x81: {  	_ =	shalt  }
0x82: {  	_ =	shalt  }
0x83: {  	_ =	shalt  }
0x84: {  	_ =	shalt  }
0x85: {  	_ =	shalt  }
0x86: {  	_ =	shalt  }
0x87: {  	_ =	shalt  }
.Lfunc_end0:
.L_simem_size_0:
called_computation.3_lowered:
.L_overlay_start_0:
0x88: {  	s2 =	sld [smem:$0x3FD9]  }
0x89: {  	s3 =	sld [smem:$0x3FFE];
	_ =	sdelay $0x1  }
0x8a: {  	s1 =	srdreg.scid  }
0x8b: {  	s0 =	sand.u32 $0x1, s1  }
0x8c: {  	s16 =	sshll.u32 s0, $0xA;
	s2 =	sadd.s32 s3, s2  }
0x8d: {  	s2 =	sadd.s32 s2, s16  }
0x8e: {  	[smem:$0x3FB1] =	sst s2  }
0x8f: {  	_ = 	snop  }
0x90: {  	(tm) =	ssettm $0x1  }
0x91: {  	s17 =	sld [smem:$0x3FFB];
	_ =	sdelay $0x3  }
0x92: {  	_ =	strace s17  }
0x93: {  	s2 =	sld [smem:$0x3FFC];
	_ =	sdelay $0x3  }
0x94: {  	_ =	strace s2  }
0x95: {  	s2 =	sld [smem:$0x3FFD];
	_ =	sdelay $0x3  }
0x96: {  	_ =	strace s2  }
0x97: {  	_ =	strace $0x8FFFFFFF  }
0x98: {  	s18 =	sld [smem:$0x3FDB];
	_ =	sdelay $0x1  }
0x99: {  	s19 =	simm.s32 $_scs_section_size  }
0x9a: {  	s4 =	simm.s32 $_size__tile_overlayer_lowered;
	s5 =	simm.s32 $_tile_overlayer_lowered  }
0x9b: {  	s22 =	simm.s32 $0x1BFF;
	s21 =	sshll.u32 s5, $0x1;
	s2 =	sadd.s32 s19, s18  }
0x9c: {  	s6 =	simm.s32 $0x0;
	s20 =	sshll.u32 s4, $0x1;
	s4 =	sadd.s32 s21, s2  }
0x9d: {  	[timem:s6], [sflag:s22] =	dma.local [hbm:s4], s20  }
0x9e: {  	_ =	swait.ge [sflag:s22], s20  }
0x9f: {  	s3 =	ssub.s32 $0x0, s20;
	[sflag:s22] =	ssyncset.done $0x0  }
0xa0: {  	[sflag:s22] =	ssyncadd.s32 s3;
	_ =	sdelay $0x1  }
0xa1: {  	s23 =	simm.s32 $0x1B8B  }
0xa2: {  	_ =	swait.ge [sflag:s23], $0x1  }
0xa3: {  	[sflag:s23] =	ssyncset.done $0x0  }
0xa4: {  	s25 =	simm.s32 $0x1B8E;
	s24 =	sld [smem:$0x3FFE];
	[sflag:s23] =	ssyncadd.s32 $0xFFFFFFFF  }
0xa5: {  	s26 =	simm.s32 $execute0_lowered;
	[smem:$0x3FD2] =	sst s25  }
0xa6: {  	s4 =	sshll.u32 s26, $0x1;
	_ =	strace $0x8000004F;
	[dreg:$0x1] =	wrdreg $0xFFFFFFFF  }
0xa7: {  	s28 =	simm.s32 $_size_execute0_lowered;
	s2 =	sadd.s32 s2, s4;
	[dreg:$0x0] =	wrdreg $0x0  }
0xa8: {  	s4 =	sshll.u32 s28, $0x1;
	[dreg:$0x2] =	wrdreg s2  }
0xa9: {  	[dreg:$0x3] =	wrdreg s4  }
0xaa: {  	[dreg:$0x4] =	wrdreg $0xC0  }
0xab: {  	_ =	task [dreg:s6], $0x5FFFF  }
0xac: {  	[dreg:$0x1] =	wrdreg $0xFFFFFFFF  }
0xad: {  	[dreg:$0x0] =	wrdreg $0x60  }
0xae: {  	[dreg:$0x2] =	wrdreg s24  }
0xaf: {  	[dreg:$0x3] =	wrdreg $0x0  }
0xb0: {  	[dreg:$0x4] =	wrdreg $0x9  }
0xb1: {  	_ =	task.clear_ibuf [dreg:s6], $0x5FFFF;
	_ =	strace $0x9000004F  }
0xb2: {  	s29 =	simm.s32 $0x9;
	_ =	strace $0x80000051  }
0xb3: {  	_ =	swait.ge [sflag:s29], $0x1  }
0xb4: {  	[sflag:s29] =	ssyncadd.s32 $0xFFFFFFFF  }
0xb5: {  	_ =	strace $0x90000051  }
0xb6: {  	_ =	sfence  }
0xb7: {  	s30 =	sld [smem:$0x0];
	_ =	sdelay $0x2  }
0xb8: {  	s31 =	sshll.u32 s1, $0xD;
	s1 =	sshrl.u32 s1, $0x2  }
0xb9: {  	s3 =	sand.u32 $0x4000, s31;
	s1 =	sadd.s32 s1, s30  }
0xba: {  	s0 =	sor.u32 s3, s0;
	s1 =	sshll.u32 s1, $0x11  }
0xbb: {  	s0 =	sor.u32 s1, s0  }
0xbc: {  	s0 =	sadd.s32 $0x8F2B, s0  }
0xbd: {  	[sflag:s0] =	ssyncadd.remote.s32 $0x1  }
0xbe: {  	_ =	sfence.sel $0xFFFF  }
0xbf: {  	[dreg:$0x0] =	wrdreg $0xFFFFFFFF;
	(pc) =	sbr.abs _section_cstart, $3  }
0xc0: {  	[dreg:$0x1] =	wrdreg $0xFFFFFFFF  }
0xc1: {  	_ =	task.clear_ibuf [dreg:s6], $0x2FFFF;
	_ =	strace $0x9FFFFFFF  }
0xc2: {  	(tm) =	ssettm $0x7FFFFFFF  }
0xc3: {  	_ =	shalt  }
tec
execute0_lowered:
.L_overlay_start_1:
0x0: {  	(tag) =	ssettag $0x1  }
0x1: {  	s0 =	rddreg [dreg:$0x0]  }
0x2: {  	s1 =	rddreg [dreg:$0x1];
	s2 =	simm.s32 $0x0;
	s3 =	srdreg.scid  }
0x3: {  	s16 =	stileid.u32;
	s14 =	simm.s32 $0xB;
	s28 =	simm.s32 $0xD  }
0x4: {  	s29 =	simm.s32 $0x2800;
	s30 =	simm.s32 $0x2A00;
	s31 =	simm.s32 $0x2880  }
0x5: {  	[smem:$0x7FF] =	sst s2;
	s3 =	sand.u32 $0x1, s3;
	s6 =	smul.u32 $0xA000, s16  }
0x6: {  	s5 =	sadd.s32 $0x2FE000, s0;
	s7 =	sadd.s32 $0xC200, s0;
	s10 =	smul.u32 $0x2800, s16  }
0x7: {  	s0 =	sadd.s32 $0x11200, s0;
	p0 =	seq.s32 s16, $0x0;
	s9 =	smul.u32 $0x271, s3  }
0x8: {  	_ =	strace $0x80000050;
	s4 =	ssub.s32 $0x2, s3;
	s15 =	smul.u32 $0x27100, s3  }
0x9: {  	s14 =	simm.s32 @!p0 $0xA;
	s8 =	sshrl.u32 s4, $0x1;
	s6 =	sshrl.u32 s6, $0x2  }
0xa: {  	s3 =	smul.u32 $0x13880, s3;
	s8 =	ssub.s32 s4, s8;
	s6 =	sadd.s32 s6, s1  }
0xb: {  	s4 =	sadd.s32 s10, s1;
	s22 =	sadd.s32 s16, s9;
	s11 =	sadd.s32 $0x800, s6  }
0xc: {  	s9 =	simm.s32 $0x28;
	s20 =	sadd.s32 $0x1000, s6;
	[dreg:$0x3] =	wrdreg s11  }
0xd: {  	s21 =	sadd.s32 $0x1800, s6;
	s6 =	sadd.s32 $0x2000, s6;
	[dreg:$0x4] =	wrdreg s20  }
0xe: {  	s23 =	sshll.u32 s22, $0x4;
	s12 =	sshll.u32 s22, $0x7;
	[dreg:$0x5] =	wrdreg s21  }
0xf: {  	s9 =	simm.s32 @!p0 $0x27;
	[dreg:$0x6] =	wrdreg s6;
	s11 =	sadd.s32 s7, s23  }
0x10: {  	s24 =	sadd.s32 $0x800, s12;
	s6 =	sshll.u32 s22, $0x8;
	s17 =	sadd.s32 $0x1000, s12  }
0x11: {  	s20 =	sadd.s32 $0x1800, s12;
	[dreg:$0x7] =	wrdreg s11;
	s13 =	sshrl.u32 s24, $0x3  }
0x12: {  	s6 =	sadd.s32 s5, s6;
	s26 =	sshll.u32 s24, $0x1;
	s11 =	sadd.s32 s10, s15  }
0x13: {  	s19 =	sshll.u32 s17, $0x1;
	s21 =	sshll.u32 s20, $0x1;
	s23 =	sshrl.u32 s17, $0x3  }
0x14: {  	s24 =	sshrl.u32 s20, $0x3;
	[dreg:$0x8] =	wrdreg s6;
	s25 =	sadd.s32 s7, s13  }
0x15: {  	s6 =	sadd.s32 s5, s26;
	s13 =	sshrl.u32 s15, $0x3;
	s15 =	sshll.u32 s16, $0x7  }
0x16: {  	s10 =	sadd.s32 s5, s19;
	s19 =	simm.s32 $0xC;
	[dreg:$0x9] =	wrdreg s25  }
0x17: {  	s26 =	smax.u32 s8, $0x1;
	s8 =	simm.s32 $0x0;
	[dreg:$0xa] =	wrdreg s6  }
0x18: {  	s6 =	sshrl.u32 s11, $0x3;
	s3 =	sadd.s32 s15, s3;
	[dreg:$0xc] =	wrdreg s10  }
0x19: {  	s10 =	sadd.s32 s5, s21;
	s19 =	simm.s32 @!p0 $0xB;
	[dreg:$0x11] =	wrdreg s26  }
0x1a: {  	s25 =	sadd.s32 s7, s24;
	p0 =	seq.s32 s16, $0xF;
	[dreg:$0xd] =	wrdreg s10  }
0x1b: {  	s26 =	simm.s32 $0x4A00;
	s6 =	sadd.s32 s0, s6;
	[dreg:$0xf] =	wrdreg s25  }
0x1c: {  	s0 =	sadd.s32 s0, s13;
	s3 =	sadd.s32 $0x2000, s3;
	[dreg:$0xb] =	wrdreg s6  }
0x1d: {  	s22 =	sshll.u32 s3, $0x1;
	s3 =	sshrl.u32 s3, $0x3;
	s0 =	sadd.s32 $0x4B00, s0  }
0x1e: {  	s6 =	simm.s32 $0x80;
	s18 =	sadd.s32 s22, s5;
	s5 =	sadd.s32 s7, s23  }
0x1f: {  	s22 =	sadd.s32 s3, s7;
	s3 =	sadd.s32 $0x25800, s1;
	[dreg:$0x10] =	wrdreg s0  }
0x20: {  	s0 =	simm.s32 $0x3200;
	s7 =	simm.s32 $0x6;
	[dreg:$0xe] =	wrdreg s5  }
0x21: {  	v0 =	vimm.f32 $0.0e+00;
	s25 =	sshrl.u32 @p0 s3, $0x3;
	s3 =	simm.s32 $0x1;
	s5 =	simm.s32 $0x5  }
.LBB2_1:
0x22: {  	s10 =	simm.s32 $0x40;
	s11 =	simm.s32 $0x0  }
.LBB2_2:
0x23: {  	p1 =	sne.s32 s10, $0x1FC0;
	[tilespmem:s11+$0x4A00] =	vst v0;
	s11 =	smov.u32 s10;
	s10 =	sadd.s32 $0x40, s10  }
.Ltmp0:
0x24: {  	(pc) =	sbr.rel @p1 .LBB2_2-.Ltmp0, $2  }
0x25: {  	_ =	sdelay $0x2  }
0x26: {  	s11 =	sshra.s32 s11, $0x2  }
0x27: {  	[tilespmem:s11+$0x4A00] =	vst v0  }
0x28: {  	[spmem:s4] =	stream.linear.scatter [tilespmem:s26], [sflag:$0xD], $0x800, $0x38;
	[tilespmem:$0x5200] =	vst v63  }
0x29: {  	_ =	swait.ge [sflag:s28], $0x800  }
0x2a: {  	[sflag:s28] =	ssyncset.done $0x0  }
0x2b: {  	s10 =	rddreg [dreg:$0x3];
	[sflag:s28] =	ssyncadd.s32 $0xFFFFF800  }
0x2c: {  	[spmem:s10] =	stream.linear.scatter [tilespmem:s26], [sflag:$0xD], $0x800, $0x38;
	[tilespmem:$0x5200] =	vst v63  }
0x2d: {  	_ =	swait.ge [sflag:s28], $0x800  }
0x2e: {  	[sflag:s28] =	ssyncset.done $0x0  }
0x2f: {  	s12 =	rddreg [dreg:$0x4];
	[sflag:s28] =	ssyncadd.s32 $0xFFFFF800  }
0x30: {  	[spmem:s12] =	stream.linear.scatter [tilespmem:s26], [sflag:$0xD], $0x800, $0x38;
	[tilespmem:$0x5200] =	vst v63  }
0x31: {  	_ =	swait.ge [sflag:s28], $0x800  }
0x32: {  	[sflag:s28] =	ssyncset.done $0x0  }
0x33: {  	s13 =	rddreg [dreg:$0x5];
	[sflag:s28] =	ssyncadd.s32 $0xFFFFF800  }
0x34: {  	[spmem:s13] =	stream.linear.scatter [tilespmem:s26], [sflag:$0xD], $0x800, $0x38;
	[tilespmem:$0x5200] =	vst v63  }
0x35: {  	_ =	swait.ge [sflag:s28], $0x800  }
0x36: {  	[sflag:s28] =	ssyncset.done $0x0  }
0x37: {  	s15 =	rddreg [dreg:$0x6];
	[sflag:s28] =	ssyncadd.s32 $0xFFFFF800  }
0x38: {  	[spmem:s15] =	stream.linear.scatter [tilespmem:s26], [sflag:$0xD], $0x800, $0x38;
	[tilespmem:$0x5200] =	vst v63  }
0x39: {  	_ =	swait.ge [sflag:s28], $0x800  }
0x3a: {  	[sflag:s28] =	ssyncset.done $0x0  }
0x3b: {  	[sflag:s28] =	ssyncadd.s32 $0xFFFFF800  }
0x3c: {  	[bflag:$0x0] =	sbarrier.arrive $0xFFFF  }
0x3d: {  	s16 =	rddreg [dreg:$0x7]  }
0x3e: {  	[tilespmem:s29], [sflag:$0x1] =	stream.linear.gather [hbm4b:s16+s2], $0x80, $0x38;
	[tilespmem:$0x5200] =	vst v63  }
0x3f: {  	s17 =	rddreg [dreg:$0x8]  }
0x40: {  	[tilespmem:s30], [sflag:$0x5] =	stream.linear.gather [hbm4b:s17+s2], $0x800, $0x38;
	[tilespmem:$0x5200] =	vst v63  }
0x41: {  	s20 =	rddreg [dreg:$0x9]  }
0x42: {  	[tilespmem:s31], [sflag:$0x2] =	stream.linear.gather [hbm4b:s20+s2], $0x80, $0x38;
	[tilespmem:$0x5200] =	vst v63  }
0x43: {  	s21 =	rddreg [dreg:$0xa]  }
0x44: {  	[tilespmem:s0], [sflag:$0x6] =	stream.linear.gather [hbm4b:s21+s2], $0x800, $0x38;
	[tilespmem:$0x5200] =	vst v63  }
0x45: {  	s24 =	simm.s32 $0x2900;
	s23 =	rddreg [dreg:$0xe]  }
0x46: {  	[tilespmem:s24], [sflag:$0x3] =	stream.linear.gather [hbm4b:s23+s2], $0x80, $0x38;
	[tilespmem:$0x5200] =	vst v63  }
0x47: {  	s12 =	simm.s32 $0x3A00;
	s11 =	rddreg [dreg:$0xc]  }
0x48: {  	[tilespmem:s12], [sflag:$0x7] =	stream.linear.gather [hbm4b:s11+s2], $0x800, $0x38;
	[tilespmem:$0x5200] =	vst v63  }
0x49: {  	_ =	swait.ge [sflag:s3], $0x80  }
0x4a: {  	[sflag:s3] =	ssyncset.done $0x0  }
0x4b: {  	[sflag:s3] =	ssyncadd.s32 $0xFFFFFF80  }
0x4c: {  	_ =	swait.ge [sflag:s5], $0x800  }
0x4d: {  	[sflag:s5] =	ssyncset.done $0x0  }
0x4e: {  	[sflag:s5] =	ssyncadd.s32 $0xFFFFF800  }
0x4f: {  	[spmem:s1] =	stream.indirect.scatter.add.f32 [tilespmem:s30], [sflag:$0x9], $0x10, s29, s6, $0xb8;
	[tilespmem:$0x5200] =	vst v63  }
0x50: {  	s15 =	simm.s32 $0x2980;
	s13 =	rddreg [dreg:$0xf]  }
0x51: {  	[tilespmem:s15], [sflag:$0x4] =	stream.linear.gather [hbm4b:s13+s2], $0x80, $0x38;
	[tilespmem:$0x5200] =	vst v63  }
0x52: {  	s17 =	simm.s32 $0x4200;
	s20 =	simm.s32 $0x2;
	s16 =	rddreg [dreg:$0xd]  }
0x53: {  	[tilespmem:s17], [sflag:$0x8] =	stream.linear.gather [hbm4b:s16+s2], $0x800, $0x38;
	[tilespmem:$0x5200] =	vst v63  }
0x54: {  	_ =	swait.ge [sflag:s20], $0x80  }
0x55: {  	[sflag:s20] =	ssyncset.done $0x0  }
0x56: {  	[sflag:s20] =	ssyncadd.s32 $0xFFFFFF80  }
0x57: {  	s12 =	sand.u32 $0x3, s20;
	_ =	swait.ge [sflag:s7], $0x800  }
0x58: {  	p1 =	sle.u32 s9, $0x4;
	s10 =	sxor.u32 $0x2, s12;
	[sflag:s7] =	ssyncset.done $0x0  }
0x59: {  	s11 =	simm.s32 $0x4;
	s10 =	sadd.s32 $0x9, s10;
	[sflag:s7] =	ssyncadd.s32 $0xFFFFF800  }
0x5a: {  	[spmem:s1] =	stream.indirect.scatter.add.f32 [tilespmem:s0], [sflag:$0xA], $0x10, s31, s6, $0xb8;
	[tilespmem:$0x5200] =	vst v63  }
0x5b: {  	s11 =	sand.u32 @!p1 $0x3, s11;
	s13 =	simm.s32 @!p1 $0x0;
	_ =	swait.ge [sflag:s10], $0x800  }
0x5c: {  	s15 =	sshll.u32 @!p1 s11, $0x7;
	s16 =	sadd.s32 @!p1 $0x1, s11;
	[sflag:s10] =	ssyncset.done $0x0  }
0x5d: {  	[sflag:s10] =	ssyncadd.s32 $0xFFFFF800;
	s10 =	sor.u32 @!p1 $0x2800, s15;
	s15 =	sshll.u32 @!p1 s11, $0xB  }
0x5e: {  	[tilespmem:s10], [sflag:s16] =	stream.linear.gather @!p1 [hbm4b:s22+s13], $0x80, $0x38;
	[tilespmem:$0x5200] =	vst v63  }
0x5f: {  	s21 =	sadd.s32 $0x1, s12;
	s11 =	sadd.s32 @!p1 $0x5, s11;
	s10 =	sadd.s32 @!p1 $0x2A00, s15  }
0x60: {  	[tilespmem:s10], [sflag:s11] =	stream.linear.gather @!p1 [hbm4b:s18+s13], $0x800, $0x38;
	[tilespmem:$0x5200] =	vst v63  }
0x61: {  	p1 =	sne.s32 s9, $0x3;
	_ =	swait.ge [sflag:s21], $0x80  }
.Ltmp1:
0x62: {  	s23 =	sadd.s32 $0x5, s12;
	[sflag:s21] =	ssyncset.done $0x0;
	(pc) =	sbr.rel @!p1 .LBB2_5-.Ltmp1, $4  }
0x63: {  	s24 =	sshll.u32 s12, $0x7;
	s17 =	sshll.u32 s12, $0xB;
	[sflag:s21] =	ssyncadd.s32 $0xFFFFFF80  }
0x64: {  	s15 =	sor.u32 $0x2800, s24;
	s16 =	sadd.s32 $0x2A00, s17;
	_ =	swait.ge [sflag:s23], $0x800  }
0x65: {  	s10 =	simm.s32 $0x3;
	s11 =	sadd.s32 $0x100, s22;
	[sflag:s23] =	ssyncset.done $0x0  }
0x66: {  	s13 =	sadd.s32 $0x9, s12;
	s12 =	sadd.s32 $0x1000, s18;
	[sflag:s23] =	ssyncadd.s32 $0xFFFFF800  }
.LBB2_4:
0x67: {  	[spmem:s1] =	stream.indirect.scatter.add.f32 [tilespmem:s16], [sflag:s13], $0x10, s15, s6, $0xb8;
	[tilespmem:$0x5200] =	vst v63  }
0x68: {  	s13 =	sand.u32 $0x3, s10;
	s15 =	smov.u32 s10;
	s10 =	sadd.s32 $0x1, s10  }
0x69: {  	s16 =	sxor.u32 $0x2, s13;
	s15 =	sadd.s32 $0x2, s15;
	s17 =	sshll.u32 s13, $0x7  }
0x6a: {  	s20 =	sshll.u32 s13, $0xB;
	s16 =	sadd.s32 $0x9, s16;
	p1 =	sge.u32 s15, s9  }
0x6b: {  	s15 =	sand.u32 @!p1 $0x3, s15;
	s21 =	simm.s32 @!p1 $0x0;
	_ =	swait.ge [sflag:s16], $0x800  }
0x6c: {  	s23 =	sshll.u32 @!p1 s15, $0x7;
	s24 =	sadd.s32 @!p1 $0x1, s15;
	[sflag:s16] =	ssyncset.done $0x0  }
0x6d: {  	[sflag:s16] =	ssyncadd.s32 $0xFFFFF800;
	s16 =	sor.u32 @!p1 $0x2800, s23;
	s23 =	sshll.u32 @!p1 s15, $0xB  }
0x6e: {  	[tilespmem:s16], [sflag:s24] =	stream.linear.gather @!p1 [hbm4b:s11+s21], $0x80, $0x38;
	[tilespmem:$0x5200] =	vst v63  }
0x6f: {  	s15 =	sadd.s32 @!p1 $0x5, s15;
	s16 =	sadd.s32 @!p1 $0x2A00, s23;
	s23 =	sadd.s32 $0x1, s13  }
0x70: {  	[tilespmem:s16], [sflag:s15] =	stream.linear.gather @!p1 [hbm4b:s12+s21], $0x800, $0x38;
	[tilespmem:$0x5200] =	vst v63  }
0x71: {  	p1 =	sne.s32 s9, s10;
	_ =	swait.ge [sflag:s23], $0x80  }
.Ltmp2:
0x72: {  	[sflag:s23] =	ssyncset.done $0x0;
	(pc) =	sbr.rel @p1 .LBB2_4-.Ltmp2, $4  }
0x73: {  	s21 =	sadd.s32 $0x5, s13;
	[sflag:s23] =	ssyncadd.s32 $0xFFFFFF80  }
0x74: {  	s11 =	sadd.s32 $0x100, s11;
	_ =	swait.ge [sflag:s21], $0x800  }
0x75: {  	s13 =	sadd.s32 $0x9, s13;
	s12 =	sadd.s32 $0x1000, s12;
	[sflag:s21] =	ssyncset.done $0x0  }
0x76: {  	s15 =	sor.u32 $0x2800, s17;
	s16 =	sadd.s32 $0x2A00, s20;
	[sflag:s21] =	ssyncadd.s32 $0xFFFFF800  }
.LBB2_5:
0x77: {  	[spmem:s1] =	stream.indirect.scatter.add.f32 [tilespmem:s16], [sflag:s13], $0x10, s15, s6, $0xb8;
	[tilespmem:$0x5200] =	vst v63  }
0x78: {  	_ =	swait.ge [sflag:s14], $0x800  }
0x79: {  	[sflag:s14] =	ssyncset.done $0x0  }
0x7a: {  	[sflag:s14] =	ssyncadd.s32 $0xFFFFF800  }
0x7b: {  	_ =	swait.ge [sflag:s19], $0x800  }
0x7c: {  	[sflag:s19] =	ssyncset.done $0x0  }
0x7d: {  	[sflag:s19] =	ssyncadd.s32 $0xFFFFF800  }
0x7e: {  	[bflag:$0x0] =	sbarrier.arrive $0xFFFF  }
0x7f: {  	s10 =	simm.s32 @p0 $0x1FCD;
	s11 =	rddreg [dreg:$0x10]  }
0x80: {  	[hbm:s11], [sflag:s10] =	dma.local @p0 [spmem:s25], $0x320  }
0x81: {  	s10 =	simm.s32 @p0 $0xD  }
0x82: {  	s11 =	stileid.u32;
	_ =	swait.ge @p0 [sflag:s10], $0x320  }
0x83: {  	s11 =	sshll.u32 @!p0 s11, $0x6;
	[sflag:s10] =	ssyncset.done @p0 $0x0;
	s12 =	rddreg [dreg:$0xb]  }
0x84: {  	[sflag:s10] =	ssyncadd.s32 @p0 $0xFFFFFCE0;
	s10 =	sor.u32 @!p0 $0x1C0D, s11;
	s11 =	sshrl.u32 @!p0 s4, $0x3  }
0x85: {  	[hbm:s12], [sflag:s10] =	dma.local @!p0 [spmem:s11], $0x500  }
0x86: {  	s10 =	simm.s32 @!p0 $0xD  }
0x87: {  	_ =	swait.ge @!p0 [sflag:s10], $0x500  }
0x88: {  	s8 =	sadd.s32 $0x1, s8;
	s24 =	rddreg [dreg:$0x11]  }
0x89: {  	p1 =	sne.s32 s8, s24  }
.Ltmp3:
0x8a: {  	_ = 	snop;
	(pc) =	sbr.rel @p1 .LBB2_1-.Ltmp3, $3  }
0x8b: {  	_ =	sdelay $0x1  }
0x8c: {  	[sflag:s10] =	ssyncset.done @!p0 $0x0  }
0x8d: {  	[sflag:s10] =	ssyncadd.s32 @!p0 $0xFFFFFB00  }
0x8e: {  	_ =	sfence.sel $0x180000  }
0x8f: {  	[bflag:$0x0] =	sbarrier.arrive $0xFFFF  }
0x90: {  	_ =	strace $0x90000050  }
0x91: {  	s0 =	stileid.u32;
	[bflag:$0x2] =	sbarrier.arrive $0xFFFF  }
0x92: {  	p0 =	sne.s32 s0, $0x0;
	s0 =	rddreg [dreg:$0x2]  }
0x93: {  	s0 =	sadd.s32 @!p0 $0x100000, s0  }
0x94: {  	[sflag:s0] =	ssyncadd.tile.s32 @!p0 $0x1;
	_ =	shalt  }
.Lfunc_end2:
_tile_overlayer_lowered:
.L_overlay_start_2:
0x95: {  	(tag) =	ssettag $0x2  }
0x96: {  	s0 =	rddreg [dreg:$0x0];
	s2 =	stileid.u32  }
0x97: {  	s1 =	rddreg [dreg:$0x1];
	p0 =	sne.s32 s2, $0x0  }
0x98: {  	s3 =	rddreg [dreg:$0x2];
	[bflag:$0x3] =	sbarrier.arrive $0xFFFF;
	s2 =	simm.s32 @!p0 $0x1C0D  }
0x99: {  	[timem:s3], [sflag:s2] =	dma.local @!p0 [hbm:s0], s1  }
0x9a: {  	s0 =	simm.s32 @!p0 $0xD  }
0x9b: {  	_ =	swait.ge @!p0 [sflag:s0], s1  }
0x9c: {  	s1 =	ssub.s32 @!p0 $0x0, s1;
	[sflag:s0] =	ssyncset.done @!p0 $0x0  }
0x9d: {  	[sflag:s0] =	ssyncadd.s32 @!p0 s1  }
0x9e: {  	[bflag:$0x3] =	sbarrier.arrive $0xFFFF  }
0x9f: {  	_ =	shalt  }

// kernel: kernel.28.cloned.1.call-start
scs
__scs_entry_jumppad:
0x0: {  	(pc) =	sbr.rel $0x88, $3  }
0x1: {  	(tag) =	ssettag $0x0;
	lr =	simm.s32 $0x1  }
0x2: {  	[smem:$0x3F8A] =	sst lr;
	_ =	strace $0xD0000000  }
0x3: {  	_ = 	snop  }
0x4: {  	_ = 	snop  }
0x5: {  	_ = 	snop  }
0x6: {  	_ = 	snop  }
0x7: {  	_ = 	snop  }
__scs_overlays_trampoline_lowered:
0x8: {  	[smem:$0x3F99] =	sst s0  }
0x9: {  	[smem:$0x3F9A] =	sst s1  }
0xa: {  	[smem:$0x3F9B] =	sst s2  }
0xb: {  	[smem:$0x3F9C] =	sst s3  }
0xc: {  	[smem:$0x3F9D] =	sst s4  }
0xd: {  	[smem:$0x3F9E] =	sst s5  }
0xe: {  	[smem:$0x3F9F] =	sst s6  }
0xf: {  	[smem:$0x3FA0] =	sst s7  }
0x10: {  	[smem:$0x3FA1] =	sst s8  }
0x11: {  	[smem:$0x3FA2] =	sst s9;
	s0 =	simm.s32 @!p0 $0x0  }
0x12: {  	s1 =	sld [smem:$0x3F88];
	s0 =	simm.s32 @p0 $0x1  }
0x13: {  	[smem:$0x3FA3] =	sst s0;
	s0 =	simm.s32 @!p1 $0x0  }
0x14: {  	s2 =	sld [smem:$0x3F87];
	s0 =	simm.s32 @p1 $0x1  }
0x15: {  	[smem:$0x3FA4] =	sst s0;
	s0 =	simm.s32 @!p2 $0x0  }
0x16: {  	s3 =	sld [smem:$0x3FDB];
	s0 =	simm.s32 @p2 $0x1  }
0x17: {  	s4 =	simm.s32 $0x1BF5;
	[smem:$0x3FA6] =	sst s0  }
0x18: {  	s0 =	sld [smem:$0x3F89];
	_ =	swait.ge [sflag:s4], $0x0  }
0x19: {  	s7 =	sld [smem:$0x3F8A]  }
0x1a: {  	s8 =	sadd.s32 $0xFFFFE003, lr  }
0x1b: {  	s9 =	sadd.s32 $0xFFFFFEF7, lr;
	s5 =	simm.s32 $0xFFFFFFFF;
	p2 =	slt.u32 s8, $0xFFFFF086  }
0x1c: {  	p1 =	slt.u32 s9, $0xF7A;
	s5 =	simm.s32 @!p2 $0x0  }
0x1d: {  	s5 =	simm.s32 @p1 $0x1;
	p0 =	seq.s32 s7, s2  }
0x1e: {  	s7 =	smul.u32 @!p0 $0xF7A, s2;
	p2 =	seq.s32 @!p0 s5, $0x0  }
0x1f: {  	s9 =	smul.u32 $0xF7A, s1;
	s8 =	simm.s32 @!p0 $0x1BF5;
	p2 =	por !p2, p0  }
0x20: {  	[sflag:s8] =	ssyncset.s32 @!p0 $0xFFFFF086;
	s6 =	sadd.s32 @!p0 s3, s7;
	s7 =	simm.s32 @!p0 $0x108  }
0x21: {  	s3 =	sadd.s32 s3, s9;
	s6 =	sadd.s32 @!p0 $0x88, s6;
	s7 =	simm.s32 @p2 $0x1082  }
0x22: {  	[simem:s7], [sflag:s8] =	dma.local @!p0 [hbm:s6], $0xF7A  }
0x23: {  	s9 =	sor.u32 $0xD0000000, s2;
	s6 =	simm.s32 $0x108;
	_ =	swait.ge @!p0 [sflag:s8], $0x0  }
0x24: {  	s3 =	sadd.s32 $0x88, s3;
	s6 =	simm.s32 @!p1 $0x1082;
	[sflag:s4] =	ssyncset.s32 $0xFFFFF086  }
0x25: {  	[simem:s6], [sflag:s4] =	dma.local [hbm:s3], $0xF7A  }
0x26: {  	[smem:$0x3F8A] =	sst s1;
	(tag) =	ssettag s2;
	_ =	strace s9  }
0x27: {  	s1 =	sld [smem:$0x3F9A]  }
0x28: {  	s2 =	sld [smem:$0x3F9B]  }
0x29: {  	s4 =	sld [smem:$0x3F9D]  }
0x2a: {  	p0 =	seq.s32 s5, $0x0;
	s5 =	sld [smem:$0x3F9E]  }
0x2b: {  	s6 =	sld [smem:$0x3F9F]  }
0x2c: {  	s7 =	sld [smem:$0x3FA0]  }
0x2d: {  	s3 =	simm.s32 $0x108;
	s8 =	sld [smem:$0x3FA1]  }
0x2e: {  	s3 =	simm.s32 @!p0 $0x1082;
	s9 =	sld [smem:$0x3FA2]  }
0x2f: {  	lr =	sadd.s32 s0, s3;
	s0 =	sld [smem:$0x3F99]  }
0x30: {  	s3 =	sld [smem:$0x3F9C]  }
0x31: {  	[smem:$0x3FA5] =	sst s10  }
0x32: {  	s10 =	sld [smem:$0x3FA3];
	_ =	sdelay $0x3  }
0x33: {  	p0 =	seq.s32 s10, $0x1;
	s10 =	sld [smem:$0x3FA5];
	_ =	sdelay $0x3  }
0x34: {  	[smem:$0x3FA5] =	sst s10  }
0x35: {  	s10 =	sld [smem:$0x3FA4];
	_ =	sdelay $0x3  }
0x36: {  	p1 =	seq.s32 s10, $0x1;
	s10 =	sld [smem:$0x3FA5];
	_ =	sdelay $0x3  }
0x37: {  	[smem:$0x3FA5] =	sst s10  }
0x38: {  	s10 =	sld [smem:$0x3FA6]  }
0x39: {  	_ = 	snop;
	(pc) =	sbr.ind lr, $3  }
0x3a: {  	_ = 	snop  }
0x3b: {  	_ = 	snop  }
0x3c: {  	p2 =	seq.s32 s10, $0x1;
	s10 =	sld [smem:$0x3FA5]  }
0x3d: {  	_ =	shalt  }
0x3e: {  	_ =	shalt  }
0x3f: {  	_ =	shalt  }
0x40: {  	_ =	shalt  }
0x41: {  	_ =	shalt  }
0x42: {  	_ =	shalt  }
0x43: {  	_ =	shalt  }
0x44: {  	_ =	shalt  }
0x45: {  	_ =	shalt  }
0x46: {  	_ =	shalt  }
0x47: {  	_ =	shalt  }
0x48: {  	_ =	shalt  }
0x49: {  	_ =	shalt  }
0x4a: {  	_ =	shalt  }
0x4b: {  	_ =	shalt  }
0x4c: {  	_ =	shalt  }
0x4d: {  	_ =	shalt  }
0x4e: {  	_ =	shalt  }
0x4f: {  	_ =	shalt  }
0x50: {  	_ =	shalt  }
0x51: {  	_ =	shalt  }
0x52: {  	_ =	shalt  }
0x53: {  	_ =	shalt  }
0x54: {  	_ =	shalt  }
0x55: {  	_ =	shalt  }
0x56: {  	_ =	shalt  }
0x57: {  	_ =	shalt  }
0x58: {  	_ =	shalt  }
0x59: {  	_ =	shalt  }
0x5a: {  	_ =	shalt  }
0x5b: {  	_ =	shalt  }
0x5c: {  	_ =	shalt  }
0x5d: {  	_ =	shalt  }
0x5e: {  	_ =	shalt  }
0x5f: {  	_ =	shalt  }
0x60: {  	_ =	shalt  }
0x61: {  	_ =	shalt  }
0x62: {  	_ =	shalt  }
0x63: {  	_ =	shalt  }
0x64: {  	_ =	shalt  }
0x65: {  	_ =	shalt  }
0x66: {  	_ =	shalt  }
0x67: {  	_ =	shalt  }
0x68: {  	_ =	shalt  }
0x69: {  	_ =	shalt  }
0x6a: {  	_ =	shalt  }
0x6b: {  	_ =	shalt  }
0x6c: {  	_ =	shalt  }
0x6d: {  	_ =	shalt  }
0x6e: {  	_ =	shalt  }
0x6f: {  	_ =	shalt  }
0x70: {  	_ =	shalt  }
0x71: {  	_ =	shalt  }
0x72: {  	_ =	shalt  }
0x73: {  	_ =	shalt  }
0x74: {  	_ =	shalt  }
0x75: {  	_ =	shalt  }
0x76: {  	_ =	shalt  }
0x77: {  	_ =	shalt  }
0x78: {  	_ =	shalt  }
0x79: {  	_ =	shalt  }
0x7a: {  	_ =	shalt  }
0x7b: {  	_ =	shalt  }
0x7c: {  	_ =	shalt  }
0x7d: {  	_ =	shalt  }
0x7e: {  	_ =	shalt  }
0x7f: {  	_ =	shalt  }
0x80: {  	_ =	shalt  }
0x81: {  	_ =	shalt  }
0x82: {  	_ =	shalt  }
0x83: {  	_ =	shalt  }
0x84: {  	_ =	shalt  }
0x85: {  	_ =	shalt  }
0x86: {  	_ =	shalt  }
0x87: {  	_ =	shalt  }
.Lfunc_end0:
.L_simem_size_0:
called_computation.4_lowered:
.L_overlay_start_0:
0x88: {  	s2 =	sld [smem:$0x3FD9]  }
0x89: {  	s3 =	sld [smem:$0x3FFE];
	_ =	sdelay $0x1  }
0x8a: {  	s1 =	srdreg.scid  }
0x8b: {  	s0 =	sand.u32 $0x1, s1  }
0x8c: {  	s16 =	sshll.u32 s0, $0xA;
	s2 =	sadd.s32 s3, s2  }
0x8d: {  	s2 =	sadd.s32 s2, s16  }
0x8e: {  	[smem:$0x3FB1] =	sst s2  }
0x8f: {  	_ = 	snop  }
0x90: {  	(tm) =	ssettm $0x1  }
0x91: {  	s17 =	sld [smem:$0x3FFB];
	_ =	sdelay $0x3  }
0x92: {  	_ =	strace s17  }
0x93: {  	s2 =	sld [smem:$0x3FFC];
	_ =	sdelay $0x3  }
0x94: {  	_ =	strace s2  }
0x95: {  	s2 =	sld [smem:$0x3FFD];
	_ =	sdelay $0x3  }
0x96: {  	_ =	strace s2  }
0x97: {  	_ =	strace $0x8FFFFFFF  }
0x98: {  	s18 =	sld [smem:$0x3FDB];
	_ =	sdelay $0x1  }
0x99: {  	s19 =	simm.s32 $_scs_section_size  }
0x9a: {  	s4 =	simm.s32 $_size__tile_overlayer_lowered;
	s5 =	simm.s32 $_tile_overlayer_lowered  }
0x9b: {  	s22 =	simm.s32 $0x1BFF;
	s21 =	sshll.u32 s5, $0x1;
	s2 =	sadd.s32 s19, s18  }
0x9c: {  	s6 =	simm.s32 $0x0;
	s20 =	sshll.u32 s4, $0x1;
	s4 =	sadd.s32 s21, s2  }
0x9d: {  	[timem:s6], [sflag:s22] =	dma.local [hbm:s4], s20  }
0x9e: {  	_ =	swait.ge [sflag:s22], s20  }
0x9f: {  	s3 =	ssub.s32 $0x0, s20;
	[sflag:s22] =	ssyncset.done $0x0  }
0xa0: {  	[sflag:s22] =	ssyncadd.s32 s3;
	_ =	sdelay $0x1  }
0xa1: {  	s23 =	simm.s32 $0x1B8B  }
0xa2: {  	_ =	swait.ge [sflag:s23], $0x1  }
0xa3: {  	[sflag:s23] =	ssyncset.done $0x0  }
0xa4: {  	s25 =	simm.s32 $0x1B8E;
	s24 =	sld [smem:$0x3FFE];
	[sflag:s23] =	ssyncadd.s32 $0xFFFFFFFF  }
0xa5: {  	s26 =	simm.s32 $execute0_lowered;
	[smem:$0x3FD2] =	sst s25  }
0xa6: {  	s4 =	sshll.u32 s26, $0x1;
	_ =	strace $0x80000052;
	[dreg:$0x1] =	wrdreg $0xFFFFFFFF  }
0xa7: {  	s28 =	simm.s32 $_size_execute0_lowered;
	s2 =	sadd.s32 s2, s4;
	[dreg:$0x0] =	wrdreg $0x0  }
0xa8: {  	s4 =	sshll.u32 s28, $0x1;
	[dreg:$0x2] =	wrdreg s2  }
0xa9: {  	[dreg:$0x3] =	wrdreg s4  }
0xaa: {  	[dreg:$0x4] =	wrdreg $0xC0  }
0xab: {  	_ =	task [dreg:s6], $0x5FFFF  }
0xac: {  	[dreg:$0x1] =	wrdreg $0xFFFFFFFF  }
0xad: {  	[dreg:$0x0] =	wrdreg $0x60  }
0xae: {  	[dreg:$0x2] =	wrdreg s24  }
0xaf: {  	[dreg:$0x3] =	wrdreg $0x9  }
0xb0: {  	_ =	task.clear_ibuf [dreg:s6], $0x4FFFF;
	_ =	strace $0x90000052  }
0xb1: {  	s29 =	simm.s32 $0x9;
	_ =	strace $0x80000054  }
0xb2: {  	_ =	swait.ge [sflag:s29], $0x1  }
0xb3: {  	[sflag:s29] =	ssyncadd.s32 $0xFFFFFFFF  }
0xb4: {  	_ =	strace $0x90000054  }
0xb5: {  	_ =	sfence  }
0xb6: {  	s30 =	sld [smem:$0x0];
	_ =	sdelay $0x2  }
0xb7: {  	s31 =	sshll.u32 s1, $0xD;
	s1 =	sshrl.u32 s1, $0x2  }
0xb8: {  	s3 =	sand.u32 $0x4000, s31;
	s1 =	sadd.s32 s1, s30  }
0xb9: {  	s0 =	sor.u32 s3, s0;
	s1 =	sshll.u32 s1, $0x11  }
0xba: {  	s0 =	sor.u32 s1, s0  }
0xbb: {  	s0 =	sadd.s32 $0x8F2B, s0  }
0xbc: {  	[sflag:s0] =	ssyncadd.remote.s32 $0x1  }
0xbd: {  	_ =	sfence.sel $0xFFFF  }
0xbe: {  	[dreg:$0x0] =	wrdreg $0xFFFFFFFF;
	(pc) =	sbr.abs _section_cstart, $3  }
0xbf: {  	[dreg:$0x1] =	wrdreg $0xFFFFFFFF  }
0xc0: {  	_ =	task.clear_ibuf [dreg:s6], $0x2FFFF;
	_ =	strace $0x9FFFFFFF  }
0xc1: {  	(tm) =	ssettm $0x7FFFFFFF  }
tec
execute0_lowered:
.L_overlay_start_1:
0x0: {  	(tag) =	ssettag $0x1  }
0x1: {  	s0 =	rddreg [dreg:$0x0]  }
0x2: {  	s1 =	simm.s32 $0x0;
	s3 =	srdreg.scid;
	s10 =	stileid.u32  }
0x3: {  	s5 =	simm.s32 $0x28;
	s9 =	simm.s32 $0xC;
	s17 =	simm.s32 $0x80  }
0x4: {  	s18 =	simm.s32 $0x1;
	s20 =	simm.s32 $0x0;
	[smem:$0x7FF] =	sst s1  }
0x5: {  	s2 =	sadd.s32 $0x11200, s0;
	s4 =	sadd.s32 $0x7200, s0;
	s3 =	sand.u32 $0x1, s3  }
0x6: {  	s12 =	sadd.s32 $0x2FE000, s0;
	s7 =	sshll.u32 s10, $0x5;
	p0 =	seq.s32 s10, $0x0  }
0x7: {  	s24 =	sshll.u32 s10, $0x8;
	s11 =	sshll.u32 s10, $0xC;
	_ =	strace $0x80000053  }
0x8: {  	s22 =	ssub.s32 $0x2, s3;
	s8 =	sshll.u32 s3, $0x4;
	s5 =	simm.s32 @!p0 $0x27  }
0x9: {  	s25 =	sshll.u32 s3, $0x7;
	s9 =	simm.s32 @!p0 $0xB;
	s7 =	sor.u32 s8, s7  }
0xa: {  	s3 =	sshll.u32 s3, $0xB;
	s6 =	sshrl.u32 s22, $0x1;
	s23 =	sadd.s32 s4, s7  }
0xb: {  	s13 =	smov.u32 s12;
	s0 =	ssub.s32 s22, s6;
	s6 =	sadd.s32 $0x200, s23  }
0xc: {  	s8 =	simm.s32 $0xB;
	[dreg:$0x3] =	wrdreg s6;
	s6 =	sor.u32 s25, s24  }
0xd: {  	s11 =	sor.u32 s3, s11;
	s28 =	sadd.s32 $0xFFFFFFFE, s5;
	s7 =	sor.u32 $0x3000, s6  }
0xe: {  	s8 =	simm.s32 @!p0 $0xA;
	[dreg:$0x5] =	wrdreg s28;
	s7 =	sshrl.u32 s7, $0x3  }
0xf: {  	s29 =	sor.u32 $0x20000, s11;
	s0 =	smax.u32 s0, $0x1;
	s26 =	sadd.s32 s7, s4  }
0x10: {  	s30 =	sshrl.u32 s11, $0x3;
	[dreg:$0x4] =	wrdreg s0;
	s0 =	ssub.s32 $0x200, s26  }
0x11: {  	s6 =	sor.u32 $0x2000, s6;
	[dreg:$0x6] =	wrdreg s0;
	s0 =	sshrl.u32 s29, $0x3  }
0x12: {  	[dreg:$0x2] =	wrdreg s23;
	s31 =	sshrl.u32 s6, $0x3;
	s0 =	sadd.s32 s0, s12  }
0x13: {  	s19 =	sadd.s32 s30, s12;
	s16 =	sadd.s32 s31, s4;
	s15 =	ssub.s32 $0x2000, s0  }
.LBB2_1:
0x14: {  	s0 =	rddreg [dreg:$0x2]  }
0x15: {  	s14 =	rddreg [dreg:$0x3]  }
0x16: {  	s21 =	simm.s32 $0x200;
	p0 =	por $0x1, $0x1;
	s4 =	simm.s32 $0x2  }
0x17: {  	[tilespmem:s1], [sflag:$0x1] =	stream.linear.gather [hbm4b:s0+s1], $0x80, $0x38;
	[tilespmem:$0x2200] =	vst v63  }
0x18: {  	s22 =	simm.s32 $0x1;
	s26 =	sadd.s32 $0x200, s16;
	s0 =	simm.s32 $0x0  }
0x19: {  	[tilespmem:s17], [sflag:$0x2] =	stream.linear.gather [hbm4b:s14+s1], $0x80, $0x38;
	[tilespmem:$0x2200] =	vst v63  }
0x1a: {  	s31 =	sadd.s32 $0x2000, s19;
	s3 =	sand.u32 @!p0 $0x3, s0;
	_ =	swait.ge [sflag:s18], $0x80  }
0x1b: {  	s23 =	sand.u32 $0x3, s4;
	s3 =	sxor.u32 @!p0 $0x2, s3;
	[sflag:s18] =	ssyncset.done $0x0  }
0x1c: {  	s28 =	sand.u32 $0x3, s22;
	s3 =	sadd.s32 @!p0 $0x9, s3;
	[sflag:s18] =	ssyncadd.s32 $0xFFFFFF80  }
0x1d: {  	[tilespmem:s21], [sflag:$0x5] =	stream.indirect.gather [hbm4b:s2+s17], $0x10, s1, s17, $0xb8;
	[tilespmem:$0x2200] =	vst v63  }
0x1e: {  	s22 =	simm.s32 $0x3;
	s25 =	sshll.u32 s23, $0x7;
	_ =	swait.ge @!p0 [sflag:s3], $0x800  }
0x1f: {  	s30 =	sadd.s32 $0x1, s23;
	s4 =	sadd.s32 $0x1, s28;
	[sflag:s3] =	ssyncset.done @!p0 $0x0  }
0x20: {  	s0 =	sand.u32 $0x3, s0;
	s6 =	sshll.u32 s28, $0xB;
	[sflag:s3] =	ssyncadd.s32 @!p0 $0xFFFFF800  }
0x21: {  	[tilespmem:s25], [sflag:s30] =	stream.linear.gather [hbm4b:s16+s1], $0x80, $0x38;
	[tilespmem:$0x2200] =	vst v63  }
0x22: {  	s24 =	sshll.u32 s28, $0x7;
	p0 =	sne.s32 s5, $0x3;
	_ =	swait.ge [sflag:s4], $0x80  }
.Ltmp0:
0x23: {  	s7 =	sor.u32 $0x200, s6;
	[sflag:s4] =	ssyncset.done $0x0;
	(pc) =	sbr.rel @!p0 .LBB2_3-.Ltmp0, $4  }
0x24: {  	s6 =	sadd.s32 $0x5, s0;
	s3 =	sadd.s32 $0x5, s28;
	[sflag:s4] =	ssyncadd.s32 $0xFFFFFF80  }
0x25: {  	[tilespmem:s7], [sflag:s3] =	stream.indirect.gather [hbm4b:s2+s17], $0x10, s24, s17, $0xb8;
	[tilespmem:$0x2200] =	vst v63  }
0x26: {  	s14 =	smov.u32 s19;
	s21 =	sadd.s32 $0xFFFFE000, s15;
	_ =	swait.ge [sflag:s6], $0x800  }
0x27: {  	s4 =	sshll.u32 s0, $0xB;
	s24 =	sadd.s32 $0x10000, s11;
	s29 =	rddreg [dreg:$0x6]  }
.LBB2_2:
0x28: {  	[sflag:s6] =	ssyncset.done $0x0;
	s29 =	sadd.s32 $0xFFFFFE00, s29;
	s3 =	smov.u32 s22  }
0x29: {  	s22 =	sadd.s32 $0x1, s22;
	s7 =	smov.u32 s26;
	s23 =	smov.u32 s14  }
0x2a: {  	s10 =	sadd.s32 $0xFFFFFFFE, s3;
	p0 =	sne.s32 s5, s22;
	[sflag:s6] =	ssyncadd.s32 $0xFFFFF800  }
0x2b: {  	s14 =	smov.u32 s31;
	p1 =	slt.u32 s10, $0x2  }
0x2c: {  	s6 =	sand.u32 @!p1 $0x3, s10  }
0x2d: {  	s0 =	sadd.s32 $0x9, s0;
	s4 =	sor.u32 $0x200, s4;
	s6 =	sxor.u32 @!p1 $0x2, s6  }
0x2e: {  	s26 =	sadd.s32 $0x200, s26;
	s6 =	sadd.s32 @!p1 $0x9, s6  }
0x2f: {  	[hbm4b:s23+s1] =	stream.linear.scatter [tilespmem:s4], [sflag:s0], $0x800, $0x38;
	[tilespmem:$0x2200] =	vst v63  }
0x30: {  	s23 =	sand.u32 $0x3, s3;
	s0 =	sadd.s32 $0xFFFFFFFF, s3;
	_ =	swait.ge @!p1 [sflag:s6], $0x800  }
0x31: {  	s25 =	sshll.u32 s23, $0x7;
	s30 =	sadd.s32 $0x1, s23;
	[sflag:s6] =	ssyncset.done @!p1 $0x0  }
0x32: {  	s28 =	sand.u32 $0x3, s0;
	s0 =	sand.u32 $0x3, s10;
	[sflag:s6] =	ssyncadd.s32 @!p1 $0xFFFFF800  }
0x33: {  	[tilespmem:s25], [sflag:s30] =	stream.linear.gather [hbm4b:s7+s1], $0x80, $0x38;
	[tilespmem:$0x2200] =	vst v63  }
0x34: {  	s10 =	sadd.s32 $0x1, s28;
	s4 =	sshll.u32 s28, $0xB;
	s3 =	sadd.s32 $0x5, s28  }
.Ltmp1:
0x35: {  	s7 =	sor.u32 $0x200, s4;
	_ =	swait.ge [sflag:s10], $0x80;
	(pc) =	sbr.rel @p0 .LBB2_2-.Ltmp1, $4  }
0x36: {  	s6 =	sadd.s32 $0x5, s0;
	s4 =	sshll.u32 s0, $0xB;
	[sflag:s10] =	ssyncset.done $0x0  }
0x37: {  	s21 =	sadd.s32 $0xFFFFE000, s21;
	s12 =	sshll.u32 s28, $0x7;
	[sflag:s10] =	ssyncadd.s32 $0xFFFFFF80  }
0x38: {  	[tilespmem:s7], [sflag:s3] =	stream.indirect.gather [hbm4b:s2+s17], $0x10, s12, s17, $0xb8;
	[tilespmem:$0x2200] =	vst v63  }
0x39: {  	s31 =	sadd.s32 $0x2000, s31;
	s24 =	sadd.s32 $0x10000, s24;
	_ =	swait.ge [sflag:s6], $0x800  }
.LBB2_3:
0x3a: {  	[sflag:s6] =	ssyncset.done $0x0;
	s0 =	sadd.s32 $0x9, s0  }
0x3b: {  	s4 =	sor.u32 $0x200, s4;
	p0 =	seq.s32 s22, $0x3;
	[sflag:s6] =	ssyncadd.s32 $0xFFFFF800  }
0x3c: {  	[hbm4b:s14+s1] =	stream.linear.scatter [tilespmem:s4], [sflag:s0], $0x800, $0x38;
	[tilespmem:$0x2200] =	vst v63  }
0x3d: {  	s0 =	sxor.u32 @!p0 $0x2, s28  }
0x3e: {  	s0 =	sadd.s32 @!p0 $0x9, s0  }
0x3f: {  	p1 =	sge.u32 s22, s5;
	_ =	swait.ge @!p0 [sflag:s0], $0x800  }
0x40: {  	s10 =	simm.s32 @!p1 $0x0;
	[sflag:s0] =	ssyncset.done @!p0 $0x0  }
0x41: {  	s4 =	sand.u32 @!p1 $0x3, s22;
	[sflag:s0] =	ssyncadd.s32 @!p0 $0xFFFFF800;
	s0 =	sadd.s32 $0xFFFFFE00, s29  }
0x42: {  	s6 =	sshll.u32 @!p1 s4, $0x7;
	s4 =	sadd.s32 @!p1 $0x1, s4;
	s0 =	ssub.s32 @!p1 $0x0, s0  }
0x43: {  	[tilespmem:s6], [sflag:s4] =	stream.linear.gather @!p1 [hbm4b:s0+s10], $0x80, $0x38;
	[tilespmem:$0x2200] =	vst v63  }
0x44: {  	_ =	swait.ge [sflag:s30], $0x80  }
0x45: {  	s10 =	sshll.u32 s23, $0xB;
	[sflag:s30] =	ssyncset.done $0x0  }
0x46: {  	s12 =	sadd.s32 $0x5, s23;
	s0 =	sor.u32 $0x200, s10;
	[sflag:s30] =	ssyncadd.s32 $0xFFFFFF80  }
0x47: {  	[tilespmem:s0], [sflag:s12] =	stream.indirect.gather [hbm4b:s2+s17], $0x10, s25, s17, $0xb8;
	[tilespmem:$0x2200] =	vst v63  }
0x48: {  	s14 =	sshrl.u32 s24, $0x3;
	_ =	swait.ge [sflag:s3], $0x800  }
0x49: {  	s24 =	sadd.s32 $0x9, s28;
	s25 =	sxor.u32 $0x2, s23;
	[sflag:s3] =	ssyncset.done $0x0  }
0x4a: {  	s6 =	sadd.s32 s13, s14;
	[sflag:s3] =	ssyncadd.s32 $0xFFFFF800;
	s3 =	sadd.s32 $0x9, s25  }
0x4b: {  	[hbm4b:s6+s1] =	stream.linear.scatter [tilespmem:s7], [sflag:s24], $0x800, $0x38;
	[tilespmem:$0x2200] =	vst v63  }
0x4c: {  	_ =	swait.ge [sflag:s3], $0x800  }
0x4d: {  	s26 =	sadd.s32 $0xFFFFFFFE, s22;
	s28 =	rddreg [dreg:$0x5]  }
0x4e: {  	[sflag:s3] =	ssyncset.done $0x0;
	p0 =	sge.u32 s26, s28  }
0x4f: {  	[sflag:s3] =	ssyncadd.s32 $0xFFFFF800;
	s3 =	simm.s32 @!p0 $0x4  }
0x50: {  	_ =	swait.ge @!p0 [sflag:s3], $0x80  }
0x51: {  	s6 =	simm.s32 @!p0 $0x180;
	[sflag:s3] =	ssyncset.done @!p0 $0x0  }
0x52: {  	s7 =	simm.s32 @!p0 $0x1A00;
	[sflag:s3] =	ssyncadd.s32 @!p0 $0xFFFFFF80;
	s3 =	simm.s32 @!p0 $0x80  }
0x53: {  	[tilespmem:s7], [sflag:$0x8] =	stream.indirect.gather @!p0 [hbm4b:s2+s3], $0x10, s6, s3, $0xb8;
	[tilespmem:$0x2200] =	vst v63  }
0x54: {  	_ =	swait.ge [sflag:s12], $0x800  }
0x55: {  	[sflag:s12] =	ssyncset.done $0x0  }
0x56: {  	s29 =	sadd.s32 $0x9, s23;
	s30 =	ssub.s32 $0x0, s21;
	[sflag:s12] =	ssyncadd.s32 $0xFFFFF800  }
0x57: {  	[hbm4b:s30+s1] =	stream.linear.scatter [tilespmem:s0], [sflag:s29], $0x800, $0x38;
	[tilespmem:$0x2200] =	vst v63  }
0x58: {  	_ =	swait.ge [sflag:s8], $0x800  }
0x59: {  	[sflag:s8] =	ssyncset.done $0x0  }
0x5a: {  	[sflag:s8] =	ssyncadd.s32 $0xFFFFF800  }
0x5b: {  	_ =	swait.ge [sflag:s9], $0x800  }
0x5c: {  	s20 =	sadd.s32 $0x1, s20;
	s31 =	rddreg [dreg:$0x4]  }
0x5d: {  	p0 =	sne.s32 s20, s31  }
.Ltmp2:
0x5e: {  	_ = 	snop;
	(pc) =	sbr.rel @p0 .LBB2_1-.Ltmp2, $3  }
0x5f: {  	_ =	sdelay $0x1  }
0x60: {  	[sflag:s9] =	ssyncset.done $0x0  }
0x61: {  	[sflag:s9] =	ssyncadd.s32 $0xFFFFF800  }
0x62: {  	_ =	sfence.sel $0x180000  }
0x63: {  	[bflag:$0x0] =	sbarrier.arrive $0xFFFF  }
0x64: {  	_ =	strace $0x90000053  }
0x65: {  	s0 =	stileid.u32;
	[bflag:$0x2] =	sbarrier.arrive $0xFFFF  }
0x66: {  	p0 =	sne.s32 s0, $0x0;
	s0 =	rddreg [dreg:$0x1]  }
0x67: {  	s0 =	sadd.s32 @!p0 $0x100000, s0  }
0x68: {  	[sflag:s0] =	ssyncadd.tile.s32 @!p0 $0x1;
	_ =	shalt  }
.Lfunc_end2:
_tile_overlayer_lowered:
.L_overlay_start_2:
0x69: {  	(tag) =	ssettag $0x2  }
0x6a: {  	s0 =	rddreg [dreg:$0x0];
	s2 =	stileid.u32  }
0x6b: {  	s1 =	rddreg [dreg:$0x1];
	p0 =	sne.s32 s2, $0x0  }
0x6c: {  	s3 =	rddreg [dreg:$0x2];
	[bflag:$0x3] =	sbarrier.arrive $0xFFFF;
	s2 =	simm.s32 @!p0 $0x1C0D  }
0x6d: {  	[timem:s3], [sflag:s2] =	dma.local @!p0 [hbm:s0], s1  }
0x6e: {  	s0 =	simm.s32 @!p0 $0xD  }
0x6f: {  	_ =	swait.ge @!p0 [sflag:s0], s1  }
0x70: {  	s1 =	ssub.s32 @!p0 $0x0, s1;
	[sflag:s0] =	ssyncset.done @!p0 $0x0  }
0x71: {  	[sflag:s0] =	ssyncadd.s32 @!p0 s1  }
0x72: {  	[bflag:$0x3] =	sbarrier.arrive $0xFFFF  }
0x73: {  	_ =	shalt  }

// kernel: kernel.31.cloned.1.call-start
scs
__scs_entry_jumppad:
0x0: {  	(pc) =	sbr.rel $0x88, $3  }
0x1: {  	(tag) =	ssettag $0x0;
	lr =	simm.s32 $0x1  }
0x2: {  	[smem:$0x3F8A] =	sst lr;
	_ =	strace $0xD0000000  }
0x3: {  	_ = 	snop  }
0x4: {  	_ = 	snop  }
0x5: {  	_ = 	snop  }
0x6: {  	_ = 	snop  }
0x7: {  	_ = 	snop  }
__scs_overlays_trampoline_lowered:
0x8: {  	[smem:$0x3F99] =	sst s0  }
0x9: {  	[smem:$0x3F9A] =	sst s1  }
0xa: {  	[smem:$0x3F9B] =	sst s2  }
0xb: {  	[smem:$0x3F9C] =	sst s3  }
0xc: {  	[smem:$0x3F9D] =	sst s4  }
0xd: {  	[smem:$0x3F9E] =	sst s5  }
0xe: {  	[smem:$0x3F9F] =	sst s6  }
0xf: {  	[smem:$0x3FA0] =	sst s7  }
0x10: {  	[smem:$0x3FA1] =	sst s8  }
0x11: {  	[smem:$0x3FA2] =	sst s9;
	s0 =	simm.s32 @!p0 $0x0  }
0x12: {  	s1 =	sld [smem:$0x3F88];
	s0 =	simm.s32 @p0 $0x1  }
0x13: {  	[smem:$0x3FA3] =	sst s0;
	s0 =	simm.s32 @!p1 $0x0  }
0x14: {  	s2 =	sld [smem:$0x3F87];
	s0 =	simm.s32 @p1 $0x1  }
0x15: {  	[smem:$0x3FA4] =	sst s0;
	s0 =	simm.s32 @!p2 $0x0  }
0x16: {  	s3 =	sld [smem:$0x3FDB];
	s0 =	simm.s32 @p2 $0x1  }
0x17: {  	s4 =	simm.s32 $0x1BF5;
	[smem:$0x3FA6] =	sst s0  }
0x18: {  	s0 =	sld [smem:$0x3F89];
	_ =	swait.ge [sflag:s4], $0x0  }
0x19: {  	s7 =	sld [smem:$0x3F8A]  }
0x1a: {  	s8 =	sadd.s32 $0xFFFFE003, lr  }
0x1b: {  	s9 =	sadd.s32 $0xFFFFFEF7, lr;
	s5 =	simm.s32 $0xFFFFFFFF;
	p2 =	slt.u32 s8, $0xFFFFF086  }
0x1c: {  	p1 =	slt.u32 s9, $0xF7A;
	s5 =	simm.s32 @!p2 $0x0  }
0x1d: {  	s5 =	simm.s32 @p1 $0x1;
	p0 =	seq.s32 s7, s2  }
0x1e: {  	s7 =	smul.u32 @!p0 $0xF7A, s2;
	p2 =	seq.s32 @!p0 s5, $0x0  }
0x1f: {  	s9 =	smul.u32 $0xF7A, s1;
	s8 =	simm.s32 @!p0 $0x1BF5;
	p2 =	por !p2, p0  }
0x20: {  	[sflag:s8] =	ssyncset.s32 @!p0 $0xFFFFF086;
	s6 =	sadd.s32 @!p0 s3, s7;
	s7 =	simm.s32 @!p0 $0x108  }
0x21: {  	s3 =	sadd.s32 s3, s9;
	s6 =	sadd.s32 @!p0 $0x88, s6;
	s7 =	simm.s32 @p2 $0x1082  }
0x22: {  	[simem:s7], [sflag:s8] =	dma.local @!p0 [hbm:s6], $0xF7A  }
0x23: {  	s9 =	sor.u32 $0xD0000000, s2;
	s6 =	simm.s32 $0x108;
	_ =	swait.ge @!p0 [sflag:s8], $0x0  }
0x24: {  	s3 =	sadd.s32 $0x88, s3;
	s6 =	simm.s32 @!p1 $0x1082;
	[sflag:s4] =	ssyncset.s32 $0xFFFFF086  }
0x25: {  	[simem:s6], [sflag:s4] =	dma.local [hbm:s3], $0xF7A  }
0x26: {  	[smem:$0x3F8A] =	sst s1;
	(tag) =	ssettag s2;
	_ =	strace s9  }
0x27: {  	s1 =	sld [smem:$0x3F9A]  }
0x28: {  	s2 =	sld [smem:$0x3F9B]  }
0x29: {  	s4 =	sld [smem:$0x3F9D]  }
0x2a: {  	p0 =	seq.s32 s5, $0x0;
	s5 =	sld [smem:$0x3F9E]  }
0x2b: {  	s6 =	sld [smem:$0x3F9F]  }
0x2c: {  	s7 =	sld [smem:$0x3FA0]  }
0x2d: {  	s3 =	simm.s32 $0x108;
	s8 =	sld [smem:$0x3FA1]  }
0x2e: {  	s3 =	simm.s32 @!p0 $0x1082;
	s9 =	sld [smem:$0x3FA2]  }
0x2f: {  	lr =	sadd.s32 s0, s3;
	s0 =	sld [smem:$0x3F99]  }
0x30: {  	s3 =	sld [smem:$0x3F9C]  }
0x31: {  	[smem:$0x3FA5] =	sst s10  }
0x32: {  	s10 =	sld [smem:$0x3FA3];
	_ =	sdelay $0x3  }
0x33: {  	p0 =	seq.s32 s10, $0x1;
	s10 =	sld [smem:$0x3FA5];
	_ =	sdelay $0x3  }
0x34: {  	[smem:$0x3FA5] =	sst s10  }
0x35: {  	s10 =	sld [smem:$0x3FA4];
	_ =	sdelay $0x3  }
0x36: {  	p1 =	seq.s32 s10, $0x1;
	s10 =	sld [smem:$0x3FA5];
	_ =	sdelay $0x3  }
0x37: {  	[smem:$0x3FA5] =	sst s10  }
0x38: {  	s10 =	sld [smem:$0x3FA6]  }
0x39: {  	_ = 	snop;
	(pc) =	sbr.ind lr, $3  }
0x3a: {  	_ = 	snop  }
0x3b: {  	_ = 	snop  }
0x3c: {  	p2 =	seq.s32 s10, $0x1;
	s10 =	sld [smem:$0x3FA5]  }
0x3d: {  	_ =	shalt  }
0x3e: {  	_ =	shalt  }
0x3f: {  	_ =	shalt  }
0x40: {  	_ =	shalt  }
0x41: {  	_ =	shalt  }
0x42: {  	_ =	shalt  }
0x43: {  	_ =	shalt  }
0x44: {  	_ =	shalt  }
0x45: {  	_ =	shalt  }
0x46: {  	_ =	shalt  }
0x47: {  	_ =	shalt  }
0x48: {  	_ =	shalt  }
0x49: {  	_ =	shalt  }
0x4a: {  	_ =	shalt  }
0x4b: {  	_ =	shalt  }
0x4c: {  	_ =	shalt  }
0x4d: {  	_ =	shalt  }
0x4e: {  	_ =	shalt  }
0x4f: {  	_ =	shalt  }
0x50: {  	_ =	shalt  }
0x51: {  	_ =	shalt  }
0x52: {  	_ =	shalt  }
0x53: {  	_ =	shalt  }
0x54: {  	_ =	shalt  }
0x55: {  	_ =	shalt  }
0x56: {  	_ =	shalt  }
0x57: {  	_ =	shalt  }
0x58: {  	_ =	shalt  }
0x59: {  	_ =	shalt  }
0x5a: {  	_ =	shalt  }
0x5b: {  	_ =	shalt  }
0x5c: {  	_ =	shalt  }
0x5d: {  	_ =	shalt  }
0x5e: {  	_ =	shalt  }
0x5f: {  	_ =	shalt  }
0x60: {  	_ =	shalt  }
0x61: {  	_ =	shalt  }
0x62: {  	_ =	shalt  }
0x63: {  	_ =	shalt  }
0x64: {  	_ =	shalt  }
0x65: {  	_ =	shalt  }
0x66: {  	_ =	shalt  }
0x67: {  	_ =	shalt  }
0x68: {  	_ =	shalt  }
0x69: {  	_ =	shalt  }
0x6a: {  	_ =	shalt  }
0x6b: {  	_ =	shalt  }
0x6c: {  	_ =	shalt  }
0x6d: {  	_ =	shalt  }
0x6e: {  	_ =	shalt  }
0x6f: {  	_ =	shalt  }
0x70: {  	_ =	shalt  }
0x71: {  	_ =	shalt  }
0x72: {  	_ =	shalt  }
0x73: {  	_ =	shalt  }
0x74: {  	_ =	shalt  }
0x75: {  	_ =	shalt  }
0x76: {  	_ =	shalt  }
0x77: {  	_ =	shalt  }
0x78: {  	_ =	shalt  }
0x79: {  	_ =	shalt  }
0x7a: {  	_ =	shalt  }
0x7b: {  	_ =	shalt  }
0x7c: {  	_ =	shalt  }
0x7d: {  	_ =	shalt  }
0x7e: {  	_ =	shalt  }
0x7f: {  	_ =	shalt  }
0x80: {  	_ =	shalt  }
0x81: {  	_ =	shalt  }
0x82: {  	_ =	shalt  }
0x83: {  	_ =	shalt  }
0x84: {  	_ =	shalt  }
0x85: {  	_ =	shalt  }
0x86: {  	_ =	shalt  }
0x87: {  	_ =	shalt  }
.Lfunc_end0:
.L_simem_size_0:
called_computation.5_lowered:
.L_overlay_start_0:
0x88: {  	s2 =	sld [smem:$0x3FD9]  }
0x89: {  	s3 =	sld [smem:$0x3FFE];
	_ =	sdelay $0x1  }
0x8a: {  	s1 =	srdreg.scid  }
0x8b: {  	s0 =	sand.u32 $0x1, s1  }
0x8c: {  	s16 =	sshll.u32 s0, $0xA;
	s2 =	sadd.s32 s3, s2  }
0x8d: {  	s2 =	sadd.s32 s2, s16  }
0x8e: {  	[smem:$0x3FB1] =	sst s2  }
0x8f: {  	_ = 	snop  }
0x90: {  	(tm) =	ssettm $0x1  }
0x91: {  	s17 =	sld [smem:$0x3FFB];
	_ =	sdelay $0x3  }
0x92: {  	_ =	strace s17  }
0x93: {  	s2 =	sld [smem:$0x3FFC];
	_ =	sdelay $0x3  }
0x94: {  	_ =	strace s2  }
0x95: {  	s2 =	sld [smem:$0x3FFD];
	_ =	sdelay $0x3  }
0x96: {  	_ =	strace s2  }
0x97: {  	_ =	strace $0x8FFFFFFF  }
0x98: {  	s18 =	sld [smem:$0x3FDB];
	_ =	sdelay $0x1  }
0x99: {  	s19 =	simm.s32 $_scs_section_size  }
0x9a: {  	s4 =	simm.s32 $_size__tile_overlayer_lowered;
	s5 =	simm.s32 $_tile_overlayer_lowered  }
0x9b: {  	s22 =	simm.s32 $0x1BFF;
	s21 =	sshll.u32 s5, $0x1;
	s2 =	sadd.s32 s19, s18  }
0x9c: {  	s6 =	simm.s32 $0x0;
	s20 =	sshll.u32 s4, $0x1;
	s4 =	sadd.s32 s21, s2  }
0x9d: {  	[timem:s6], [sflag:s22] =	dma.local [hbm:s4], s20  }
0x9e: {  	_ =	swait.ge [sflag:s22], s20  }
0x9f: {  	s3 =	ssub.s32 $0x0, s20;
	[sflag:s22] =	ssyncset.done $0x0  }
0xa0: {  	[sflag:s22] =	ssyncadd.s32 s3;
	_ =	sdelay $0x1  }
0xa1: {  	s23 =	simm.s32 $0x1B8B  }
0xa2: {  	_ =	swait.ge [sflag:s23], $0x1  }
0xa3: {  	[sflag:s23] =	ssyncset.done $0x0  }
0xa4: {  	s25 =	simm.s32 $0x1B8E;
	s24 =	sld [smem:$0x3FFE];
	[sflag:s23] =	ssyncadd.s32 $0xFFFFFFFF  }
0xa5: {  	s26 =	simm.s32 $execute0_lowered;
	[smem:$0x3FD2] =	sst s25  }
0xa6: {  	s4 =	sshll.u32 s26, $0x1;
	_ =	strace $0x80000055;
	[dreg:$0x1] =	wrdreg $0xFFFFFFFF  }
0xa7: {  	s28 =	simm.s32 $_size_execute0_lowered;
	s2 =	sadd.s32 s2, s4;
	[dreg:$0x0] =	wrdreg $0x0  }
0xa8: {  	s4 =	sshll.u32 s28, $0x1;
	[dreg:$0x2] =	wrdreg s2  }
0xa9: {  	[dreg:$0x3] =	wrdreg s4  }
0xaa: {  	[dreg:$0x4] =	wrdreg $0xC0  }
0xab: {  	_ =	task [dreg:s6], $0x5FFFF  }
0xac: {  	[dreg:$0x1] =	wrdreg $0xFFFFFFFF  }
0xad: {  	[dreg:$0x0] =	wrdreg $0x60  }
0xae: {  	[dreg:$0x2] =	wrdreg s24  }
0xaf: {  	[dreg:$0x3] =	wrdreg $0x0  }
0xb0: {  	[dreg:$0x4] =	wrdreg $0x9  }
0xb1: {  	_ =	task.clear_ibuf [dreg:s6], $0x5FFFF;
	_ =	strace $0x90000055  }
0xb2: {  	s29 =	simm.s32 $0x9;
	_ =	strace $0x80000057  }
0xb3: {  	_ =	swait.ge [sflag:s29], $0x1  }
0xb4: {  	[sflag:s29] =	ssyncadd.s32 $0xFFFFFFFF  }
0xb5: {  	_ =	strace $0x90000057  }
0xb6: {  	_ =	sfence  }
0xb7: {  	s30 =	sld [smem:$0x0];
	_ =	sdelay $0x2  }
0xb8: {  	s31 =	sshll.u32 s1, $0xD;
	s1 =	sshrl.u32 s1, $0x2  }
0xb9: {  	s3 =	sand.u32 $0x4000, s31;
	s1 =	sadd.s32 s1, s30  }
0xba: {  	s0 =	sor.u32 s3, s0;
	s1 =	sshll.u32 s1, $0x11  }
0xbb: {  	s0 =	sor.u32 s1, s0  }
0xbc: {  	s0 =	sadd.s32 $0x8F2B, s0  }
0xbd: {  	[sflag:s0] =	ssyncadd.remote.s32 $0x1  }
0xbe: {  	_ =	sfence.sel $0xFFFF  }
0xbf: {  	[dreg:$0x0] =	wrdreg $0xFFFFFFFF;
	(pc) =	sbr.abs _section_cstart, $3  }
0xc0: {  	[dreg:$0x1] =	wrdreg $0xFFFFFFFF  }
0xc1: {  	_ =	task.clear_ibuf [dreg:s6], $0x2FFFF;
	_ =	strace $0x9FFFFFFF  }
0xc2: {  	(tm) =	ssettm $0x7FFFFFFF  }
0xc3: {  	_ =	shalt  }
tec
execute0_lowered:
.L_overlay_start_1:
0x0: {  	(tag) =	ssettag $0x1  }
0x1: {  	s0 =	rddreg [dreg:$0x0]  }
0x2: {  	s1 =	rddreg [dreg:$0x1];
	s2 =	simm.s32 $0x0;
	s3 =	srdreg.scid  }
0x3: {  	s16 =	stileid.u32;
	s14 =	simm.s32 $0xB;
	s28 =	simm.s32 $0xD  }
0x4: {  	s29 =	simm.s32 $0x2800;
	s30 =	simm.s32 $0x2A00;
	s31 =	simm.s32 $0x2880  }
0x5: {  	[smem:$0x7FF] =	sst s2;
	s3 =	sand.u32 $0x1, s3;
	s6 =	smul.u32 $0xA000, s16  }
0x6: {  	s5 =	sadd.s32 $0x86A00, s0;
	s7 =	sadd.s32 $0xC200, s0;
	s10 =	smul.u32 $0x2800, s16  }
0x7: {  	s0 =	sadd.s32 $0x11200, s0;
	p0 =	seq.s32 s16, $0x0;
	s9 =	smul.u32 $0x271, s3  }
0x8: {  	_ =	strace $0x80000056;
	s4 =	ssub.s32 $0x2, s3;
	s15 =	smul.u32 $0x27100, s3  }
0x9: {  	s14 =	simm.s32 @!p0 $0xA;
	s8 =	sshrl.u32 s4, $0x1;
	s6 =	sshrl.u32 s6, $0x2  }
0xa: {  	s3 =	smul.u32 $0x13880, s3;
	s8 =	ssub.s32 s4, s8;
	s6 =	sadd.s32 s6, s1  }
0xb: {  	s4 =	sadd.s32 s10, s1;
	s22 =	sadd.s32 s16, s9;
	s11 =	sadd.s32 $0x800, s6  }
0xc: {  	s9 =	simm.s32 $0x28;
	s20 =	sadd.s32 $0x1000, s6;
	[dreg:$0x3] =	wrdreg s11  }
0xd: {  	s21 =	sadd.s32 $0x1800, s6;
	s6 =	sadd.s32 $0x2000, s6;
	[dreg:$0x4] =	wrdreg s20  }
0xe: {  	s23 =	sshll.u32 s22, $0x4;
	s12 =	sshll.u32 s22, $0x7;
	[dreg:$0x5] =	wrdreg s21  }
0xf: {  	s9 =	simm.s32 @!p0 $0x27;
	[dreg:$0x6] =	wrdreg s6;
	s11 =	sadd.s32 s7, s23  }
0x10: {  	s24 =	sadd.s32 $0x800, s12;
	s6 =	sshll.u32 s22, $0x8;
	s17 =	sadd.s32 $0x1000, s12  }
0x11: {  	s20 =	sadd.s32 $0x1800, s12;
	[dreg:$0x7] =	wrdreg s11;
	s13 =	sshrl.u32 s24, $0x3  }
0x12: {  	s6 =	sadd.s32 s5, s6;
	s26 =	sshll.u32 s24, $0x1;
	s11 =	sadd.s32 s10, s15  }
0x13: {  	s19 =	sshll.u32 s17, $0x1;
	s21 =	sshll.u32 s20, $0x1;
	s23 =	sshrl.u32 s17, $0x3  }
0x14: {  	s24 =	sshrl.u32 s20, $0x3;
	[dreg:$0x8] =	wrdreg s6;
	s25 =	sadd.s32 s7, s13  }
0x15: {  	s6 =	sadd.s32 s5, s26;
	s13 =	sshrl.u32 s15, $0x3;
	s15 =	sshll.u32 s16, $0x7  }
0x16: {  	s10 =	sadd.s32 s5, s19;
	s19 =	simm.s32 $0xC;
	[dreg:$0x9] =	wrdreg s25  }
0x17: {  	s26 =	smax.u32 s8, $0x1;
	s8 =	simm.s32 $0x0;
	[dreg:$0xa] =	wrdreg s6  }
0x18: {  	s6 =	sshrl.u32 s11, $0x3;
	s3 =	sadd.s32 s15, s3;
	[dreg:$0xc] =	wrdreg s10  }
0x19: {  	s10 =	sadd.s32 s5, s21;
	s19 =	simm.s32 @!p0 $0xB;
	[dreg:$0x11] =	wrdreg s26  }
0x1a: {  	s25 =	sadd.s32 s7, s24;
	p0 =	seq.s32 s16, $0xF;
	[dreg:$0xd] =	wrdreg s10  }
0x1b: {  	s26 =	simm.s32 $0x4A00;
	s6 =	sadd.s32 s0, s6;
	[dreg:$0xf] =	wrdreg s25  }
0x1c: {  	s0 =	sadd.s32 s0, s13;
	s3 =	sadd.s32 $0x2000, s3;
	[dreg:$0xb] =	wrdreg s6  }
0x1d: {  	s22 =	sshll.u32 s3, $0x1;
	s3 =	sshrl.u32 s3, $0x3;
	s0 =	sadd.s32 $0x4B00, s0  }
0x1e: {  	s6 =	simm.s32 $0x80;
	s18 =	sadd.s32 s22, s5;
	s5 =	sadd.s32 s7, s23  }
0x1f: {  	s22 =	sadd.s32 s3, s7;
	s3 =	sadd.s32 $0x25800, s1;
	[dreg:$0x10] =	wrdreg s0  }
0x20: {  	s0 =	simm.s32 $0x3200;
	s7 =	simm.s32 $0x6;
	[dreg:$0xe] =	wrdreg s5  }
0x21: {  	v0 =	vimm.f32 $0.0e+00;
	s25 =	sshrl.u32 @p0 s3, $0x3;
	s3 =	simm.s32 $0x1;
	s5 =	simm.s32 $0x5  }
.LBB2_1:
0x22: {  	s10 =	simm.s32 $0x40;
	s11 =	simm.s32 $0x0  }
.LBB2_2:
0x23: {  	p1 =	sne.s32 s10, $0x1FC0;
	[tilespmem:s11+$0x4A00] =	vst v0;
	s11 =	smov.u32 s10;
	s10 =	sadd.s32 $0x40, s10  }
.Ltmp0:
0x24: {  	(pc) =	sbr.rel @p1 .LBB2_2-.Ltmp0, $2  }
0x25: {  	_ =	sdelay $0x2  }
0x26: {  	s11 =	sshra.s32 s11, $0x2  }
0x27: {  	[tilespmem:s11+$0x4A00] =	vst v0  }
0x28: {  	[spmem:s4] =	stream.linear.scatter [tilespmem:s26], [sflag:$0xD], $0x800, $0x38;
	[tilespmem:$0x5200] =	vst v63  }
0x29: {  	_ =	swait.ge [sflag:s28], $0x800  }
0x2a: {  	[sflag:s28] =	ssyncset.done $0x0  }
0x2b: {  	s10 =	rddreg [dreg:$0x3];
	[sflag:s28] =	ssyncadd.s32 $0xFFFFF800  }
0x2c: {  	[spmem:s10] =	stream.linear.scatter [tilespmem:s26], [sflag:$0xD], $0x800, $0x38;
	[tilespmem:$0x5200] =	vst v63  }
0x2d: {  	_ =	swait.ge [sflag:s28], $0x800  }
0x2e: {  	[sflag:s28] =	ssyncset.done $0x0  }
0x2f: {  	s12 =	rddreg [dreg:$0x4];
	[sflag:s28] =	ssyncadd.s32 $0xFFFFF800  }
0x30: {  	[spmem:s12] =	stream.linear.scatter [tilespmem:s26], [sflag:$0xD], $0x800, $0x38;
	[tilespmem:$0x5200] =	vst v63  }
0x31: {  	_ =	swait.ge [sflag:s28], $0x800  }
0x32: {  	[sflag:s28] =	ssyncset.done $0x0  }
0x33: {  	s13 =	rddreg [dreg:$0x5];
	[sflag:s28] =	ssyncadd.s32 $0xFFFFF800  }
0x34: {  	[spmem:s13] =	stream.linear.scatter [tilespmem:s26], [sflag:$0xD], $0x800, $0x38;
	[tilespmem:$0x5200] =	vst v63  }
0x35: {  	_ =	swait.ge [sflag:s28], $0x800  }
0x36: {  	[sflag:s28] =	ssyncset.done $0x0  }
0x37: {  	s15 =	rddreg [dreg:$0x6];
	[sflag:s28] =	ssyncadd.s32 $0xFFFFF800  }
0x38: {  	[spmem:s15] =	stream.linear.scatter [tilespmem:s26], [sflag:$0xD], $0x800, $0x38;
	[tilespmem:$0x5200] =	vst v63  }
0x39: {  	_ =	swait.ge [sflag:s28], $0x800  }
0x3a: {  	[sflag:s28] =	ssyncset.done $0x0  }
0x3b: {  	[sflag:s28] =	ssyncadd.s32 $0xFFFFF800  }
0x3c: {  	[bflag:$0x0] =	sbarrier.arrive $0xFFFF  }
0x3d: {  	s16 =	rddreg [dreg:$0x7]  }
0x3e: {  	[tilespmem:s29], [sflag:$0x1] =	stream.linear.gather [hbm4b:s16+s2], $0x80, $0x38;
	[tilespmem:$0x5200] =	vst v63  }
0x3f: {  	s17 =	rddreg [dreg:$0x8]  }
0x40: {  	[tilespmem:s30], [sflag:$0x5] =	stream.linear.gather [hbm4b:s17+s2], $0x800, $0x38;
	[tilespmem:$0x5200] =	vst v63  }
0x41: {  	s20 =	rddreg [dreg:$0x9]  }
0x42: {  	[tilespmem:s31], [sflag:$0x2] =	stream.linear.gather [hbm4b:s20+s2], $0x80, $0x38;
	[tilespmem:$0x5200] =	vst v63  }
0x43: {  	s21 =	rddreg [dreg:$0xa]  }
0x44: {  	[tilespmem:s0], [sflag:$0x6] =	stream.linear.gather [hbm4b:s21+s2], $0x800, $0x38;
	[tilespmem:$0x5200] =	vst v63  }
0x45: {  	s24 =	simm.s32 $0x2900;
	s23 =	rddreg [dreg:$0xe]  }
0x46: {  	[tilespmem:s24], [sflag:$0x3] =	stream.linear.gather [hbm4b:s23+s2], $0x80, $0x38;
	[tilespmem:$0x5200] =	vst v63  }
0x47: {  	s12 =	simm.s32 $0x3A00;
	s11 =	rddreg [dreg:$0xc]  }
0x48: {  	[tilespmem:s12], [sflag:$0x7] =	stream.linear.gather [hbm4b:s11+s2], $0x800, $0x38;
	[tilespmem:$0x5200] =	vst v63  }
0x49: {  	_ =	swait.ge [sflag:s3], $0x80  }
0x4a: {  	[sflag:s3] =	ssyncset.done $0x0  }
0x4b: {  	[sflag:s3] =	ssyncadd.s32 $0xFFFFFF80  }
0x4c: {  	_ =	swait.ge [sflag:s5], $0x800  }
0x4d: {  	[sflag:s5] =	ssyncset.done $0x0  }
0x4e: {  	[sflag:s5] =	ssyncadd.s32 $0xFFFFF800  }
0x4f: {  	[spmem:s1] =	stream.indirect.scatter.add.f32 [tilespmem:s30], [sflag:$0x9], $0x10, s29, s6, $0xb8;
	[tilespmem:$0x5200] =	vst v63  }
0x50: {  	s15 =	simm.s32 $0x2980;
	s13 =	rddreg [dreg:$0xf]  }
0x51: {  	[tilespmem:s15], [sflag:$0x4] =	stream.linear.gather [hbm4b:s13+s2], $0x80, $0x38;
	[tilespmem:$0x5200] =	vst v63  }
0x52: {  	s17 =	simm.s32 $0x4200;
	s20 =	simm.s32 $0x2;
	s16 =	rddreg [dreg:$0xd]  }
0x53: {  	[tilespmem:s17], [sflag:$0x8] =	stream.linear.gather [hbm4b:s16+s2], $0x800, $0x38;
	[tilespmem:$0x5200] =	vst v63  }
0x54: {  	_ =	swait.ge [sflag:s20], $0x80  }
0x55: {  	[sflag:s20] =	ssyncset.done $0x0  }
0x56: {  	[sflag:s20] =	ssyncadd.s32 $0xFFFFFF80  }
0x57: {  	s12 =	sand.u32 $0x3, s20;
	_ =	swait.ge [sflag:s7], $0x800  }
0x58: {  	p1 =	sle.u32 s9, $0x4;
	s10 =	sxor.u32 $0x2, s12;
	[sflag:s7] =	ssyncset.done $0x0  }
0x59: {  	s11 =	simm.s32 $0x4;
	s10 =	sadd.s32 $0x9, s10;
	[sflag:s7] =	ssyncadd.s32 $0xFFFFF800  }
0x5a: {  	[spmem:s1] =	stream.indirect.scatter.add.f32 [tilespmem:s0], [sflag:$0xA], $0x10, s31, s6, $0xb8;
	[tilespmem:$0x5200] =	vst v63  }
0x5b: {  	s11 =	sand.u32 @!p1 $0x3, s11;
	s13 =	simm.s32 @!p1 $0x0;
	_ =	swait.ge [sflag:s10], $0x800  }
0x5c: {  	s15 =	sshll.u32 @!p1 s11, $0x7;
	s16 =	sadd.s32 @!p1 $0x1, s11;
	[sflag:s10] =	ssyncset.done $0x0  }
0x5d: {  	[sflag:s10] =	ssyncadd.s32 $0xFFFFF800;
	s10 =	sor.u32 @!p1 $0x2800, s15;
	s15 =	sshll.u32 @!p1 s11, $0xB  }
0x5e: {  	[tilespmem:s10], [sflag:s16] =	stream.linear.gather @!p1 [hbm4b:s22+s13], $0x80, $0x38;
	[tilespmem:$0x5200] =	vst v63  }
0x5f: {  	s21 =	sadd.s32 $0x1, s12;
	s11 =	sadd.s32 @!p1 $0x5, s11;
	s10 =	sadd.s32 @!p1 $0x2A00, s15  }
0x60: {  	[tilespmem:s10], [sflag:s11] =	stream.linear.gather @!p1 [hbm4b:s18+s13], $0x800, $0x38;
	[tilespmem:$0x5200] =	vst v63  }
0x61: {  	p1 =	sne.s32 s9, $0x3;
	_ =	swait.ge [sflag:s21], $0x80  }
.Ltmp1:
0x62: {  	s23 =	sadd.s32 $0x5, s12;
	[sflag:s21] =	ssyncset.done $0x0;
	(pc) =	sbr.rel @!p1 .LBB2_5-.Ltmp1, $4  }
0x63: {  	s24 =	sshll.u32 s12, $0x7;
	s17 =	sshll.u32 s12, $0xB;
	[sflag:s21] =	ssyncadd.s32 $0xFFFFFF80  }
0x64: {  	s15 =	sor.u32 $0x2800, s24;
	s16 =	sadd.s32 $0x2A00, s17;
	_ =	swait.ge [sflag:s23], $0x800  }
0x65: {  	s10 =	simm.s32 $0x3;
	s11 =	sadd.s32 $0x100, s22;
	[sflag:s23] =	ssyncset.done $0x0  }
0x66: {  	s13 =	sadd.s32 $0x9, s12;
	s12 =	sadd.s32 $0x1000, s18;
	[sflag:s23] =	ssyncadd.s32 $0xFFFFF800  }
.LBB2_4:
0x67: {  	[spmem:s1] =	stream.indirect.scatter.add.f32 [tilespmem:s16], [sflag:s13], $0x10, s15, s6, $0xb8;
	[tilespmem:$0x5200] =	vst v63  }
0x68: {  	s13 =	sand.u32 $0x3, s10;
	s15 =	smov.u32 s10;
	s10 =	sadd.s32 $0x1, s10  }
0x69: {  	s16 =	sxor.u32 $0x2, s13;
	s15 =	sadd.s32 $0x2, s15;
	s17 =	sshll.u32 s13, $0x7  }
0x6a: {  	s20 =	sshll.u32 s13, $0xB;
	s16 =	sadd.s32 $0x9, s16;
	p1 =	sge.u32 s15, s9  }
0x6b: {  	s15 =	sand.u32 @!p1 $0x3, s15;
	s21 =	simm.s32 @!p1 $0x0;
	_ =	swait.ge [sflag:s16], $0x800  }
0x6c: {  	s23 =	sshll.u32 @!p1 s15, $0x7;
	s24 =	sadd.s32 @!p1 $0x1, s15;
	[sflag:s16] =	ssyncset.done $0x0  }
0x6d: {  	[sflag:s16] =	ssyncadd.s32 $0xFFFFF800;
	s16 =	sor.u32 @!p1 $0x2800, s23;
	s23 =	sshll.u32 @!p1 s15, $0xB  }
0x6e: {  	[tilespmem:s16], [sflag:s24] =	stream.linear.gather @!p1 [hbm4b:s11+s21], $0x80, $0x38;
	[tilespmem:$0x5200] =	vst v63  }
0x6f: {  	s15 =	sadd.s32 @!p1 $0x5, s15;
	s16 =	sadd.s32 @!p1 $0x2A00, s23;
	s23 =	sadd.s32 $0x1, s13  }
0x70: {  	[tilespmem:s16], [sflag:s15] =	stream.linear.gather @!p1 [hbm4b:s12+s21], $0x800, $0x38;
	[tilespmem:$0x5200] =	vst v63  }
0x71: {  	p1 =	sne.s32 s9, s10;
	_ =	swait.ge [sflag:s23], $0x80  }
.Ltmp2:
0x72: {  	[sflag:s23] =	ssyncset.done $0x0;
	(pc) =	sbr.rel @p1 .LBB2_4-.Ltmp2, $4  }
0x73: {  	s21 =	sadd.s32 $0x5, s13;
	[sflag:s23] =	ssyncadd.s32 $0xFFFFFF80  }
0x74: {  	s11 =	sadd.s32 $0x100, s11;
	_ =	swait.ge [sflag:s21], $0x800  }
0x75: {  	s13 =	sadd.s32 $0x9, s13;
	s12 =	sadd.s32 $0x1000, s12;
	[sflag:s21] =	ssyncset.done $0x0  }
0x76: {  	s15 =	sor.u32 $0x2800, s17;
	s16 =	sadd.s32 $0x2A00, s20;
	[sflag:s21] =	ssyncadd.s32 $0xFFFFF800  }
.LBB2_5:
0x77: {  	[spmem:s1] =	stream.indirect.scatter.add.f32 [tilespmem:s16], [sflag:s13], $0x10, s15, s6, $0xb8;
	[tilespmem:$0x5200] =	vst v63  }
0x78: {  	_ =	swait.ge [sflag:s14], $0x800  }
0x79: {  	[sflag:s14] =	ssyncset.done $0x0  }
0x7a: {  	[sflag:s14] =	ssyncadd.s32 $0xFFFFF800  }
0x7b: {  	_ =	swait.ge [sflag:s19], $0x800  }
0x7c: {  	[sflag:s19] =	ssyncset.done $0x0  }
0x7d: {  	[sflag:s19] =	ssyncadd.s32 $0xFFFFF800  }
0x7e: {  	[bflag:$0x0] =	sbarrier.arrive $0xFFFF  }
0x7f: {  	s10 =	simm.s32 @p0 $0x1FCD;
	s11 =	rddreg [dreg:$0x10]  }
0x80: {  	[hbm:s11], [sflag:s10] =	dma.local @p0 [spmem:s25], $0x320  }
0x81: {  	s10 =	simm.s32 @p0 $0xD  }
0x82: {  	s11 =	stileid.u32;
	_ =	swait.ge @p0 [sflag:s10], $0x320  }
0x83: {  	s11 =	sshll.u32 @!p0 s11, $0x6;
	[sflag:s10] =	ssyncset.done @p0 $0x0;
	s12 =	rddreg [dreg:$0xb]  }
0x84: {  	[sflag:s10] =	ssyncadd.s32 @p0 $0xFFFFFCE0;
	s10 =	sor.u32 @!p0 $0x1C0D, s11;
	s11 =	sshrl.u32 @!p0 s4, $0x3  }
0x85: {  	[hbm:s12], [sflag:s10] =	dma.local @!p0 [spmem:s11], $0x500  }
0x86: {  	s10 =	simm.s32 @!p0 $0xD  }
0x87: {  	_ =	swait.ge @!p0 [sflag:s10], $0x500  }
0x88: {  	s8 =	sadd.s32 $0x1, s8;
	s24 =	rddreg [dreg:$0x11]  }
0x89: {  	p1 =	sne.s32 s8, s24  }
.Ltmp3:
0x8a: {  	_ = 	snop;
	(pc) =	sbr.rel @p1 .LBB2_1-.Ltmp3, $3  }
0x8b: {  	_ =	sdelay $0x1  }
0x8c: {  	[sflag:s10] =	ssyncset.done @!p0 $0x0  }
0x8d: {  	[sflag:s10] =	ssyncadd.s32 @!p0 $0xFFFFFB00  }
0x8e: {  	_ =	sfence.sel $0x180000  }
0x8f: {  	[bflag:$0x0] =	sbarrier.arrive $0xFFFF  }
0x90: {  	_ =	strace $0x90000056  }
0x91: {  	s0 =	stileid.u32;
	[bflag:$0x2] =	sbarrier.arrive $0xFFFF  }
0x92: {  	p0 =	sne.s32 s0, $0x0;
	s0 =	rddreg [dreg:$0x2]  }
0x93: {  	s0 =	sadd.s32 @!p0 $0x100000, s0  }
0x94: {  	[sflag:s0] =	ssyncadd.tile.s32 @!p0 $0x1;
	_ =	shalt  }
.Lfunc_end2:
_tile_overlayer_lowered:
.L_overlay_start_2:
0x95: {  	(tag) =	ssettag $0x2  }
0x96: {  	s0 =	rddreg [dreg:$0x0];
	s2 =	stileid.u32  }
0x97: {  	s1 =	rddreg [dreg:$0x1];
	p0 =	sne.s32 s2, $0x0  }
0x98: {  	s3 =	rddreg [dreg:$0x2];
	[bflag:$0x3] =	sbarrier.arrive $0xFFFF;
	s2 =	simm.s32 @!p0 $0x1C0D  }
0x99: {  	[timem:s3], [sflag:s2] =	dma.local @!p0 [hbm:s0], s1  }
0x9a: {  	s0 =	simm.s32 @!p0 $0xD  }
0x9b: {  	_ =	swait.ge @!p0 [sflag:s0], s1  }
0x9c: {  	s1 =	ssub.s32 @!p0 $0x0, s1;
	[sflag:s0] =	ssyncset.done @!p0 $0x0  }
0x9d: {  	[sflag:s0] =	ssyncadd.s32 @!p0 s1  }
0x9e: {  	[bflag:$0x3] =	sbarrier.arrive $0xFFFF  }
0x9f: {  	_ =	shalt  }

</sc_bundles>
